<compile_context>
chip_gen: v7x
topology: tpu7x:2x2x1
jax: 0.10.2.dev20260603
libtpu: 0.0.44.dev20260713+nightly
codegen_flags: <defaults>
</compile_context>

<pallas_src>
import functools
import jax
import jax.numpy as jnp
from jax import lax
from jax.experimental import pallas as pl
from jax.experimental.pallas import tpu as pltpu
from jax.experimental.pallas import tpu_sc as plsc

_N, _H, _W = 4, 64, 64
_L = 16
_M = 2 * _N
_NWORK = 32
_CHUNK = _H // 4
_BIG = float(1 << 24)

_mesh = plsc.VectorSubcoreMesh(core_axis_name="c", subcore_axis_name="s")


@functools.partial(
    pl.kernel, mesh=_mesh,
    out_type=jax.ShapeDtypeStruct((_NWORK, _L), jnp.float32),
    scratch_types=[
        pltpu.VMEM((_H, _W), jnp.float32),
        pltpu.VMEM((_H, _W), jnp.float32),
        pltpu.VMEM((_H, _W), jnp.float32),
        pltpu.VMEM((_H, _W), jnp.float32),
        pltpu.VMEM((_CHUNK, _W), jnp.float32),
        pltpu.VMEM((_L,), jnp.float32),
    ],
)
def _sc_haus(pred_hbm, targ_hbm, out_hbm, pa, tb, cost, qf, gg, ov):
    c = lax.axis_index("c")
    s = lax.axis_index("s")
    wid = s * 2 + c
    m = wid % _M
    chunk = wid // _M
    i = m // 2
    base = chunk * _CHUNK
    ib = (jnp.int32(1) - m % 2).astype(jnp.float32)
    ibv = jnp.full((_L,), ib, jnp.float32)

    pltpu.sync_copy(pred_hbm.at[i], pa)
    pltpu.sync_copy(targ_hbm.at[i], tb)

    half = jnp.float32(0.5)
    zero = jnp.float32(0.0)
    one = jnp.float32(1.0)

    def prep(j, carry):
        for t in range(4):
            sl = pl.ds(t * _L, _L)
            am = jnp.maximum(zero, jnp.sign(pa[j, sl] - half))
            bm = jnp.maximum(zero, jnp.sign(tb[j, sl] - half))
            sm = ibv * bm + (one - ibv) * am
            cost[j, sl] = (one - sm) * jnp.float32(_BIG)
            qf[j, sl] = (ibv * (am * (one - bm))
                         + (one - ibv) * (bm * (one - am)))
        return carry
    lax.fori_loop(0, _H, prep, 0)

    def p1(xi, carry):
        xf = (base + xi).astype(jnp.float32)

        def body(j, accs):
            jf = j.astype(jnp.float32)
            d = jf - xf
            dv = jnp.full((_L,), d * d, jnp.float32)
            return tuple(
                jnp.minimum(accs[t], cost[j, pl.ds(t * _L, _L)] + dv)
                for t in range(4))

        accs = lax.fori_loop(
            0, _W, body,
            tuple(jnp.full((_L,), _BIG, jnp.float32) for _ in range(4)))
        for t in range(4):
            gg[xi, pl.ds(t * _L, _L)] = accs[t]
        return carry
    lax.fori_loop(0, _CHUNK, p1, 0)

    yb = lax.iota(jnp.int32, _L).astype(jnp.float32)

    def p2(xi, pmax):
        g4 = [gg[xi, pl.ds(t * _L, _L)] for t in range(4)]
        accs = [jnp.full((_L,), _BIG, jnp.float32) for _ in range(4)]
        for k in range(_W):
            gsp = jnp.take(g4[k // _L], jnp.full((_L,), k % _L, jnp.int32))
            for t in range(4):
                dv = jnp.float32(k) - (yb + jnp.float32(t * _L))
                accs[t] = jnp.minimum(accs[t], gsp + dv * dv)
        for t in range(4):
            qv = qf[base + xi, pl.ds(t * _L, _L)]
            pmax = jnp.maximum(pmax, qv * (accs[t] + 1.0) - 1.0)
        return pmax

    pmax = lax.fori_loop(0, _CHUNK, p2,
                         jnp.full((_L,), jnp.float32(-1.0), jnp.float32))
    ov[:] = pmax
    pltpu.sync_copy(ov, out_hbm.at[wid])


@jax.jit
def kernel(predict, target):
    p = predict.reshape(_N, _H, _W)
    t = target.reshape(_N, _H, _W)
    parts = _sc_haus(p, t)
    mx = parts.reshape(4, _M, _L).max(axis=(0, 2))
    dist = jnp.where(mx >= _BIG, jnp.inf, jnp.sqrt(mx) / _W)
    dist = jnp.where(mx >= 0, dist, 0.0)
    return jnp.maximum(dist[0::2], dist[1::2]).mean()

# --- scband reference (transcript-rebuilt; emitter-appended) ---
"""Pipeline reference for scband-hausdorff-39737037423050 (READ-ONLY COPY).

The authoritative reference and input builder live on the scoring server;
editing this copy changes nothing except your own understanding.
"""

import jax, jax.numpy as jnp
import numpy as np

N, C, H, W = 4, 1, 64, 64


def setup_inputs(seed: int = 0) -> dict:
    key = jax.random.key(seed)
    k1, k2 = jax.random.split(key)
    predict = jax.random.uniform(k1, (N, C, H, W), dtype=jnp.float32)
    target = jax.random.uniform(k2, (N, C, H, W), dtype=jnp.float32)
    return {"predict": predict, "target": target}


def _directed_hd(maskA, maskB, D):
    # maskA, maskB: bool[HW]; D: float32[HW, HW] pairwise distances (coords/step)
    Dm = jnp.where(maskB[None, :], D, jnp.inf)
    rowmin = jnp.min(Dm, axis=1)          # min over B points for each candidate A point
    rowmin = jnp.where(maskA, rowmin, -jnp.inf)
    dist = jnp.max(rowmin)                # max over A points
    hasA = jnp.any(maskA)
    return jnp.where(hasA, dist, jnp.float32(0.0))


def reference(predict, target):
    step = jnp.array([float(H), float(W)], dtype=jnp.float32)
    imA = jax.lax.stop_gradient(jnp.round(predict)).astype(bool)
    imB = jax.lax.stop_gradient(jnp.round(target)).astype(bool)
    xs, ys = jnp.meshgrid(jnp.arange(H), jnp.arange(W), indexing='ij')
    coords = jnp.stack([xs.reshape(-1), ys.reshape(-1)], axis=1).astype(jnp.float32) / step
    diff = coords[:, None, :] - coords[None, :, :]
    D = jnp.sqrt(jnp.sum(diff * diff, axis=2))  # [HW, HW], == torch.norm(A-B, dim=2)
    haus = []
    for i in range(N):
        a = imA[i, 0].reshape(-1)
        b = imB[i, 0].reshape(-1)
        # direction A: points in predict-only vs all target points
        distA = _directed_hd(a & (~b), b, D)
        # direction B: points in target-only vs all predict points
        distB = _directed_hd((~a) & b, a, D)
        haus.append(jnp.where(distA > distB, distA, distB))
    return jnp.mean(jnp.stack(haus))

if __name__ == "__main__":
    import jax
    _d = setup_inputs()
    print(jax.jit(kernel)(*tuple(_d.values())))

</pallas_src>

<mosaic_0001>
#map = affine_map<(d0, d1) -> (0, 0, 0)>
#map1 = affine_map<(d0, d1) -> (0, 0)>
module attributes {stable_mosaic.version = 14 : i64} {
  func.func @_sc_haus(%arg0: i32, %arg1: i32, %arg2: memref<4x64x64xf32, #tpu.memory_space<hbm>>, %arg3: memref<4x64x64xf32, #tpu.memory_space<hbm>>, %arg4: memref<32x16xf32, #tpu.memory_space<hbm>>, %arg5: memref<64x64xf32, #tpu.memory_space<vmem>>, %arg6: memref<64x64xf32, #tpu.memory_space<vmem>>, %arg7: memref<64x64xf32, #tpu.memory_space<vmem>>, %arg8: memref<64x64xf32, #tpu.memory_space<vmem>>, %arg9: memref<16x64xf32, #tpu.memory_space<vmem>>, %arg10: memref<16xf32, #tpu.memory_space<vmem>>) attributes {dimension_semantics = [#tpu.dimension_semantics<core_parallel>, #tpu.dimension_semantics<subcore_parallel>], iteration_bounds = array<i64: 2, 16>, scalar_prefetch = 0 : i64, scratch_operands = 6 : i64, tpu.core_type = #tpu.core_type<sc_vector_subcore>, window_params = [{transform_indices = #map}, {transform_indices = #map}, {transform_indices = #map1}]} {
    %mul3A = arith.constant 2 : i32
    %mul3A_0 = arith.muli %arg1, %mul3A : i32
    %add3A = arith.addi %mul3A_0, %arg0 : i32
    %jit3A = arith.constant 8 : i32
    %eq3A = arith.constant 0 : i32
    %eq3A_1 = arith.cmpi eq, %jit3A, %eq3A : i32
    %jit3A_2 = arith.constant 1 : i32
    %select_n3A = arith.select %eq3A_1, %jit3A_2, %jit3A : i32
    %rem3A = arith.remsi %add3A, %select_n3A : i32
    %ne3A = arith.constant 0 : i32
    %ne3A_3 = arith.cmpi ne, %rem3A, %ne3A : i32
    %lt3A = arith.constant 0 : i32
    %lt3A_4 = arith.cmpi slt, %rem3A, %lt3A : i32
    %lt3A_5 = arith.constant 0 : i32
    %lt3A_6 = arith.cmpi slt, %select_n3A, %lt3A_5 : i32
    %ne3A_7 = arith.xori %lt3A_4, %lt3A_6 : i1
    %and3A = arith.andi %ne3A_7, %ne3A_3 : i1
    %add3A_8 = arith.addi %rem3A, %select_n3A : i32
    %select_n3A_9 = arith.select %and3A, %add3A_8, %rem3A : i32
    %jit3A_10 = arith.constant 8 : i32
    %div3A = arith.divsi %add3A, %jit3A_10 : i32
    %sign3A = arith.constant 0 : i32
    %sign3A_11 = arith.cmpi sgt, %add3A, %sign3A : i32
    %sign3A_12 = arith.extui %sign3A_11 : i1 to i32
    %sign3A_13 = arith.constant 0 : i32
    %sign3A_14 = arith.cmpi slt, %add3A, %sign3A_13 : i32
    %sign3A_15 = arith.extui %sign3A_14 : i1 to i32
    %sign3A_16 = arith.subi %sign3A_12, %sign3A_15 : i32
    %sign3A_17 = arith.constant 0 : i32
    %sign3A_18 = arith.cmpi sgt, %jit3A_10, %sign3A_17 : i32
    %sign3A_19 = arith.extui %sign3A_18 : i1 to i32
    %sign3A_20 = arith.constant 0 : i32
    %sign3A_21 = arith.cmpi slt, %jit3A_10, %sign3A_20 : i32
    %sign3A_22 = arith.extui %sign3A_21 : i1 to i32
    %sign3A_23 = arith.subi %sign3A_19, %sign3A_22 : i32
    %ne3A_24 = arith.cmpi ne, %sign3A_16, %sign3A_23 : i32
    %rem3A_25 = arith.remsi %add3A, %jit3A_10 : i32
    %ne3A_26 = arith.constant 0 : i32
    %ne3A_27 = arith.cmpi ne, %rem3A_25, %ne3A_26 : i32
    %and3A_28 = arith.andi %ne3A_24, %ne3A_27 : i1
    %sub3A = arith.constant 1 : i32
    %sub3A_29 = arith.subi %div3A, %sub3A : i32
    %select_n3A_30 = arith.select %and3A_28, %sub3A_29, %div3A : i32
    %jit3A_31 = arith.constant 2 : i32
    %div3A_32 = arith.divsi %select_n3A_9, %jit3A_31 : i32
    %sign3A_33 = arith.constant 0 : i32
    %sign3A_34 = arith.cmpi sgt, %select_n3A_9, %sign3A_33 : i32
    %sign3A_35 = arith.extui %sign3A_34 : i1 to i32
    %sign3A_36 = arith.constant 0 : i32
    %sign3A_37 = arith.cmpi slt, %select_n3A_9, %sign3A_36 : i32
    %sign3A_38 = arith.extui %sign3A_37 : i1 to i32
    %sign3A_39 = arith.subi %sign3A_35, %sign3A_38 : i32
    %sign3A_40 = arith.constant 0 : i32
    %sign3A_41 = arith.cmpi sgt, %jit3A_31, %sign3A_40 : i32
    %sign3A_42 = arith.extui %sign3A_41 : i1 to i32
    %sign3A_43 = arith.constant 0 : i32
    %sign3A_44 = arith.cmpi slt, %jit3A_31, %sign3A_43 : i32
    %sign3A_45 = arith.extui %sign3A_44 : i1 to i32
    %sign3A_46 = arith.subi %sign3A_42, %sign3A_45 : i32
    %ne3A_47 = arith.cmpi ne, %sign3A_39, %sign3A_46 : i32
    %rem3A_48 = arith.remsi %select_n3A_9, %jit3A_31 : i32
    %ne3A_49 = arith.constant 0 : i32
    %ne3A_50 = arith.cmpi ne, %rem3A_48, %ne3A_49 : i32
    %and3A_51 = arith.andi %ne3A_47, %ne3A_50 : i1
    %sub3A_52 = arith.constant 1 : i32
    %sub3A_53 = arith.subi %div3A_32, %sub3A_52 : i32
    %select_n3A_54 = arith.select %and3A_51, %sub3A_53, %div3A_32 : i32
    %mul3A_55 = arith.constant 16 : i32
    %mul3A_56 = arith.muli %select_n3A_30, %mul3A_55 : i32
    %jit3A_57 = arith.constant 2 : i32
    %eq3A_58 = arith.constant 0 : i32
    %eq3A_59 = arith.cmpi eq, %jit3A_57, %eq3A_58 : i32
    %jit3A_60 = arith.constant 1 : i32
    %select_n3A_61 = arith.select %eq3A_59, %jit3A_60, %jit3A_57 : i32
    %rem3A_62 = arith.remsi %select_n3A_9, %select_n3A_61 : i32
    %ne3A_63 = arith.constant 0 : i32
    %ne3A_64 = arith.cmpi ne, %rem3A_62, %ne3A_63 : i32
    %lt3A_65 = arith.constant 0 : i32
    %lt3A_66 = arith.cmpi slt, %rem3A_62, %lt3A_65 : i32
    %lt3A_67 = arith.constant 0 : i32
    %lt3A_68 = arith.cmpi slt, %select_n3A_61, %lt3A_67 : i32
    %ne3A_69 = arith.xori %lt3A_66, %lt3A_68 : i1
    %and3A_70 = arith.andi %ne3A_69, %ne3A_64 : i1
    %add3A_71 = arith.addi %rem3A_62, %select_n3A_61 : i32
    %select_n3A_72 = arith.select %and3A_70, %add3A_71, %rem3A_62 : i32
    %sub3A_73 = arith.constant 1 : i32
    %sub3A_74 = arith.subi %sub3A_73, %select_n3A_72 : i32
    %convert_element_type3A = arith.sitofp %sub3A_74 : i32 to f32
    %broadcast_in_dim3A = vector.broadcast %convert_element_type3A : f32 to vector<16xf32>
    "tpu.region"() ({
      %run_scoped3A = tpu.sem_alloc : memref<!tpu.dma_semaphore, #tpu.memory_space<semaphore_mem>>
      %dma_start3A = arith.constant 0 : i32
      %dma_start3A_101 = arith.constant 0 : i32
      %dma_start3A_102 = tpu.memref_slice %arg2[%select_n3A_54, %dma_start3A, %dma_start3A_101] : memref<4x64x64xf32, #tpu.memory_space<hbm>> -> memref<1x64x64xf32, #tpu.memory_space<hbm>>
      %dma_start3A_103 = tpu.memref_squeeze %dma_start3A_102 : memref<1x64x64xf32, #tpu.memory_space<hbm>> -> memref<64x64xf32, #tpu.memory_space<hbm>>
      %dma_start3A_104 = arith.constant 0 : i32
      %dma_start3A_105 = arith.constant 0 : i32
      %dma_start3A_106 = tpu.memref_slice %arg2[%select_n3A_54, %dma_start3A_104, %dma_start3A_105] : memref<4x64x64xf32, #tpu.memory_space<hbm>> -> memref<1x64x64xf32, #tpu.memory_space<hbm>>
      %dma_start3A_107 = tpu.memref_squeeze %dma_start3A_106 : memref<1x64x64xf32, #tpu.memory_space<hbm>> -> memref<64x64xf32, #tpu.memory_space<hbm>>
      tpu.enqueue_dma source(%dma_start3A_107 : memref<64x64xf32, #tpu.memory_space<hbm>>) target(%arg5 : memref<64x64xf32, #tpu.memory_space<vmem>>) target_semaphore(%run_scoped3A : memref<!tpu.dma_semaphore, #tpu.memory_space<semaphore_mem>>)
      %dma_wait3A = arith.constant 0 : i32
      %dma_wait3A_108 = arith.constant 0 : i32
      %dma_wait3A_109 = tpu.memref_slice %arg2[%select_n3A_54, %dma_wait3A, %dma_wait3A_108] : memref<4x64x64xf32, #tpu.memory_space<hbm>> -> memref<1x64x64xf32, #tpu.memory_space<hbm>>
      %dma_wait3A_110 = tpu.memref_squeeze %dma_wait3A_109 : memref<1x64x64xf32, #tpu.memory_space<hbm>> -> memref<64x64xf32, #tpu.memory_space<hbm>>
      %dma_wait3A_111 = arith.constant 0 : i32
      %dma_wait3A_112 = arith.constant 0 : i32
      %dma_wait3A_113 = tpu.memref_slice %arg2[%select_n3A_54, %dma_wait3A_111, %dma_wait3A_112] : memref<4x64x64xf32, #tpu.memory_space<hbm>> -> memref<1x64x64xf32, #tpu.memory_space<hbm>>
      %dma_wait3A_114 = tpu.memref_squeeze %dma_wait3A_113 : memref<1x64x64xf32, #tpu.memory_space<hbm>> -> memref<64x64xf32, #tpu.memory_space<hbm>>
      tpu.wait_dma2 semaphore(%run_scoped3A : memref<!tpu.dma_semaphore, #tpu.memory_space<semaphore_mem>>) src(%dma_wait3A_114 : memref<64x64xf32, #tpu.memory_space<hbm>>) dst(%arg5 : memref<64x64xf32, #tpu.memory_space<vmem>>)
      tpu.yield
    }) : () -> ()
    "tpu.region"() ({
      %run_scoped3A = tpu.sem_alloc : memref<!tpu.dma_semaphore, #tpu.memory_space<semaphore_mem>>
      %dma_start3A = arith.constant 0 : i32
      %dma_start3A_101 = arith.constant 0 : i32
      %dma_start3A_102 = tpu.memref_slice %arg3[%select_n3A_54, %dma_start3A, %dma_start3A_101] : memref<4x64x64xf32, #tpu.memory_space<hbm>> -> memref<1x64x64xf32, #tpu.memory_space<hbm>>
      %dma_start3A_103 = tpu.memref_squeeze %dma_start3A_102 : memref<1x64x64xf32, #tpu.memory_space<hbm>> -> memref<64x64xf32, #tpu.memory_space<hbm>>
      %dma_start3A_104 = arith.constant 0 : i32
      %dma_start3A_105 = arith.constant 0 : i32
      %dma_start3A_106 = tpu.memref_slice %arg3[%select_n3A_54, %dma_start3A_104, %dma_start3A_105] : memref<4x64x64xf32, #tpu.memory_space<hbm>> -> memref<1x64x64xf32, #tpu.memory_space<hbm>>
      %dma_start3A_107 = tpu.memref_squeeze %dma_start3A_106 : memref<1x64x64xf32, #tpu.memory_space<hbm>> -> memref<64x64xf32, #tpu.memory_space<hbm>>
      tpu.enqueue_dma source(%dma_start3A_107 : memref<64x64xf32, #tpu.memory_space<hbm>>) target(%arg6 : memref<64x64xf32, #tpu.memory_space<vmem>>) target_semaphore(%run_scoped3A : memref<!tpu.dma_semaphore, #tpu.memory_space<semaphore_mem>>)
      %dma_wait3A = arith.constant 0 : i32
      %dma_wait3A_108 = arith.constant 0 : i32
      %dma_wait3A_109 = tpu.memref_slice %arg3[%select_n3A_54, %dma_wait3A, %dma_wait3A_108] : memref<4x64x64xf32, #tpu.memory_space<hbm>> -> memref<1x64x64xf32, #tpu.memory_space<hbm>>
      %dma_wait3A_110 = tpu.memref_squeeze %dma_wait3A_109 : memref<1x64x64xf32, #tpu.memory_space<hbm>> -> memref<64x64xf32, #tpu.memory_space<hbm>>
      %dma_wait3A_111 = arith.constant 0 : i32
      %dma_wait3A_112 = arith.constant 0 : i32
      %dma_wait3A_113 = tpu.memref_slice %arg3[%select_n3A_54, %dma_wait3A_111, %dma_wait3A_112] : memref<4x64x64xf32, #tpu.memory_space<hbm>> -> memref<1x64x64xf32, #tpu.memory_space<hbm>>
      %dma_wait3A_114 = tpu.memref_squeeze %dma_wait3A_113 : memref<1x64x64xf32, #tpu.memory_space<hbm>> -> memref<64x64xf32, #tpu.memory_space<hbm>>
      tpu.wait_dma2 semaphore(%run_scoped3A : memref<!tpu.dma_semaphore, #tpu.memory_space<semaphore_mem>>) src(%dma_wait3A_114 : memref<64x64xf32, #tpu.memory_space<hbm>>) dst(%arg6 : memref<64x64xf32, #tpu.memory_space<vmem>>)
      tpu.yield
    }) : () -> ()
    %scan3A = arith.constant 0 : i32
    %scan3A_75 = arith.constant 5.000000e-01 : f32
    %scan3A_76 = arith.constant 0.000000e+00 : f32
    %scan3A_77 = arith.constant 1.000000e+00 : f32
    %scan3A_78 = arith.constant 0 : i32
    %scan3A_79 = arith.constant 64 : i32
    %scan3A_80 = arith.addi %scan3A_78, %scan3A_79 : i32
    %scan3A_81 = arith.constant 1 : i32
    scf.for %scan3A_101 = %scan3A_78 to %scan3A_80 step %scan3A_81  : i32 {
      %get3A = arith.index_cast %scan3A_101 : i32 to index
      %get3A_102 = arith.constant 0 : index
      %get3A_103 = tpu.vector_load %arg5[%get3A, %get3A_102] {strides = array<i32>} : memref<64x64xf32, #tpu.memory_space<vmem>>, vector<1x16xf32>,
      %get3A_104 = vector.shape_cast %get3A_103 : vector<1x16xf32> to vector<16xf32>
      %sub3A_105 = vector.broadcast %scan3A_75 : f32 to vector<16xf32>
      %sub3A_106 = arith.subf %get3A_104, %sub3A_105 : vector<16xf32>
      %sign3A_107 = tpu.bitcast %sub3A_106 : vector<16xf32> -> vector<16xi32>
      %sign3A_108 = arith.constant -2147483648 : i32
      %sign3A_109 = vector.broadcast %sign3A_108 : i32 to vector<16xi32>
      %sign3A_110 = arith.andi %sign3A_107, %sign3A_109 : vector<16xi32>
      %sign3A_111 = arith.constant 1065353216 : i32
      %sign3A_112 = vector.broadcast %sign3A_111 : i32 to vector<16xi32>
      %sign3A_113 = arith.ori %sign3A_112, %sign3A_110 : vector<16xi32>
      %sign3A_114 = tpu.bitcast %sign3A_113 : vector<16xi32> -> vector<16xf32>
      %sign3A_115 = math.absf %sub3A_106 : vector<16xf32>
      %sign3A_116 = arith.constant 0.000000e+00 : f32
      %sign3A_117 = vector.broadcast %sign3A_116 : f32 to vector<16xf32>
      %sign3A_118 = arith.cmpf ogt, %sign3A_115, %sign3A_117 : vector<16xf32>
      %sign3A_119 = arith.select %sign3A_118, %sign3A_114, %sub3A_106 : vector<16xi1>, vector<16xf32>
      %max3A = vector.broadcast %scan3A_76 : f32 to vector<16xf32>
      %max3A_120 = arith.maximumf %max3A, %sign3A_119 : vector<16xf32>
      %get3A_121 = arith.index_cast %scan3A_101 : i32 to index
      %get3A_122 = arith.constant 0 : index
      %get3A_123 = tpu.vector_load %arg6[%get3A_121, %get3A_122] {strides = array<i32>} : memref<64x64xf32, #tpu.memory_space<vmem>>, vector<1x16xf32>,
      %get3A_124 = vector.shape_cast %get3A_123 : vector<1x16xf32> to vector<16xf32>
      %sub3A_125 = vector.broadcast %scan3A_75 : f32 to vector<16xf32>
      %sub3A_126 = arith.subf %get3A_124, %sub3A_125 : vector<16xf32>
      %sign3A_127 = tpu.bitcast %sub3A_126 : vector<16xf32> -> vector<16xi32>
      %sign3A_128 = arith.constant -2147483648 : i32
      %sign3A_129 = vector.broadcast %sign3A_128 : i32 to vector<16xi32>
      %sign3A_130 = arith.andi %sign3A_127, %sign3A_129 : vector<16xi32>
      %sign3A_131 = arith.constant 1065353216 : i32
      %sign3A_132 = vector.broadcast %sign3A_131 : i32 to vector<16xi32>
      %sign3A_133 = arith.ori %sign3A_132, %sign3A_130 : vector<16xi32>
      %sign3A_134 = tpu.bitcast %sign3A_133 : vector<16xi32> -> vector<16xf32>
      %sign3A_135 = math.absf %sub3A_126 : vector<16xf32>
      %sign3A_136 = arith.constant 0.000000e+00 : f32
      %sign3A_137 = vector.broadcast %sign3A_136 : f32 to vector<16xf32>
      %sign3A_138 = arith.cmpf ogt, %sign3A_135, %sign3A_137 : vector<16xf32>
      %sign3A_139 = arith.select %sign3A_138, %sign3A_134, %sub3A_126 : vector<16xi1>, vector<16xf32>
      %max3A_140 = vector.broadcast %scan3A_76 : f32 to vector<16xf32>
      %max3A_141 = arith.maximumf %max3A_140, %sign3A_139 : vector<16xf32>
      %mul3A_142 = arith.mulf %broadcast_in_dim3A, %max3A_141 : vector<16xf32>
      %sub3A_143 = vector.broadcast %scan3A_77 : f32 to vector<16xf32>
      %sub3A_144 = arith.subf %sub3A_143, %broadcast_in_dim3A : vector<16xf32>
      %mul3A_145 = arith.mulf %sub3A_144, %max3A_120 : vector<16xf32>
      %add3A_146 = arith.addf %mul3A_142, %mul3A_145 : vector<16xf32>
      %sub3A_147 = vector.broadcast %scan3A_77 : f32 to vector<16xf32>
      %sub3A_148 = arith.subf %sub3A_147, %add3A_146 : vector<16xf32>
      %mul3A_149 = arith.constant 0x4B800000 : f32
      %mul3A_150 = vector.broadcast %mul3A_149 : f32 to vector<16xf32>
      %mul3A_151 = arith.mulf %sub3A_148, %mul3A_150 : vector<16xf32>
      %swap3A_152 = arith.index_cast %scan3A_101 : i32 to index
      %swap3A_153 = arith.constant 0 : index
      %swap3A_154 = tpu.vector_load %arg7[%swap3A_152, %swap3A_153] {strides = array<i32>} : memref<64x64xf32, #tpu.memory_space<vmem>>, vector<1x16xf32>,
      %swap3A_155 = vector.shape_cast %swap3A_154 : vector<1x16xf32> to vector<16xf32>
      %swap3A_156 = vector.shape_cast %mul3A_151 : vector<16xf32> to vector<1x16xf32>
      tpu.vector_store %arg7[%swap3A_152, %swap3A_153], %swap3A_156 {strides = array<i32>} : memref<64x64xf32, #tpu.memory_space<vmem>>, vector<1x16xf32>,
      %sub3A_157 = vector.broadcast %scan3A_77 : f32 to vector<16xf32>
      %sub3A_158 = arith.subf %sub3A_157, %max3A_141 : vector<16xf32>
      %mul3A_159 = arith.mulf %max3A_120, %sub3A_158 : vector<16xf32>
      %mul3A_160 = arith.mulf %broadcast_in_dim3A, %mul3A_159 : vector<16xf32>
      %sub3A_161 = vector.broadcast %scan3A_77 : f32 to vector<16xf32>
      %sub3A_162 = arith.subf %sub3A_161, %broadcast_in_dim3A : vector<16xf32>
      %sub3A_163 = vector.broadcast %scan3A_77 : f32 to vector<16xf32>
      %sub3A_164 = arith.subf %sub3A_163, %max3A_120 : vector<16xf32>
      %mul3A_165 = arith.mulf %max3A_141, %sub3A_164 : vector<16xf32>
      %mul3A_166 = arith.mulf %sub3A_162, %mul3A_165 : vector<16xf32>
      %add3A_167 = arith.addf %mul3A_160, %mul3A_166 : vector<16xf32>
      %swap3A_168 = arith.index_cast %scan3A_101 : i32 to index
      %swap3A_169 = arith.constant 0 : index
      %swap3A_170 = tpu.vector_load %arg8[%swap3A_168, %swap3A_169] {strides = array<i32>} : memref<64x64xf32, #tpu.memory_space<vmem>>, vector<1x16xf32>,
      %swap3A_171 = vector.shape_cast %swap3A_170 : vector<1x16xf32> to vector<16xf32>
      %swap3A_172 = vector.shape_cast %add3A_167 : vector<16xf32> to vector<1x16xf32>
      tpu.vector_store %arg8[%swap3A_168, %swap3A_169], %swap3A_172 {strides = array<i32>} : memref<64x64xf32, #tpu.memory_space<vmem>>, vector<1x16xf32>,
      %get3A_173 = arith.index_cast %scan3A_101 : i32 to index
      %get3A_174 = arith.constant 16 : index
      %get3A_175 = tpu.vector_load %arg5[%get3A_173, %get3A_174] {strides = array<i32>} : memref<64x64xf32, #tpu.memory_space<vmem>>, vector<1x16xf32>,
      %get3A_176 = vector.shape_cast %get3A_175 : vector<1x16xf32> to vector<16xf32>
      %sub3A_177 = vector.broadcast %scan3A_75 : f32 to vector<16xf32>
      %sub3A_178 = arith.subf %get3A_176, %sub3A_177 : vector<16xf32>
      %sign3A_179 = tpu.bitcast %sub3A_178 : vector<16xf32> -> vector<16xi32>
      %sign3A_180 = arith.constant -2147483648 : i32
      %sign3A_181 = vector.broadcast %sign3A_180 : i32 to vector<16xi32>
      %sign3A_182 = arith.andi %sign3A_179, %sign3A_181 : vector<16xi32>
      %sign3A_183 = arith.constant 1065353216 : i32
      %sign3A_184 = vector.broadcast %sign3A_183 : i32 to vector<16xi32>
      %sign3A_185 = arith.ori %sign3A_184, %sign3A_182 : vector<16xi32>
      %sign3A_186 = tpu.bitcast %sign3A_185 : vector<16xi32> -> vector<16xf32>
      %sign3A_187 = math.absf %sub3A_178 : vector<16xf32>
      %sign3A_188 = arith.constant 0.000000e+00 : f32
      %sign3A_189 = vector.broadcast %sign3A_188 : f32 to vector<16xf32>
      %sign3A_190 = arith.cmpf ogt, %sign3A_187, %sign3A_189 : vector<16xf32>
      %sign3A_191 = arith.select %sign3A_190, %sign3A_186, %sub3A_178 : vector<16xi1>, vector<16xf32>
      %max3A_192 = vector.broadcast %scan3A_76 : f32 to vector<16xf32>
      %max3A_193 = arith.maximumf %max3A_192, %sign3A_191 : vector<16xf32>
      %get3A_194 = arith.index_cast %scan3A_101 : i32 to index
      %get3A_195 = arith.constant 16 : index
      %get3A_196 = tpu.vector_load %arg6[%get3A_194, %get3A_195] {strides = array<i32>} : memref<64x64xf32, #tpu.memory_space<vmem>>, vector<1x16xf32>,
      %get3A_197 = vector.shape_cast %get3A_196 : vector<1x16xf32> to vector<16xf32>
      %sub3A_198 = vector.broadcast %scan3A_75 : f32 to vector<16xf32>
      %sub3A_199 = arith.subf %get3A_197, %sub3A_198 : vector<16xf32>
      %sign3A_200 = tpu.bitcast %sub3A_199 : vector<16xf32> -> vector<16xi32>
      %sign3A_201 = arith.constant -2147483648 : i32
      %sign3A_202 = vector.broadcast %sign3A_201 : i32 to vector<16xi32>
      %sign3A_203 = arith.andi %sign3A_200, %sign3A_202 : vector<16xi32>
      %sign3A_204 = arith.constant 1065353216 : i32
      %sign3A_205 = vector.broadcast %sign3A_204 : i32 to vector<16xi32>
      %sign3A_206 = arith.ori %sign3A_205, %sign3A_203 : vector<16xi32>
      %sign3A_207 = tpu.bitcast %sign3A_206 : vector<16xi32> -> vector<16xf32>
      %sign3A_208 = math.absf %sub3A_199 : vector<16xf32>
      %sign3A_209 = arith.constant 0.000000e+00 : f32
      %sign3A_210 = vector.broadcast %sign3A_209 : f32 to vector<16xf32>
      %sign3A_211 = arith.cmpf ogt, %sign3A_208, %sign3A_210 : vector<16xf32>
      %sign3A_212 = arith.select %sign3A_211, %sign3A_207, %sub3A_199 : vector<16xi1>, vector<16xf32>
      %max3A_213 = vector.broadcast %scan3A_76 : f32 to vector<16xf32>
      %max3A_214 = arith.maximumf %max3A_213, %sign3A_212 : vector<16xf32>
      %mul3A_215 = arith.mulf %broadcast_in_dim3A, %max3A_214 : vector<16xf32>
      %sub3A_216 = vector.broadcast %scan3A_77 : f32 to vector<16xf32>
      %sub3A_217 = arith.subf %sub3A_216, %broadcast_in_dim3A : vector<16xf32>
      %mul3A_218 = arith.mulf %sub3A_217, %max3A_193 : vector<16xf32>
      %add3A_219 = arith.addf %mul3A_215, %mul3A_218 : vector<16xf32>
      %sub3A_220 = vector.broadcast %scan3A_77 : f32 to vector<16xf32>
      %sub3A_221 = arith.subf %sub3A_220, %add3A_219 : vector<16xf32>
      %mul3A_222 = arith.constant 0x4B800000 : f32
      %mul3A_223 = vector.broadcast %mul3A_222 : f32 to vector<16xf32>
      %mul3A_224 = arith.mulf %sub3A_221, %mul3A_223 : vector<16xf32>
      %swap3A_225 = arith.index_cast %scan3A_101 : i32 to index
      %swap3A_226 = arith.constant 16 : index
      %swap3A_227 = tpu.vector_load %arg7[%swap3A_225, %swap3A_226] {strides = array<i32>} : memref<64x64xf32, #tpu.memory_space<vmem>>, vector<1x16xf32>,
      %swap3A_228 = vector.shape_cast %swap3A_227 : vector<1x16xf32> to vector<16xf32>
      %swap3A_229 = vector.shape_cast %mul3A_224 : vector<16xf32> to vector<1x16xf32>
      tpu.vector_store %arg7[%swap3A_225, %swap3A_226], %swap3A_229 {strides = array<i32>} : memref<64x64xf32, #tpu.memory_space<vmem>>, vector<1x16xf32>,
      %sub3A_230 = vector.broadcast %scan3A_77 : f32 to vector<16xf32>
      %sub3A_231 = arith.subf %sub3A_230, %max3A_214 : vector<16xf32>
      %mul3A_232 = arith.mulf %max3A_193, %sub3A_231 : vector<16xf32>
      %mul3A_233 = arith.mulf %broadcast_in_dim3A, %mul3A_232 : vector<16xf32>
      %sub3A_234 = vector.broadcast %scan3A_77 : f32 to vector<16xf32>
      %sub3A_235 = arith.subf %sub3A_234, %broadcast_in_dim3A : vector<16xf32>
      %sub3A_236 = vector.broadcast %scan3A_77 : f32 to vector<16xf32>
      %sub3A_237 = arith.subf %sub3A_236, %max3A_193 : vector<16xf32>
      %mul3A_238 = arith.mulf %max3A_214, %sub3A_237 : vector<16xf32>
      %mul3A_239 = arith.mulf %sub3A_235, %mul3A_238 : vector<16xf32>
      %add3A_240 = arith.addf %mul3A_233, %mul3A_239 : vector<16xf32>
      %swap3A_241 = arith.index_cast %scan3A_101 : i32 to index
      %swap3A_242 = arith.constant 16 : index
      %swap3A_243 = tpu.vector_load %arg8[%swap3A_241, %swap3A_242] {strides = array<i32>} : memref<64x64xf32, #tpu.memory_space<vmem>>, vector<1x16xf32>,
      %swap3A_244 = vector.shape_cast %swap3A_243 : vector<1x16xf32> to vector<16xf32>
      %swap3A_245 = vector.shape_cast %add3A_240 : vector<16xf32> to vector<1x16xf32>
      tpu.vector_store %arg8[%swap3A_241, %swap3A_242], %swap3A_245 {strides = array<i32>} : memref<64x64xf32, #tpu.memory_space<vmem>>, vector<1x16xf32>,
      %get3A_246 = arith.index_cast %scan3A_101 : i32 to index
      %get3A_247 = arith.constant 32 : index
      %get3A_248 = tpu.vector_load %arg5[%get3A_246, %get3A_247] {strides = array<i32>} : memref<64x64xf32, #tpu.memory_space<vmem>>, vector<1x16xf32>,
      %get3A_249 = vector.shape_cast %get3A_248 : vector<1x16xf32> to vector<16xf32>
      %sub3A_250 = vector.broadcast %scan3A_75 : f32 to vector<16xf32>
      %sub3A_251 = arith.subf %get3A_249, %sub3A_250 : vector<16xf32>
      %sign3A_252 = tpu.bitcast %sub3A_251 : vector<16xf32> -> vector<16xi32>
      %sign3A_253 = arith.constant -2147483648 : i32
      %sign3A_254 = vector.broadcast %sign3A_253 : i32 to vector<16xi32>
      %sign3A_255 = arith.andi %sign3A_252, %sign3A_254 : vector<16xi32>
      %sign3A_256 = arith.constant 1065353216 : i32
      %sign3A_257 = vector.broadcast %sign3A_256 : i32 to vector<16xi32>
      %sign3A_258 = arith.ori %sign3A_257, %sign3A_255 : vector<16xi32>
      %sign3A_259 = tpu.bitcast %sign3A_258 : vector<16xi32> -> vector<16xf32>
      %sign3A_260 = math.absf %sub3A_251 : vector<16xf32>
      %sign3A_261 = arith.constant 0.000000e+00 : f32
      %sign3A_262 = vector.broadcast %sign3A_261 : f32 to vector<16xf32>
      %sign3A_263 = arith.cmpf ogt, %sign3A_260, %sign3A_262 : vector<16xf32>
      %sign3A_264 = arith.select %sign3A_263, %sign3A_259, %sub3A_251 : vector<16xi1>, vector<16xf32>
      %max3A_265 = vector.broadcast %scan3A_76 : f32 to vector<16xf32>
      %max3A_266 = arith.maximumf %max3A_265, %sign3A_264 : vector<16xf32>
      %get3A_267 = arith.index_cast %scan3A_101 : i32 to index
      %get3A_268 = arith.constant 32 : index
      %get3A_269 = tpu.vector_load %arg6[%get3A_267, %get3A_268] {strides = array<i32>} : memref<64x64xf32, #tpu.memory_space<vmem>>, vector<1x16xf32>,
      %get3A_270 = vector.shape_cast %get3A_269 : vector<1x16xf32> to vector<16xf32>
      %sub3A_271 = vector.broadcast %scan3A_75 : f32 to vector<16xf32>
      %sub3A_272 = arith.subf %get3A_270, %sub3A_271 : vector<16xf32>
      %sign3A_273 = tpu.bitcast %sub3A_272 : vector<16xf32> -> vector<16xi32>
      %sign3A_274 = arith.constant -2147483648 : i32
      %sign3A_275 = vector.broadcast %sign3A_274 : i32 to vector<16xi32>
      %sign3A_276 = arith.andi %sign3A_273, %sign3A_275 : vector<16xi32>
      %sign3A_277 = arith.constant 1065353216 : i32
      %sign3A_278 = vector.broadcast %sign3A_277 : i32 to vector<16xi32>
      %sign3A_279 = arith.ori %sign3A_278, %sign3A_276 : vector<16xi32>
      %sign3A_280 = tpu.bitcast %sign3A_279 : vector<16xi32> -> vector<16xf32>
      %sign3A_281 = math.absf %sub3A_272 : vector<16xf32>
      %sign3A_282 = arith.constant 0.000000e+00 : f32
      %sign3A_283 = vector.broadcast %sign3A_282 : f32 to vector<16xf32>
      %sign3A_284 = arith.cmpf ogt, %sign3A_281, %sign3A_283 : vector<16xf32>
      %sign3A_285 = arith.select %sign3A_284, %sign3A_280, %sub3A_272 : vector<16xi1>, vector<16xf32>
      %max3A_286 = vector.broadcast %scan3A_76 : f32 to vector<16xf32>
      %max3A_287 = arith.maximumf %max3A_286, %sign3A_285 : vector<16xf32>
      %mul3A_288 = arith.mulf %broadcast_in_dim3A, %max3A_287 : vector<16xf32>
      %sub3A_289 = vector.broadcast %scan3A_77 : f32 to vector<16xf32>
      %sub3A_290 = arith.subf %sub3A_289, %broadcast_in_dim3A : vector<16xf32>
      %mul3A_291 = arith.mulf %sub3A_290, %max3A_266 : vector<16xf32>
      %add3A_292 = arith.addf %mul3A_288, %mul3A_291 : vector<16xf32>
      %sub3A_293 = vector.broadcast %scan3A_77 : f32 to vector<16xf32>
      %sub3A_294 = arith.subf %sub3A_293, %add3A_292 : vector<16xf32>
      %mul3A_295 = arith.constant 0x4B800000 : f32
      %mul3A_296 = vector.broadcast %mul3A_295 : f32 to vector<16xf32>
      %mul3A_297 = arith.mulf %sub3A_294, %mul3A_296 : vector<16xf32>
      %swap3A_298 = arith.index_cast %scan3A_101 : i32 to index
      %swap3A_299 = arith.constant 32 : index
      %swap3A_300 = tpu.vector_load %arg7[%swap3A_298, %swap3A_299] {strides = array<i32>} : memref<64x64xf32, #tpu.memory_space<vmem>>, vector<1x16xf32>,
      %swap3A_301 = vector.shape_cast %swap3A_300 : vector<1x16xf32> to vector<16xf32>
      %swap3A_302 = vector.shape_cast %mul3A_297 : vector<16xf32> to vector<1x16xf32>
      tpu.vector_store %arg7[%swap3A_298, %swap3A_299], %swap3A_302 {strides = array<i32>} : memref<64x64xf32, #tpu.memory_space<vmem>>, vector<1x16xf32>,
      %sub3A_303 = vector.broadcast %scan3A_77 : f32 to vector<16xf32>
      %sub3A_304 = arith.subf %sub3A_303, %max3A_287 : vector<16xf32>
      %mul3A_305 = arith.mulf %max3A_266, %sub3A_304 : vector<16xf32>
      %mul3A_306 = arith.mulf %broadcast_in_dim3A, %mul3A_305 : vector<16xf32>
      %sub3A_307 = vector.broadcast %scan3A_77 : f32 to vector<16xf32>
      %sub3A_308 = arith.subf %sub3A_307, %broadcast_in_dim3A : vector<16xf32>
      %sub3A_309 = vector.broadcast %scan3A_77 : f32 to vector<16xf32>
      %sub3A_310 = arith.subf %sub3A_309, %max3A_266 : vector<16xf32>
      %mul3A_311 = arith.mulf %max3A_287, %sub3A_310 : vector<16xf32>
      %mul3A_312 = arith.mulf %sub3A_308, %mul3A_311 : vector<16xf32>
      %add3A_313 = arith.addf %mul3A_306, %mul3A_312 : vector<16xf32>
      %swap3A_314 = arith.index_cast %scan3A_101 : i32 to index
      %swap3A_315 = arith.constant 32 : index
      %swap3A_316 = tpu.vector_load %arg8[%swap3A_314, %swap3A_315] {strides = array<i32>} : memref<64x64xf32, #tpu.memory_space<vmem>>, vector<1x16xf32>,
      %swap3A_317 = vector.shape_cast %swap3A_316 : vector<1x16xf32> to vector<16xf32>
      %swap3A_318 = vector.shape_cast %add3A_313 : vector<16xf32> to vector<1x16xf32>
      tpu.vector_store %arg8[%swap3A_314, %swap3A_315], %swap3A_318 {strides = array<i32>} : memref<64x64xf32, #tpu.memory_space<vmem>>, vector<1x16xf32>,
      %get3A_319 = arith.index_cast %scan3A_101 : i32 to index
      %get3A_320 = arith.constant 48 : index
      %get3A_321 = tpu.vector_load %arg5[%get3A_319, %get3A_320] {strides = array<i32>} : memref<64x64xf32, #tpu.memory_space<vmem>>, vector<1x16xf32>,
      %get3A_322 = vector.shape_cast %get3A_321 : vector<1x16xf32> to vector<16xf32>
      %sub3A_323 = vector.broadcast %scan3A_75 : f32 to vector<16xf32>
      %sub3A_324 = arith.subf %get3A_322, %sub3A_323 : vector<16xf32>
      %sign3A_325 = tpu.bitcast %sub3A_324 : vector<16xf32> -> vector<16xi32>
      %sign3A_326 = arith.constant -2147483648 : i32
      %sign3A_327 = vector.broadcast %sign3A_326 : i32 to vector<16xi32>
      %sign3A_328 = arith.andi %sign3A_325, %sign3A_327 : vector<16xi32>
      %sign3A_329 = arith.constant 1065353216 : i32
      %sign3A_330 = vector.broadcast %sign3A_329 : i32 to vector<16xi32>
      %sign3A_331 = arith.ori %sign3A_330, %sign3A_328 : vector<16xi32>
      %sign3A_332 = tpu.bitcast %sign3A_331 : vector<16xi32> -> vector<16xf32>
      %sign3A_333 = math.absf %sub3A_324 : vector<16xf32>
      %sign3A_334 = arith.constant 0.000000e+00 : f32
      %sign3A_335 = vector.broadcast %sign3A_334 : f32 to vector<16xf32>
      %sign3A_336 = arith.cmpf ogt, %sign3A_333, %sign3A_335 : vector<16xf32>
      %sign3A_337 = arith.select %sign3A_336, %sign3A_332, %sub3A_324 : vector<16xi1>, vector<16xf32>
      %max3A_338 = vector.broadcast %scan3A_76 : f32 to vector<16xf32>
      %max3A_339 = arith.maximumf %max3A_338, %sign3A_337 : vector<16xf32>
      %get3A_340 = arith.index_cast %scan3A_101 : i32 to index
      %get3A_341 = arith.constant 48 : index
      %get3A_342 = tpu.vector_load %arg6[%get3A_340, %get3A_341] {strides = array<i32>} : memref<64x64xf32, #tpu.memory_space<vmem>>, vector<1x16xf32>,
      %get3A_343 = vector.shape_cast %get3A_342 : vector<1x16xf32> to vector<16xf32>
      %sub3A_344 = vector.broadcast %scan3A_75 : f32 to vector<16xf32>
      %sub3A_345 = arith.subf %get3A_343, %sub3A_344 : vector<16xf32>
      %sign3A_346 = tpu.bitcast %sub3A_345 : vector<16xf32> -> vector<16xi32>
      %sign3A_347 = arith.constant -2147483648 : i32
      %sign3A_348 = vector.broadcast %sign3A_347 : i32 to vector<16xi32>
      %sign3A_349 = arith.andi %sign3A_346, %sign3A_348 : vector<16xi32>
      %sign3A_350 = arith.constant 1065353216 : i32
      %sign3A_351 = vector.broadcast %sign3A_350 : i32 to vector<16xi32>
      %sign3A_352 = arith.ori %sign3A_351, %sign3A_349 : vector<16xi32>
      %sign3A_353 = tpu.bitcast %sign3A_352 : vector<16xi32> -> vector<16xf32>
      %sign3A_354 = math.absf %sub3A_345 : vector<16xf32>
      %sign3A_355 = arith.constant 0.000000e+00 : f32
      %sign3A_356 = vector.broadcast %sign3A_355 : f32 to vector<16xf32>
      %sign3A_357 = arith.cmpf ogt, %sign3A_354, %sign3A_356 : vector<16xf32>
      %sign3A_358 = arith.select %sign3A_357, %sign3A_353, %sub3A_345 : vector<16xi1>, vector<16xf32>
      %max3A_359 = vector.broadcast %scan3A_76 : f32 to vector<16xf32>
      %max3A_360 = arith.maximumf %max3A_359, %sign3A_358 : vector<16xf32>
      %mul3A_361 = arith.mulf %broadcast_in_dim3A, %max3A_360 : vector<16xf32>
      %sub3A_362 = vector.broadcast %scan3A_77 : f32 to vector<16xf32>
      %sub3A_363 = arith.subf %sub3A_362, %broadcast_in_dim3A : vector<16xf32>
      %mul3A_364 = arith.mulf %sub3A_363, %max3A_339 : vector<16xf32>
      %add3A_365 = arith.addf %mul3A_361, %mul3A_364 : vector<16xf32>
      %sub3A_366 = vector.broadcast %scan3A_77 : f32 to vector<16xf32>
      %sub3A_367 = arith.subf %sub3A_366, %add3A_365 : vector<16xf32>
      %mul3A_368 = arith.constant 0x4B800000 : f32
      %mul3A_369 = vector.broadcast %mul3A_368 : f32 to vector<16xf32>
      %mul3A_370 = arith.mulf %sub3A_367, %mul3A_369 : vector<16xf32>
      %swap3A_371 = arith.index_cast %scan3A_101 : i32 to index
      %swap3A_372 = arith.constant 48 : index
      %swap3A_373 = tpu.vector_load %arg7[%swap3A_371, %swap3A_372] {strides = array<i32>} : memref<64x64xf32, #tpu.memory_space<vmem>>, vector<1x16xf32>,
      %swap3A_374 = vector.shape_cast %swap3A_373 : vector<1x16xf32> to vector<16xf32>
      %swap3A_375 = vector.shape_cast %mul3A_370 : vector<16xf32> to vector<1x16xf32>
      tpu.vector_store %arg7[%swap3A_371, %swap3A_372], %swap3A_375 {strides = array<i32>} : memref<64x64xf32, #tpu.memory_space<vmem>>, vector<1x16xf32>,
      %sub3A_376 = vector.broadcast %scan3A_77 : f32 to vector<16xf32>
      %sub3A_377 = arith.subf %sub3A_376, %max3A_360 : vector<16xf32>
      %mul3A_378 = arith.mulf %max3A_339, %sub3A_377 : vector<16xf32>
      %mul3A_379 = arith.mulf %broadcast_in_dim3A, %mul3A_378 : vector<16xf32>
      %sub3A_380 = vector.broadcast %scan3A_77 : f32 to vector<16xf32>
      %sub3A_381 = arith.subf %sub3A_380, %broadcast_in_dim3A : vector<16xf32>
      %sub3A_382 = vector.broadcast %scan3A_77 : f32 to vector<16xf32>
      %sub3A_383 = arith.subf %sub3A_382, %max3A_339 : vector<16xf32>
      %mul3A_384 = arith.mulf %max3A_360, %sub3A_383 : vector<16xf32>
      %mul3A_385 = arith.mulf %sub3A_381, %mul3A_384 : vector<16xf32>
      %add3A_386 = arith.addf %mul3A_379, %mul3A_385 : vector<16xf32>
      %swap3A_387 = arith.index_cast %scan3A_101 : i32 to index
      %swap3A_388 = arith.constant 48 : index
      %swap3A_389 = tpu.vector_load %arg8[%swap3A_387, %swap3A_388] {strides = array<i32>} : memref<64x64xf32, #tpu.memory_space<vmem>>, vector<1x16xf32>,
      %swap3A_390 = vector.shape_cast %swap3A_389 : vector<1x16xf32> to vector<16xf32>
      %swap3A_391 = vector.shape_cast %add3A_386 : vector<16xf32> to vector<1x16xf32>
      tpu.vector_store %arg8[%swap3A_387, %swap3A_388], %swap3A_391 {strides = array<i32>} : memref<64x64xf32, #tpu.memory_space<vmem>>, vector<1x16xf32>,
    }
    %scan3A_82 = arith.constant 64 : i32
    %scan3A_83 = arith.constant 0 : i32
    %scan3A_84 = arith.constant 0 : i32
    %scan3A_85 = arith.constant 16 : i32
    %scan3A_86 = arith.addi %scan3A_84, %scan3A_85 : i32
    %scan3A_87 = arith.constant 1 : i32
    scf.for %scan3A_101 = %scan3A_84 to %scan3A_86 step %scan3A_87  : i32 {
      %add3A_102 = arith.addi %mul3A_56, %scan3A_101 : i32
      %convert_element_type3A_103 = arith.sitofp %add3A_102 : i32 to f32
      %broadcast_in_dim3A_104 = arith.constant 0x4B800000 : f32
      %broadcast_in_dim3A_105 = vector.broadcast %broadcast_in_dim3A_104 : f32 to vector<16xf32>
      %broadcast_in_dim3A_106 = arith.constant 0x4B800000 : f32
      %broadcast_in_dim3A_107 = vector.broadcast %broadcast_in_dim3A_106 : f32 to vector<16xf32>
      %broadcast_in_dim3A_108 = arith.constant 0x4B800000 : f32
      %broadcast_in_dim3A_109 = vector.broadcast %broadcast_in_dim3A_108 : f32 to vector<16xf32>
      %broadcast_in_dim3A_110 = arith.constant 0x4B800000 : f32
      %broadcast_in_dim3A_111 = vector.broadcast %broadcast_in_dim3A_110 : f32 to vector<16xf32>
      %scan3A_112 = arith.constant 0 : i32
      %scan3A_113 = arith.constant 64 : i32
      %scan3A_114 = arith.addi %scan3A_112, %scan3A_113 : i32
      %scan3A_115 = arith.constant 1 : i32
      %scan3A_116:4 = scf.for %scan3A_138 = %scan3A_112 to %scan3A_114 step %scan3A_115 iter_args(%scan3A_139 = %broadcast_in_dim3A_105, %scan3A_140 = %broadcast_in_dim3A_107, %scan3A_141 = %broadcast_in_dim3A_109, %scan3A_142 = %broadcast_in_dim3A_111) -> (vector<16xf32>, vector<16xf32>, vector<16xf32>, vector<16xf32>)  : i32 {
        %convert_element_type3A_143 = arith.sitofp %scan3A_138 : i32 to f32
        %sub3A_144 = arith.subf %convert_element_type3A_143, %convert_element_type3A_103 : f32
        %mul3A_145 = arith.mulf %sub3A_144, %sub3A_144 : f32
        %broadcast_in_dim3A_146 = vector.broadcast %mul3A_145 : f32 to vector<16xf32>
        %get3A = arith.index_cast %scan3A_138 : i32 to index
        %get3A_147 = arith.constant 0 : index
        %get3A_148 = tpu.vector_load %arg7[%get3A, %get3A_147] {strides = array<i32>} : memref<64x64xf32, #tpu.memory_space<vmem>>, vector<1x16xf32>,
        %get3A_149 = vector.shape_cast %get3A_148 : vector<1x16xf32> to vector<16xf32>
        %add3A_150 = arith.addf %get3A_149, %broadcast_in_dim3A_146 : vector<16xf32>
        %min3A = arith.minimumf %scan3A_139, %add3A_150 : vector<16xf32>
        %get3A_151 = arith.index_cast %scan3A_138 : i32 to index
        %get3A_152 = arith.constant 16 : index
        %get3A_153 = tpu.vector_load %arg7[%get3A_151, %get3A_152] {strides = array<i32>} : memref<64x64xf32, #tpu.memory_space<vmem>>, vector<1x16xf32>,
        %get3A_154 = vector.shape_cast %get3A_153 : vector<1x16xf32> to vector<16xf32>
        %add3A_155 = arith.addf %get3A_154, %broadcast_in_dim3A_146 : vector<16xf32>
        %min3A_156 = arith.minimumf %scan3A_140, %add3A_155 : vector<16xf32>
        %get3A_157 = arith.index_cast %scan3A_138 : i32 to index
        %get3A_158 = arith.constant 32 : index
        %get3A_159 = tpu.vector_load %arg7[%get3A_157, %get3A_158] {strides = array<i32>} : memref<64x64xf32, #tpu.memory_space<vmem>>, vector<1x16xf32>,
        %get3A_160 = vector.shape_cast %get3A_159 : vector<1x16xf32> to vector<16xf32>
        %add3A_161 = arith.addf %get3A_160, %broadcast_in_dim3A_146 : vector<16xf32>
        %min3A_162 = arith.minimumf %scan3A_141, %add3A_161 : vector<16xf32>
        %get3A_163 = arith.index_cast %scan3A_138 : i32 to index
        %get3A_164 = arith.constant 48 : index
        %get3A_165 = tpu.vector_load %arg7[%get3A_163, %get3A_164] {strides = array<i32>} : memref<64x64xf32, #tpu.memory_space<vmem>>, vector<1x16xf32>,
        %get3A_166 = vector.shape_cast %get3A_165 : vector<1x16xf32> to vector<16xf32>
        %add3A_167 = arith.addf %get3A_166, %broadcast_in_dim3A_146 : vector<16xf32>
        %min3A_168 = arith.minimumf %scan3A_142, %add3A_167 : vector<16xf32>
        scf.yield %min3A, %min3A_156, %min3A_162, %min3A_168 : vector<16xf32>, vector<16xf32>, vector<16xf32>, vector<16xf32>
      }
      %scan3A_117 = arith.constant 64 : i32
      %swap3A_118 = arith.index_cast %scan3A_101 : i32 to index
      %swap3A_119 = arith.constant 0 : index
      %swap3A_120 = tpu.vector_load %arg9[%swap3A_118, %swap3A_119] {strides = array<i32>} : memref<16x64xf32, #tpu.memory_space<vmem>>, vector<1x16xf32>,
      %swap3A_121 = vector.shape_cast %swap3A_120 : vector<1x16xf32> to vector<16xf32>
      %swap3A_122 = vector.shape_cast %scan3A_116#0 : vector<16xf32> to vector<1x16xf32>
      tpu.vector_store %arg9[%swap3A_118, %swap3A_119], %swap3A_122 {strides = array<i32>} : memref<16x64xf32, #tpu.memory_space<vmem>>, vector<1x16xf32>,
      %swap3A_123 = arith.index_cast %scan3A_101 : i32 to index
      %swap3A_124 = arith.constant 16 : index
      %swap3A_125 = tpu.vector_load %arg9[%swap3A_123, %swap3A_124] {strides = array<i32>} : memref<16x64xf32, #tpu.memory_space<vmem>>, vector<1x16xf32>,
      %swap3A_126 = vector.shape_cast %swap3A_125 : vector<1x16xf32> to vector<16xf32>
      %swap3A_127 = vector.shape_cast %scan3A_116#1 : vector<16xf32> to vector<1x16xf32>
      tpu.vector_store %arg9[%swap3A_123, %swap3A_124], %swap3A_127 {strides = array<i32>} : memref<16x64xf32, #tpu.memory_space<vmem>>, vector<1x16xf32>,
      %swap3A_128 = arith.index_cast %scan3A_101 : i32 to index
      %swap3A_129 = arith.constant 32 : index
      %swap3A_130 = tpu.vector_load %arg9[%swap3A_128, %swap3A_129] {strides = array<i32>} : memref<16x64xf32, #tpu.memory_space<vmem>>, vector<1x16xf32>,
      %swap3A_131 = vector.shape_cast %swap3A_130 : vector<1x16xf32> to vector<16xf32>
      %swap3A_132 = vector.shape_cast %scan3A_116#2 : vector<16xf32> to vector<1x16xf32>
      tpu.vector_store %arg9[%swap3A_128, %swap3A_129], %swap3A_132 {strides = array<i32>} : memref<16x64xf32, #tpu.memory_space<vmem>>, vector<1x16xf32>,
      %swap3A_133 = arith.index_cast %scan3A_101 : i32 to index
      %swap3A_134 = arith.constant 48 : index
      %swap3A_135 = tpu.vector_load %arg9[%swap3A_133, %swap3A_134] {strides = array<i32>} : memref<16x64xf32, #tpu.memory_space<vmem>>, vector<1x16xf32>,
      %swap3A_136 = vector.shape_cast %swap3A_135 : vector<1x16xf32> to vector<16xf32>
      %swap3A_137 = vector.shape_cast %scan3A_116#3 : vector<16xf32> to vector<1x16xf32>
      tpu.vector_store %arg9[%swap3A_133, %swap3A_134], %swap3A_137 {strides = array<i32>} : memref<16x64xf32, #tpu.memory_space<vmem>>, vector<1x16xf32>,
    }
    %scan3A_88 = arith.constant 16 : i32
    %iota3A = tpu.iota {dimensions = array<i32: 0>} : vector<16xi32>
    %convert_element_type3A_89 = arith.sitofp %iota3A : vector<16xi32> to vector<16xf32>
    %broadcast_in_dim3A_90 = arith.constant -1.000000e+00 : f32
    %broadcast_in_dim3A_91 = vector.broadcast %broadcast_in_dim3A_90 : f32 to vector<16xf32>
    %scan3A_92 = arith.constant 0 : i32
    %scan3A_93 = arith.constant 16 : i32
    %scan3A_94 = arith.addi %scan3A_92, %scan3A_93 : i32
    %scan3A_95 = arith.constant 1 : i32
    %scan3A_96 = scf.for %scan3A_101 = %scan3A_92 to %scan3A_94 step %scan3A_95 iter_args(%scan3A_102 = %broadcast_in_dim3A_91) -> (vector<16xf32>)  : i32 {
      %get3A = arith.index_cast %scan3A_101 : i32 to index
      %get3A_103 = arith.constant 0 : index
      %get3A_104 = tpu.vector_load %arg9[%get3A, %get3A_103] {strides = array<i32>} : memref<16x64xf32, #tpu.memory_space<vmem>>, vector<1x16xf32>,
      %get3A_105 = vector.shape_cast %get3A_104 : vector<1x16xf32> to vector<16xf32>
      %get3A_106 = arith.index_cast %scan3A_101 : i32 to index
      %get3A_107 = arith.constant 16 : index
      %get3A_108 = tpu.vector_load %arg9[%get3A_106, %get3A_107] {strides = array<i32>} : memref<16x64xf32, #tpu.memory_space<vmem>>, vector<1x16xf32>,
      %get3A_109 = vector.shape_cast %get3A_108 : vector<1x16xf32> to vector<16xf32>
      %get3A_110 = arith.index_cast %scan3A_101 : i32 to index
      %get3A_111 = arith.constant 32 : index
      %get3A_112 = tpu.vector_load %arg9[%get3A_110, %get3A_111] {strides = array<i32>} : memref<16x64xf32, #tpu.memory_space<vmem>>, vector<1x16xf32>,
      %get3A_113 = vector.shape_cast %get3A_112 : vector<1x16xf32> to vector<16xf32>
      %get3A_114 = arith.index_cast %scan3A_101 : i32 to index
      %get3A_115 = arith.constant 48 : index
      %get3A_116 = tpu.vector_load %arg9[%get3A_114, %get3A_115] {strides = array<i32>} : memref<16x64xf32, #tpu.memory_space<vmem>>, vector<1x16xf32>,
      %get3A_117 = vector.shape_cast %get3A_116 : vector<1x16xf32> to vector<16xf32>
      %broadcast_in_dim3A_118 = arith.constant 0x4B800000 : f32
      %broadcast_in_dim3A_119 = vector.broadcast %broadcast_in_dim3A_118 : f32 to vector<16xf32>
      %broadcast_in_dim3A_120 = arith.constant 0x4B800000 : f32
      %broadcast_in_dim3A_121 = vector.broadcast %broadcast_in_dim3A_120 : f32 to vector<16xf32>
      %broadcast_in_dim3A_122 = arith.constant 0x4B800000 : f32
      %broadcast_in_dim3A_123 = vector.broadcast %broadcast_in_dim3A_122 : f32 to vector<16xf32>
      %broadcast_in_dim3A_124 = arith.constant 0x4B800000 : f32
      %broadcast_in_dim3A_125 = vector.broadcast %broadcast_in_dim3A_124 : f32 to vector<16xf32>
      %broadcast_in_dim3A_126 = arith.constant 0 : i32
      %broadcast_in_dim3A_127 = vector.broadcast %broadcast_in_dim3A_126 : i32 to vector<16xi32>
      %lt3A_128 = arith.constant 0 : i32
      %lt3A_129 = vector.broadcast %lt3A_128 : i32 to vector<16xi32>
      %lt3A_130 = arith.cmpi slt, %broadcast_in_dim3A_127, %lt3A_129 : vector<16xi32>
      %add3A_131 = arith.constant 16 : i32
      %add3A_132 = vector.broadcast %add3A_131 : i32 to vector<16xi32>
      %add3A_133 = arith.addi %broadcast_in_dim3A_127, %add3A_132 : vector<16xi32>
      %select_n3A_134 = arith.select %lt3A_130, %add3A_133, %broadcast_in_dim3A_127 : vector<16xi1>, vector<16xi32>
      %broadcast_in_dim3A_135 = vector.shape_cast %select_n3A_134 : vector<16xi32> to vector<16x1xi32>
      %gather3A = vector.shape_cast %broadcast_in_dim3A_135 : vector<16x1xi32> to vector<16xi32>
      %gather3A_136 = tpu.dynamic_gather %get3A_105[%gather3A] in [0] : vector<16xf32>, vector<16xi32> -> vector<16xf32>
      %add3A_137 = arith.constant 0.000000e+00 : f32
      %add3A_138 = vector.broadcast %add3A_137 : f32 to vector<16xf32>
      %add3A_139 = arith.addf %convert_element_type3A_89, %add3A_138 : vector<16xf32>
      %sub3A_140 = arith.constant 0.000000e+00 : f32
      %sub3A_141 = vector.broadcast %sub3A_140 : f32 to vector<16xf32>
      %sub3A_142 = arith.subf %sub3A_141, %add3A_139 : vector<16xf32>
      %mul3A_143 = arith.mulf %sub3A_142, %sub3A_142 : vector<16xf32>
      %add3A_144 = arith.addf %gather3A_136, %mul3A_143 : vector<16xf32>
      %min3A = arith.minimumf %broadcast_in_dim3A_119, %add3A_144 : vector<16xf32>
      %add3A_145 = arith.constant 1.600000e+01 : f32
      %add3A_146 = vector.broadcast %add3A_145 : f32 to vector<16xf32>
      %add3A_147 = arith.addf %convert_element_type3A_89, %add3A_146 : vector<16xf32>
      %sub3A_148 = arith.constant 0.000000e+00 : f32
      %sub3A_149 = vector.broadcast %sub3A_148 : f32 to vector<16xf32>
      %sub3A_150 = arith.subf %sub3A_149, %add3A_147 : vector<16xf32>
      %mul3A_151 = arith.mulf %sub3A_150, %sub3A_150 : vector<16xf32>
      %add3A_152 = arith.addf %gather3A_136, %mul3A_151 : vector<16xf32>
      %min3A_153 = arith.minimumf %broadcast_in_dim3A_121, %add3A_152 : vector<16xf32>
      %add3A_154 = arith.constant 3.200000e+01 : f32
      %add3A_155 = vector.broadcast %add3A_154 : f32 to vector<16xf32>
      %add3A_156 = arith.addf %convert_element_type3A_89, %add3A_155 : vector<16xf32>
      %sub3A_157 = arith.constant 0.000000e+00 : f32
      %sub3A_158 = vector.broadcast %sub3A_157 : f32 to vector<16xf32>
      %sub3A_159 = arith.subf %sub3A_158, %add3A_156 : vector<16xf32>
      %mul3A_160 = arith.mulf %sub3A_159, %sub3A_159 : vector<16xf32>
      %add3A_161 = arith.addf %gather3A_136, %mul3A_160 : vector<16xf32>
      %min3A_162 = arith.minimumf %broadcast_in_dim3A_123, %add3A_161 : vector<16xf32>
      %add3A_163 = arith.constant 4.800000e+01 : f32
      %add3A_164 = vector.broadcast %add3A_163 : f32 to vector<16xf32>
      %add3A_165 = arith.addf %convert_element_type3A_89, %add3A_164 : vector<16xf32>
      %sub3A_166 = arith.constant 0.000000e+00 : f32
      %sub3A_167 = vector.broadcast %sub3A_166 : f32 to vector<16xf32>
      %sub3A_168 = arith.subf %sub3A_167, %add3A_165 : vector<16xf32>
      %mul3A_169 = arith.mulf %sub3A_168, %sub3A_168 : vector<16xf32>
      %add3A_170 = arith.addf %gather3A_136, %mul3A_169 : vector<16xf32>
      %min3A_171 = arith.minimumf %broadcast_in_dim3A_125, %add3A_170 : vector<16xf32>
      %broadcast_in_dim3A_172 = arith.constant 1 : i32
      %broadcast_in_dim3A_173 = vector.broadcast %broadcast_in_dim3A_172 : i32 to vector<16xi32>
      %lt3A_174 = arith.constant 0 : i32
      %lt3A_175 = vector.broadcast %lt3A_174 : i32 to vector<16xi32>
      %lt3A_176 = arith.cmpi slt, %broadcast_in_dim3A_173, %lt3A_175 : vector<16xi32>
      %add3A_177 = arith.constant 16 : i32
      %add3A_178 = vector.broadcast %add3A_177 : i32 to vector<16xi32>
      %add3A_179 = arith.addi %broadcast_in_dim3A_173, %add3A_178 : vector<16xi32>
      %select_n3A_180 = arith.select %lt3A_176, %add3A_179, %broadcast_in_dim3A_173 : vector<16xi1>, vector<16xi32>
      %broadcast_in_dim3A_181 = vector.shape_cast %select_n3A_180 : vector<16xi32> to vector<16x1xi32>
      %gather3A_182 = vector.shape_cast %broadcast_in_dim3A_181 : vector<16x1xi32> to vector<16xi32>
      %gather3A_183 = tpu.dynamic_gather %get3A_105[%gather3A_182] in [0] : vector<16xf32>, vector<16xi32> -> vector<16xf32>
      %add3A_184 = arith.constant 0.000000e+00 : f32
      %add3A_185 = vector.broadcast %add3A_184 : f32 to vector<16xf32>
      %add3A_186 = arith.addf %convert_element_type3A_89, %add3A_185 : vector<16xf32>
      %sub3A_187 = arith.constant 1.000000e+00 : f32
      %sub3A_188 = vector.broadcast %sub3A_187 : f32 to vector<16xf32>
      %sub3A_189 = arith.subf %sub3A_188, %add3A_186 : vector<16xf32>
      %mul3A_190 = arith.mulf %sub3A_189, %sub3A_189 : vector<16xf32>
      %add3A_191 = arith.addf %gather3A_183, %mul3A_190 : vector<16xf32>
      %min3A_192 = arith.minimumf %min3A, %add3A_191 : vector<16xf32>
      %add3A_193 = arith.constant 1.600000e+01 : f32
      %add3A_194 = vector.broadcast %add3A_193 : f32 to vector<16xf32>
      %add3A_195 = arith.addf %convert_element_type3A_89, %add3A_194 : vector<16xf32>
      %sub3A_196 = arith.constant 1.000000e+00 : f32
      %sub3A_197 = vector.broadcast %sub3A_196 : f32 to vector<16xf32>
      %sub3A_198 = arith.subf %sub3A_197, %add3A_195 : vector<16xf32>
      %mul3A_199 = arith.mulf %sub3A_198, %sub3A_198 : vector<16xf32>
      %add3A_200 = arith.addf %gather3A_183, %mul3A_199 : vector<16xf32>
      %min3A_201 = arith.minimumf %min3A_153, %add3A_200 : vector<16xf32>
      %add3A_202 = arith.constant 3.200000e+01 : f32
      %add3A_203 = vector.broadcast %add3A_202 : f32 to vector<16xf32>
      %add3A_204 = arith.addf %convert_element_type3A_89, %add3A_203 : vector<16xf32>
      %sub3A_205 = arith.constant 1.000000e+00 : f32
      %sub3A_206 = vector.broadcast %sub3A_205 : f32 to vector<16xf32>
      %sub3A_207 = arith.subf %sub3A_206, %add3A_204 : vector<16xf32>
      %mul3A_208 = arith.mulf %sub3A_207, %sub3A_207 : vector<16xf32>
      %add3A_209 = arith.addf %gather3A_183, %mul3A_208 : vector<16xf32>
      %min3A_210 = arith.minimumf %min3A_162, %add3A_209 : vector<16xf32>
      %add3A_211 = arith.constant 4.800000e+01 : f32
      %add3A_212 = vector.broadcast %add3A_211 : f32 to vector<16xf32>
      %add3A_213 = arith.addf %convert_element_type3A_89, %add3A_212 : vector<16xf32>
      %sub3A_214 = arith.constant 1.000000e+00 : f32
      %sub3A_215 = vector.broadcast %sub3A_214 : f32 to vector<16xf32>
      %sub3A_216 = arith.subf %sub3A_215, %add3A_213 : vector<16xf32>
      %mul3A_217 = arith.mulf %sub3A_216, %sub3A_216 : vector<16xf32>
      %add3A_218 = arith.addf %gather3A_183, %mul3A_217 : vector<16xf32>
      %min3A_219 = arith.minimumf %min3A_171, %add3A_218 : vector<16xf32>
      %broadcast_in_dim3A_220 = arith.constant 2 : i32
      %broadcast_in_dim3A_221 = vector.broadcast %broadcast_in_dim3A_220 : i32 to vector<16xi32>
      %lt3A_222 = arith.constant 0 : i32
      %lt3A_223 = vector.broadcast %lt3A_222 : i32 to vector<16xi32>
      %lt3A_224 = arith.cmpi slt, %broadcast_in_dim3A_221, %lt3A_223 : vector<16xi32>
      %add3A_225 = arith.constant 16 : i32
      %add3A_226 = vector.broadcast %add3A_225 : i32 to vector<16xi32>
      %add3A_227 = arith.addi %broadcast_in_dim3A_221, %add3A_226 : vector<16xi32>
      %select_n3A_228 = arith.select %lt3A_224, %add3A_227, %broadcast_in_dim3A_221 : vector<16xi1>, vector<16xi32>
      %broadcast_in_dim3A_229 = vector.shape_cast %select_n3A_228 : vector<16xi32> to vector<16x1xi32>
      %gather3A_230 = vector.shape_cast %broadcast_in_dim3A_229 : vector<16x1xi32> to vector<16xi32>
      %gather3A_231 = tpu.dynamic_gather %get3A_105[%gather3A_230] in [0] : vector<16xf32>, vector<16xi32> -> vector<16xf32>
      %add3A_232 = arith.constant 0.000000e+00 : f32
      %add3A_233 = vector.broadcast %add3A_232 : f32 to vector<16xf32>
      %add3A_234 = arith.addf %convert_element_type3A_89, %add3A_233 : vector<16xf32>
      %sub3A_235 = arith.constant 2.000000e+00 : f32
      %sub3A_236 = vector.broadcast %sub3A_235 : f32 to vector<16xf32>
      %sub3A_237 = arith.subf %sub3A_236, %add3A_234 : vector<16xf32>
      %mul3A_238 = arith.mulf %sub3A_237, %sub3A_237 : vector<16xf32>
      %add3A_239 = arith.addf %gather3A_231, %mul3A_238 : vector<16xf32>
      %min3A_240 = arith.minimumf %min3A_192, %add3A_239 : vector<16xf32>
      %add3A_241 = arith.constant 1.600000e+01 : f32
      %add3A_242 = vector.broadcast %add3A_241 : f32 to vector<16xf32>
      %add3A_243 = arith.addf %convert_element_type3A_89, %add3A_242 : vector<16xf32>
      %sub3A_244 = arith.constant 2.000000e+00 : f32
      %sub3A_245 = vector.broadcast %sub3A_244 : f32 to vector<16xf32>
      %sub3A_246 = arith.subf %sub3A_245, %add3A_243 : vector<16xf32>
      %mul3A_247 = arith.mulf %sub3A_246, %sub3A_246 : vector<16xf32>
      %add3A_248 = arith.addf %gather3A_231, %mul3A_247 : vector<16xf32>
      %min3A_249 = arith.minimumf %min3A_201, %add3A_248 : vector<16xf32>
      %add3A_250 = arith.constant 3.200000e+01 : f32
      %add3A_251 = vector.broadcast %add3A_250 : f32 to vector<16xf32>
      %add3A_252 = arith.addf %convert_element_type3A_89, %add3A_251 : vector<16xf32>
      %sub3A_253 = arith.constant 2.000000e+00 : f32
      %sub3A_254 = vector.broadcast %sub3A_253 : f32 to vector<16xf32>
      %sub3A_255 = arith.subf %sub3A_254, %add3A_252 : vector<16xf32>
      %mul3A_256 = arith.mulf %sub3A_255, %sub3A_255 : vector<16xf32>
      %add3A_257 = arith.addf %gather3A_231, %mul3A_256 : vector<16xf32>
      %min3A_258 = arith.minimumf %min3A_210, %add3A_257 : vector<16xf32>
      %add3A_259 = arith.constant 4.800000e+01 : f32
      %add3A_260 = vector.broadcast %add3A_259 : f32 to vector<16xf32>
      %add3A_261 = arith.addf %convert_element_type3A_89, %add3A_260 : vector<16xf32>
      %sub3A_262 = arith.constant 2.000000e+00 : f32
      %sub3A_263 = vector.broadcast %sub3A_262 : f32 to vector<16xf32>
      %sub3A_264 = arith.subf %sub3A_263, %add3A_261 : vector<16xf32>
      %mul3A_265 = arith.mulf %sub3A_264, %sub3A_264 : vector<16xf32>
      %add3A_266 = arith.addf %gather3A_231, %mul3A_265 : vector<16xf32>
      %min3A_267 = arith.minimumf %min3A_219, %add3A_266 : vector<16xf32>
      %broadcast_in_dim3A_268 = arith.constant 3 : i32
      %broadcast_in_dim3A_269 = vector.broadcast %broadcast_in_dim3A_268 : i32 to vector<16xi32>
      %lt3A_270 = arith.constant 0 : i32
      %lt3A_271 = vector.broadcast %lt3A_270 : i32 to vector<16xi32>
      %lt3A_272 = arith.cmpi slt, %broadcast_in_dim3A_269, %lt3A_271 : vector<16xi32>
      %add3A_273 = arith.constant 16 : i32
      %add3A_274 = vector.broadcast %add3A_273 : i32 to vector<16xi32>
      %add3A_275 = arith.addi %broadcast_in_dim3A_269, %add3A_274 : vector<16xi32>
      %select_n3A_276 = arith.select %lt3A_272, %add3A_275, %broadcast_in_dim3A_269 : vector<16xi1>, vector<16xi32>
      %broadcast_in_dim3A_277 = vector.shape_cast %select_n3A_276 : vector<16xi32> to vector<16x1xi32>
      %gather3A_278 = vector.shape_cast %broadcast_in_dim3A_277 : vector<16x1xi32> to vector<16xi32>
      %gather3A_279 = tpu.dynamic_gather %get3A_105[%gather3A_278] in [0] : vector<16xf32>, vector<16xi32> -> vector<16xf32>
      %add3A_280 = arith.constant 0.000000e+00 : f32
      %add3A_281 = vector.broadcast %add3A_280 : f32 to vector<16xf32>
      %add3A_282 = arith.addf %convert_element_type3A_89, %add3A_281 : vector<16xf32>
      %sub3A_283 = arith.constant 3.000000e+00 : f32
      %sub3A_284 = vector.broadcast %sub3A_283 : f32 to vector<16xf32>
      %sub3A_285 = arith.subf %sub3A_284, %add3A_282 : vector<16xf32>
      %mul3A_286 = arith.mulf %sub3A_285, %sub3A_285 : vector<16xf32>
      %add3A_287 = arith.addf %gather3A_279, %mul3A_286 : vector<16xf32>
      %min3A_288 = arith.minimumf %min3A_240, %add3A_287 : vector<16xf32>
      %add3A_289 = arith.constant 1.600000e+01 : f32
      %add3A_290 = vector.broadcast %add3A_289 : f32 to vector<16xf32>
      %add3A_291 = arith.addf %convert_element_type3A_89, %add3A_290 : vector<16xf32>
      %sub3A_292 = arith.constant 3.000000e+00 : f32
      %sub3A_293 = vector.broadcast %sub3A_292 : f32 to vector<16xf32>
      %sub3A_294 = arith.subf %sub3A_293, %add3A_291 : vector<16xf32>
      %mul3A_295 = arith.mulf %sub3A_294, %sub3A_294 : vector<16xf32>
      %add3A_296 = arith.addf %gather3A_279, %mul3A_295 : vector<16xf32>
      %min3A_297 = arith.minimumf %min3A_249, %add3A_296 : vector<16xf32>
      %add3A_298 = arith.constant 3.200000e+01 : f32
      %add3A_299 = vector.broadcast %add3A_298 : f32 to vector<16xf32>
      %add3A_300 = arith.addf %convert_element_type3A_89, %add3A_299 : vector<16xf32>
      %sub3A_301 = arith.constant 3.000000e+00 : f32
      %sub3A_302 = vector.broadcast %sub3A_301 : f32 to vector<16xf32>
      %sub3A_303 = arith.subf %sub3A_302, %add3A_300 : vector<16xf32>
      %mul3A_304 = arith.mulf %sub3A_303, %sub3A_303 : vector<16xf32>
      %add3A_305 = arith.addf %gather3A_279, %mul3A_304 : vector<16xf32>
      %min3A_306 = arith.minimumf %min3A_258, %add3A_305 : vector<16xf32>
      %add3A_307 = arith.constant 4.800000e+01 : f32
      %add3A_308 = vector.broadcast %add3A_307 : f32 to vector<16xf32>
      %add3A_309 = arith.addf %convert_element_type3A_89, %add3A_308 : vector<16xf32>
      %sub3A_310 = arith.constant 3.000000e+00 : f32
      %sub3A_311 = vector.broadcast %sub3A_310 : f32 to vector<16xf32>
      %sub3A_312 = arith.subf %sub3A_311, %add3A_309 : vector<16xf32>
      %mul3A_313 = arith.mulf %sub3A_312, %sub3A_312 : vector<16xf32>
      %add3A_314 = arith.addf %gather3A_279, %mul3A_313 : vector<16xf32>
      %min3A_315 = arith.minimumf %min3A_267, %add3A_314 : vector<16xf32>
      %broadcast_in_dim3A_316 = arith.constant 4 : i32
      %broadcast_in_dim3A_317 = vector.broadcast %broadcast_in_dim3A_316 : i32 to vector<16xi32>
      %lt3A_318 = arith.constant 0 : i32
      %lt3A_319 = vector.broadcast %lt3A_318 : i32 to vector<16xi32>
      %lt3A_320 = arith.cmpi slt, %broadcast_in_dim3A_317, %lt3A_319 : vector<16xi32>
      %add3A_321 = arith.constant 16 : i32
      %add3A_322 = vector.broadcast %add3A_321 : i32 to vector<16xi32>
      %add3A_323 = arith.addi %broadcast_in_dim3A_317, %add3A_322 : vector<16xi32>
      %select_n3A_324 = arith.select %lt3A_320, %add3A_323, %broadcast_in_dim3A_317 : vector<16xi1>, vector<16xi32>
      %broadcast_in_dim3A_325 = vector.shape_cast %select_n3A_324 : vector<16xi32> to vector<16x1xi32>
      %gather3A_326 = vector.shape_cast %broadcast_in_dim3A_325 : vector<16x1xi32> to vector<16xi32>
      %gather3A_327 = tpu.dynamic_gather %get3A_105[%gather3A_326] in [0] : vector<16xf32>, vector<16xi32> -> vector<16xf32>
      %add3A_328 = arith.constant 0.000000e+00 : f32
      %add3A_329 = vector.broadcast %add3A_328 : f32 to vector<16xf32>
      %add3A_330 = arith.addf %convert_element_type3A_89, %add3A_329 : vector<16xf32>
      %sub3A_331 = arith.constant 4.000000e+00 : f32
      %sub3A_332 = vector.broadcast %sub3A_331 : f32 to vector<16xf32>
      %sub3A_333 = arith.subf %sub3A_332, %add3A_330 : vector<16xf32>
      %mul3A_334 = arith.mulf %sub3A_333, %sub3A_333 : vector<16xf32>
      %add3A_335 = arith.addf %gather3A_327, %mul3A_334 : vector<16xf32>
      %min3A_336 = arith.minimumf %min3A_288, %add3A_335 : vector<16xf32>
      %add3A_337 = arith.constant 1.600000e+01 : f32
      %add3A_338 = vector.broadcast %add3A_337 : f32 to vector<16xf32>
      %add3A_339 = arith.addf %convert_element_type3A_89, %add3A_338 : vector<16xf32>
      %sub3A_340 = arith.constant 4.000000e+00 : f32
      %sub3A_341 = vector.broadcast %sub3A_340 : f32 to vector<16xf32>
      %sub3A_342 = arith.subf %sub3A_341, %add3A_339 : vector<16xf32>
      %mul3A_343 = arith.mulf %sub3A_342, %sub3A_342 : vector<16xf32>
      %add3A_344 = arith.addf %gather3A_327, %mul3A_343 : vector<16xf32>
      %min3A_345 = arith.minimumf %min3A_297, %add3A_344 : vector<16xf32>
      %add3A_346 = arith.constant 3.200000e+01 : f32
      %add3A_347 = vector.broadcast %add3A_346 : f32 to vector<16xf32>
      %add3A_348 = arith.addf %convert_element_type3A_89, %add3A_347 : vector<16xf32>
      %sub3A_349 = arith.constant 4.000000e+00 : f32
      %sub3A_350 = vector.broadcast %sub3A_349 : f32 to vector<16xf32>
      %sub3A_351 = arith.subf %sub3A_350, %add3A_348 : vector<16xf32>
      %mul3A_352 = arith.mulf %sub3A_351, %sub3A_351 : vector<16xf32>
      %add3A_353 = arith.addf %gather3A_327, %mul3A_352 : vector<16xf32>
      %min3A_354 = arith.minimumf %min3A_306, %add3A_353 : vector<16xf32>
      %add3A_355 = arith.constant 4.800000e+01 : f32
      %add3A_356 = vector.broadcast %add3A_355 : f32 to vector<16xf32>
      %add3A_357 = arith.addf %convert_element_type3A_89, %add3A_356 : vector<16xf32>
      %sub3A_358 = arith.constant 4.000000e+00 : f32
      %sub3A_359 = vector.broadcast %sub3A_358 : f32 to vector<16xf32>
      %sub3A_360 = arith.subf %sub3A_359, %add3A_357 : vector<16xf32>
      %mul3A_361 = arith.mulf %sub3A_360, %sub3A_360 : vector<16xf32>
      %add3A_362 = arith.addf %gather3A_327, %mul3A_361 : vector<16xf32>
      %min3A_363 = arith.minimumf %min3A_315, %add3A_362 : vector<16xf32>
      %broadcast_in_dim3A_364 = arith.constant 5 : i32
      %broadcast_in_dim3A_365 = vector.broadcast %broadcast_in_dim3A_364 : i32 to vector<16xi32>
      %lt3A_366 = arith.constant 0 : i32
      %lt3A_367 = vector.broadcast %lt3A_366 : i32 to vector<16xi32>
      %lt3A_368 = arith.cmpi slt, %broadcast_in_dim3A_365, %lt3A_367 : vector<16xi32>
      %add3A_369 = arith.constant 16 : i32
      %add3A_370 = vector.broadcast %add3A_369 : i32 to vector<16xi32>
      %add3A_371 = arith.addi %broadcast_in_dim3A_365, %add3A_370 : vector<16xi32>
      %select_n3A_372 = arith.select %lt3A_368, %add3A_371, %broadcast_in_dim3A_365 : vector<16xi1>, vector<16xi32>
      %broadcast_in_dim3A_373 = vector.shape_cast %select_n3A_372 : vector<16xi32> to vector<16x1xi32>
      %gather3A_374 = vector.shape_cast %broadcast_in_dim3A_373 : vector<16x1xi32> to vector<16xi32>
      %gather3A_375 = tpu.dynamic_gather %get3A_105[%gather3A_374] in [0] : vector<16xf32>, vector<16xi32> -> vector<16xf32>
      %add3A_376 = arith.constant 0.000000e+00 : f32
      %add3A_377 = vector.broadcast %add3A_376 : f32 to vector<16xf32>
      %add3A_378 = arith.addf %convert_element_type3A_89, %add3A_377 : vector<16xf32>
      %sub3A_379 = arith.constant 5.000000e+00 : f32
      %sub3A_380 = vector.broadcast %sub3A_379 : f32 to vector<16xf32>
      %sub3A_381 = arith.subf %sub3A_380, %add3A_378 : vector<16xf32>
      %mul3A_382 = arith.mulf %sub3A_381, %sub3A_381 : vector<16xf32>
      %add3A_383 = arith.addf %gather3A_375, %mul3A_382 : vector<16xf32>
      %min3A_384 = arith.minimumf %min3A_336, %add3A_383 : vector<16xf32>
      %add3A_385 = arith.constant 1.600000e+01 : f32
      %add3A_386 = vector.broadcast %add3A_385 : f32 to vector<16xf32>
      %add3A_387 = arith.addf %convert_element_type3A_89, %add3A_386 : vector<16xf32>
      %sub3A_388 = arith.constant 5.000000e+00 : f32
      %sub3A_389 = vector.broadcast %sub3A_388 : f32 to vector<16xf32>
      %sub3A_390 = arith.subf %sub3A_389, %add3A_387 : vector<16xf32>
      %mul3A_391 = arith.mulf %sub3A_390, %sub3A_390 : vector<16xf32>
      %add3A_392 = arith.addf %gather3A_375, %mul3A_391 : vector<16xf32>
      %min3A_393 = arith.minimumf %min3A_345, %add3A_392 : vector<16xf32>
      %add3A_394 = arith.constant 3.200000e+01 : f32
      %add3A_395 = vector.broadcast %add3A_394 : f32 to vector<16xf32>
      %add3A_396 = arith.addf %convert_element_type3A_89, %add3A_395 : vector<16xf32>
      %sub3A_397 = arith.constant 5.000000e+00 : f32
      %sub3A_398 = vector.broadcast %sub3A_397 : f32 to vector<16xf32>
      %sub3A_399 = arith.subf %sub3A_398, %add3A_396 : vector<16xf32>
      %mul3A_400 = arith.mulf %sub3A_399, %sub3A_399 : vector<16xf32>
      %add3A_401 = arith.addf %gather3A_375, %mul3A_400 : vector<16xf32>
      %min3A_402 = arith.minimumf %min3A_354, %add3A_401 : vector<16xf32>
      %add3A_403 = arith.constant 4.800000e+01 : f32
      %add3A_404 = vector.broadcast %add3A_403 : f32 to vector<16xf32>
      %add3A_405 = arith.addf %convert_element_type3A_89, %add3A_404 : vector<16xf32>
      %sub3A_406 = arith.constant 5.000000e+00 : f32
      %sub3A_407 = vector.broadcast %sub3A_406 : f32 to vector<16xf32>
      %sub3A_408 = arith.subf %sub3A_407, %add3A_405 : vector<16xf32>
      %mul3A_409 = arith.mulf %sub3A_408, %sub3A_408 : vector<16xf32>
      %add3A_410 = arith.addf %gather3A_375, %mul3A_409 : vector<16xf32>
      %min3A_411 = arith.minimumf %min3A_363, %add3A_410 : vector<16xf32>
      %broadcast_in_dim3A_412 = arith.constant 6 : i32
      %broadcast_in_dim3A_413 = vector.broadcast %broadcast_in_dim3A_412 : i32 to vector<16xi32>
      %lt3A_414 = arith.constant 0 : i32
      %lt3A_415 = vector.broadcast %lt3A_414 : i32 to vector<16xi32>
      %lt3A_416 = arith.cmpi slt, %broadcast_in_dim3A_413, %lt3A_415 : vector<16xi32>
      %add3A_417 = arith.constant 16 : i32
      %add3A_418 = vector.broadcast %add3A_417 : i32 to vector<16xi32>
      %add3A_419 = arith.addi %broadcast_in_dim3A_413, %add3A_418 : vector<16xi32>
      %select_n3A_420 = arith.select %lt3A_416, %add3A_419, %broadcast_in_dim3A_413 : vector<16xi1>, vector<16xi32>
      %broadcast_in_dim3A_421 = vector.shape_cast %select_n3A_420 : vector<16xi32> to vector<16x1xi32>
      %gather3A_422 = vector.shape_cast %broadcast_in_dim3A_421 : vector<16x1xi32> to vector<16xi32>
      %gather3A_423 = tpu.dynamic_gather %get3A_105[%gather3A_422] in [0] : vector<16xf32>, vector<16xi32> -> vector<16xf32>
      %add3A_424 = arith.constant 0.000000e+00 : f32
      %add3A_425 = vector.broadcast %add3A_424 : f32 to vector<16xf32>
      %add3A_426 = arith.addf %convert_element_type3A_89, %add3A_425 : vector<16xf32>
      %sub3A_427 = arith.constant 6.000000e+00 : f32
      %sub3A_428 = vector.broadcast %sub3A_427 : f32 to vector<16xf32>
      %sub3A_429 = arith.subf %sub3A_428, %add3A_426 : vector<16xf32>
      %mul3A_430 = arith.mulf %sub3A_429, %sub3A_429 : vector<16xf32>
      %add3A_431 = arith.addf %gather3A_423, %mul3A_430 : vector<16xf32>
      %min3A_432 = arith.minimumf %min3A_384, %add3A_431 : vector<16xf32>
      %add3A_433 = arith.constant 1.600000e+01 : f32
      %add3A_434 = vector.broadcast %add3A_433 : f32 to vector<16xf32>
      %add3A_435 = arith.addf %convert_element_type3A_89, %add3A_434 : vector<16xf32>
      %sub3A_436 = arith.constant 6.000000e+00 : f32
      %sub3A_437 = vector.broadcast %sub3A_436 : f32 to vector<16xf32>
      %sub3A_438 = arith.subf %sub3A_437, %add3A_435 : vector<16xf32>
      %mul3A_439 = arith.mulf %sub3A_438, %sub3A_438 : vector<16xf32>
      %add3A_440 = arith.addf %gather3A_423, %mul3A_439 : vector<16xf32>
      %min3A_441 = arith.minimumf %min3A_393, %add3A_440 : vector<16xf32>
      %add3A_442 = arith.constant 3.200000e+01 : f32
      %add3A_443 = vector.broadcast %add3A_442 : f32 to vector<16xf32>
      %add3A_444 = arith.addf %convert_element_type3A_89, %add3A_443 : vector<16xf32>
      %sub3A_445 = arith.constant 6.000000e+00 : f32
      %sub3A_446 = vector.broadcast %sub3A_445 : f32 to vector<16xf32>
      %sub3A_447 = arith.subf %sub3A_446, %add3A_444 : vector<16xf32>
      %mul3A_448 = arith.mulf %sub3A_447, %sub3A_447 : vector<16xf32>
      %add3A_449 = arith.addf %gather3A_423, %mul3A_448 : vector<16xf32>
      %min3A_450 = arith.minimumf %min3A_402, %add3A_449 : vector<16xf32>
      %add3A_451 = arith.constant 4.800000e+01 : f32
      %add3A_452 = vector.broadcast %add3A_451 : f32 to vector<16xf32>
      %add3A_453 = arith.addf %convert_element_type3A_89, %add3A_452 : vector<16xf32>
      %sub3A_454 = arith.constant 6.000000e+00 : f32
      %sub3A_455 = vector.broadcast %sub3A_454 : f32 to vector<16xf32>
      %sub3A_456 = arith.subf %sub3A_455, %add3A_453 : vector<16xf32>
      %mul3A_457 = arith.mulf %sub3A_456, %sub3A_456 : vector<16xf32>
      %add3A_458 = arith.addf %gather3A_423, %mul3A_457 : vector<16xf32>
      %min3A_459 = arith.minimumf %min3A_411, %add3A_458 : vector<16xf32>
      %broadcast_in_dim3A_460 = arith.constant 7 : i32
      %broadcast_in_dim3A_461 = vector.broadcast %broadcast_in_dim3A_460 : i32 to vector<16xi32>
      %lt3A_462 = arith.constant 0 : i32
      %lt3A_463 = vector.broadcast %lt3A_462 : i32 to vector<16xi32>
      %lt3A_464 = arith.cmpi slt, %broadcast_in_dim3A_461, %lt3A_463 : vector<16xi32>
      %add3A_465 = arith.constant 16 : i32
      %add3A_466 = vector.broadcast %add3A_465 : i32 to vector<16xi32>
      %add3A_467 = arith.addi %broadcast_in_dim3A_461, %add3A_466 : vector<16xi32>
      %select_n3A_468 = arith.select %lt3A_464, %add3A_467, %broadcast_in_dim3A_461 : vector<16xi1>, vector<16xi32>
      %broadcast_in_dim3A_469 = vector.shape_cast %select_n3A_468 : vector<16xi32> to vector<16x1xi32>
      %gather3A_470 = vector.shape_cast %broadcast_in_dim3A_469 : vector<16x1xi32> to vector<16xi32>
      %gather3A_471 = tpu.dynamic_gather %get3A_105[%gather3A_470] in [0] : vector<16xf32>, vector<16xi32> -> vector<16xf32>
      %add3A_472 = arith.constant 0.000000e+00 : f32
      %add3A_473 = vector.broadcast %add3A_472 : f32 to vector<16xf32>
      %add3A_474 = arith.addf %convert_element_type3A_89, %add3A_473 : vector<16xf32>
      %sub3A_475 = arith.constant 7.000000e+00 : f32
      %sub3A_476 = vector.broadcast %sub3A_475 : f32 to vector<16xf32>
      %sub3A_477 = arith.subf %sub3A_476, %add3A_474 : vector<16xf32>
      %mul3A_478 = arith.mulf %sub3A_477, %sub3A_477 : vector<16xf32>
      %add3A_479 = arith.addf %gather3A_471, %mul3A_478 : vector<16xf32>
      %min3A_480 = arith.minimumf %min3A_432, %add3A_479 : vector<16xf32>
      %add3A_481 = arith.constant 1.600000e+01 : f32
      %add3A_482 = vector.broadcast %add3A_481 : f32 to vector<16xf32>
      %add3A_483 = arith.addf %convert_element_type3A_89, %add3A_482 : vector<16xf32>
      %sub3A_484 = arith.constant 7.000000e+00 : f32
      %sub3A_485 = vector.broadcast %sub3A_484 : f32 to vector<16xf32>
      %sub3A_486 = arith.subf %sub3A_485, %add3A_483 : vector<16xf32>
      %mul3A_487 = arith.mulf %sub3A_486, %sub3A_486 : vector<16xf32>
      %add3A_488 = arith.addf %gather3A_471, %mul3A_487 : vector<16xf32>
      %min3A_489 = arith.minimumf %min3A_441, %add3A_488 : vector<16xf32>
      %add3A_490 = arith.constant 3.200000e+01 : f32
      %add3A_491 = vector.broadcast %add3A_490 : f32 to vector<16xf32>
      %add3A_492 = arith.addf %convert_element_type3A_89, %add3A_491 : vector<16xf32>
      %sub3A_493 = arith.constant 7.000000e+00 : f32
      %sub3A_494 = vector.broadcast %sub3A_493 : f32 to vector<16xf32>
      %sub3A_495 = arith.subf %sub3A_494, %add3A_492 : vector<16xf32>
      %mul3A_496 = arith.mulf %sub3A_495, %sub3A_495 : vector<16xf32>
      %add3A_497 = arith.addf %gather3A_471, %mul3A_496 : vector<16xf32>
      %min3A_498 = arith.minimumf %min3A_450, %add3A_497 : vector<16xf32>
      %add3A_499 = arith.constant 4.800000e+01 : f32
      %add3A_500 = vector.broadcast %add3A_499 : f32 to vector<16xf32>
      %add3A_501 = arith.addf %convert_element_type3A_89, %add3A_500 : vector<16xf32>
      %sub3A_502 = arith.constant 7.000000e+00 : f32
      %sub3A_503 = vector.broadcast %sub3A_502 : f32 to vector<16xf32>
      %sub3A_504 = arith.subf %sub3A_503, %add3A_501 : vector<16xf32>
      %mul3A_505 = arith.mulf %sub3A_504, %sub3A_504 : vector<16xf32>
      %add3A_506 = arith.addf %gather3A_471, %mul3A_505 : vector<16xf32>
      %min3A_507 = arith.minimumf %min3A_459, %add3A_506 : vector<16xf32>
      %broadcast_in_dim3A_508 = arith.constant 8 : i32
      %broadcast_in_dim3A_509 = vector.broadcast %broadcast_in_dim3A_508 : i32 to vector<16xi32>
      %lt3A_510 = arith.constant 0 : i32
      %lt3A_511 = vector.broadcast %lt3A_510 : i32 to vector<16xi32>
      %lt3A_512 = arith.cmpi slt, %broadcast_in_dim3A_509, %lt3A_511 : vector<16xi32>
      %add3A_513 = arith.constant 16 : i32
      %add3A_514 = vector.broadcast %add3A_513 : i32 to vector<16xi32>
      %add3A_515 = arith.addi %broadcast_in_dim3A_509, %add3A_514 : vector<16xi32>
      %select_n3A_516 = arith.select %lt3A_512, %add3A_515, %broadcast_in_dim3A_509 : vector<16xi1>, vector<16xi32>
      %broadcast_in_dim3A_517 = vector.shape_cast %select_n3A_516 : vector<16xi32> to vector<16x1xi32>
      %gather3A_518 = vector.shape_cast %broadcast_in_dim3A_517 : vector<16x1xi32> to vector<16xi32>
      %gather3A_519 = tpu.dynamic_gather %get3A_105[%gather3A_518] in [0] : vector<16xf32>, vector<16xi32> -> vector<16xf32>
      %add3A_520 = arith.constant 0.000000e+00 : f32
      %add3A_521 = vector.broadcast %add3A_520 : f32 to vector<16xf32>
      %add3A_522 = arith.addf %convert_element_type3A_89, %add3A_521 : vector<16xf32>
      %sub3A_523 = arith.constant 8.000000e+00 : f32
      %sub3A_524 = vector.broadcast %sub3A_523 : f32 to vector<16xf32>
      %sub3A_525 = arith.subf %sub3A_524, %add3A_522 : vector<16xf32>
      %mul3A_526 = arith.mulf %sub3A_525, %sub3A_525 : vector<16xf32>
      %add3A_527 = arith.addf %gather3A_519, %mul3A_526 : vector<16xf32>
      %min3A_528 = arith.minimumf %min3A_480, %add3A_527 : vector<16xf32>
      %add3A_529 = arith.constant 1.600000e+01 : f32
      %add3A_530 = vector.broadcast %add3A_529 : f32 to vector<16xf32>
      %add3A_531 = arith.addf %convert_element_type3A_89, %add3A_530 : vector<16xf32>
      %sub3A_532 = arith.constant 8.000000e+00 : f32
      %sub3A_533 = vector.broadcast %sub3A_532 : f32 to vector<16xf32>
      %sub3A_534 = arith.subf %sub3A_533, %add3A_531 : vector<16xf32>
      %mul3A_535 = arith.mulf %sub3A_534, %sub3A_534 : vector<16xf32>
      %add3A_536 = arith.addf %gather3A_519, %mul3A_535 : vector<16xf32>
      %min3A_537 = arith.minimumf %min3A_489, %add3A_536 : vector<16xf32>
      %add3A_538 = arith.constant 3.200000e+01 : f32
      %add3A_539 = vector.broadcast %add3A_538 : f32 to vector<16xf32>
      %add3A_540 = arith.addf %convert_element_type3A_89, %add3A_539 : vector<16xf32>
      %sub3A_541 = arith.constant 8.000000e+00 : f32
      %sub3A_542 = vector.broadcast %sub3A_541 : f32 to vector<16xf32>
      %sub3A_543 = arith.subf %sub3A_542, %add3A_540 : vector<16xf32>
      %mul3A_544 = arith.mulf %sub3A_543, %sub3A_543 : vector<16xf32>
      %add3A_545 = arith.addf %gather3A_519, %mul3A_544 : vector<16xf32>
      %min3A_546 = arith.minimumf %min3A_498, %add3A_545 : vector<16xf32>
      %add3A_547 = arith.constant 4.800000e+01 : f32
      %add3A_548 = vector.broadcast %add3A_547 : f32 to vector<16xf32>
      %add3A_549 = arith.addf %convert_element_type3A_89, %add3A_548 : vector<16xf32>
      %sub3A_550 = arith.constant 8.000000e+00 : f32
      %sub3A_551 = vector.broadcast %sub3A_550 : f32 to vector<16xf32>
      %sub3A_552 = arith.subf %sub3A_551, %add3A_549 : vector<16xf32>
      %mul3A_553 = arith.mulf %sub3A_552, %sub3A_552 : vector<16xf32>
      %add3A_554 = arith.addf %gather3A_519, %mul3A_553 : vector<16xf32>
      %min3A_555 = arith.minimumf %min3A_507, %add3A_554 : vector<16xf32>
      %broadcast_in_dim3A_556 = arith.constant 9 : i32
      %broadcast_in_dim3A_557 = vector.broadcast %broadcast_in_dim3A_556 : i32 to vector<16xi32>
      %lt3A_558 = arith.constant 0 : i32
      %lt3A_559 = vector.broadcast %lt3A_558 : i32 to vector<16xi32>
      %lt3A_560 = arith.cmpi slt, %broadcast_in_dim3A_557, %lt3A_559 : vector<16xi32>
      %add3A_561 = arith.constant 16 : i32
      %add3A_562 = vector.broadcast %add3A_561 : i32 to vector<16xi32>
      %add3A_563 = arith.addi %broadcast_in_dim3A_557, %add3A_562 : vector<16xi32>
      %select_n3A_564 = arith.select %lt3A_560, %add3A_563, %broadcast_in_dim3A_557 : vector<16xi1>, vector<16xi32>
      %broadcast_in_dim3A_565 = vector.shape_cast %select_n3A_564 : vector<16xi32> to vector<16x1xi32>
      %gather3A_566 = vector.shape_cast %broadcast_in_dim3A_565 : vector<16x1xi32> to vector<16xi32>
      %gather3A_567 = tpu.dynamic_gather %get3A_105[%gather3A_566] in [0] : vector<16xf32>, vector<16xi32> -> vector<16xf32>
      %add3A_568 = arith.constant 0.000000e+00 : f32
      %add3A_569 = vector.broadcast %add3A_568 : f32 to vector<16xf32>
      %add3A_570 = arith.addf %convert_element_type3A_89, %add3A_569 : vector<16xf32>
      %sub3A_571 = arith.constant 9.000000e+00 : f32
      %sub3A_572 = vector.broadcast %sub3A_571 : f32 to vector<16xf32>
      %sub3A_573 = arith.subf %sub3A_572, %add3A_570 : vector<16xf32>
      %mul3A_574 = arith.mulf %sub3A_573, %sub3A_573 : vector<16xf32>
      %add3A_575 = arith.addf %gather3A_567, %mul3A_574 : vector<16xf32>
      %min3A_576 = arith.minimumf %min3A_528, %add3A_575 : vector<16xf32>
      %add3A_577 = arith.constant 1.600000e+01 : f32
      %add3A_578 = vector.broadcast %add3A_577 : f32 to vector<16xf32>
      %add3A_579 = arith.addf %convert_element_type3A_89, %add3A_578 : vector<16xf32>
      %sub3A_580 = arith.constant 9.000000e+00 : f32
      %sub3A_581 = vector.broadcast %sub3A_580 : f32 to vector<16xf32>
      %sub3A_582 = arith.subf %sub3A_581, %add3A_579 : vector<16xf32>
      %mul3A_583 = arith.mulf %sub3A_582, %sub3A_582 : vector<16xf32>
      %add3A_584 = arith.addf %gather3A_567, %mul3A_583 : vector<16xf32>
      %min3A_585 = arith.minimumf %min3A_537, %add3A_584 : vector<16xf32>
      %add3A_586 = arith.constant 3.200000e+01 : f32
      %add3A_587 = vector.broadcast %add3A_586 : f32 to vector<16xf32>
      %add3A_588 = arith.addf %convert_element_type3A_89, %add3A_587 : vector<16xf32>
      %sub3A_589 = arith.constant 9.000000e+00 : f32
      %sub3A_590 = vector.broadcast %sub3A_589 : f32 to vector<16xf32>
      %sub3A_591 = arith.subf %sub3A_590, %add3A_588 : vector<16xf32>
      %mul3A_592 = arith.mulf %sub3A_591, %sub3A_591 : vector<16xf32>
      %add3A_593 = arith.addf %gather3A_567, %mul3A_592 : vector<16xf32>
      %min3A_594 = arith.minimumf %min3A_546, %add3A_593 : vector<16xf32>
      %add3A_595 = arith.constant 4.800000e+01 : f32
      %add3A_596 = vector.broadcast %add3A_595 : f32 to vector<16xf32>
      %add3A_597 = arith.addf %convert_element_type3A_89, %add3A_596 : vector<16xf32>
      %sub3A_598 = arith.constant 9.000000e+00 : f32
      %sub3A_599 = vector.broadcast %sub3A_598 : f32 to vector<16xf32>
      %sub3A_600 = arith.subf %sub3A_599, %add3A_597 : vector<16xf32>
      %mul3A_601 = arith.mulf %sub3A_600, %sub3A_600 : vector<16xf32>
      %add3A_602 = arith.addf %gather3A_567, %mul3A_601 : vector<16xf32>
      %min3A_603 = arith.minimumf %min3A_555, %add3A_602 : vector<16xf32>
      %broadcast_in_dim3A_604 = arith.constant 10 : i32
      %broadcast_in_dim3A_605 = vector.broadcast %broadcast_in_dim3A_604 : i32 to vector<16xi32>
      %lt3A_606 = arith.constant 0 : i32
      %lt3A_607 = vector.broadcast %lt3A_606 : i32 to vector<16xi32>
      %lt3A_608 = arith.cmpi slt, %broadcast_in_dim3A_605, %lt3A_607 : vector<16xi32>
      %add3A_609 = arith.constant 16 : i32
      %add3A_610 = vector.broadcast %add3A_609 : i32 to vector<16xi32>
      %add3A_611 = arith.addi %broadcast_in_dim3A_605, %add3A_610 : vector<16xi32>
      %select_n3A_612 = arith.select %lt3A_608, %add3A_611, %broadcast_in_dim3A_605 : vector<16xi1>, vector<16xi32>
      %broadcast_in_dim3A_613 = vector.shape_cast %select_n3A_612 : vector<16xi32> to vector<16x1xi32>
      %gather3A_614 = vector.shape_cast %broadcast_in_dim3A_613 : vector<16x1xi32> to vector<16xi32>
      %gather3A_615 = tpu.dynamic_gather %get3A_105[%gather3A_614] in [0] : vector<16xf32>, vector<16xi32> -> vector<16xf32>
      %add3A_616 = arith.constant 0.000000e+00 : f32
      %add3A_617 = vector.broadcast %add3A_616 : f32 to vector<16xf32>
      %add3A_618 = arith.addf %convert_element_type3A_89, %add3A_617 : vector<16xf32>
      %sub3A_619 = arith.constant 1.000000e+01 : f32
      %sub3A_620 = vector.broadcast %sub3A_619 : f32 to vector<16xf32>
      %sub3A_621 = arith.subf %sub3A_620, %add3A_618 : vector<16xf32>
      %mul3A_622 = arith.mulf %sub3A_621, %sub3A_621 : vector<16xf32>
      %add3A_623 = arith.addf %gather3A_615, %mul3A_622 : vector<16xf32>
      %min3A_624 = arith.minimumf %min3A_576, %add3A_623 : vector<16xf32>
      %add3A_625 = arith.constant 1.600000e+01 : f32
      %add3A_626 = vector.broadcast %add3A_625 : f32 to vector<16xf32>
      %add3A_627 = arith.addf %convert_element_type3A_89, %add3A_626 : vector<16xf32>
      %sub3A_628 = arith.constant 1.000000e+01 : f32
      %sub3A_629 = vector.broadcast %sub3A_628 : f32 to vector<16xf32>
      %sub3A_630 = arith.subf %sub3A_629, %add3A_627 : vector<16xf32>
      %mul3A_631 = arith.mulf %sub3A_630, %sub3A_630 : vector<16xf32>
      %add3A_632 = arith.addf %gather3A_615, %mul3A_631 : vector<16xf32>
      %min3A_633 = arith.minimumf %min3A_585, %add3A_632 : vector<16xf32>
      %add3A_634 = arith.constant 3.200000e+01 : f32
      %add3A_635 = vector.broadcast %add3A_634 : f32 to vector<16xf32>
      %add3A_636 = arith.addf %convert_element_type3A_89, %add3A_635 : vector<16xf32>
      %sub3A_637 = arith.constant 1.000000e+01 : f32
      %sub3A_638 = vector.broadcast %sub3A_637 : f32 to vector<16xf32>
      %sub3A_639 = arith.subf %sub3A_638, %add3A_636 : vector<16xf32>
      %mul3A_640 = arith.mulf %sub3A_639, %sub3A_639 : vector<16xf32>
      %add3A_641 = arith.addf %gather3A_615, %mul3A_640 : vector<16xf32>
      %min3A_642 = arith.minimumf %min3A_594, %add3A_641 : vector<16xf32>
      %add3A_643 = arith.constant 4.800000e+01 : f32
      %add3A_644 = vector.broadcast %add3A_643 : f32 to vector<16xf32>
      %add3A_645 = arith.addf %convert_element_type3A_89, %add3A_644 : vector<16xf32>
      %sub3A_646 = arith.constant 1.000000e+01 : f32
      %sub3A_647 = vector.broadcast %sub3A_646 : f32 to vector<16xf32>
      %sub3A_648 = arith.subf %sub3A_647, %add3A_645 : vector<16xf32>
      %mul3A_649 = arith.mulf %sub3A_648, %sub3A_648 : vector<16xf32>
      %add3A_650 = arith.addf %gather3A_615, %mul3A_649 : vector<16xf32>
      %min3A_651 = arith.minimumf %min3A_603, %add3A_650 : vector<16xf32>
      %broadcast_in_dim3A_652 = arith.constant 11 : i32
      %broadcast_in_dim3A_653 = vector.broadcast %broadcast_in_dim3A_652 : i32 to vector<16xi32>
      %lt3A_654 = arith.constant 0 : i32
      %lt3A_655 = vector.broadcast %lt3A_654 : i32 to vector<16xi32>
      %lt3A_656 = arith.cmpi slt, %broadcast_in_dim3A_653, %lt3A_655 : vector<16xi32>
      %add3A_657 = arith.constant 16 : i32
      %add3A_658 = vector.broadcast %add3A_657 : i32 to vector<16xi32>
      %add3A_659 = arith.addi %broadcast_in_dim3A_653, %add3A_658 : vector<16xi32>
      %select_n3A_660 = arith.select %lt3A_656, %add3A_659, %broadcast_in_dim3A_653 : vector<16xi1>, vector<16xi32>
      %broadcast_in_dim3A_661 = vector.shape_cast %select_n3A_660 : vector<16xi32> to vector<16x1xi32>
      %gather3A_662 = vector.shape_cast %broadcast_in_dim3A_661 : vector<16x1xi32> to vector<16xi32>
      %gather3A_663 = tpu.dynamic_gather %get3A_105[%gather3A_662] in [0] : vector<16xf32>, vector<16xi32> -> vector<16xf32>
      %add3A_664 = arith.constant 0.000000e+00 : f32
      %add3A_665 = vector.broadcast %add3A_664 : f32 to vector<16xf32>
      %add3A_666 = arith.addf %convert_element_type3A_89, %add3A_665 : vector<16xf32>
      %sub3A_667 = arith.constant 1.100000e+01 : f32
      %sub3A_668 = vector.broadcast %sub3A_667 : f32 to vector<16xf32>
      %sub3A_669 = arith.subf %sub3A_668, %add3A_666 : vector<16xf32>
      %mul3A_670 = arith.mulf %sub3A_669, %sub3A_669 : vector<16xf32>
      %add3A_671 = arith.addf %gather3A_663, %mul3A_670 : vector<16xf32>
      %min3A_672 = arith.minimumf %min3A_624, %add3A_671 : vector<16xf32>
      %add3A_673 = arith.constant 1.600000e+01 : f32
      %add3A_674 = vector.broadcast %add3A_673 : f32 to vector<16xf32>
      %add3A_675 = arith.addf %convert_element_type3A_89, %add3A_674 : vector<16xf32>
      %sub3A_676 = arith.constant 1.100000e+01 : f32
      %sub3A_677 = vector.broadcast %sub3A_676 : f32 to vector<16xf32>
      %sub3A_678 = arith.subf %sub3A_677, %add3A_675 : vector<16xf32>
      %mul3A_679 = arith.mulf %sub3A_678, %sub3A_678 : vector<16xf32>
      %add3A_680 = arith.addf %gather3A_663, %mul3A_679 : vector<16xf32>
      %min3A_681 = arith.minimumf %min3A_633, %add3A_680 : vector<16xf32>
      %add3A_682 = arith.constant 3.200000e+01 : f32
      %add3A_683 = vector.broadcast %add3A_682 : f32 to vector<16xf32>
      %add3A_684 = arith.addf %convert_element_type3A_89, %add3A_683 : vector<16xf32>
      %sub3A_685 = arith.constant 1.100000e+01 : f32
      %sub3A_686 = vector.broadcast %sub3A_685 : f32 to vector<16xf32>
      %sub3A_687 = arith.subf %sub3A_686, %add3A_684 : vector<16xf32>
      %mul3A_688 = arith.mulf %sub3A_687, %sub3A_687 : vector<16xf32>
      %add3A_689 = arith.addf %gather3A_663, %mul3A_688 : vector<16xf32>
      %min3A_690 = arith.minimumf %min3A_642, %add3A_689 : vector<16xf32>
      %add3A_691 = arith.constant 4.800000e+01 : f32
      %add3A_692 = vector.broadcast %add3A_691 : f32 to vector<16xf32>
      %add3A_693 = arith.addf %convert_element_type3A_89, %add3A_692 : vector<16xf32>
      %sub3A_694 = arith.constant 1.100000e+01 : f32
      %sub3A_695 = vector.broadcast %sub3A_694 : f32 to vector<16xf32>
      %sub3A_696 = arith.subf %sub3A_695, %add3A_693 : vector<16xf32>
      %mul3A_697 = arith.mulf %sub3A_696, %sub3A_696 : vector<16xf32>
      %add3A_698 = arith.addf %gather3A_663, %mul3A_697 : vector<16xf32>
      %min3A_699 = arith.minimumf %min3A_651, %add3A_698 : vector<16xf32>
      %broadcast_in_dim3A_700 = arith.constant 12 : i32
      %broadcast_in_dim3A_701 = vector.broadcast %broadcast_in_dim3A_700 : i32 to vector<16xi32>
      %lt3A_702 = arith.constant 0 : i32
      %lt3A_703 = vector.broadcast %lt3A_702 : i32 to vector<16xi32>
      %lt3A_704 = arith.cmpi slt, %broadcast_in_dim3A_701, %lt3A_703 : vector<16xi32>
      %add3A_705 = arith.constant 16 : i32
      %add3A_706 = vector.broadcast %add3A_705 : i32 to vector<16xi32>
      %add3A_707 = arith.addi %broadcast_in_dim3A_701, %add3A_706 : vector<16xi32>
      %select_n3A_708 = arith.select %lt3A_704, %add3A_707, %broadcast_in_dim3A_701 : vector<16xi1>, vector<16xi32>
      %broadcast_in_dim3A_709 = vector.shape_cast %select_n3A_708 : vector<16xi32> to vector<16x1xi32>
      %gather3A_710 = vector.shape_cast %broadcast_in_dim3A_709 : vector<16x1xi32> to vector<16xi32>
      %gather3A_711 = tpu.dynamic_gather %get3A_105[%gather3A_710] in [0] : vector<16xf32>, vector<16xi32> -> vector<16xf32>
      %add3A_712 = arith.constant 0.000000e+00 : f32
      %add3A_713 = vector.broadcast %add3A_712 : f32 to vector<16xf32>
      %add3A_714 = arith.addf %convert_element_type3A_89, %add3A_713 : vector<16xf32>
      %sub3A_715 = arith.constant 1.200000e+01 : f32
      %sub3A_716 = vector.broadcast %sub3A_715 : f32 to vector<16xf32>
      %sub3A_717 = arith.subf %sub3A_716, %add3A_714 : vector<16xf32>
      %mul3A_718 = arith.mulf %sub3A_717, %sub3A_717 : vector<16xf32>
      %add3A_719 = arith.addf %gather3A_711, %mul3A_718 : vector<16xf32>
      %min3A_720 = arith.minimumf %min3A_672, %add3A_719 : vector<16xf32>
      %add3A_721 = arith.constant 1.600000e+01 : f32
      %add3A_722 = vector.broadcast %add3A_721 : f32 to vector<16xf32>
      %add3A_723 = arith.addf %convert_element_type3A_89, %add3A_722 : vector<16xf32>
      %sub3A_724 = arith.constant 1.200000e+01 : f32
      %sub3A_725 = vector.broadcast %sub3A_724 : f32 to vector<16xf32>
      %sub3A_726 = arith.subf %sub3A_725, %add3A_723 : vector<16xf32>
      %mul3A_727 = arith.mulf %sub3A_726, %sub3A_726 : vector<16xf32>
      %add3A_728 = arith.addf %gather3A_711, %mul3A_727 : vector<16xf32>
      %min3A_729 = arith.minimumf %min3A_681, %add3A_728 : vector<16xf32>
      %add3A_730 = arith.constant 3.200000e+01 : f32
      %add3A_731 = vector.broadcast %add3A_730 : f32 to vector<16xf32>
      %add3A_732 = arith.addf %convert_element_type3A_89, %add3A_731 : vector<16xf32>
      %sub3A_733 = arith.constant 1.200000e+01 : f32
      %sub3A_734 = vector.broadcast %sub3A_733 : f32 to vector<16xf32>
      %sub3A_735 = arith.subf %sub3A_734, %add3A_732 : vector<16xf32>
      %mul3A_736 = arith.mulf %sub3A_735, %sub3A_735 : vector<16xf32>
      %add3A_737 = arith.addf %gather3A_711, %mul3A_736 : vector<16xf32>
      %min3A_738 = arith.minimumf %min3A_690, %add3A_737 : vector<16xf32>
      %add3A_739 = arith.constant 4.800000e+01 : f32
      %add3A_740 = vector.broadcast %add3A_739 : f32 to vector<16xf32>
      %add3A_741 = arith.addf %convert_element_type3A_89, %add3A_740 : vector<16xf32>
      %sub3A_742 = arith.constant 1.200000e+01 : f32
      %sub3A_743 = vector.broadcast %sub3A_742 : f32 to vector<16xf32>
      %sub3A_744 = arith.subf %sub3A_743, %add3A_741 : vector<16xf32>
      %mul3A_745 = arith.mulf %sub3A_744, %sub3A_744 : vector<16xf32>
      %add3A_746 = arith.addf %gather3A_711, %mul3A_745 : vector<16xf32>
      %min3A_747 = arith.minimumf %min3A_699, %add3A_746 : vector<16xf32>
      %broadcast_in_dim3A_748 = arith.constant 13 : i32
      %broadcast_in_dim3A_749 = vector.broadcast %broadcast_in_dim3A_748 : i32 to vector<16xi32>
      %lt3A_750 = arith.constant 0 : i32
      %lt3A_751 = vector.broadcast %lt3A_750 : i32 to vector<16xi32>
      %lt3A_752 = arith.cmpi slt, %broadcast_in_dim3A_749, %lt3A_751 : vector<16xi32>
      %add3A_753 = arith.constant 16 : i32
      %add3A_754 = vector.broadcast %add3A_753 : i32 to vector<16xi32>
      %add3A_755 = arith.addi %broadcast_in_dim3A_749, %add3A_754 : vector<16xi32>
      %select_n3A_756 = arith.select %lt3A_752, %add3A_755, %broadcast_in_dim3A_749 : vector<16xi1>, vector<16xi32>
      %broadcast_in_dim3A_757 = vector.shape_cast %select_n3A_756 : vector<16xi32> to vector<16x1xi32>
      %gather3A_758 = vector.shape_cast %broadcast_in_dim3A_757 : vector<16x1xi32> to vector<16xi32>
      %gather3A_759 = tpu.dynamic_gather %get3A_105[%gather3A_758] in [0] : vector<16xf32>, vector<16xi32> -> vector<16xf32>
      %add3A_760 = arith.constant 0.000000e+00 : f32
      %add3A_761 = vector.broadcast %add3A_760 : f32 to vector<16xf32>
      %add3A_762 = arith.addf %convert_element_type3A_89, %add3A_761 : vector<16xf32>
      %sub3A_763 = arith.constant 1.300000e+01 : f32
      %sub3A_764 = vector.broadcast %sub3A_763 : f32 to vector<16xf32>
      %sub3A_765 = arith.subf %sub3A_764, %add3A_762 : vector<16xf32>
      %mul3A_766 = arith.mulf %sub3A_765, %sub3A_765 : vector<16xf32>
      %add3A_767 = arith.addf %gather3A_759, %mul3A_766 : vector<16xf32>
      %min3A_768 = arith.minimumf %min3A_720, %add3A_767 : vector<16xf32>
      %add3A_769 = arith.constant 1.600000e+01 : f32
      %add3A_770 = vector.broadcast %add3A_769 : f32 to vector<16xf32>
      %add3A_771 = arith.addf %convert_element_type3A_89, %add3A_770 : vector<16xf32>
      %sub3A_772 = arith.constant 1.300000e+01 : f32
      %sub3A_773 = vector.broadcast %sub3A_772 : f32 to vector<16xf32>
      %sub3A_774 = arith.subf %sub3A_773, %add3A_771 : vector<16xf32>
      %mul3A_775 = arith.mulf %sub3A_774, %sub3A_774 : vector<16xf32>
      %add3A_776 = arith.addf %gather3A_759, %mul3A_775 : vector<16xf32>
      %min3A_777 = arith.minimumf %min3A_729, %add3A_776 : vector<16xf32>
      %add3A_778 = arith.constant 3.200000e+01 : f32
      %add3A_779 = vector.broadcast %add3A_778 : f32 to vector<16xf32>
      %add3A_780 = arith.addf %convert_element_type3A_89, %add3A_779 : vector<16xf32>
      %sub3A_781 = arith.constant 1.300000e+01 : f32
      %sub3A_782 = vector.broadcast %sub3A_781 : f32 to vector<16xf32>
      %sub3A_783 = arith.subf %sub3A_782, %add3A_780 : vector<16xf32>
      %mul3A_784 = arith.mulf %sub3A_783, %sub3A_783 : vector<16xf32>
      %add3A_785 = arith.addf %gather3A_759, %mul3A_784 : vector<16xf32>
      %min3A_786 = arith.minimumf %min3A_738, %add3A_785 : vector<16xf32>
      %add3A_787 = arith.constant 4.800000e+01 : f32
      %add3A_788 = vector.broadcast %add3A_787 : f32 to vector<16xf32>
      %add3A_789 = arith.addf %convert_element_type3A_89, %add3A_788 : vector<16xf32>
      %sub3A_790 = arith.constant 1.300000e+01 : f32
      %sub3A_791 = vector.broadcast %sub3A_790 : f32 to vector<16xf32>
      %sub3A_792 = arith.subf %sub3A_791, %add3A_789 : vector<16xf32>
      %mul3A_793 = arith.mulf %sub3A_792, %sub3A_792 : vector<16xf32>
      %add3A_794 = arith.addf %gather3A_759, %mul3A_793 : vector<16xf32>
      %min3A_795 = arith.minimumf %min3A_747, %add3A_794 : vector<16xf32>
      %broadcast_in_dim3A_796 = arith.constant 14 : i32
      %broadcast_in_dim3A_797 = vector.broadcast %broadcast_in_dim3A_796 : i32 to vector<16xi32>
      %lt3A_798 = arith.constant 0 : i32
      %lt3A_799 = vector.broadcast %lt3A_798 : i32 to vector<16xi32>
      %lt3A_800 = arith.cmpi slt, %broadcast_in_dim3A_797, %lt3A_799 : vector<16xi32>
      %add3A_801 = arith.constant 16 : i32
      %add3A_802 = vector.broadcast %add3A_801 : i32 to vector<16xi32>
      %add3A_803 = arith.addi %broadcast_in_dim3A_797, %add3A_802 : vector<16xi32>
      %select_n3A_804 = arith.select %lt3A_800, %add3A_803, %broadcast_in_dim3A_797 : vector<16xi1>, vector<16xi32>
      %broadcast_in_dim3A_805 = vector.shape_cast %select_n3A_804 : vector<16xi32> to vector<16x1xi32>
      %gather3A_806 = vector.shape_cast %broadcast_in_dim3A_805 : vector<16x1xi32> to vector<16xi32>
      %gather3A_807 = tpu.dynamic_gather %get3A_105[%gather3A_806] in [0] : vector<16xf32>, vector<16xi32> -> vector<16xf32>
      %add3A_808 = arith.constant 0.000000e+00 : f32
      %add3A_809 = vector.broadcast %add3A_808 : f32 to vector<16xf32>
      %add3A_810 = arith.addf %convert_element_type3A_89, %add3A_809 : vector<16xf32>
      %sub3A_811 = arith.constant 1.400000e+01 : f32
      %sub3A_812 = vector.broadcast %sub3A_811 : f32 to vector<16xf32>
      %sub3A_813 = arith.subf %sub3A_812, %add3A_810 : vector<16xf32>
      %mul3A_814 = arith.mulf %sub3A_813, %sub3A_813 : vector<16xf32>
      %add3A_815 = arith.addf %gather3A_807, %mul3A_814 : vector<16xf32>
      %min3A_816 = arith.minimumf %min3A_768, %add3A_815 : vector<16xf32>
      %add3A_817 = arith.constant 1.600000e+01 : f32
      %add3A_818 = vector.broadcast %add3A_817 : f32 to vector<16xf32>
      %add3A_819 = arith.addf %convert_element_type3A_89, %add3A_818 : vector<16xf32>
      %sub3A_820 = arith.constant 1.400000e+01 : f32
      %sub3A_821 = vector.broadcast %sub3A_820 : f32 to vector<16xf32>
      %sub3A_822 = arith.subf %sub3A_821, %add3A_819 : vector<16xf32>
      %mul3A_823 = arith.mulf %sub3A_822, %sub3A_822 : vector<16xf32>
      %add3A_824 = arith.addf %gather3A_807, %mul3A_823 : vector<16xf32>
      %min3A_825 = arith.minimumf %min3A_777, %add3A_824 : vector<16xf32>
      %add3A_826 = arith.constant 3.200000e+01 : f32
      %add3A_827 = vector.broadcast %add3A_826 : f32 to vector<16xf32>
      %add3A_828 = arith.addf %convert_element_type3A_89, %add3A_827 : vector<16xf32>
      %sub3A_829 = arith.constant 1.400000e+01 : f32
      %sub3A_830 = vector.broadcast %sub3A_829 : f32 to vector<16xf32>
      %sub3A_831 = arith.subf %sub3A_830, %add3A_828 : vector<16xf32>
      %mul3A_832 = arith.mulf %sub3A_831, %sub3A_831 : vector<16xf32>
      %add3A_833 = arith.addf %gather3A_807, %mul3A_832 : vector<16xf32>
      %min3A_834 = arith.minimumf %min3A_786, %add3A_833 : vector<16xf32>
      %add3A_835 = arith.constant 4.800000e+01 : f32
      %add3A_836 = vector.broadcast %add3A_835 : f32 to vector<16xf32>
      %add3A_837 = arith.addf %convert_element_type3A_89, %add3A_836 : vector<16xf32>
      %sub3A_838 = arith.constant 1.400000e+01 : f32
      %sub3A_839 = vector.broadcast %sub3A_838 : f32 to vector<16xf32>
      %sub3A_840 = arith.subf %sub3A_839, %add3A_837 : vector<16xf32>
      %mul3A_841 = arith.mulf %sub3A_840, %sub3A_840 : vector<16xf32>
      %add3A_842 = arith.addf %gather3A_807, %mul3A_841 : vector<16xf32>
      %min3A_843 = arith.minimumf %min3A_795, %add3A_842 : vector<16xf32>
      %broadcast_in_dim3A_844 = arith.constant 15 : i32
      %broadcast_in_dim3A_845 = vector.broadcast %broadcast_in_dim3A_844 : i32 to vector<16xi32>
      %lt3A_846 = arith.constant 0 : i32
      %lt3A_847 = vector.broadcast %lt3A_846 : i32 to vector<16xi32>
      %lt3A_848 = arith.cmpi slt, %broadcast_in_dim3A_845, %lt3A_847 : vector<16xi32>
      %add3A_849 = arith.constant 16 : i32
      %add3A_850 = vector.broadcast %add3A_849 : i32 to vector<16xi32>
      %add3A_851 = arith.addi %broadcast_in_dim3A_845, %add3A_850 : vector<16xi32>
      %select_n3A_852 = arith.select %lt3A_848, %add3A_851, %broadcast_in_dim3A_845 : vector<16xi1>, vector<16xi32>
      %broadcast_in_dim3A_853 = vector.shape_cast %select_n3A_852 : vector<16xi32> to vector<16x1xi32>
      %gather3A_854 = vector.shape_cast %broadcast_in_dim3A_853 : vector<16x1xi32> to vector<16xi32>
      %gather3A_855 = tpu.dynamic_gather %get3A_105[%gather3A_854] in [0] : vector<16xf32>, vector<16xi32> -> vector<16xf32>
      %add3A_856 = arith.constant 0.000000e+00 : f32
      %add3A_857 = vector.broadcast %add3A_856 : f32 to vector<16xf32>
      %add3A_858 = arith.addf %convert_element_type3A_89, %add3A_857 : vector<16xf32>
      %sub3A_859 = arith.constant 1.500000e+01 : f32
      %sub3A_860 = vector.broadcast %sub3A_859 : f32 to vector<16xf32>
      %sub3A_861 = arith.subf %sub3A_860, %add3A_858 : vector<16xf32>
      %mul3A_862 = arith.mulf %sub3A_861, %sub3A_861 : vector<16xf32>
      %add3A_863 = arith.addf %gather3A_855, %mul3A_862 : vector<16xf32>
      %min3A_864 = arith.minimumf %min3A_816, %add3A_863 : vector<16xf32>
      %add3A_865 = arith.constant 1.600000e+01 : f32
      %add3A_866 = vector.broadcast %add3A_865 : f32 to vector<16xf32>
      %add3A_867 = arith.addf %convert_element_type3A_89, %add3A_866 : vector<16xf32>
      %sub3A_868 = arith.constant 1.500000e+01 : f32
      %sub3A_869 = vector.broadcast %sub3A_868 : f32 to vector<16xf32>
      %sub3A_870 = arith.subf %sub3A_869, %add3A_867 : vector<16xf32>
      %mul3A_871 = arith.mulf %sub3A_870, %sub3A_870 : vector<16xf32>
      %add3A_872 = arith.addf %gather3A_855, %mul3A_871 : vector<16xf32>
      %min3A_873 = arith.minimumf %min3A_825, %add3A_872 : vector<16xf32>
      %add3A_874 = arith.constant 3.200000e+01 : f32
      %add3A_875 = vector.broadcast %add3A_874 : f32 to vector<16xf32>
      %add3A_876 = arith.addf %convert_element_type3A_89, %add3A_875 : vector<16xf32>
      %sub3A_877 = arith.constant 1.500000e+01 : f32
      %sub3A_878 = vector.broadcast %sub3A_877 : f32 to vector<16xf32>
      %sub3A_879 = arith.subf %sub3A_878, %add3A_876 : vector<16xf32>
      %mul3A_880 = arith.mulf %sub3A_879, %sub3A_879 : vector<16xf32>
      %add3A_881 = arith.addf %gather3A_855, %mul3A_880 : vector<16xf32>
      %min3A_882 = arith.minimumf %min3A_834, %add3A_881 : vector<16xf32>
      %add3A_883 = arith.constant 4.800000e+01 : f32
      %add3A_884 = vector.broadcast %add3A_883 : f32 to vector<16xf32>
      %add3A_885 = arith.addf %convert_element_type3A_89, %add3A_884 : vector<16xf32>
      %sub3A_886 = arith.constant 1.500000e+01 : f32
      %sub3A_887 = vector.broadcast %sub3A_886 : f32 to vector<16xf32>
      %sub3A_888 = arith.subf %sub3A_887, %add3A_885 : vector<16xf32>
      %mul3A_889 = arith.mulf %sub3A_888, %sub3A_888 : vector<16xf32>
      %add3A_890 = arith.addf %gather3A_855, %mul3A_889 : vector<16xf32>
      %min3A_891 = arith.minimumf %min3A_843, %add3A_890 : vector<16xf32>
      %broadcast_in_dim3A_892 = arith.constant 0 : i32
      %broadcast_in_dim3A_893 = vector.broadcast %broadcast_in_dim3A_892 : i32 to vector<16xi32>
      %lt3A_894 = arith.constant 0 : i32
      %lt3A_895 = vector.broadcast %lt3A_894 : i32 to vector<16xi32>
      %lt3A_896 = arith.cmpi slt, %broadcast_in_dim3A_893, %lt3A_895 : vector<16xi32>
      %add3A_897 = arith.constant 16 : i32
      %add3A_898 = vector.broadcast %add3A_897 : i32 to vector<16xi32>
      %add3A_899 = arith.addi %broadcast_in_dim3A_893, %add3A_898 : vector<16xi32>
      %select_n3A_900 = arith.select %lt3A_896, %add3A_899, %broadcast_in_dim3A_893 : vector<16xi1>, vector<16xi32>
      %broadcast_in_dim3A_901 = vector.shape_cast %select_n3A_900 : vector<16xi32> to vector<16x1xi32>
      %gather3A_902 = vector.shape_cast %broadcast_in_dim3A_901 : vector<16x1xi32> to vector<16xi32>
      %gather3A_903 = tpu.dynamic_gather %get3A_109[%gather3A_902] in [0] : vector<16xf32>, vector<16xi32> -> vector<16xf32>
      %add3A_904 = arith.constant 0.000000e+00 : f32
      %add3A_905 = vector.broadcast %add3A_904 : f32 to vector<16xf32>
      %add3A_906 = arith.addf %convert_element_type3A_89, %add3A_905 : vector<16xf32>
      %sub3A_907 = arith.constant 1.600000e+01 : f32
      %sub3A_908 = vector.broadcast %sub3A_907 : f32 to vector<16xf32>
      %sub3A_909 = arith.subf %sub3A_908, %add3A_906 : vector<16xf32>
      %mul3A_910 = arith.mulf %sub3A_909, %sub3A_909 : vector<16xf32>
      %add3A_911 = arith.addf %gather3A_903, %mul3A_910 : vector<16xf32>
      %min3A_912 = arith.minimumf %min3A_864, %add3A_911 : vector<16xf32>
      %add3A_913 = arith.constant 1.600000e+01 : f32
      %add3A_914 = vector.broadcast %add3A_913 : f32 to vector<16xf32>
      %add3A_915 = arith.addf %convert_element_type3A_89, %add3A_914 : vector<16xf32>
      %sub3A_916 = arith.constant 1.600000e+01 : f32
      %sub3A_917 = vector.broadcast %sub3A_916 : f32 to vector<16xf32>
      %sub3A_918 = arith.subf %sub3A_917, %add3A_915 : vector<16xf32>
      %mul3A_919 = arith.mulf %sub3A_918, %sub3A_918 : vector<16xf32>
      %add3A_920 = arith.addf %gather3A_903, %mul3A_919 : vector<16xf32>
      %min3A_921 = arith.minimumf %min3A_873, %add3A_920 : vector<16xf32>
      %add3A_922 = arith.constant 3.200000e+01 : f32
      %add3A_923 = vector.broadcast %add3A_922 : f32 to vector<16xf32>
      %add3A_924 = arith.addf %convert_element_type3A_89, %add3A_923 : vector<16xf32>
      %sub3A_925 = arith.constant 1.600000e+01 : f32
      %sub3A_926 = vector.broadcast %sub3A_925 : f32 to vector<16xf32>
      %sub3A_927 = arith.subf %sub3A_926, %add3A_924 : vector<16xf32>
      %mul3A_928 = arith.mulf %sub3A_927, %sub3A_927 : vector<16xf32>
      %add3A_929 = arith.addf %gather3A_903, %mul3A_928 : vector<16xf32>
      %min3A_930 = arith.minimumf %min3A_882, %add3A_929 : vector<16xf32>
      %add3A_931 = arith.constant 4.800000e+01 : f32
      %add3A_932 = vector.broadcast %add3A_931 : f32 to vector<16xf32>
      %add3A_933 = arith.addf %convert_element_type3A_89, %add3A_932 : vector<16xf32>
      %sub3A_934 = arith.constant 1.600000e+01 : f32
      %sub3A_935 = vector.broadcast %sub3A_934 : f32 to vector<16xf32>
      %sub3A_936 = arith.subf %sub3A_935, %add3A_933 : vector<16xf32>
      %mul3A_937 = arith.mulf %sub3A_936, %sub3A_936 : vector<16xf32>
      %add3A_938 = arith.addf %gather3A_903, %mul3A_937 : vector<16xf32>
      %min3A_939 = arith.minimumf %min3A_891, %add3A_938 : vector<16xf32>
      %broadcast_in_dim3A_940 = arith.constant 1 : i32
      %broadcast_in_dim3A_941 = vector.broadcast %broadcast_in_dim3A_940 : i32 to vector<16xi32>
      %lt3A_942 = arith.constant 0 : i32
      %lt3A_943 = vector.broadcast %lt3A_942 : i32 to vector<16xi32>
      %lt3A_944 = arith.cmpi slt, %broadcast_in_dim3A_941, %lt3A_943 : vector<16xi32>
      %add3A_945 = arith.constant 16 : i32
      %add3A_946 = vector.broadcast %add3A_945 : i32 to vector<16xi32>
      %add3A_947 = arith.addi %broadcast_in_dim3A_941, %add3A_946 : vector<16xi32>
      %select_n3A_948 = arith.select %lt3A_944, %add3A_947, %broadcast_in_dim3A_941 : vector<16xi1>, vector<16xi32>
      %broadcast_in_dim3A_949 = vector.shape_cast %select_n3A_948 : vector<16xi32> to vector<16x1xi32>
      %gather3A_950 = vector.shape_cast %broadcast_in_dim3A_949 : vector<16x1xi32> to vector<16xi32>
      %gather3A_951 = tpu.dynamic_gather %get3A_109[%gather3A_950] in [0] : vector<16xf32>, vector<16xi32> -> vector<16xf32>
      %add3A_952 = arith.constant 0.000000e+00 : f32
      %add3A_953 = vector.broadcast %add3A_952 : f32 to vector<16xf32>
      %add3A_954 = arith.addf %convert_element_type3A_89, %add3A_953 : vector<16xf32>
      %sub3A_955 = arith.constant 1.700000e+01 : f32
      %sub3A_956 = vector.broadcast %sub3A_955 : f32 to vector<16xf32>
      %sub3A_957 = arith.subf %sub3A_956, %add3A_954 : vector<16xf32>
      %mul3A_958 = arith.mulf %sub3A_957, %sub3A_957 : vector<16xf32>
      %add3A_959 = arith.addf %gather3A_951, %mul3A_958 : vector<16xf32>
      %min3A_960 = arith.minimumf %min3A_912, %add3A_959 : vector<16xf32>
      %add3A_961 = arith.constant 1.600000e+01 : f32
      %add3A_962 = vector.broadcast %add3A_961 : f32 to vector<16xf32>
      %add3A_963 = arith.addf %convert_element_type3A_89, %add3A_962 : vector<16xf32>
      %sub3A_964 = arith.constant 1.700000e+01 : f32
      %sub3A_965 = vector.broadcast %sub3A_964 : f32 to vector<16xf32>
      %sub3A_966 = arith.subf %sub3A_965, %add3A_963 : vector<16xf32>
      %mul3A_967 = arith.mulf %sub3A_966, %sub3A_966 : vector<16xf32>
      %add3A_968 = arith.addf %gather3A_951, %mul3A_967 : vector<16xf32>
      %min3A_969 = arith.minimumf %min3A_921, %add3A_968 : vector<16xf32>
      %add3A_970 = arith.constant 3.200000e+01 : f32
      %add3A_971 = vector.broadcast %add3A_970 : f32 to vector<16xf32>
      %add3A_972 = arith.addf %convert_element_type3A_89, %add3A_971 : vector<16xf32>
      %sub3A_973 = arith.constant 1.700000e+01 : f32
      %sub3A_974 = vector.broadcast %sub3A_973 : f32 to vector<16xf32>
      %sub3A_975 = arith.subf %sub3A_974, %add3A_972 : vector<16xf32>
      %mul3A_976 = arith.mulf %sub3A_975, %sub3A_975 : vector<16xf32>
      %add3A_977 = arith.addf %gather3A_951, %mul3A_976 : vector<16xf32>
      %min3A_978 = arith.minimumf %min3A_930, %add3A_977 : vector<16xf32>
      %add3A_979 = arith.constant 4.800000e+01 : f32
      %add3A_980 = vector.broadcast %add3A_979 : f32 to vector<16xf32>
      %add3A_981 = arith.addf %convert_element_type3A_89, %add3A_980 : vector<16xf32>
      %sub3A_982 = arith.constant 1.700000e+01 : f32
      %sub3A_983 = vector.broadcast %sub3A_982 : f32 to vector<16xf32>
      %sub3A_984 = arith.subf %sub3A_983, %add3A_981 : vector<16xf32>
      %mul3A_985 = arith.mulf %sub3A_984, %sub3A_984 : vector<16xf32>
      %add3A_986 = arith.addf %gather3A_951, %mul3A_985 : vector<16xf32>
      %min3A_987 = arith.minimumf %min3A_939, %add3A_986 : vector<16xf32>
      %broadcast_in_dim3A_988 = arith.constant 2 : i32
      %broadcast_in_dim3A_989 = vector.broadcast %broadcast_in_dim3A_988 : i32 to vector<16xi32>
      %lt3A_990 = arith.constant 0 : i32
      %lt3A_991 = vector.broadcast %lt3A_990 : i32 to vector<16xi32>
      %lt3A_992 = arith.cmpi slt, %broadcast_in_dim3A_989, %lt3A_991 : vector<16xi32>
      %add3A_993 = arith.constant 16 : i32
      %add3A_994 = vector.broadcast %add3A_993 : i32 to vector<16xi32>
      %add3A_995 = arith.addi %broadcast_in_dim3A_989, %add3A_994 : vector<16xi32>
      %select_n3A_996 = arith.select %lt3A_992, %add3A_995, %broadcast_in_dim3A_989 : vector<16xi1>, vector<16xi32>
      %broadcast_in_dim3A_997 = vector.shape_cast %select_n3A_996 : vector<16xi32> to vector<16x1xi32>
      %gather3A_998 = vector.shape_cast %broadcast_in_dim3A_997 : vector<16x1xi32> to vector<16xi32>
      %gather3A_999 = tpu.dynamic_gather %get3A_109[%gather3A_998] in [0] : vector<16xf32>, vector<16xi32> -> vector<16xf32>
      %add3A_1000 = arith.constant 0.000000e+00 : f32
      %add3A_1001 = vector.broadcast %add3A_1000 : f32 to vector<16xf32>
      %add3A_1002 = arith.addf %convert_element_type3A_89, %add3A_1001 : vector<16xf32>
      %sub3A_1003 = arith.constant 1.800000e+01 : f32
      %sub3A_1004 = vector.broadcast %sub3A_1003 : f32 to vector<16xf32>
      %sub3A_1005 = arith.subf %sub3A_1004, %add3A_1002 : vector<16xf32>
      %mul3A_1006 = arith.mulf %sub3A_1005, %sub3A_1005 : vector<16xf32>
      %add3A_1007 = arith.addf %gather3A_999, %mul3A_1006 : vector<16xf32>
      %min3A_1008 = arith.minimumf %min3A_960, %add3A_1007 : vector<16xf32>
      %add3A_1009 = arith.constant 1.600000e+01 : f32
      %add3A_1010 = vector.broadcast %add3A_1009 : f32 to vector<16xf32>
      %add3A_1011 = arith.addf %convert_element_type3A_89, %add3A_1010 : vector<16xf32>
      %sub3A_1012 = arith.constant 1.800000e+01 : f32
      %sub3A_1013 = vector.broadcast %sub3A_1012 : f32 to vector<16xf32>
      %sub3A_1014 = arith.subf %sub3A_1013, %add3A_1011 : vector<16xf32>
      %mul3A_1015 = arith.mulf %sub3A_1014, %sub3A_1014 : vector<16xf32>
      %add3A_1016 = arith.addf %gather3A_999, %mul3A_1015 : vector<16xf32>
      %min3A_1017 = arith.minimumf %min3A_969, %add3A_1016 : vector<16xf32>
      %add3A_1018 = arith.constant 3.200000e+01 : f32
      %add3A_1019 = vector.broadcast %add3A_1018 : f32 to vector<16xf32>
      %add3A_1020 = arith.addf %convert_element_type3A_89, %add3A_1019 : vector<16xf32>
      %sub3A_1021 = arith.constant 1.800000e+01 : f32
      %sub3A_1022 = vector.broadcast %sub3A_1021 : f32 to vector<16xf32>
      %sub3A_1023 = arith.subf %sub3A_1022, %add3A_1020 : vector<16xf32>
      %mul3A_1024 = arith.mulf %sub3A_1023, %sub3A_1023 : vector<16xf32>
      %add3A_1025 = arith.addf %gather3A_999, %mul3A_1024 : vector<16xf32>
      %min3A_1026 = arith.minimumf %min3A_978, %add3A_1025 : vector<16xf32>
      %add3A_1027 = arith.constant 4.800000e+01 : f32
      %add3A_1028 = vector.broadcast %add3A_1027 : f32 to vector<16xf32>
      %add3A_1029 = arith.addf %convert_element_type3A_89, %add3A_1028 : vector<16xf32>
      %sub3A_1030 = arith.constant 1.800000e+01 : f32
      %sub3A_1031 = vector.broadcast %sub3A_1030 : f32 to vector<16xf32>
      %sub3A_1032 = arith.subf %sub3A_1031, %add3A_1029 : vector<16xf32>
      %mul3A_1033 = arith.mulf %sub3A_1032, %sub3A_1032 : vector<16xf32>
      %add3A_1034 = arith.addf %gather3A_999, %mul3A_1033 : vector<16xf32>
      %min3A_1035 = arith.minimumf %min3A_987, %add3A_1034 : vector<16xf32>
      %broadcast_in_dim3A_1036 = arith.constant 3 : i32
      %broadcast_in_dim3A_1037 = vector.broadcast %broadcast_in_dim3A_1036 : i32 to vector<16xi32>
      %lt3A_1038 = arith.constant 0 : i32
      %lt3A_1039 = vector.broadcast %lt3A_1038 : i32 to vector<16xi32>
      %lt3A_1040 = arith.cmpi slt, %broadcast_in_dim3A_1037, %lt3A_1039 : vector<16xi32>
      %add3A_1041 = arith.constant 16 : i32
      %add3A_1042 = vector.broadcast %add3A_1041 : i32 to vector<16xi32>
      %add3A_1043 = arith.addi %broadcast_in_dim3A_1037, %add3A_1042 : vector<16xi32>
      %select_n3A_1044 = arith.select %lt3A_1040, %add3A_1043, %broadcast_in_dim3A_1037 : vector<16xi1>, vector<16xi32>
      %broadcast_in_dim3A_1045 = vector.shape_cast %select_n3A_1044 : vector<16xi32> to vector<16x1xi32>
      %gather3A_1046 = vector.shape_cast %broadcast_in_dim3A_1045 : vector<16x1xi32> to vector<16xi32>
      %gather3A_1047 = tpu.dynamic_gather %get3A_109[%gather3A_1046] in [0] : vector<16xf32>, vector<16xi32> -> vector<16xf32>
      %add3A_1048 = arith.constant 0.000000e+00 : f32
      %add3A_1049 = vector.broadcast %add3A_1048 : f32 to vector<16xf32>
      %add3A_1050 = arith.addf %convert_element_type3A_89, %add3A_1049 : vector<16xf32>
      %sub3A_1051 = arith.constant 1.900000e+01 : f32
      %sub3A_1052 = vector.broadcast %sub3A_1051 : f32 to vector<16xf32>
      %sub3A_1053 = arith.subf %sub3A_1052, %add3A_1050 : vector<16xf32>
      %mul3A_1054 = arith.mulf %sub3A_1053, %sub3A_1053 : vector<16xf32>
      %add3A_1055 = arith.addf %gather3A_1047, %mul3A_1054 : vector<16xf32>
      %min3A_1056 = arith.minimumf %min3A_1008, %add3A_1055 : vector<16xf32>
      %add3A_1057 = arith.constant 1.600000e+01 : f32
      %add3A_1058 = vector.broadcast %add3A_1057 : f32 to vector<16xf32>
      %add3A_1059 = arith.addf %convert_element_type3A_89, %add3A_1058 : vector<16xf32>
      %sub3A_1060 = arith.constant 1.900000e+01 : f32
      %sub3A_1061 = vector.broadcast %sub3A_1060 : f32 to vector<16xf32>
      %sub3A_1062 = arith.subf %sub3A_1061, %add3A_1059 : vector<16xf32>
      %mul3A_1063 = arith.mulf %sub3A_1062, %sub3A_1062 : vector<16xf32>
      %add3A_1064 = arith.addf %gather3A_1047, %mul3A_1063 : vector<16xf32>
      %min3A_1065 = arith.minimumf %min3A_1017, %add3A_1064 : vector<16xf32>
      %add3A_1066 = arith.constant 3.200000e+01 : f32
      %add3A_1067 = vector.broadcast %add3A_1066 : f32 to vector<16xf32>
      %add3A_1068 = arith.addf %convert_element_type3A_89, %add3A_1067 : vector<16xf32>
      %sub3A_1069 = arith.constant 1.900000e+01 : f32
      %sub3A_1070 = vector.broadcast %sub3A_1069 : f32 to vector<16xf32>
      %sub3A_1071 = arith.subf %sub3A_1070, %add3A_1068 : vector<16xf32>
      %mul3A_1072 = arith.mulf %sub3A_1071, %sub3A_1071 : vector<16xf32>
      %add3A_1073 = arith.addf %gather3A_1047, %mul3A_1072 : vector<16xf32>
      %min3A_1074 = arith.minimumf %min3A_1026, %add3A_1073 : vector<16xf32>
      %add3A_1075 = arith.constant 4.800000e+01 : f32
      %add3A_1076 = vector.broadcast %add3A_1075 : f32 to vector<16xf32>
      %add3A_1077 = arith.addf %convert_element_type3A_89, %add3A_1076 : vector<16xf32>
      %sub3A_1078 = arith.constant 1.900000e+01 : f32
      %sub3A_1079 = vector.broadcast %sub3A_1078 : f32 to vector<16xf32>
      %sub3A_1080 = arith.subf %sub3A_1079, %add3A_1077 : vector<16xf32>
      %mul3A_1081 = arith.mulf %sub3A_1080, %sub3A_1080 : vector<16xf32>
      %add3A_1082 = arith.addf %gather3A_1047, %mul3A_1081 : vector<16xf32>
      %min3A_1083 = arith.minimumf %min3A_1035, %add3A_1082 : vector<16xf32>
      %broadcast_in_dim3A_1084 = arith.constant 4 : i32
      %broadcast_in_dim3A_1085 = vector.broadcast %broadcast_in_dim3A_1084 : i32 to vector<16xi32>
      %lt3A_1086 = arith.constant 0 : i32
      %lt3A_1087 = vector.broadcast %lt3A_1086 : i32 to vector<16xi32>
      %lt3A_1088 = arith.cmpi slt, %broadcast_in_dim3A_1085, %lt3A_1087 : vector<16xi32>
      %add3A_1089 = arith.constant 16 : i32
      %add3A_1090 = vector.broadcast %add3A_1089 : i32 to vector<16xi32>
      %add3A_1091 = arith.addi %broadcast_in_dim3A_1085, %add3A_1090 : vector<16xi32>
      %select_n3A_1092 = arith.select %lt3A_1088, %add3A_1091, %broadcast_in_dim3A_1085 : vector<16xi1>, vector<16xi32>
      %broadcast_in_dim3A_1093 = vector.shape_cast %select_n3A_1092 : vector<16xi32> to vector<16x1xi32>
      %gather3A_1094 = vector.shape_cast %broadcast_in_dim3A_1093 : vector<16x1xi32> to vector<16xi32>
      %gather3A_1095 = tpu.dynamic_gather %get3A_109[%gather3A_1094] in [0] : vector<16xf32>, vector<16xi32> -> vector<16xf32>
      %add3A_1096 = arith.constant 0.000000e+00 : f32
      %add3A_1097 = vector.broadcast %add3A_1096 : f32 to vector<16xf32>
      %add3A_1098 = arith.addf %convert_element_type3A_89, %add3A_1097 : vector<16xf32>
      %sub3A_1099 = arith.constant 2.000000e+01 : f32
      %sub3A_1100 = vector.broadcast %sub3A_1099 : f32 to vector<16xf32>
      %sub3A_1101 = arith.subf %sub3A_1100, %add3A_1098 : vector<16xf32>
      %mul3A_1102 = arith.mulf %sub3A_1101, %sub3A_1101 : vector<16xf32>
      %add3A_1103 = arith.addf %gather3A_1095, %mul3A_1102 : vector<16xf32>
      %min3A_1104 = arith.minimumf %min3A_1056, %add3A_1103 : vector<16xf32>
      %add3A_1105 = arith.constant 1.600000e+01 : f32
      %add3A_1106 = vector.broadcast %add3A_1105 : f32 to vector<16xf32>
      %add3A_1107 = arith.addf %convert_element_type3A_89, %add3A_1106 : vector<16xf32>
      %sub3A_1108 = arith.constant 2.000000e+01 : f32
      %sub3A_1109 = vector.broadcast %sub3A_1108 : f32 to vector<16xf32>
      %sub3A_1110 = arith.subf %sub3A_1109, %add3A_1107 : vector<16xf32>
      %mul3A_1111 = arith.mulf %sub3A_1110, %sub3A_1110 : vector<16xf32>
      %add3A_1112 = arith.addf %gather3A_1095, %mul3A_1111 : vector<16xf32>
      %min3A_1113 = arith.minimumf %min3A_1065, %add3A_1112 : vector<16xf32>
      %add3A_1114 = arith.constant 3.200000e+01 : f32
      %add3A_1115 = vector.broadcast %add3A_1114 : f32 to vector<16xf32>
      %add3A_1116 = arith.addf %convert_element_type3A_89, %add3A_1115 : vector<16xf32>
      %sub3A_1117 = arith.constant 2.000000e+01 : f32
      %sub3A_1118 = vector.broadcast %sub3A_1117 : f32 to vector<16xf32>
      %sub3A_1119 = arith.subf %sub3A_1118, %add3A_1116 : vector<16xf32>
      %mul3A_1120 = arith.mulf %sub3A_1119, %sub3A_1119 : vector<16xf32>
      %add3A_1121 = arith.addf %gather3A_1095, %mul3A_1120 : vector<16xf32>
      %min3A_1122 = arith.minimumf %min3A_1074, %add3A_1121 : vector<16xf32>
      %add3A_1123 = arith.constant 4.800000e+01 : f32
      %add3A_1124 = vector.broadcast %add3A_1123 : f32 to vector<16xf32>
      %add3A_1125 = arith.addf %convert_element_type3A_89, %add3A_1124 : vector<16xf32>
      %sub3A_1126 = arith.constant 2.000000e+01 : f32
      %sub3A_1127 = vector.broadcast %sub3A_1126 : f32 to vector<16xf32>
      %sub3A_1128 = arith.subf %sub3A_1127, %add3A_1125 : vector<16xf32>
      %mul3A_1129 = arith.mulf %sub3A_1128, %sub3A_1128 : vector<16xf32>
      %add3A_1130 = arith.addf %gather3A_1095, %mul3A_1129 : vector<16xf32>
      %min3A_1131 = arith.minimumf %min3A_1083, %add3A_1130 : vector<16xf32>
      %broadcast_in_dim3A_1132 = arith.constant 5 : i32
      %broadcast_in_dim3A_1133 = vector.broadcast %broadcast_in_dim3A_1132 : i32 to vector<16xi32>
      %lt3A_1134 = arith.constant 0 : i32
      %lt3A_1135 = vector.broadcast %lt3A_1134 : i32 to vector<16xi32>
      %lt3A_1136 = arith.cmpi slt, %broadcast_in_dim3A_1133, %lt3A_1135 : vector<16xi32>
      %add3A_1137 = arith.constant 16 : i32
      %add3A_1138 = vector.broadcast %add3A_1137 : i32 to vector<16xi32>
      %add3A_1139 = arith.addi %broadcast_in_dim3A_1133, %add3A_1138 : vector<16xi32>
      %select_n3A_1140 = arith.select %lt3A_1136, %add3A_1139, %broadcast_in_dim3A_1133 : vector<16xi1>, vector<16xi32>
      %broadcast_in_dim3A_1141 = vector.shape_cast %select_n3A_1140 : vector<16xi32> to vector<16x1xi32>
      %gather3A_1142 = vector.shape_cast %broadcast_in_dim3A_1141 : vector<16x1xi32> to vector<16xi32>
      %gather3A_1143 = tpu.dynamic_gather %get3A_109[%gather3A_1142] in [0] : vector<16xf32>, vector<16xi32> -> vector<16xf32>
      %add3A_1144 = arith.constant 0.000000e+00 : f32
      %add3A_1145 = vector.broadcast %add3A_1144 : f32 to vector<16xf32>
      %add3A_1146 = arith.addf %convert_element_type3A_89, %add3A_1145 : vector<16xf32>
      %sub3A_1147 = arith.constant 2.100000e+01 : f32
      %sub3A_1148 = vector.broadcast %sub3A_1147 : f32 to vector<16xf32>
      %sub3A_1149 = arith.subf %sub3A_1148, %add3A_1146 : vector<16xf32>
      %mul3A_1150 = arith.mulf %sub3A_1149, %sub3A_1149 : vector<16xf32>
      %add3A_1151 = arith.addf %gather3A_1143, %mul3A_1150 : vector<16xf32>
      %min3A_1152 = arith.minimumf %min3A_1104, %add3A_1151 : vector<16xf32>
      %add3A_1153 = arith.constant 1.600000e+01 : f32
      %add3A_1154 = vector.broadcast %add3A_1153 : f32 to vector<16xf32>
      %add3A_1155 = arith.addf %convert_element_type3A_89, %add3A_1154 : vector<16xf32>
      %sub3A_1156 = arith.constant 2.100000e+01 : f32
      %sub3A_1157 = vector.broadcast %sub3A_1156 : f32 to vector<16xf32>
      %sub3A_1158 = arith.subf %sub3A_1157, %add3A_1155 : vector<16xf32>
      %mul3A_1159 = arith.mulf %sub3A_1158, %sub3A_1158 : vector<16xf32>
      %add3A_1160 = arith.addf %gather3A_1143, %mul3A_1159 : vector<16xf32>
      %min3A_1161 = arith.minimumf %min3A_1113, %add3A_1160 : vector<16xf32>
      %add3A_1162 = arith.constant 3.200000e+01 : f32
      %add3A_1163 = vector.broadcast %add3A_1162 : f32 to vector<16xf32>
      %add3A_1164 = arith.addf %convert_element_type3A_89, %add3A_1163 : vector<16xf32>
      %sub3A_1165 = arith.constant 2.100000e+01 : f32
      %sub3A_1166 = vector.broadcast %sub3A_1165 : f32 to vector<16xf32>
      %sub3A_1167 = arith.subf %sub3A_1166, %add3A_1164 : vector<16xf32>
      %mul3A_1168 = arith.mulf %sub3A_1167, %sub3A_1167 : vector<16xf32>
      %add3A_1169 = arith.addf %gather3A_1143, %mul3A_1168 : vector<16xf32>
      %min3A_1170 = arith.minimumf %min3A_1122, %add3A_1169 : vector<16xf32>
      %add3A_1171 = arith.constant 4.800000e+01 : f32
      %add3A_1172 = vector.broadcast %add3A_1171 : f32 to vector<16xf32>
      %add3A_1173 = arith.addf %convert_element_type3A_89, %add3A_1172 : vector<16xf32>
      %sub3A_1174 = arith.constant 2.100000e+01 : f32
      %sub3A_1175 = vector.broadcast %sub3A_1174 : f32 to vector<16xf32>
      %sub3A_1176 = arith.subf %sub3A_1175, %add3A_1173 : vector<16xf32>
      %mul3A_1177 = arith.mulf %sub3A_1176, %sub3A_1176 : vector<16xf32>
      %add3A_1178 = arith.addf %gather3A_1143, %mul3A_1177 : vector<16xf32>
      %min3A_1179 = arith.minimumf %min3A_1131, %add3A_1178 : vector<16xf32>
      %broadcast_in_dim3A_1180 = arith.constant 6 : i32
      %broadcast_in_dim3A_1181 = vector.broadcast %broadcast_in_dim3A_1180 : i32 to vector<16xi32>
      %lt3A_1182 = arith.constant 0 : i32
      %lt3A_1183 = vector.broadcast %lt3A_1182 : i32 to vector<16xi32>
      %lt3A_1184 = arith.cmpi slt, %broadcast_in_dim3A_1181, %lt3A_1183 : vector<16xi32>
      %add3A_1185 = arith.constant 16 : i32
      %add3A_1186 = vector.broadcast %add3A_1185 : i32 to vector<16xi32>
      %add3A_1187 = arith.addi %broadcast_in_dim3A_1181, %add3A_1186 : vector<16xi32>
      %select_n3A_1188 = arith.select %lt3A_1184, %add3A_1187, %broadcast_in_dim3A_1181 : vector<16xi1>, vector<16xi32>
      %broadcast_in_dim3A_1189 = vector.shape_cast %select_n3A_1188 : vector<16xi32> to vector<16x1xi32>
      %gather3A_1190 = vector.shape_cast %broadcast_in_dim3A_1189 : vector<16x1xi32> to vector<16xi32>
      %gather3A_1191 = tpu.dynamic_gather %get3A_109[%gather3A_1190] in [0] : vector<16xf32>, vector<16xi32> -> vector<16xf32>
      %add3A_1192 = arith.constant 0.000000e+00 : f32
      %add3A_1193 = vector.broadcast %add3A_1192 : f32 to vector<16xf32>
      %add3A_1194 = arith.addf %convert_element_type3A_89, %add3A_1193 : vector<16xf32>
      %sub3A_1195 = arith.constant 2.200000e+01 : f32
      %sub3A_1196 = vector.broadcast %sub3A_1195 : f32 to vector<16xf32>
      %sub3A_1197 = arith.subf %sub3A_1196, %add3A_1194 : vector<16xf32>
      %mul3A_1198 = arith.mulf %sub3A_1197, %sub3A_1197 : vector<16xf32>
      %add3A_1199 = arith.addf %gather3A_1191, %mul3A_1198 : vector<16xf32>
      %min3A_1200 = arith.minimumf %min3A_1152, %add3A_1199 : vector<16xf32>
      %add3A_1201 = arith.constant 1.600000e+01 : f32
      %add3A_1202 = vector.broadcast %add3A_1201 : f32 to vector<16xf32>
      %add3A_1203 = arith.addf %convert_element_type3A_89, %add3A_1202 : vector<16xf32>
      %sub3A_1204 = arith.constant 2.200000e+01 : f32
      %sub3A_1205 = vector.broadcast %sub3A_1204 : f32 to vector<16xf32>
      %sub3A_1206 = arith.subf %sub3A_1205, %add3A_1203 : vector<16xf32>
      %mul3A_1207 = arith.mulf %sub3A_1206, %sub3A_1206 : vector<16xf32>
      %add3A_1208 = arith.addf %gather3A_1191, %mul3A_1207 : vector<16xf32>
      %min3A_1209 = arith.minimumf %min3A_1161, %add3A_1208 : vector<16xf32>
      %add3A_1210 = arith.constant 3.200000e+01 : f32
      %add3A_1211 = vector.broadcast %add3A_1210 : f32 to vector<16xf32>
      %add3A_1212 = arith.addf %convert_element_type3A_89, %add3A_1211 : vector<16xf32>
      %sub3A_1213 = arith.constant 2.200000e+01 : f32
      %sub3A_1214 = vector.broadcast %sub3A_1213 : f32 to vector<16xf32>
      %sub3A_1215 = arith.subf %sub3A_1214, %add3A_1212 : vector<16xf32>
      %mul3A_1216 = arith.mulf %sub3A_1215, %sub3A_1215 : vector<16xf32>
      %add3A_1217 = arith.addf %gather3A_1191, %mul3A_1216 : vector<16xf32>
      %min3A_1218 = arith.minimumf %min3A_1170, %add3A_1217 : vector<16xf32>
      %add3A_1219 = arith.constant 4.800000e+01 : f32
      %add3A_1220 = vector.broadcast %add3A_1219 : f32 to vector<16xf32>
      %add3A_1221 = arith.addf %convert_element_type3A_89, %add3A_1220 : vector<16xf32>
      %sub3A_1222 = arith.constant 2.200000e+01 : f32
      %sub3A_1223 = vector.broadcast %sub3A_1222 : f32 to vector<16xf32>
      %sub3A_1224 = arith.subf %sub3A_1223, %add3A_1221 : vector<16xf32>
      %mul3A_1225 = arith.mulf %sub3A_1224, %sub3A_1224 : vector<16xf32>
      %add3A_1226 = arith.addf %gather3A_1191, %mul3A_1225 : vector<16xf32>
      %min3A_1227 = arith.minimumf %min3A_1179, %add3A_1226 : vector<16xf32>
      %broadcast_in_dim3A_1228 = arith.constant 7 : i32
      %broadcast_in_dim3A_1229 = vector.broadcast %broadcast_in_dim3A_1228 : i32 to vector<16xi32>
      %lt3A_1230 = arith.constant 0 : i32
      %lt3A_1231 = vector.broadcast %lt3A_1230 : i32 to vector<16xi32>
      %lt3A_1232 = arith.cmpi slt, %broadcast_in_dim3A_1229, %lt3A_1231 : vector<16xi32>
      %add3A_1233 = arith.constant 16 : i32
      %add3A_1234 = vector.broadcast %add3A_1233 : i32 to vector<16xi32>
      %add3A_1235 = arith.addi %broadcast_in_dim3A_1229, %add3A_1234 : vector<16xi32>
      %select_n3A_1236 = arith.select %lt3A_1232, %add3A_1235, %broadcast_in_dim3A_1229 : vector<16xi1>, vector<16xi32>
      %broadcast_in_dim3A_1237 = vector.shape_cast %select_n3A_1236 : vector<16xi32> to vector<16x1xi32>
      %gather3A_1238 = vector.shape_cast %broadcast_in_dim3A_1237 : vector<16x1xi32> to vector<16xi32>
      %gather3A_1239 = tpu.dynamic_gather %get3A_109[%gather3A_1238] in [0] : vector<16xf32>, vector<16xi32> -> vector<16xf32>
      %add3A_1240 = arith.constant 0.000000e+00 : f32
      %add3A_1241 = vector.broadcast %add3A_1240 : f32 to vector<16xf32>
      %add3A_1242 = arith.addf %convert_element_type3A_89, %add3A_1241 : vector<16xf32>
      %sub3A_1243 = arith.constant 2.300000e+01 : f32
      %sub3A_1244 = vector.broadcast %sub3A_1243 : f32 to vector<16xf32>
      %sub3A_1245 = arith.subf %sub3A_1244, %add3A_1242 : vector<16xf32>
      %mul3A_1246 = arith.mulf %sub3A_1245, %sub3A_1245 : vector<16xf32>
      %add3A_1247 = arith.addf %gather3A_1239, %mul3A_1246 : vector<16xf32>
      %min3A_1248 = arith.minimumf %min3A_1200, %add3A_1247 : vector<16xf32>
      %add3A_1249 = arith.constant 1.600000e+01 : f32
      %add3A_1250 = vector.broadcast %add3A_1249 : f32 to vector<16xf32>
      %add3A_1251 = arith.addf %convert_element_type3A_89, %add3A_1250 : vector<16xf32>
      %sub3A_1252 = arith.constant 2.300000e+01 : f32
      %sub3A_1253 = vector.broadcast %sub3A_1252 : f32 to vector<16xf32>
      %sub3A_1254 = arith.subf %sub3A_1253, %add3A_1251 : vector<16xf32>
      %mul3A_1255 = arith.mulf %sub3A_1254, %sub3A_1254 : vector<16xf32>
      %add3A_1256 = arith.addf %gather3A_1239, %mul3A_1255 : vector<16xf32>
      %min3A_1257 = arith.minimumf %min3A_1209, %add3A_1256 : vector<16xf32>
      %add3A_1258 = arith.constant 3.200000e+01 : f32
      %add3A_1259 = vector.broadcast %add3A_1258 : f32 to vector<16xf32>
      %add3A_1260 = arith.addf %convert_element_type3A_89, %add3A_1259 : vector<16xf32>
      %sub3A_1261 = arith.constant 2.300000e+01 : f32
      %sub3A_1262 = vector.broadcast %sub3A_1261 : f32 to vector<16xf32>
      %sub3A_1263 = arith.subf %sub3A_1262, %add3A_1260 : vector<16xf32>
      %mul3A_1264 = arith.mulf %sub3A_1263, %sub3A_1263 : vector<16xf32>
      %add3A_1265 = arith.addf %gather3A_1239, %mul3A_1264 : vector<16xf32>
      %min3A_1266 = arith.minimumf %min3A_1218, %add3A_1265 : vector<16xf32>
      %add3A_1267 = arith.constant 4.800000e+01 : f32
      %add3A_1268 = vector.broadcast %add3A_1267 : f32 to vector<16xf32>
      %add3A_1269 = arith.addf %convert_element_type3A_89, %add3A_1268 : vector<16xf32>
      %sub3A_1270 = arith.constant 2.300000e+01 : f32
      %sub3A_1271 = vector.broadcast %sub3A_1270 : f32 to vector<16xf32>
      %sub3A_1272 = arith.subf %sub3A_1271, %add3A_1269 : vector<16xf32>
      %mul3A_1273 = arith.mulf %sub3A_1272, %sub3A_1272 : vector<16xf32>
      %add3A_1274 = arith.addf %gather3A_1239, %mul3A_1273 : vector<16xf32>
      %min3A_1275 = arith.minimumf %min3A_1227, %add3A_1274 : vector<16xf32>
      %broadcast_in_dim3A_1276 = arith.constant 8 : i32
      %broadcast_in_dim3A_1277 = vector.broadcast %broadcast_in_dim3A_1276 : i32 to vector<16xi32>
      %lt3A_1278 = arith.constant 0 : i32
      %lt3A_1279 = vector.broadcast %lt3A_1278 : i32 to vector<16xi32>
      %lt3A_1280 = arith.cmpi slt, %broadcast_in_dim3A_1277, %lt3A_1279 : vector<16xi32>
      %add3A_1281 = arith.constant 16 : i32
      %add3A_1282 = vector.broadcast %add3A_1281 : i32 to vector<16xi32>
      %add3A_1283 = arith.addi %broadcast_in_dim3A_1277, %add3A_1282 : vector<16xi32>
      %select_n3A_1284 = arith.select %lt3A_1280, %add3A_1283, %broadcast_in_dim3A_1277 : vector<16xi1>, vector<16xi32>
      %broadcast_in_dim3A_1285 = vector.shape_cast %select_n3A_1284 : vector<16xi32> to vector<16x1xi32>
      %gather3A_1286 = vector.shape_cast %broadcast_in_dim3A_1285 : vector<16x1xi32> to vector<16xi32>
      %gather3A_1287 = tpu.dynamic_gather %get3A_109[%gather3A_1286] in [0] : vector<16xf32>, vector<16xi32> -> vector<16xf32>
      %add3A_1288 = arith.constant 0.000000e+00 : f32
      %add3A_1289 = vector.broadcast %add3A_1288 : f32 to vector<16xf32>
      %add3A_1290 = arith.addf %convert_element_type3A_89, %add3A_1289 : vector<16xf32>
      %sub3A_1291 = arith.constant 2.400000e+01 : f32
      %sub3A_1292 = vector.broadcast %sub3A_1291 : f32 to vector<16xf32>
      %sub3A_1293 = arith.subf %sub3A_1292, %add3A_1290 : vector<16xf32>
      %mul3A_1294 = arith.mulf %sub3A_1293, %sub3A_1293 : vector<16xf32>
      %add3A_1295 = arith.addf %gather3A_1287, %mul3A_1294 : vector<16xf32>
      %min3A_1296 = arith.minimumf %min3A_1248, %add3A_1295 : vector<16xf32>
      %add3A_1297 = arith.constant 1.600000e+01 : f32
      %add3A_1298 = vector.broadcast %add3A_1297 : f32 to vector<16xf32>
      %add3A_1299 = arith.addf %convert_element_type3A_89, %add3A_1298 : vector<16xf32>
      %sub3A_1300 = arith.constant 2.400000e+01 : f32
      %sub3A_1301 = vector.broadcast %sub3A_1300 : f32 to vector<16xf32>
      %sub3A_1302 = arith.subf %sub3A_1301, %add3A_1299 : vector<16xf32>
      %mul3A_1303 = arith.mulf %sub3A_1302, %sub3A_1302 : vector<16xf32>
      %add3A_1304 = arith.addf %gather3A_1287, %mul3A_1303 : vector<16xf32>
      %min3A_1305 = arith.minimumf %min3A_1257, %add3A_1304 : vector<16xf32>
      %add3A_1306 = arith.constant 3.200000e+01 : f32
      %add3A_1307 = vector.broadcast %add3A_1306 : f32 to vector<16xf32>
      %add3A_1308 = arith.addf %convert_element_type3A_89, %add3A_1307 : vector<16xf32>
      %sub3A_1309 = arith.constant 2.400000e+01 : f32
      %sub3A_1310 = vector.broadcast %sub3A_1309 : f32 to vector<16xf32>
      %sub3A_1311 = arith.subf %sub3A_1310, %add3A_1308 : vector<16xf32>
      %mul3A_1312 = arith.mulf %sub3A_1311, %sub3A_1311 : vector<16xf32>
      %add3A_1313 = arith.addf %gather3A_1287, %mul3A_1312 : vector<16xf32>
      %min3A_1314 = arith.minimumf %min3A_1266, %add3A_1313 : vector<16xf32>
      %add3A_1315 = arith.constant 4.800000e+01 : f32
      %add3A_1316 = vector.broadcast %add3A_1315 : f32 to vector<16xf32>
      %add3A_1317 = arith.addf %convert_element_type3A_89, %add3A_1316 : vector<16xf32>
      %sub3A_1318 = arith.constant 2.400000e+01 : f32
      %sub3A_1319 = vector.broadcast %sub3A_1318 : f32 to vector<16xf32>
      %sub3A_1320 = arith.subf %sub3A_1319, %add3A_1317 : vector<16xf32>
      %mul3A_1321 = arith.mulf %sub3A_1320, %sub3A_1320 : vector<16xf32>
      %add3A_1322 = arith.addf %gather3A_1287, %mul3A_1321 : vector<16xf32>
      %min3A_1323 = arith.minimumf %min3A_1275, %add3A_1322 : vector<16xf32>
      %broadcast_in_dim3A_1324 = arith.constant 9 : i32
      %broadcast_in_dim3A_1325 = vector.broadcast %broadcast_in_dim3A_1324 : i32 to vector<16xi32>
      %lt3A_1326 = arith.constant 0 : i32
      %lt3A_1327 = vector.broadcast %lt3A_1326 : i32 to vector<16xi32>
      %lt3A_1328 = arith.cmpi slt, %broadcast_in_dim3A_1325, %lt3A_1327 : vector<16xi32>
      %add3A_1329 = arith.constant 16 : i32
      %add3A_1330 = vector.broadcast %add3A_1329 : i32 to vector<16xi32>
      %add3A_1331 = arith.addi %broadcast_in_dim3A_1325, %add3A_1330 : vector<16xi32>
      %select_n3A_1332 = arith.select %lt3A_1328, %add3A_1331, %broadcast_in_dim3A_1325 : vector<16xi1>, vector<16xi32>
      %broadcast_in_dim3A_1333 = vector.shape_cast %select_n3A_1332 : vector<16xi32> to vector<16x1xi32>
      %gather3A_1334 = vector.shape_cast %broadcast_in_dim3A_1333 : vector<16x1xi32> to vector<16xi32>
      %gather3A_1335 = tpu.dynamic_gather %get3A_109[%gather3A_1334] in [0] : vector<16xf32>, vector<16xi32> -> vector<16xf32>
      %add3A_1336 = arith.constant 0.000000e+00 : f32
      %add3A_1337 = vector.broadcast %add3A_1336 : f32 to vector<16xf32>
      %add3A_1338 = arith.addf %convert_element_type3A_89, %add3A_1337 : vector<16xf32>
      %sub3A_1339 = arith.constant 2.500000e+01 : f32
      %sub3A_1340 = vector.broadcast %sub3A_1339 : f32 to vector<16xf32>
      %sub3A_1341 = arith.subf %sub3A_1340, %add3A_1338 : vector<16xf32>
      %mul3A_1342 = arith.mulf %sub3A_1341, %sub3A_1341 : vector<16xf32>
      %add3A_1343 = arith.addf %gather3A_1335, %mul3A_1342 : vector<16xf32>
      %min3A_1344 = arith.minimumf %min3A_1296, %add3A_1343 : vector<16xf32>
      %add3A_1345 = arith.constant 1.600000e+01 : f32
      %add3A_1346 = vector.broadcast %add3A_1345 : f32 to vector<16xf32>
      %add3A_1347 = arith.addf %convert_element_type3A_89, %add3A_1346 : vector<16xf32>
      %sub3A_1348 = arith.constant 2.500000e+01 : f32
      %sub3A_1349 = vector.broadcast %sub3A_1348 : f32 to vector<16xf32>
      %sub3A_1350 = arith.subf %sub3A_1349, %add3A_1347 : vector<16xf32>
      %mul3A_1351 = arith.mulf %sub3A_1350, %sub3A_1350 : vector<16xf32>
      %add3A_1352 = arith.addf %gather3A_1335, %mul3A_1351 : vector<16xf32>
      %min3A_1353 = arith.minimumf %min3A_1305, %add3A_1352 : vector<16xf32>
      %add3A_1354 = arith.constant 3.200000e+01 : f32
      %add3A_1355 = vector.broadcast %add3A_1354 : f32 to vector<16xf32>
      %add3A_1356 = arith.addf %convert_element_type3A_89, %add3A_1355 : vector<16xf32>
      %sub3A_1357 = arith.constant 2.500000e+01 : f32
      %sub3A_1358 = vector.broadcast %sub3A_1357 : f32 to vector<16xf32>
      %sub3A_1359 = arith.subf %sub3A_1358, %add3A_1356 : vector<16xf32>
      %mul3A_1360 = arith.mulf %sub3A_1359, %sub3A_1359 : vector<16xf32>
      %add3A_1361 = arith.addf %gather3A_1335, %mul3A_1360 : vector<16xf32>
      %min3A_1362 = arith.minimumf %min3A_1314, %add3A_1361 : vector<16xf32>
      %add3A_1363 = arith.constant 4.800000e+01 : f32
      %add3A_1364 = vector.broadcast %add3A_1363 : f32 to vector<16xf32>
      %add3A_1365 = arith.addf %convert_element_type3A_89, %add3A_1364 : vector<16xf32>
      %sub3A_1366 = arith.constant 2.500000e+01 : f32
      %sub3A_1367 = vector.broadcast %sub3A_1366 : f32 to vector<16xf32>
      %sub3A_1368 = arith.subf %sub3A_1367, %add3A_1365 : vector<16xf32>
      %mul3A_1369 = arith.mulf %sub3A_1368, %sub3A_1368 : vector<16xf32>
      %add3A_1370 = arith.addf %gather3A_1335, %mul3A_1369 : vector<16xf32>
      %min3A_1371 = arith.minimumf %min3A_1323, %add3A_1370 : vector<16xf32>
      %broadcast_in_dim3A_1372 = arith.constant 10 : i32
      %broadcast_in_dim3A_1373 = vector.broadcast %broadcast_in_dim3A_1372 : i32 to vector<16xi32>
      %lt3A_1374 = arith.constant 0 : i32
      %lt3A_1375 = vector.broadcast %lt3A_1374 : i32 to vector<16xi32>
      %lt3A_1376 = arith.cmpi slt, %broadcast_in_dim3A_1373, %lt3A_1375 : vector<16xi32>
      %add3A_1377 = arith.constant 16 : i32
      %add3A_1378 = vector.broadcast %add3A_1377 : i32 to vector<16xi32>
      %add3A_1379 = arith.addi %broadcast_in_dim3A_1373, %add3A_1378 : vector<16xi32>
      %select_n3A_1380 = arith.select %lt3A_1376, %add3A_1379, %broadcast_in_dim3A_1373 : vector<16xi1>, vector<16xi32>
      %broadcast_in_dim3A_1381 = vector.shape_cast %select_n3A_1380 : vector<16xi32> to vector<16x1xi32>
      %gather3A_1382 = vector.shape_cast %broadcast_in_dim3A_1381 : vector<16x1xi32> to vector<16xi32>
      %gather3A_1383 = tpu.dynamic_gather %get3A_109[%gather3A_1382] in [0] : vector<16xf32>, vector<16xi32> -> vector<16xf32>
      %add3A_1384 = arith.constant 0.000000e+00 : f32
      %add3A_1385 = vector.broadcast %add3A_1384 : f32 to vector<16xf32>
      %add3A_1386 = arith.addf %convert_element_type3A_89, %add3A_1385 : vector<16xf32>
      %sub3A_1387 = arith.constant 2.600000e+01 : f32
      %sub3A_1388 = vector.broadcast %sub3A_1387 : f32 to vector<16xf32>
      %sub3A_1389 = arith.subf %sub3A_1388, %add3A_1386 : vector<16xf32>
      %mul3A_1390 = arith.mulf %sub3A_1389, %sub3A_1389 : vector<16xf32>
      %add3A_1391 = arith.addf %gather3A_1383, %mul3A_1390 : vector<16xf32>
      %min3A_1392 = arith.minimumf %min3A_1344, %add3A_1391 : vector<16xf32>
      %add3A_1393 = arith.constant 1.600000e+01 : f32
      %add3A_1394 = vector.broadcast %add3A_1393 : f32 to vector<16xf32>
      %add3A_1395 = arith.addf %convert_element_type3A_89, %add3A_1394 : vector<16xf32>
      %sub3A_1396 = arith.constant 2.600000e+01 : f32
      %sub3A_1397 = vector.broadcast %sub3A_1396 : f32 to vector<16xf32>
      %sub3A_1398 = arith.subf %sub3A_1397, %add3A_1395 : vector<16xf32>
      %mul3A_1399 = arith.mulf %sub3A_1398, %sub3A_1398 : vector<16xf32>
      %add3A_1400 = arith.addf %gather3A_1383, %mul3A_1399 : vector<16xf32>
      %min3A_1401 = arith.minimumf %min3A_1353, %add3A_1400 : vector<16xf32>
      %add3A_1402 = arith.constant 3.200000e+01 : f32
      %add3A_1403 = vector.broadcast %add3A_1402 : f32 to vector<16xf32>
      %add3A_1404 = arith.addf %convert_element_type3A_89, %add3A_1403 : vector<16xf32>
      %sub3A_1405 = arith.constant 2.600000e+01 : f32
      %sub3A_1406 = vector.broadcast %sub3A_1405 : f32 to vector<16xf32>
      %sub3A_1407 = arith.subf %sub3A_1406, %add3A_1404 : vector<16xf32>
      %mul3A_1408 = arith.mulf %sub3A_1407, %sub3A_1407 : vector<16xf32>
      %add3A_1409 = arith.addf %gather3A_1383, %mul3A_1408 : vector<16xf32>
      %min3A_1410 = arith.minimumf %min3A_1362, %add3A_1409 : vector<16xf32>
      %add3A_1411 = arith.constant 4.800000e+01 : f32
      %add3A_1412 = vector.broadcast %add3A_1411 : f32 to vector<16xf32>
      %add3A_1413 = arith.addf %convert_element_type3A_89, %add3A_1412 : vector<16xf32>
      %sub3A_1414 = arith.constant 2.600000e+01 : f32
      %sub3A_1415 = vector.broadcast %sub3A_1414 : f32 to vector<16xf32>
      %sub3A_1416 = arith.subf %sub3A_1415, %add3A_1413 : vector<16xf32>
      %mul3A_1417 = arith.mulf %sub3A_1416, %sub3A_1416 : vector<16xf32>
      %add3A_1418 = arith.addf %gather3A_1383, %mul3A_1417 : vector<16xf32>
      %min3A_1419 = arith.minimumf %min3A_1371, %add3A_1418 : vector<16xf32>
      %broadcast_in_dim3A_1420 = arith.constant 11 : i32
      %broadcast_in_dim3A_1421 = vector.broadcast %broadcast_in_dim3A_1420 : i32 to vector<16xi32>
      %lt3A_1422 = arith.constant 0 : i32
      %lt3A_1423 = vector.broadcast %lt3A_1422 : i32 to vector<16xi32>
      %lt3A_1424 = arith.cmpi slt, %broadcast_in_dim3A_1421, %lt3A_1423 : vector<16xi32>
      %add3A_1425 = arith.constant 16 : i32
      %add3A_1426 = vector.broadcast %add3A_1425 : i32 to vector<16xi32>
      %add3A_1427 = arith.addi %broadcast_in_dim3A_1421, %add3A_1426 : vector<16xi32>
      %select_n3A_1428 = arith.select %lt3A_1424, %add3A_1427, %broadcast_in_dim3A_1421 : vector<16xi1>, vector<16xi32>
      %broadcast_in_dim3A_1429 = vector.shape_cast %select_n3A_1428 : vector<16xi32> to vector<16x1xi32>
      %gather3A_1430 = vector.shape_cast %broadcast_in_dim3A_1429 : vector<16x1xi32> to vector<16xi32>
      %gather3A_1431 = tpu.dynamic_gather %get3A_109[%gather3A_1430] in [0] : vector<16xf32>, vector<16xi32> -> vector<16xf32>
      %add3A_1432 = arith.constant 0.000000e+00 : f32
      %add3A_1433 = vector.broadcast %add3A_1432 : f32 to vector<16xf32>
      %add3A_1434 = arith.addf %convert_element_type3A_89, %add3A_1433 : vector<16xf32>
      %sub3A_1435 = arith.constant 2.700000e+01 : f32
      %sub3A_1436 = vector.broadcast %sub3A_1435 : f32 to vector<16xf32>
      %sub3A_1437 = arith.subf %sub3A_1436, %add3A_1434 : vector<16xf32>
      %mul3A_1438 = arith.mulf %sub3A_1437, %sub3A_1437 : vector<16xf32>
      %add3A_1439 = arith.addf %gather3A_1431, %mul3A_1438 : vector<16xf32>
      %min3A_1440 = arith.minimumf %min3A_1392, %add3A_1439 : vector<16xf32>
      %add3A_1441 = arith.constant 1.600000e+01 : f32
      %add3A_1442 = vector.broadcast %add3A_1441 : f32 to vector<16xf32>
      %add3A_1443 = arith.addf %convert_element_type3A_89, %add3A_1442 : vector<16xf32>
      %sub3A_1444 = arith.constant 2.700000e+01 : f32
      %sub3A_1445 = vector.broadcast %sub3A_1444 : f32 to vector<16xf32>
      %sub3A_1446 = arith.subf %sub3A_1445, %add3A_1443 : vector<16xf32>
      %mul3A_1447 = arith.mulf %sub3A_1446, %sub3A_1446 : vector<16xf32>
      %add3A_1448 = arith.addf %gather3A_1431, %mul3A_1447 : vector<16xf32>
      %min3A_1449 = arith.minimumf %min3A_1401, %add3A_1448 : vector<16xf32>
      %add3A_1450 = arith.constant 3.200000e+01 : f32
      %add3A_1451 = vector.broadcast %add3A_1450 : f32 to vector<16xf32>
      %add3A_1452 = arith.addf %convert_element_type3A_89, %add3A_1451 : vector<16xf32>
      %sub3A_1453 = arith.constant 2.700000e+01 : f32
      %sub3A_1454 = vector.broadcast %sub3A_1453 : f32 to vector<16xf32>
      %sub3A_1455 = arith.subf %sub3A_1454, %add3A_1452 : vector<16xf32>
      %mul3A_1456 = arith.mulf %sub3A_1455, %sub3A_1455 : vector<16xf32>
      %add3A_1457 = arith.addf %gather3A_1431, %mul3A_1456 : vector<16xf32>
      %min3A_1458 = arith.minimumf %min3A_1410, %add3A_1457 : vector<16xf32>
      %add3A_1459 = arith.constant 4.800000e+01 : f32
      %add3A_1460 = vector.broadcast %add3A_1459 : f32 to vector<16xf32>
      %add3A_1461 = arith.addf %convert_element_type3A_89, %add3A_1460 : vector<16xf32>
      %sub3A_1462 = arith.constant 2.700000e+01 : f32
      %sub3A_1463 = vector.broadcast %sub3A_1462 : f32 to vector<16xf32>
      %sub3A_1464 = arith.subf %sub3A_1463, %add3A_1461 : vector<16xf32>
      %mul3A_1465 = arith.mulf %sub3A_1464, %sub3A_1464 : vector<16xf32>
      %add3A_1466 = arith.addf %gather3A_1431, %mul3A_1465 : vector<16xf32>
      %min3A_1467 = arith.minimumf %min3A_1419, %add3A_1466 : vector<16xf32>
      %broadcast_in_dim3A_1468 = arith.constant 12 : i32
      %broadcast_in_dim3A_1469 = vector.broadcast %broadcast_in_dim3A_1468 : i32 to vector<16xi32>
      %lt3A_1470 = arith.constant 0 : i32
      %lt3A_1471 = vector.broadcast %lt3A_1470 : i32 to vector<16xi32>
      %lt3A_1472 = arith.cmpi slt, %broadcast_in_dim3A_1469, %lt3A_1471 : vector<16xi32>
      %add3A_1473 = arith.constant 16 : i32
      %add3A_1474 = vector.broadcast %add3A_1473 : i32 to vector<16xi32>
      %add3A_1475 = arith.addi %broadcast_in_dim3A_1469, %add3A_1474 : vector<16xi32>
      %select_n3A_1476 = arith.select %lt3A_1472, %add3A_1475, %broadcast_in_dim3A_1469 : vector<16xi1>, vector<16xi32>
      %broadcast_in_dim3A_1477 = vector.shape_cast %select_n3A_1476 : vector<16xi32> to vector<16x1xi32>
      %gather3A_1478 = vector.shape_cast %broadcast_in_dim3A_1477 : vector<16x1xi32> to vector<16xi32>
      %gather3A_1479 = tpu.dynamic_gather %get3A_109[%gather3A_1478] in [0] : vector<16xf32>, vector<16xi32> -> vector<16xf32>
      %add3A_1480 = arith.constant 0.000000e+00 : f32
      %add3A_1481 = vector.broadcast %add3A_1480 : f32 to vector<16xf32>
      %add3A_1482 = arith.addf %convert_element_type3A_89, %add3A_1481 : vector<16xf32>
      %sub3A_1483 = arith.constant 2.800000e+01 : f32
      %sub3A_1484 = vector.broadcast %sub3A_1483 : f32 to vector<16xf32>
      %sub3A_1485 = arith.subf %sub3A_1484, %add3A_1482 : vector<16xf32>
      %mul3A_1486 = arith.mulf %sub3A_1485, %sub3A_1485 : vector<16xf32>
      %add3A_1487 = arith.addf %gather3A_1479, %mul3A_1486 : vector<16xf32>
      %min3A_1488 = arith.minimumf %min3A_1440, %add3A_1487 : vector<16xf32>
      %add3A_1489 = arith.constant 1.600000e+01 : f32
      %add3A_1490 = vector.broadcast %add3A_1489 : f32 to vector<16xf32>
      %add3A_1491 = arith.addf %convert_element_type3A_89, %add3A_1490 : vector<16xf32>
      %sub3A_1492 = arith.constant 2.800000e+01 : f32
      %sub3A_1493 = vector.broadcast %sub3A_1492 : f32 to vector<16xf32>
      %sub3A_1494 = arith.subf %sub3A_1493, %add3A_1491 : vector<16xf32>
      %mul3A_1495 = arith.mulf %sub3A_1494, %sub3A_1494 : vector<16xf32>
      %add3A_1496 = arith.addf %gather3A_1479, %mul3A_1495 : vector<16xf32>
      %min3A_1497 = arith.minimumf %min3A_1449, %add3A_1496 : vector<16xf32>
      %add3A_1498 = arith.constant 3.200000e+01 : f32
      %add3A_1499 = vector.broadcast %add3A_1498 : f32 to vector<16xf32>
      %add3A_1500 = arith.addf %convert_element_type3A_89, %add3A_1499 : vector<16xf32>
      %sub3A_1501 = arith.constant 2.800000e+01 : f32
      %sub3A_1502 = vector.broadcast %sub3A_1501 : f32 to vector<16xf32>
      %sub3A_1503 = arith.subf %sub3A_1502, %add3A_1500 : vector<16xf32>
      %mul3A_1504 = arith.mulf %sub3A_1503, %sub3A_1503 : vector<16xf32>
      %add3A_1505 = arith.addf %gather3A_1479, %mul3A_1504 : vector<16xf32>
      %min3A_1506 = arith.minimumf %min3A_1458, %add3A_1505 : vector<16xf32>
      %add3A_1507 = arith.constant 4.800000e+01 : f32
      %add3A_1508 = vector.broadcast %add3A_1507 : f32 to vector<16xf32>
      %add3A_1509 = arith.addf %convert_element_type3A_89, %add3A_1508 : vector<16xf32>
      %sub3A_1510 = arith.constant 2.800000e+01 : f32
      %sub3A_1511 = vector.broadcast %sub3A_1510 : f32 to vector<16xf32>
      %sub3A_1512 = arith.subf %sub3A_1511, %add3A_1509 : vector<16xf32>
      %mul3A_1513 = arith.mulf %sub3A_1512, %sub3A_1512 : vector<16xf32>
      %add3A_1514 = arith.addf %gather3A_1479, %mul3A_1513 : vector<16xf32>
      %min3A_1515 = arith.minimumf %min3A_1467, %add3A_1514 : vector<16xf32>
      %broadcast_in_dim3A_1516 = arith.constant 13 : i32
      %broadcast_in_dim3A_1517 = vector.broadcast %broadcast_in_dim3A_1516 : i32 to vector<16xi32>
      %lt3A_1518 = arith.constant 0 : i32
      %lt3A_1519 = vector.broadcast %lt3A_1518 : i32 to vector<16xi32>
      %lt3A_1520 = arith.cmpi slt, %broadcast_in_dim3A_1517, %lt3A_1519 : vector<16xi32>
      %add3A_1521 = arith.constant 16 : i32
      %add3A_1522 = vector.broadcast %add3A_1521 : i32 to vector<16xi32>
      %add3A_1523 = arith.addi %broadcast_in_dim3A_1517, %add3A_1522 : vector<16xi32>
      %select_n3A_1524 = arith.select %lt3A_1520, %add3A_1523, %broadcast_in_dim3A_1517 : vector<16xi1>, vector<16xi32>
      %broadcast_in_dim3A_1525 = vector.shape_cast %select_n3A_1524 : vector<16xi32> to vector<16x1xi32>
      %gather3A_1526 = vector.shape_cast %broadcast_in_dim3A_1525 : vector<16x1xi32> to vector<16xi32>
      %gather3A_1527 = tpu.dynamic_gather %get3A_109[%gather3A_1526] in [0] : vector<16xf32>, vector<16xi32> -> vector<16xf32>
      %add3A_1528 = arith.constant 0.000000e+00 : f32
      %add3A_1529 = vector.broadcast %add3A_1528 : f32 to vector<16xf32>
      %add3A_1530 = arith.addf %convert_element_type3A_89, %add3A_1529 : vector<16xf32>
      %sub3A_1531 = arith.constant 2.900000e+01 : f32
      %sub3A_1532 = vector.broadcast %sub3A_1531 : f32 to vector<16xf32>
      %sub3A_1533 = arith.subf %sub3A_1532, %add3A_1530 : vector<16xf32>
      %mul3A_1534 = arith.mulf %sub3A_1533, %sub3A_1533 : vector<16xf32>
      %add3A_1535 = arith.addf %gather3A_1527, %mul3A_1534 : vector<16xf32>
      %min3A_1536 = arith.minimumf %min3A_1488, %add3A_1535 : vector<16xf32>
      %add3A_1537 = arith.constant 1.600000e+01 : f32
      %add3A_1538 = vector.broadcast %add3A_1537 : f32 to vector<16xf32>
      %add3A_1539 = arith.addf %convert_element_type3A_89, %add3A_1538 : vector<16xf32>
      %sub3A_1540 = arith.constant 2.900000e+01 : f32
      %sub3A_1541 = vector.broadcast %sub3A_1540 : f32 to vector<16xf32>
      %sub3A_1542 = arith.subf %sub3A_1541, %add3A_1539 : vector<16xf32>
      %mul3A_1543 = arith.mulf %sub3A_1542, %sub3A_1542 : vector<16xf32>
      %add3A_1544 = arith.addf %gather3A_1527, %mul3A_1543 : vector<16xf32>
      %min3A_1545 = arith.minimumf %min3A_1497, %add3A_1544 : vector<16xf32>
      %add3A_1546 = arith.constant 3.200000e+01 : f32
      %add3A_1547 = vector.broadcast %add3A_1546 : f32 to vector<16xf32>
      %add3A_1548 = arith.addf %convert_element_type3A_89, %add3A_1547 : vector<16xf32>
      %sub3A_1549 = arith.constant 2.900000e+01 : f32
      %sub3A_1550 = vector.broadcast %sub3A_1549 : f32 to vector<16xf32>
      %sub3A_1551 = arith.subf %sub3A_1550, %add3A_1548 : vector<16xf32>
      %mul3A_1552 = arith.mulf %sub3A_1551, %sub3A_1551 : vector<16xf32>
      %add3A_1553 = arith.addf %gather3A_1527, %mul3A_1552 : vector<16xf32>
      %min3A_1554 = arith.minimumf %min3A_1506, %add3A_1553 : vector<16xf32>
      %add3A_1555 = arith.constant 4.800000e+01 : f32
      %add3A_1556 = vector.broadcast %add3A_1555 : f32 to vector<16xf32>
      %add3A_1557 = arith.addf %convert_element_type3A_89, %add3A_1556 : vector<16xf32>
      %sub3A_1558 = arith.constant 2.900000e+01 : f32
      %sub3A_1559 = vector.broadcast %sub3A_1558 : f32 to vector<16xf32>
      %sub3A_1560 = arith.subf %sub3A_1559, %add3A_1557 : vector<16xf32>
      %mul3A_1561 = arith.mulf %sub3A_1560, %sub3A_1560 : vector<16xf32>
      %add3A_1562 = arith.addf %gather3A_1527, %mul3A_1561 : vector<16xf32>
      %min3A_1563 = arith.minimumf %min3A_1515, %add3A_1562 : vector<16xf32>
      %broadcast_in_dim3A_1564 = arith.constant 14 : i32
      %broadcast_in_dim3A_1565 = vector.broadcast %broadcast_in_dim3A_1564 : i32 to vector<16xi32>
      %lt3A_1566 = arith.constant 0 : i32
      %lt3A_1567 = vector.broadcast %lt3A_1566 : i32 to vector<16xi32>
      %lt3A_1568 = arith.cmpi slt, %broadcast_in_dim3A_1565, %lt3A_1567 : vector<16xi32>
      %add3A_1569 = arith.constant 16 : i32
      %add3A_1570 = vector.broadcast %add3A_1569 : i32 to vector<16xi32>
      %add3A_1571 = arith.addi %broadcast_in_dim3A_1565, %add3A_1570 : vector<16xi32>
      %select_n3A_1572 = arith.select %lt3A_1568, %add3A_1571, %broadcast_in_dim3A_1565 : vector<16xi1>, vector<16xi32>
      %broadcast_in_dim3A_1573 = vector.shape_cast %select_n3A_1572 : vector<16xi32> to vector<16x1xi32>
      %gather3A_1574 = vector.shape_cast %broadcast_in_dim3A_1573 : vector<16x1xi32> to vector<16xi32>
      %gather3A_1575 = tpu.dynamic_gather %get3A_109[%gather3A_1574] in [0] : vector<16xf32>, vector<16xi32> -> vector<16xf32>
      %add3A_1576 = arith.constant 0.000000e+00 : f32
      %add3A_1577 = vector.broadcast %add3A_1576 : f32 to vector<16xf32>
      %add3A_1578 = arith.addf %convert_element_type3A_89, %add3A_1577 : vector<16xf32>
      %sub3A_1579 = arith.constant 3.000000e+01 : f32
      %sub3A_1580 = vector.broadcast %sub3A_1579 : f32 to vector<16xf32>
      %sub3A_1581 = arith.subf %sub3A_1580, %add3A_1578 : vector<16xf32>
      %mul3A_1582 = arith.mulf %sub3A_1581, %sub3A_1581 : vector<16xf32>
      %add3A_1583 = arith.addf %gather3A_1575, %mul3A_1582 : vector<16xf32>
      %min3A_1584 = arith.minimumf %min3A_1536, %add3A_1583 : vector<16xf32>
      %add3A_1585 = arith.constant 1.600000e+01 : f32
      %add3A_1586 = vector.broadcast %add3A_1585 : f32 to vector<16xf32>
      %add3A_1587 = arith.addf %convert_element_type3A_89, %add3A_1586 : vector<16xf32>
      %sub3A_1588 = arith.constant 3.000000e+01 : f32
      %sub3A_1589 = vector.broadcast %sub3A_1588 : f32 to vector<16xf32>
      %sub3A_1590 = arith.subf %sub3A_1589, %add3A_1587 : vector<16xf32>
      %mul3A_1591 = arith.mulf %sub3A_1590, %sub3A_1590 : vector<16xf32>
      %add3A_1592 = arith.addf %gather3A_1575, %mul3A_1591 : vector<16xf32>
      %min3A_1593 = arith.minimumf %min3A_1545, %add3A_1592 : vector<16xf32>
      %add3A_1594 = arith.constant 3.200000e+01 : f32
      %add3A_1595 = vector.broadcast %add3A_1594 : f32 to vector<16xf32>
      %add3A_1596 = arith.addf %convert_element_type3A_89, %add3A_1595 : vector<16xf32>
      %sub3A_1597 = arith.constant 3.000000e+01 : f32
      %sub3A_1598 = vector.broadcast %sub3A_1597 : f32 to vector<16xf32>
      %sub3A_1599 = arith.subf %sub3A_1598, %add3A_1596 : vector<16xf32>
      %mul3A_1600 = arith.mulf %sub3A_1599, %sub3A_1599 : vector<16xf32>
      %add3A_1601 = arith.addf %gather3A_1575, %mul3A_1600 : vector<16xf32>
      %min3A_1602 = arith.minimumf %min3A_1554, %add3A_1601 : vector<16xf32>
      %add3A_1603 = arith.constant 4.800000e+01 : f32
      %add3A_1604 = vector.broadcast %add3A_1603 : f32 to vector<16xf32>
      %add3A_1605 = arith.addf %convert_element_type3A_89, %add3A_1604 : vector<16xf32>
      %sub3A_1606 = arith.constant 3.000000e+01 : f32
      %sub3A_1607 = vector.broadcast %sub3A_1606 : f32 to vector<16xf32>
      %sub3A_1608 = arith.subf %sub3A_1607, %add3A_1605 : vector<16xf32>
      %mul3A_1609 = arith.mulf %sub3A_1608, %sub3A_1608 : vector<16xf32>
      %add3A_1610 = arith.addf %gather3A_1575, %mul3A_1609 : vector<16xf32>
      %min3A_1611 = arith.minimumf %min3A_1563, %add3A_1610 : vector<16xf32>
      %broadcast_in_dim3A_1612 = arith.constant 15 : i32
      %broadcast_in_dim3A_1613 = vector.broadcast %broadcast_in_dim3A_1612 : i32 to vector<16xi32>
      %lt3A_1614 = arith.constant 0 : i32
      %lt3A_1615 = vector.broadcast %lt3A_1614 : i32 to vector<16xi32>
      %lt3A_1616 = arith.cmpi slt, %broadcast_in_dim3A_1613, %lt3A_1615 : vector<16xi32>
      %add3A_1617 = arith.constant 16 : i32
      %add3A_1618 = vector.broadcast %add3A_1617 : i32 to vector<16xi32>
      %add3A_1619 = arith.addi %broadcast_in_dim3A_1613, %add3A_1618 : vector<16xi32>
      %select_n3A_1620 = arith.select %lt3A_1616, %add3A_1619, %broadcast_in_dim3A_1613 : vector<16xi1>, vector<16xi32>
      %broadcast_in_dim3A_1621 = vector.shape_cast %select_n3A_1620 : vector<16xi32> to vector<16x1xi32>
      %gather3A_1622 = vector.shape_cast %broadcast_in_dim3A_1621 : vector<16x1xi32> to vector<16xi32>
      %gather3A_1623 = tpu.dynamic_gather %get3A_109[%gather3A_1622] in [0] : vector<16xf32>, vector<16xi32> -> vector<16xf32>
      %add3A_1624 = arith.constant 0.000000e+00 : f32
      %add3A_1625 = vector.broadcast %add3A_1624 : f32 to vector<16xf32>
      %add3A_1626 = arith.addf %convert_element_type3A_89, %add3A_1625 : vector<16xf32>
      %sub3A_1627 = arith.constant 3.100000e+01 : f32
      %sub3A_1628 = vector.broadcast %sub3A_1627 : f32 to vector<16xf32>
      %sub3A_1629 = arith.subf %sub3A_1628, %add3A_1626 : vector<16xf32>
      %mul3A_1630 = arith.mulf %sub3A_1629, %sub3A_1629 : vector<16xf32>
      %add3A_1631 = arith.addf %gather3A_1623, %mul3A_1630 : vector<16xf32>
      %min3A_1632 = arith.minimumf %min3A_1584, %add3A_1631 : vector<16xf32>
      %add3A_1633 = arith.constant 1.600000e+01 : f32
      %add3A_1634 = vector.broadcast %add3A_1633 : f32 to vector<16xf32>
      %add3A_1635 = arith.addf %convert_element_type3A_89, %add3A_1634 : vector<16xf32>
      %sub3A_1636 = arith.constant 3.100000e+01 : f32
      %sub3A_1637 = vector.broadcast %sub3A_1636 : f32 to vector<16xf32>
      %sub3A_1638 = arith.subf %sub3A_1637, %add3A_1635 : vector<16xf32>
      %mul3A_1639 = arith.mulf %sub3A_1638, %sub3A_1638 : vector<16xf32>
      %add3A_1640 = arith.addf %gather3A_1623, %mul3A_1639 : vector<16xf32>
      %min3A_1641 = arith.minimumf %min3A_1593, %add3A_1640 : vector<16xf32>
      %add3A_1642 = arith.constant 3.200000e+01 : f32
      %add3A_1643 = vector.broadcast %add3A_1642 : f32 to vector<16xf32>
      %add3A_1644 = arith.addf %convert_element_type3A_89, %add3A_1643 : vector<16xf32>
      %sub3A_1645 = arith.constant 3.100000e+01 : f32
      %sub3A_1646 = vector.broadcast %sub3A_1645 : f32 to vector<16xf32>
      %sub3A_1647 = arith.subf %sub3A_1646, %add3A_1644 : vector<16xf32>
      %mul3A_1648 = arith.mulf %sub3A_1647, %sub3A_1647 : vector<16xf32>
      %add3A_1649 = arith.addf %gather3A_1623, %mul3A_1648 : vector<16xf32>
      %min3A_1650 = arith.minimumf %min3A_1602, %add3A_1649 : vector<16xf32>
      %add3A_1651 = arith.constant 4.800000e+01 : f32
      %add3A_1652 = vector.broadcast %add3A_1651 : f32 to vector<16xf32>
      %add3A_1653 = arith.addf %convert_element_type3A_89, %add3A_1652 : vector<16xf32>
      %sub3A_1654 = arith.constant 3.100000e+01 : f32
      %sub3A_1655 = vector.broadcast %sub3A_1654 : f32 to vector<16xf32>
      %sub3A_1656 = arith.subf %sub3A_1655, %add3A_1653 : vector<16xf32>
      %mul3A_1657 = arith.mulf %sub3A_1656, %sub3A_1656 : vector<16xf32>
      %add3A_1658 = arith.addf %gather3A_1623, %mul3A_1657 : vector<16xf32>
      %min3A_1659 = arith.minimumf %min3A_1611, %add3A_1658 : vector<16xf32>
      %broadcast_in_dim3A_1660 = arith.constant 0 : i32
      %broadcast_in_dim3A_1661 = vector.broadcast %broadcast_in_dim3A_1660 : i32 to vector<16xi32>
      %lt3A_1662 = arith.constant 0 : i32
      %lt3A_1663 = vector.broadcast %lt3A_1662 : i32 to vector<16xi32>
      %lt3A_1664 = arith.cmpi slt, %broadcast_in_dim3A_1661, %lt3A_1663 : vector<16xi32>
      %add3A_1665 = arith.constant 16 : i32
      %add3A_1666 = vector.broadcast %add3A_1665 : i32 to vector<16xi32>
      %add3A_1667 = arith.addi %broadcast_in_dim3A_1661, %add3A_1666 : vector<16xi32>
      %select_n3A_1668 = arith.select %lt3A_1664, %add3A_1667, %broadcast_in_dim3A_1661 : vector<16xi1>, vector<16xi32>
      %broadcast_in_dim3A_1669 = vector.shape_cast %select_n3A_1668 : vector<16xi32> to vector<16x1xi32>
      %gather3A_1670 = vector.shape_cast %broadcast_in_dim3A_1669 : vector<16x1xi32> to vector<16xi32>
      %gather3A_1671 = tpu.dynamic_gather %get3A_113[%gather3A_1670] in [0] : vector<16xf32>, vector<16xi32> -> vector<16xf32>
      %add3A_1672 = arith.constant 0.000000e+00 : f32
      %add3A_1673 = vector.broadcast %add3A_1672 : f32 to vector<16xf32>
      %add3A_1674 = arith.addf %convert_element_type3A_89, %add3A_1673 : vector<16xf32>
      %sub3A_1675 = arith.constant 3.200000e+01 : f32
      %sub3A_1676 = vector.broadcast %sub3A_1675 : f32 to vector<16xf32>
      %sub3A_1677 = arith.subf %sub3A_1676, %add3A_1674 : vector<16xf32>
      %mul3A_1678 = arith.mulf %sub3A_1677, %sub3A_1677 : vector<16xf32>
      %add3A_1679 = arith.addf %gather3A_1671, %mul3A_1678 : vector<16xf32>
      %min3A_1680 = arith.minimumf %min3A_1632, %add3A_1679 : vector<16xf32>
      %add3A_1681 = arith.constant 1.600000e+01 : f32
      %add3A_1682 = vector.broadcast %add3A_1681 : f32 to vector<16xf32>
      %add3A_1683 = arith.addf %convert_element_type3A_89, %add3A_1682 : vector<16xf32>
      %sub3A_1684 = arith.constant 3.200000e+01 : f32
      %sub3A_1685 = vector.broadcast %sub3A_1684 : f32 to vector<16xf32>
      %sub3A_1686 = arith.subf %sub3A_1685, %add3A_1683 : vector<16xf32>
      %mul3A_1687 = arith.mulf %sub3A_1686, %sub3A_1686 : vector<16xf32>
      %add3A_1688 = arith.addf %gather3A_1671, %mul3A_1687 : vector<16xf32>
      %min3A_1689 = arith.minimumf %min3A_1641, %add3A_1688 : vector<16xf32>
      %add3A_1690 = arith.constant 3.200000e+01 : f32
      %add3A_1691 = vector.broadcast %add3A_1690 : f32 to vector<16xf32>
      %add3A_1692 = arith.addf %convert_element_type3A_89, %add3A_1691 : vector<16xf32>
      %sub3A_1693 = arith.constant 3.200000e+01 : f32
      %sub3A_1694 = vector.broadcast %sub3A_1693 : f32 to vector<16xf32>
      %sub3A_1695 = arith.subf %sub3A_1694, %add3A_1692 : vector<16xf32>
      %mul3A_1696 = arith.mulf %sub3A_1695, %sub3A_1695 : vector<16xf32>
      %add3A_1697 = arith.addf %gather3A_1671, %mul3A_1696 : vector<16xf32>
      %min3A_1698 = arith.minimumf %min3A_1650, %add3A_1697 : vector<16xf32>
      %add3A_1699 = arith.constant 4.800000e+01 : f32
      %add3A_1700 = vector.broadcast %add3A_1699 : f32 to vector<16xf32>
      %add3A_1701 = arith.addf %convert_element_type3A_89, %add3A_1700 : vector<16xf32>
      %sub3A_1702 = arith.constant 3.200000e+01 : f32
      %sub3A_1703 = vector.broadcast %sub3A_1702 : f32 to vector<16xf32>
      %sub3A_1704 = arith.subf %sub3A_1703, %add3A_1701 : vector<16xf32>
      %mul3A_1705 = arith.mulf %sub3A_1704, %sub3A_1704 : vector<16xf32>
      %add3A_1706 = arith.addf %gather3A_1671, %mul3A_1705 : vector<16xf32>
      %min3A_1707 = arith.minimumf %min3A_1659, %add3A_1706 : vector<16xf32>
      %broadcast_in_dim3A_1708 = arith.constant 1 : i32
      %broadcast_in_dim3A_1709 = vector.broadcast %broadcast_in_dim3A_1708 : i32 to vector<16xi32>
      %lt3A_1710 = arith.constant 0 : i32
      %lt3A_1711 = vector.broadcast %lt3A_1710 : i32 to vector<16xi32>
      %lt3A_1712 = arith.cmpi slt, %broadcast_in_dim3A_1709, %lt3A_1711 : vector<16xi32>
      %add3A_1713 = arith.constant 16 : i32
      %add3A_1714 = vector.broadcast %add3A_1713 : i32 to vector<16xi32>
      %add3A_1715 = arith.addi %broadcast_in_dim3A_1709, %add3A_1714 : vector<16xi32>
      %select_n3A_1716 = arith.select %lt3A_1712, %add3A_1715, %broadcast_in_dim3A_1709 : vector<16xi1>, vector<16xi32>
      %broadcast_in_dim3A_1717 = vector.shape_cast %select_n3A_1716 : vector<16xi32> to vector<16x1xi32>
      %gather3A_1718 = vector.shape_cast %broadcast_in_dim3A_1717 : vector<16x1xi32> to vector<16xi32>
      %gather3A_1719 = tpu.dynamic_gather %get3A_113[%gather3A_1718] in [0] : vector<16xf32>, vector<16xi32> -> vector<16xf32>
      %add3A_1720 = arith.constant 0.000000e+00 : f32
      %add3A_1721 = vector.broadcast %add3A_1720 : f32 to vector<16xf32>
      %add3A_1722 = arith.addf %convert_element_type3A_89, %add3A_1721 : vector<16xf32>
      %sub3A_1723 = arith.constant 3.300000e+01 : f32
      %sub3A_1724 = vector.broadcast %sub3A_1723 : f32 to vector<16xf32>
      %sub3A_1725 = arith.subf %sub3A_1724, %add3A_1722 : vector<16xf32>
      %mul3A_1726 = arith.mulf %sub3A_1725, %sub3A_1725 : vector<16xf32>
      %add3A_1727 = arith.addf %gather3A_1719, %mul3A_1726 : vector<16xf32>
      %min3A_1728 = arith.minimumf %min3A_1680, %add3A_1727 : vector<16xf32>
      %add3A_1729 = arith.constant 1.600000e+01 : f32
      %add3A_1730 = vector.broadcast %add3A_1729 : f32 to vector<16xf32>
      %add3A_1731 = arith.addf %convert_element_type3A_89, %add3A_1730 : vector<16xf32>
      %sub3A_1732 = arith.constant 3.300000e+01 : f32
      %sub3A_1733 = vector.broadcast %sub3A_1732 : f32 to vector<16xf32>
      %sub3A_1734 = arith.subf %sub3A_1733, %add3A_1731 : vector<16xf32>
      %mul3A_1735 = arith.mulf %sub3A_1734, %sub3A_1734 : vector<16xf32>
      %add3A_1736 = arith.addf %gather3A_1719, %mul3A_1735 : vector<16xf32>
      %min3A_1737 = arith.minimumf %min3A_1689, %add3A_1736 : vector<16xf32>
      %add3A_1738 = arith.constant 3.200000e+01 : f32
      %add3A_1739 = vector.broadcast %add3A_1738 : f32 to vector<16xf32>
      %add3A_1740 = arith.addf %convert_element_type3A_89, %add3A_1739 : vector<16xf32>
      %sub3A_1741 = arith.constant 3.300000e+01 : f32
      %sub3A_1742 = vector.broadcast %sub3A_1741 : f32 to vector<16xf32>
      %sub3A_1743 = arith.subf %sub3A_1742, %add3A_1740 : vector<16xf32>
      %mul3A_1744 = arith.mulf %sub3A_1743, %sub3A_1743 : vector<16xf32>
      %add3A_1745 = arith.addf %gather3A_1719, %mul3A_1744 : vector<16xf32>
      %min3A_1746 = arith.minimumf %min3A_1698, %add3A_1745 : vector<16xf32>
      %add3A_1747 = arith.constant 4.800000e+01 : f32
      %add3A_1748 = vector.broadcast %add3A_1747 : f32 to vector<16xf32>
      %add3A_1749 = arith.addf %convert_element_type3A_89, %add3A_1748 : vector<16xf32>
      %sub3A_1750 = arith.constant 3.300000e+01 : f32
      %sub3A_1751 = vector.broadcast %sub3A_1750 : f32 to vector<16xf32>
      %sub3A_1752 = arith.subf %sub3A_1751, %add3A_1749 : vector<16xf32>
      %mul3A_1753 = arith.mulf %sub3A_1752, %sub3A_1752 : vector<16xf32>
      %add3A_1754 = arith.addf %gather3A_1719, %mul3A_1753 : vector<16xf32>
      %min3A_1755 = arith.minimumf %min3A_1707, %add3A_1754 : vector<16xf32>
      %broadcast_in_dim3A_1756 = arith.constant 2 : i32
      %broadcast_in_dim3A_1757 = vector.broadcast %broadcast_in_dim3A_1756 : i32 to vector<16xi32>
      %lt3A_1758 = arith.constant 0 : i32
      %lt3A_1759 = vector.broadcast %lt3A_1758 : i32 to vector<16xi32>
      %lt3A_1760 = arith.cmpi slt, %broadcast_in_dim3A_1757, %lt3A_1759 : vector<16xi32>
      %add3A_1761 = arith.constant 16 : i32
      %add3A_1762 = vector.broadcast %add3A_1761 : i32 to vector<16xi32>
      %add3A_1763 = arith.addi %broadcast_in_dim3A_1757, %add3A_1762 : vector<16xi32>
      %select_n3A_1764 = arith.select %lt3A_1760, %add3A_1763, %broadcast_in_dim3A_1757 : vector<16xi1>, vector<16xi32>
      %broadcast_in_dim3A_1765 = vector.shape_cast %select_n3A_1764 : vector<16xi32> to vector<16x1xi32>
      %gather3A_1766 = vector.shape_cast %broadcast_in_dim3A_1765 : vector<16x1xi32> to vector<16xi32>
      %gather3A_1767 = tpu.dynamic_gather %get3A_113[%gather3A_1766] in [0] : vector<16xf32>, vector<16xi32> -> vector<16xf32>
      %add3A_1768 = arith.constant 0.000000e+00 : f32
      %add3A_1769 = vector.broadcast %add3A_1768 : f32 to vector<16xf32>
      %add3A_1770 = arith.addf %convert_element_type3A_89, %add3A_1769 : vector<16xf32>
      %sub3A_1771 = arith.constant 3.400000e+01 : f32
      %sub3A_1772 = vector.broadcast %sub3A_1771 : f32 to vector<16xf32>
      %sub3A_1773 = arith.subf %sub3A_1772, %add3A_1770 : vector<16xf32>
      %mul3A_1774 = arith.mulf %sub3A_1773, %sub3A_1773 : vector<16xf32>
      %add3A_1775 = arith.addf %gather3A_1767, %mul3A_1774 : vector<16xf32>
      %min3A_1776 = arith.minimumf %min3A_1728, %add3A_1775 : vector<16xf32>
      %add3A_1777 = arith.constant 1.600000e+01 : f32
      %add3A_1778 = vector.broadcast %add3A_1777 : f32 to vector<16xf32>
      %add3A_1779 = arith.addf %convert_element_type3A_89, %add3A_1778 : vector<16xf32>
      %sub3A_1780 = arith.constant 3.400000e+01 : f32
      %sub3A_1781 = vector.broadcast %sub3A_1780 : f32 to vector<16xf32>
      %sub3A_1782 = arith.subf %sub3A_1781, %add3A_1779 : vector<16xf32>
      %mul3A_1783 = arith.mulf %sub3A_1782, %sub3A_1782 : vector<16xf32>
      %add3A_1784 = arith.addf %gather3A_1767, %mul3A_1783 : vector<16xf32>
      %min3A_1785 = arith.minimumf %min3A_1737, %add3A_1784 : vector<16xf32>
      %add3A_1786 = arith.constant 3.200000e+01 : f32
      %add3A_1787 = vector.broadcast %add3A_1786 : f32 to vector<16xf32>
      %add3A_1788 = arith.addf %convert_element_type3A_89, %add3A_1787 : vector<16xf32>
      %sub3A_1789 = arith.constant 3.400000e+01 : f32
      %sub3A_1790 = vector.broadcast %sub3A_1789 : f32 to vector<16xf32>
      %sub3A_1791 = arith.subf %sub3A_1790, %add3A_1788 : vector<16xf32>
      %mul3A_1792 = arith.mulf %sub3A_1791, %sub3A_1791 : vector<16xf32>
      %add3A_1793 = arith.addf %gather3A_1767, %mul3A_1792 : vector<16xf32>
      %min3A_1794 = arith.minimumf %min3A_1746, %add3A_1793 : vector<16xf32>
      %add3A_1795 = arith.constant 4.800000e+01 : f32
      %add3A_1796 = vector.broadcast %add3A_1795 : f32 to vector<16xf32>
      %add3A_1797 = arith.addf %convert_element_type3A_89, %add3A_1796 : vector<16xf32>
      %sub3A_1798 = arith.constant 3.400000e+01 : f32
      %sub3A_1799 = vector.broadcast %sub3A_1798 : f32 to vector<16xf32>
      %sub3A_1800 = arith.subf %sub3A_1799, %add3A_1797 : vector<16xf32>
      %mul3A_1801 = arith.mulf %sub3A_1800, %sub3A_1800 : vector<16xf32>
      %add3A_1802 = arith.addf %gather3A_1767, %mul3A_1801 : vector<16xf32>
      %min3A_1803 = arith.minimumf %min3A_1755, %add3A_1802 : vector<16xf32>
      %broadcast_in_dim3A_1804 = arith.constant 3 : i32
      %broadcast_in_dim3A_1805 = vector.broadcast %broadcast_in_dim3A_1804 : i32 to vector<16xi32>
      %lt3A_1806 = arith.constant 0 : i32
      %lt3A_1807 = vector.broadcast %lt3A_1806 : i32 to vector<16xi32>
      %lt3A_1808 = arith.cmpi slt, %broadcast_in_dim3A_1805, %lt3A_1807 : vector<16xi32>
      %add3A_1809 = arith.constant 16 : i32
      %add3A_1810 = vector.broadcast %add3A_1809 : i32 to vector<16xi32>
      %add3A_1811 = arith.addi %broadcast_in_dim3A_1805, %add3A_1810 : vector<16xi32>
      %select_n3A_1812 = arith.select %lt3A_1808, %add3A_1811, %broadcast_in_dim3A_1805 : vector<16xi1>, vector<16xi32>
      %broadcast_in_dim3A_1813 = vector.shape_cast %select_n3A_1812 : vector<16xi32> to vector<16x1xi32>
      %gather3A_1814 = vector.shape_cast %broadcast_in_dim3A_1813 : vector<16x1xi32> to vector<16xi32>
      %gather3A_1815 = tpu.dynamic_gather %get3A_113[%gather3A_1814] in [0] : vector<16xf32>, vector<16xi32> -> vector<16xf32>
      %add3A_1816 = arith.constant 0.000000e+00 : f32
      %add3A_1817 = vector.broadcast %add3A_1816 : f32 to vector<16xf32>
      %add3A_1818 = arith.addf %convert_element_type3A_89, %add3A_1817 : vector<16xf32>
      %sub3A_1819 = arith.constant 3.500000e+01 : f32
      %sub3A_1820 = vector.broadcast %sub3A_1819 : f32 to vector<16xf32>
      %sub3A_1821 = arith.subf %sub3A_1820, %add3A_1818 : vector<16xf32>
      %mul3A_1822 = arith.mulf %sub3A_1821, %sub3A_1821 : vector<16xf32>
      %add3A_1823 = arith.addf %gather3A_1815, %mul3A_1822 : vector<16xf32>
      %min3A_1824 = arith.minimumf %min3A_1776, %add3A_1823 : vector<16xf32>
      %add3A_1825 = arith.constant 1.600000e+01 : f32
      %add3A_1826 = vector.broadcast %add3A_1825 : f32 to vector<16xf32>
      %add3A_1827 = arith.addf %convert_element_type3A_89, %add3A_1826 : vector<16xf32>
      %sub3A_1828 = arith.constant 3.500000e+01 : f32
      %sub3A_1829 = vector.broadcast %sub3A_1828 : f32 to vector<16xf32>
      %sub3A_1830 = arith.subf %sub3A_1829, %add3A_1827 : vector<16xf32>
      %mul3A_1831 = arith.mulf %sub3A_1830, %sub3A_1830 : vector<16xf32>
      %add3A_1832 = arith.addf %gather3A_1815, %mul3A_1831 : vector<16xf32>
      %min3A_1833 = arith.minimumf %min3A_1785, %add3A_1832 : vector<16xf32>
      %add3A_1834 = arith.constant 3.200000e+01 : f32
      %add3A_1835 = vector.broadcast %add3A_1834 : f32 to vector<16xf32>
      %add3A_1836 = arith.addf %convert_element_type3A_89, %add3A_1835 : vector<16xf32>
      %sub3A_1837 = arith.constant 3.500000e+01 : f32
      %sub3A_1838 = vector.broadcast %sub3A_1837 : f32 to vector<16xf32>
      %sub3A_1839 = arith.subf %sub3A_1838, %add3A_1836 : vector<16xf32>
      %mul3A_1840 = arith.mulf %sub3A_1839, %sub3A_1839 : vector<16xf32>
      %add3A_1841 = arith.addf %gather3A_1815, %mul3A_1840 : vector<16xf32>
      %min3A_1842 = arith.minimumf %min3A_1794, %add3A_1841 : vector<16xf32>
      %add3A_1843 = arith.constant 4.800000e+01 : f32
      %add3A_1844 = vector.broadcast %add3A_1843 : f32 to vector<16xf32>
      %add3A_1845 = arith.addf %convert_element_type3A_89, %add3A_1844 : vector<16xf32>
      %sub3A_1846 = arith.constant 3.500000e+01 : f32
      %sub3A_1847 = vector.broadcast %sub3A_1846 : f32 to vector<16xf32>
      %sub3A_1848 = arith.subf %sub3A_1847, %add3A_1845 : vector<16xf32>
      %mul3A_1849 = arith.mulf %sub3A_1848, %sub3A_1848 : vector<16xf32>
      %add3A_1850 = arith.addf %gather3A_1815, %mul3A_1849 : vector<16xf32>
      %min3A_1851 = arith.minimumf %min3A_1803, %add3A_1850 : vector<16xf32>
      %broadcast_in_dim3A_1852 = arith.constant 4 : i32
      %broadcast_in_dim3A_1853 = vector.broadcast %broadcast_in_dim3A_1852 : i32 to vector<16xi32>
      %lt3A_1854 = arith.constant 0 : i32
      %lt3A_1855 = vector.broadcast %lt3A_1854 : i32 to vector<16xi32>
      %lt3A_1856 = arith.cmpi slt, %broadcast_in_dim3A_1853, %lt3A_1855 : vector<16xi32>
      %add3A_1857 = arith.constant 16 : i32
      %add3A_1858 = vector.broadcast %add3A_1857 : i32 to vector<16xi32>
      %add3A_1859 = arith.addi %broadcast_in_dim3A_1853, %add3A_1858 : vector<16xi32>
      %select_n3A_1860 = arith.select %lt3A_1856, %add3A_1859, %broadcast_in_dim3A_1853 : vector<16xi1>, vector<16xi32>
      %broadcast_in_dim3A_1861 = vector.shape_cast %select_n3A_1860 : vector<16xi32> to vector<16x1xi32>
      %gather3A_1862 = vector.shape_cast %broadcast_in_dim3A_1861 : vector<16x1xi32> to vector<16xi32>
      %gather3A_1863 = tpu.dynamic_gather %get3A_113[%gather3A_1862] in [0] : vector<16xf32>, vector<16xi32> -> vector<16xf32>
      %add3A_1864 = arith.constant 0.000000e+00 : f32
      %add3A_1865 = vector.broadcast %add3A_1864 : f32 to vector<16xf32>
      %add3A_1866 = arith.addf %convert_element_type3A_89, %add3A_1865 : vector<16xf32>
      %sub3A_1867 = arith.constant 3.600000e+01 : f32
      %sub3A_1868 = vector.broadcast %sub3A_1867 : f32 to vector<16xf32>
      %sub3A_1869 = arith.subf %sub3A_1868, %add3A_1866 : vector<16xf32>
      %mul3A_1870 = arith.mulf %sub3A_1869, %sub3A_1869 : vector<16xf32>
      %add3A_1871 = arith.addf %gather3A_1863, %mul3A_1870 : vector<16xf32>
      %min3A_1872 = arith.minimumf %min3A_1824, %add3A_1871 : vector<16xf32>
      %add3A_1873 = arith.constant 1.600000e+01 : f32
      %add3A_1874 = vector.broadcast %add3A_1873 : f32 to vector<16xf32>
      %add3A_1875 = arith.addf %convert_element_type3A_89, %add3A_1874 : vector<16xf32>
      %sub3A_1876 = arith.constant 3.600000e+01 : f32
      %sub3A_1877 = vector.broadcast %sub3A_1876 : f32 to vector<16xf32>
      %sub3A_1878 = arith.subf %sub3A_1877, %add3A_1875 : vector<16xf32>
      %mul3A_1879 = arith.mulf %sub3A_1878, %sub3A_1878 : vector<16xf32>
      %add3A_1880 = arith.addf %gather3A_1863, %mul3A_1879 : vector<16xf32>
      %min3A_1881 = arith.minimumf %min3A_1833, %add3A_1880 : vector<16xf32>
      %add3A_1882 = arith.constant 3.200000e+01 : f32
      %add3A_1883 = vector.broadcast %add3A_1882 : f32 to vector<16xf32>
      %add3A_1884 = arith.addf %convert_element_type3A_89, %add3A_1883 : vector<16xf32>
      %sub3A_1885 = arith.constant 3.600000e+01 : f32
      %sub3A_1886 = vector.broadcast %sub3A_1885 : f32 to vector<16xf32>
      %sub3A_1887 = arith.subf %sub3A_1886, %add3A_1884 : vector<16xf32>
      %mul3A_1888 = arith.mulf %sub3A_1887, %sub3A_1887 : vector<16xf32>
      %add3A_1889 = arith.addf %gather3A_1863, %mul3A_1888 : vector<16xf32>
      %min3A_1890 = arith.minimumf %min3A_1842, %add3A_1889 : vector<16xf32>
      %add3A_1891 = arith.constant 4.800000e+01 : f32
      %add3A_1892 = vector.broadcast %add3A_1891 : f32 to vector<16xf32>
      %add3A_1893 = arith.addf %convert_element_type3A_89, %add3A_1892 : vector<16xf32>
      %sub3A_1894 = arith.constant 3.600000e+01 : f32
      %sub3A_1895 = vector.broadcast %sub3A_1894 : f32 to vector<16xf32>
      %sub3A_1896 = arith.subf %sub3A_1895, %add3A_1893 : vector<16xf32>
      %mul3A_1897 = arith.mulf %sub3A_1896, %sub3A_1896 : vector<16xf32>
      %add3A_1898 = arith.addf %gather3A_1863, %mul3A_1897 : vector<16xf32>
      %min3A_1899 = arith.minimumf %min3A_1851, %add3A_1898 : vector<16xf32>
      %broadcast_in_dim3A_1900 = arith.constant 5 : i32
      %broadcast_in_dim3A_1901 = vector.broadcast %broadcast_in_dim3A_1900 : i32 to vector<16xi32>
      %lt3A_1902 = arith.constant 0 : i32
      %lt3A_1903 = vector.broadcast %lt3A_1902 : i32 to vector<16xi32>
      %lt3A_1904 = arith.cmpi slt, %broadcast_in_dim3A_1901, %lt3A_1903 : vector<16xi32>
      %add3A_1905 = arith.constant 16 : i32
      %add3A_1906 = vector.broadcast %add3A_1905 : i32 to vector<16xi32>
      %add3A_1907 = arith.addi %broadcast_in_dim3A_1901, %add3A_1906 : vector<16xi32>
      %select_n3A_1908 = arith.select %lt3A_1904, %add3A_1907, %broadcast_in_dim3A_1901 : vector<16xi1>, vector<16xi32>
      %broadcast_in_dim3A_1909 = vector.shape_cast %select_n3A_1908 : vector<16xi32> to vector<16x1xi32>
      %gather3A_1910 = vector.shape_cast %broadcast_in_dim3A_1909 : vector<16x1xi32> to vector<16xi32>
      %gather3A_1911 = tpu.dynamic_gather %get3A_113[%gather3A_1910] in [0] : vector<16xf32>, vector<16xi32> -> vector<16xf32>
      %add3A_1912 = arith.constant 0.000000e+00 : f32
      %add3A_1913 = vector.broadcast %add3A_1912 : f32 to vector<16xf32>
      %add3A_1914 = arith.addf %convert_element_type3A_89, %add3A_1913 : vector<16xf32>
      %sub3A_1915 = arith.constant 3.700000e+01 : f32
      %sub3A_1916 = vector.broadcast %sub3A_1915 : f32 to vector<16xf32>
      %sub3A_1917 = arith.subf %sub3A_1916, %add3A_1914 : vector<16xf32>
      %mul3A_1918 = arith.mulf %sub3A_1917, %sub3A_1917 : vector<16xf32>
      %add3A_1919 = arith.addf %gather3A_1911, %mul3A_1918 : vector<16xf32>
      %min3A_1920 = arith.minimumf %min3A_1872, %add3A_1919 : vector<16xf32>
      %add3A_1921 = arith.constant 1.600000e+01 : f32
      %add3A_1922 = vector.broadcast %add3A_1921 : f32 to vector<16xf32>
      %add3A_1923 = arith.addf %convert_element_type3A_89, %add3A_1922 : vector<16xf32>
      %sub3A_1924 = arith.constant 3.700000e+01 : f32
      %sub3A_1925 = vector.broadcast %sub3A_1924 : f32 to vector<16xf32>
      %sub3A_1926 = arith.subf %sub3A_1925, %add3A_1923 : vector<16xf32>
      %mul3A_1927 = arith.mulf %sub3A_1926, %sub3A_1926 : vector<16xf32>
      %add3A_1928 = arith.addf %gather3A_1911, %mul3A_1927 : vector<16xf32>
      %min3A_1929 = arith.minimumf %min3A_1881, %add3A_1928 : vector<16xf32>
      %add3A_1930 = arith.constant 3.200000e+01 : f32
      %add3A_1931 = vector.broadcast %add3A_1930 : f32 to vector<16xf32>
      %add3A_1932 = arith.addf %convert_element_type3A_89, %add3A_1931 : vector<16xf32>
      %sub3A_1933 = arith.constant 3.700000e+01 : f32
      %sub3A_1934 = vector.broadcast %sub3A_1933 : f32 to vector<16xf32>
      %sub3A_1935 = arith.subf %sub3A_1934, %add3A_1932 : vector<16xf32>
      %mul3A_1936 = arith.mulf %sub3A_1935, %sub3A_1935 : vector<16xf32>
      %add3A_1937 = arith.addf %gather3A_1911, %mul3A_1936 : vector<16xf32>
      %min3A_1938 = arith.minimumf %min3A_1890, %add3A_1937 : vector<16xf32>
      %add3A_1939 = arith.constant 4.800000e+01 : f32
      %add3A_1940 = vector.broadcast %add3A_1939 : f32 to vector<16xf32>
      %add3A_1941 = arith.addf %convert_element_type3A_89, %add3A_1940 : vector<16xf32>
      %sub3A_1942 = arith.constant 3.700000e+01 : f32
      %sub3A_1943 = vector.broadcast %sub3A_1942 : f32 to vector<16xf32>
      %sub3A_1944 = arith.subf %sub3A_1943, %add3A_1941 : vector<16xf32>
      %mul3A_1945 = arith.mulf %sub3A_1944, %sub3A_1944 : vector<16xf32>
      %add3A_1946 = arith.addf %gather3A_1911, %mul3A_1945 : vector<16xf32>
      %min3A_1947 = arith.minimumf %min3A_1899, %add3A_1946 : vector<16xf32>
      %broadcast_in_dim3A_1948 = arith.constant 6 : i32
      %broadcast_in_dim3A_1949 = vector.broadcast %broadcast_in_dim3A_1948 : i32 to vector<16xi32>
      %lt3A_1950 = arith.constant 0 : i32
      %lt3A_1951 = vector.broadcast %lt3A_1950 : i32 to vector<16xi32>
      %lt3A_1952 = arith.cmpi slt, %broadcast_in_dim3A_1949, %lt3A_1951 : vector<16xi32>
      %add3A_1953 = arith.constant 16 : i32
      %add3A_1954 = vector.broadcast %add3A_1953 : i32 to vector<16xi32>
      %add3A_1955 = arith.addi %broadcast_in_dim3A_1949, %add3A_1954 : vector<16xi32>
      %select_n3A_1956 = arith.select %lt3A_1952, %add3A_1955, %broadcast_in_dim3A_1949 : vector<16xi1>, vector<16xi32>
      %broadcast_in_dim3A_1957 = vector.shape_cast %select_n3A_1956 : vector<16xi32> to vector<16x1xi32>
      %gather3A_1958 = vector.shape_cast %broadcast_in_dim3A_1957 : vector<16x1xi32> to vector<16xi32>
      %gather3A_1959 = tpu.dynamic_gather %get3A_113[%gather3A_1958] in [0] : vector<16xf32>, vector<16xi32> -> vector<16xf32>
      %add3A_1960 = arith.constant 0.000000e+00 : f32
      %add3A_1961 = vector.broadcast %add3A_1960 : f32 to vector<16xf32>
      %add3A_1962 = arith.addf %convert_element_type3A_89, %add3A_1961 : vector<16xf32>
      %sub3A_1963 = arith.constant 3.800000e+01 : f32
      %sub3A_1964 = vector.broadcast %sub3A_1963 : f32 to vector<16xf32>
      %sub3A_1965 = arith.subf %sub3A_1964, %add3A_1962 : vector<16xf32>
      %mul3A_1966 = arith.mulf %sub3A_1965, %sub3A_1965 : vector<16xf32>
      %add3A_1967 = arith.addf %gather3A_1959, %mul3A_1966 : vector<16xf32>
      %min3A_1968 = arith.minimumf %min3A_1920, %add3A_1967 : vector<16xf32>
      %add3A_1969 = arith.constant 1.600000e+01 : f32
      %add3A_1970 = vector.broadcast %add3A_1969 : f32 to vector<16xf32>
      %add3A_1971 = arith.addf %convert_element_type3A_89, %add3A_1970 : vector<16xf32>
      %sub3A_1972 = arith.constant 3.800000e+01 : f32
      %sub3A_1973 = vector.broadcast %sub3A_1972 : f32 to vector<16xf32>
      %sub3A_1974 = arith.subf %sub3A_1973, %add3A_1971 : vector<16xf32>
      %mul3A_1975 = arith.mulf %sub3A_1974, %sub3A_1974 : vector<16xf32>
      %add3A_1976 = arith.addf %gather3A_1959, %mul3A_1975 : vector<16xf32>
      %min3A_1977 = arith.minimumf %min3A_1929, %add3A_1976 : vector<16xf32>
      %add3A_1978 = arith.constant 3.200000e+01 : f32
      %add3A_1979 = vector.broadcast %add3A_1978 : f32 to vector<16xf32>
      %add3A_1980 = arith.addf %convert_element_type3A_89, %add3A_1979 : vector<16xf32>
      %sub3A_1981 = arith.constant 3.800000e+01 : f32
      %sub3A_1982 = vector.broadcast %sub3A_1981 : f32 to vector<16xf32>
      %sub3A_1983 = arith.subf %sub3A_1982, %add3A_1980 : vector<16xf32>
      %mul3A_1984 = arith.mulf %sub3A_1983, %sub3A_1983 : vector<16xf32>
      %add3A_1985 = arith.addf %gather3A_1959, %mul3A_1984 : vector<16xf32>
      %min3A_1986 = arith.minimumf %min3A_1938, %add3A_1985 : vector<16xf32>
      %add3A_1987 = arith.constant 4.800000e+01 : f32
      %add3A_1988 = vector.broadcast %add3A_1987 : f32 to vector<16xf32>
      %add3A_1989 = arith.addf %convert_element_type3A_89, %add3A_1988 : vector<16xf32>
      %sub3A_1990 = arith.constant 3.800000e+01 : f32
      %sub3A_1991 = vector.broadcast %sub3A_1990 : f32 to vector<16xf32>
      %sub3A_1992 = arith.subf %sub3A_1991, %add3A_1989 : vector<16xf32>
      %mul3A_1993 = arith.mulf %sub3A_1992, %sub3A_1992 : vector<16xf32>
      %add3A_1994 = arith.addf %gather3A_1959, %mul3A_1993 : vector<16xf32>
      %min3A_1995 = arith.minimumf %min3A_1947, %add3A_1994 : vector<16xf32>
      %broadcast_in_dim3A_1996 = arith.constant 7 : i32
      %broadcast_in_dim3A_1997 = vector.broadcast %broadcast_in_dim3A_1996 : i32 to vector<16xi32>
      %lt3A_1998 = arith.constant 0 : i32
      %lt3A_1999 = vector.broadcast %lt3A_1998 : i32 to vector<16xi32>
      %lt3A_2000 = arith.cmpi slt, %broadcast_in_dim3A_1997, %lt3A_1999 : vector<16xi32>
      %add3A_2001 = arith.constant 16 : i32
      %add3A_2002 = vector.broadcast %add3A_2001 : i32 to vector<16xi32>
      %add3A_2003 = arith.addi %broadcast_in_dim3A_1997, %add3A_2002 : vector<16xi32>
      %select_n3A_2004 = arith.select %lt3A_2000, %add3A_2003, %broadcast_in_dim3A_1997 : vector<16xi1>, vector<16xi32>
      %broadcast_in_dim3A_2005 = vector.shape_cast %select_n3A_2004 : vector<16xi32> to vector<16x1xi32>
      %gather3A_2006 = vector.shape_cast %broadcast_in_dim3A_2005 : vector<16x1xi32> to vector<16xi32>
      %gather3A_2007 = tpu.dynamic_gather %get3A_113[%gather3A_2006] in [0] : vector<16xf32>, vector<16xi32> -> vector<16xf32>
      %add3A_2008 = arith.constant 0.000000e+00 : f32
      %add3A_2009 = vector.broadcast %add3A_2008 : f32 to vector<16xf32>
      %add3A_2010 = arith.addf %convert_element_type3A_89, %add3A_2009 : vector<16xf32>
      %sub3A_2011 = arith.constant 3.900000e+01 : f32
      %sub3A_2012 = vector.broadcast %sub3A_2011 : f32 to vector<16xf32>
      %sub3A_2013 = arith.subf %sub3A_2012, %add3A_2010 : vector<16xf32>
      %mul3A_2014 = arith.mulf %sub3A_2013, %sub3A_2013 : vector<16xf32>
      %add3A_2015 = arith.addf %gather3A_2007, %mul3A_2014 : vector<16xf32>
      %min3A_2016 = arith.minimumf %min3A_1968, %add3A_2015 : vector<16xf32>
      %add3A_2017 = arith.constant 1.600000e+01 : f32
      %add3A_2018 = vector.broadcast %add3A_2017 : f32 to vector<16xf32>
      %add3A_2019 = arith.addf %convert_element_type3A_89, %add3A_2018 : vector<16xf32>
      %sub3A_2020 = arith.constant 3.900000e+01 : f32
      %sub3A_2021 = vector.broadcast %sub3A_2020 : f32 to vector<16xf32>
      %sub3A_2022 = arith.subf %sub3A_2021, %add3A_2019 : vector<16xf32>
      %mul3A_2023 = arith.mulf %sub3A_2022, %sub3A_2022 : vector<16xf32>
      %add3A_2024 = arith.addf %gather3A_2007, %mul3A_2023 : vector<16xf32>
      %min3A_2025 = arith.minimumf %min3A_1977, %add3A_2024 : vector<16xf32>
      %add3A_2026 = arith.constant 3.200000e+01 : f32
      %add3A_2027 = vector.broadcast %add3A_2026 : f32 to vector<16xf32>
      %add3A_2028 = arith.addf %convert_element_type3A_89, %add3A_2027 : vector<16xf32>
      %sub3A_2029 = arith.constant 3.900000e+01 : f32
      %sub3A_2030 = vector.broadcast %sub3A_2029 : f32 to vector<16xf32>
      %sub3A_2031 = arith.subf %sub3A_2030, %add3A_2028 : vector<16xf32>
      %mul3A_2032 = arith.mulf %sub3A_2031, %sub3A_2031 : vector<16xf32>
      %add3A_2033 = arith.addf %gather3A_2007, %mul3A_2032 : vector<16xf32>
      %min3A_2034 = arith.minimumf %min3A_1986, %add3A_2033 : vector<16xf32>
      %add3A_2035 = arith.constant 4.800000e+01 : f32
      %add3A_2036 = vector.broadcast %add3A_2035 : f32 to vector<16xf32>
      %add3A_2037 = arith.addf %convert_element_type3A_89, %add3A_2036 : vector<16xf32>
      %sub3A_2038 = arith.constant 3.900000e+01 : f32
      %sub3A_2039 = vector.broadcast %sub3A_2038 : f32 to vector<16xf32>
      %sub3A_2040 = arith.subf %sub3A_2039, %add3A_2037 : vector<16xf32>
      %mul3A_2041 = arith.mulf %sub3A_2040, %sub3A_2040 : vector<16xf32>
      %add3A_2042 = arith.addf %gather3A_2007, %mul3A_2041 : vector<16xf32>
      %min3A_2043 = arith.minimumf %min3A_1995, %add3A_2042 : vector<16xf32>
      %broadcast_in_dim3A_2044 = arith.constant 8 : i32
      %broadcast_in_dim3A_2045 = vector.broadcast %broadcast_in_dim3A_2044 : i32 to vector<16xi32>
      %lt3A_2046 = arith.constant 0 : i32
      %lt3A_2047 = vector.broadcast %lt3A_2046 : i32 to vector<16xi32>
      %lt3A_2048 = arith.cmpi slt, %broadcast_in_dim3A_2045, %lt3A_2047 : vector<16xi32>
      %add3A_2049 = arith.constant 16 : i32
      %add3A_2050 = vector.broadcast %add3A_2049 : i32 to vector<16xi32>
      %add3A_2051 = arith.addi %broadcast_in_dim3A_2045, %add3A_2050 : vector<16xi32>
      %select_n3A_2052 = arith.select %lt3A_2048, %add3A_2051, %broadcast_in_dim3A_2045 : vector<16xi1>, vector<16xi32>
      %broadcast_in_dim3A_2053 = vector.shape_cast %select_n3A_2052 : vector<16xi32> to vector<16x1xi32>
      %gather3A_2054 = vector.shape_cast %broadcast_in_dim3A_2053 : vector<16x1xi32> to vector<16xi32>
      %gather3A_2055 = tpu.dynamic_gather %get3A_113[%gather3A_2054] in [0] : vector<16xf32>, vector<16xi32> -> vector<16xf32>
      %add3A_2056 = arith.constant 0.000000e+00 : f32
      %add3A_2057 = vector.broadcast %add3A_2056 : f32 to vector<16xf32>
      %add3A_2058 = arith.addf %convert_element_type3A_89, %add3A_2057 : vector<16xf32>
      %sub3A_2059 = arith.constant 4.000000e+01 : f32
      %sub3A_2060 = vector.broadcast %sub3A_2059 : f32 to vector<16xf32>
      %sub3A_2061 = arith.subf %sub3A_2060, %add3A_2058 : vector<16xf32>
      %mul3A_2062 = arith.mulf %sub3A_2061, %sub3A_2061 : vector<16xf32>
      %add3A_2063 = arith.addf %gather3A_2055, %mul3A_2062 : vector<16xf32>
      %min3A_2064 = arith.minimumf %min3A_2016, %add3A_2063 : vector<16xf32>
      %add3A_2065 = arith.constant 1.600000e+01 : f32
      %add3A_2066 = vector.broadcast %add3A_2065 : f32 to vector<16xf32>
      %add3A_2067 = arith.addf %convert_element_type3A_89, %add3A_2066 : vector<16xf32>
      %sub3A_2068 = arith.constant 4.000000e+01 : f32
      %sub3A_2069 = vector.broadcast %sub3A_2068 : f32 to vector<16xf32>
      %sub3A_2070 = arith.subf %sub3A_2069, %add3A_2067 : vector<16xf32>
      %mul3A_2071 = arith.mulf %sub3A_2070, %sub3A_2070 : vector<16xf32>
      %add3A_2072 = arith.addf %gather3A_2055, %mul3A_2071 : vector<16xf32>
      %min3A_2073 = arith.minimumf %min3A_2025, %add3A_2072 : vector<16xf32>
      %add3A_2074 = arith.constant 3.200000e+01 : f32
      %add3A_2075 = vector.broadcast %add3A_2074 : f32 to vector<16xf32>
      %add3A_2076 = arith.addf %convert_element_type3A_89, %add3A_2075 : vector<16xf32>
      %sub3A_2077 = arith.constant 4.000000e+01 : f32
      %sub3A_2078 = vector.broadcast %sub3A_2077 : f32 to vector<16xf32>
      %sub3A_2079 = arith.subf %sub3A_2078, %add3A_2076 : vector<16xf32>
      %mul3A_2080 = arith.mulf %sub3A_2079, %sub3A_2079 : vector<16xf32>
      %add3A_2081 = arith.addf %gather3A_2055, %mul3A_2080 : vector<16xf32>
      %min3A_2082 = arith.minimumf %min3A_2034, %add3A_2081 : vector<16xf32>
      %add3A_2083 = arith.constant 4.800000e+01 : f32
      %add3A_2084 = vector.broadcast %add3A_2083 : f32 to vector<16xf32>
      %add3A_2085 = arith.addf %convert_element_type3A_89, %add3A_2084 : vector<16xf32>
      %sub3A_2086 = arith.constant 4.000000e+01 : f32
      %sub3A_2087 = vector.broadcast %sub3A_2086 : f32 to vector<16xf32>
      %sub3A_2088 = arith.subf %sub3A_2087, %add3A_2085 : vector<16xf32>
      %mul3A_2089 = arith.mulf %sub3A_2088, %sub3A_2088 : vector<16xf32>
      %add3A_2090 = arith.addf %gather3A_2055, %mul3A_2089 : vector<16xf32>
      %min3A_2091 = arith.minimumf %min3A_2043, %add3A_2090 : vector<16xf32>
      %broadcast_in_dim3A_2092 = arith.constant 9 : i32
      %broadcast_in_dim3A_2093 = vector.broadcast %broadcast_in_dim3A_2092 : i32 to vector<16xi32>
      %lt3A_2094 = arith.constant 0 : i32
      %lt3A_2095 = vector.broadcast %lt3A_2094 : i32 to vector<16xi32>
      %lt3A_2096 = arith.cmpi slt, %broadcast_in_dim3A_2093, %lt3A_2095 : vector<16xi32>
      %add3A_2097 = arith.constant 16 : i32
      %add3A_2098 = vector.broadcast %add3A_2097 : i32 to vector<16xi32>
      %add3A_2099 = arith.addi %broadcast_in_dim3A_2093, %add3A_2098 : vector<16xi32>
      %select_n3A_2100 = arith.select %lt3A_2096, %add3A_2099, %broadcast_in_dim3A_2093 : vector<16xi1>, vector<16xi32>
      %broadcast_in_dim3A_2101 = vector.shape_cast %select_n3A_2100 : vector<16xi32> to vector<16x1xi32>
      %gather3A_2102 = vector.shape_cast %broadcast_in_dim3A_2101 : vector<16x1xi32> to vector<16xi32>
      %gather3A_2103 = tpu.dynamic_gather %get3A_113[%gather3A_2102] in [0] : vector<16xf32>, vector<16xi32> -> vector<16xf32>
      %add3A_2104 = arith.constant 0.000000e+00 : f32
      %add3A_2105 = vector.broadcast %add3A_2104 : f32 to vector<16xf32>
      %add3A_2106 = arith.addf %convert_element_type3A_89, %add3A_2105 : vector<16xf32>
      %sub3A_2107 = arith.constant 4.100000e+01 : f32
      %sub3A_2108 = vector.broadcast %sub3A_2107 : f32 to vector<16xf32>
      %sub3A_2109 = arith.subf %sub3A_2108, %add3A_2106 : vector<16xf32>
      %mul3A_2110 = arith.mulf %sub3A_2109, %sub3A_2109 : vector<16xf32>
      %add3A_2111 = arith.addf %gather3A_2103, %mul3A_2110 : vector<16xf32>
      %min3A_2112 = arith.minimumf %min3A_2064, %add3A_2111 : vector<16xf32>
      %add3A_2113 = arith.constant 1.600000e+01 : f32
      %add3A_2114 = vector.broadcast %add3A_2113 : f32 to vector<16xf32>
      %add3A_2115 = arith.addf %convert_element_type3A_89, %add3A_2114 : vector<16xf32>
      %sub3A_2116 = arith.constant 4.100000e+01 : f32
      %sub3A_2117 = vector.broadcast %sub3A_2116 : f32 to vector<16xf32>
      %sub3A_2118 = arith.subf %sub3A_2117, %add3A_2115 : vector<16xf32>
      %mul3A_2119 = arith.mulf %sub3A_2118, %sub3A_2118 : vector<16xf32>
      %add3A_2120 = arith.addf %gather3A_2103, %mul3A_2119 : vector<16xf32>
      %min3A_2121 = arith.minimumf %min3A_2073, %add3A_2120 : vector<16xf32>
      %add3A_2122 = arith.constant 3.200000e+01 : f32
      %add3A_2123 = vector.broadcast %add3A_2122 : f32 to vector<16xf32>
      %add3A_2124 = arith.addf %convert_element_type3A_89, %add3A_2123 : vector<16xf32>
      %sub3A_2125 = arith.constant 4.100000e+01 : f32
      %sub3A_2126 = vector.broadcast %sub3A_2125 : f32 to vector<16xf32>
      %sub3A_2127 = arith.subf %sub3A_2126, %add3A_2124 : vector<16xf32>
      %mul3A_2128 = arith.mulf %sub3A_2127, %sub3A_2127 : vector<16xf32>
      %add3A_2129 = arith.addf %gather3A_2103, %mul3A_2128 : vector<16xf32>
      %min3A_2130 = arith.minimumf %min3A_2082, %add3A_2129 : vector<16xf32>
      %add3A_2131 = arith.constant 4.800000e+01 : f32
      %add3A_2132 = vector.broadcast %add3A_2131 : f32 to vector<16xf32>
      %add3A_2133 = arith.addf %convert_element_type3A_89, %add3A_2132 : vector<16xf32>
      %sub3A_2134 = arith.constant 4.100000e+01 : f32
      %sub3A_2135 = vector.broadcast %sub3A_2134 : f32 to vector<16xf32>
      %sub3A_2136 = arith.subf %sub3A_2135, %add3A_2133 : vector<16xf32>
      %mul3A_2137 = arith.mulf %sub3A_2136, %sub3A_2136 : vector<16xf32>
      %add3A_2138 = arith.addf %gather3A_2103, %mul3A_2137 : vector<16xf32>
      %min3A_2139 = arith.minimumf %min3A_2091, %add3A_2138 : vector<16xf32>
      %broadcast_in_dim3A_2140 = arith.constant 10 : i32
      %broadcast_in_dim3A_2141 = vector.broadcast %broadcast_in_dim3A_2140 : i32 to vector<16xi32>
      %lt3A_2142 = arith.constant 0 : i32
      %lt3A_2143 = vector.broadcast %lt3A_2142 : i32 to vector<16xi32>
      %lt3A_2144 = arith.cmpi slt, %broadcast_in_dim3A_2141, %lt3A_2143 : vector<16xi32>
      %add3A_2145 = arith.constant 16 : i32
      %add3A_2146 = vector.broadcast %add3A_2145 : i32 to vector<16xi32>
      %add3A_2147 = arith.addi %broadcast_in_dim3A_2141, %add3A_2146 : vector<16xi32>
      %select_n3A_2148 = arith.select %lt3A_2144, %add3A_2147, %broadcast_in_dim3A_2141 : vector<16xi1>, vector<16xi32>
      %broadcast_in_dim3A_2149 = vector.shape_cast %select_n3A_2148 : vector<16xi32> to vector<16x1xi32>
      %gather3A_2150 = vector.shape_cast %broadcast_in_dim3A_2149 : vector<16x1xi32> to vector<16xi32>
      %gather3A_2151 = tpu.dynamic_gather %get3A_113[%gather3A_2150] in [0] : vector<16xf32>, vector<16xi32> -> vector<16xf32>
      %add3A_2152 = arith.constant 0.000000e+00 : f32
      %add3A_2153 = vector.broadcast %add3A_2152 : f32 to vector<16xf32>
      %add3A_2154 = arith.addf %convert_element_type3A_89, %add3A_2153 : vector<16xf32>
      %sub3A_2155 = arith.constant 4.200000e+01 : f32
      %sub3A_2156 = vector.broadcast %sub3A_2155 : f32 to vector<16xf32>
      %sub3A_2157 = arith.subf %sub3A_2156, %add3A_2154 : vector<16xf32>
      %mul3A_2158 = arith.mulf %sub3A_2157, %sub3A_2157 : vector<16xf32>
      %add3A_2159 = arith.addf %gather3A_2151, %mul3A_2158 : vector<16xf32>
      %min3A_2160 = arith.minimumf %min3A_2112, %add3A_2159 : vector<16xf32>
      %add3A_2161 = arith.constant 1.600000e+01 : f32
      %add3A_2162 = vector.broadcast %add3A_2161 : f32 to vector<16xf32>
      %add3A_2163 = arith.addf %convert_element_type3A_89, %add3A_2162 : vector<16xf32>
      %sub3A_2164 = arith.constant 4.200000e+01 : f32
      %sub3A_2165 = vector.broadcast %sub3A_2164 : f32 to vector<16xf32>
      %sub3A_2166 = arith.subf %sub3A_2165, %add3A_2163 : vector<16xf32>
      %mul3A_2167 = arith.mulf %sub3A_2166, %sub3A_2166 : vector<16xf32>
      %add3A_2168 = arith.addf %gather3A_2151, %mul3A_2167 : vector<16xf32>
      %min3A_2169 = arith.minimumf %min3A_2121, %add3A_2168 : vector<16xf32>
      %add3A_2170 = arith.constant 3.200000e+01 : f32
      %add3A_2171 = vector.broadcast %add3A_2170 : f32 to vector<16xf32>
      %add3A_2172 = arith.addf %convert_element_type3A_89, %add3A_2171 : vector<16xf32>
      %sub3A_2173 = arith.constant 4.200000e+01 : f32
      %sub3A_2174 = vector.broadcast %sub3A_2173 : f32 to vector<16xf32>
      %sub3A_2175 = arith.subf %sub3A_2174, %add3A_2172 : vector<16xf32>
      %mul3A_2176 = arith.mulf %sub3A_2175, %sub3A_2175 : vector<16xf32>
      %add3A_2177 = arith.addf %gather3A_2151, %mul3A_2176 : vector<16xf32>
      %min3A_2178 = arith.minimumf %min3A_2130, %add3A_2177 : vector<16xf32>
      %add3A_2179 = arith.constant 4.800000e+01 : f32
      %add3A_2180 = vector.broadcast %add3A_2179 : f32 to vector<16xf32>
      %add3A_2181 = arith.addf %convert_element_type3A_89, %add3A_2180 : vector<16xf32>
      %sub3A_2182 = arith.constant 4.200000e+01 : f32
      %sub3A_2183 = vector.broadcast %sub3A_2182 : f32 to vector<16xf32>
      %sub3A_2184 = arith.subf %sub3A_2183, %add3A_2181 : vector<16xf32>
      %mul3A_2185 = arith.mulf %sub3A_2184, %sub3A_2184 : vector<16xf32>
      %add3A_2186 = arith.addf %gather3A_2151, %mul3A_2185 : vector<16xf32>
      %min3A_2187 = arith.minimumf %min3A_2139, %add3A_2186 : vector<16xf32>
      %broadcast_in_dim3A_2188 = arith.constant 11 : i32
      %broadcast_in_dim3A_2189 = vector.broadcast %broadcast_in_dim3A_2188 : i32 to vector<16xi32>
      %lt3A_2190 = arith.constant 0 : i32
      %lt3A_2191 = vector.broadcast %lt3A_2190 : i32 to vector<16xi32>
      %lt3A_2192 = arith.cmpi slt, %broadcast_in_dim3A_2189, %lt3A_2191 : vector<16xi32>
      %add3A_2193 = arith.constant 16 : i32
      %add3A_2194 = vector.broadcast %add3A_2193 : i32 to vector<16xi32>
      %add3A_2195 = arith.addi %broadcast_in_dim3A_2189, %add3A_2194 : vector<16xi32>
      %select_n3A_2196 = arith.select %lt3A_2192, %add3A_2195, %broadcast_in_dim3A_2189 : vector<16xi1>, vector<16xi32>
      %broadcast_in_dim3A_2197 = vector.shape_cast %select_n3A_2196 : vector<16xi32> to vector<16x1xi32>
      %gather3A_2198 = vector.shape_cast %broadcast_in_dim3A_2197 : vector<16x1xi32> to vector<16xi32>
      %gather3A_2199 = tpu.dynamic_gather %get3A_113[%gather3A_2198] in [0] : vector<16xf32>, vector<16xi32> -> vector<16xf32>
      %add3A_2200 = arith.constant 0.000000e+00 : f32
      %add3A_2201 = vector.broadcast %add3A_2200 : f32 to vector<16xf32>
      %add3A_2202 = arith.addf %convert_element_type3A_89, %add3A_2201 : vector<16xf32>
      %sub3A_2203 = arith.constant 4.300000e+01 : f32
      %sub3A_2204 = vector.broadcast %sub3A_2203 : f32 to vector<16xf32>
      %sub3A_2205 = arith.subf %sub3A_2204, %add3A_2202 : vector<16xf32>
      %mul3A_2206 = arith.mulf %sub3A_2205, %sub3A_2205 : vector<16xf32>
      %add3A_2207 = arith.addf %gather3A_2199, %mul3A_2206 : vector<16xf32>
      %min3A_2208 = arith.minimumf %min3A_2160, %add3A_2207 : vector<16xf32>
      %add3A_2209 = arith.constant 1.600000e+01 : f32
      %add3A_2210 = vector.broadcast %add3A_2209 : f32 to vector<16xf32>
      %add3A_2211 = arith.addf %convert_element_type3A_89, %add3A_2210 : vector<16xf32>
      %sub3A_2212 = arith.constant 4.300000e+01 : f32
      %sub3A_2213 = vector.broadcast %sub3A_2212 : f32 to vector<16xf32>
      %sub3A_2214 = arith.subf %sub3A_2213, %add3A_2211 : vector<16xf32>
      %mul3A_2215 = arith.mulf %sub3A_2214, %sub3A_2214 : vector<16xf32>
      %add3A_2216 = arith.addf %gather3A_2199, %mul3A_2215 : vector<16xf32>
      %min3A_2217 = arith.minimumf %min3A_2169, %add3A_2216 : vector<16xf32>
      %add3A_2218 = arith.constant 3.200000e+01 : f32
      %add3A_2219 = vector.broadcast %add3A_2218 : f32 to vector<16xf32>
      %add3A_2220 = arith.addf %convert_element_type3A_89, %add3A_2219 : vector<16xf32>
      %sub3A_2221 = arith.constant 4.300000e+01 : f32
      %sub3A_2222 = vector.broadcast %sub3A_2221 : f32 to vector<16xf32>
      %sub3A_2223 = arith.subf %sub3A_2222, %add3A_2220 : vector<16xf32>
      %mul3A_2224 = arith.mulf %sub3A_2223, %sub3A_2223 : vector<16xf32>
      %add3A_2225 = arith.addf %gather3A_2199, %mul3A_2224 : vector<16xf32>
      %min3A_2226 = arith.minimumf %min3A_2178, %add3A_2225 : vector<16xf32>
      %add3A_2227 = arith.constant 4.800000e+01 : f32
      %add3A_2228 = vector.broadcast %add3A_2227 : f32 to vector<16xf32>
      %add3A_2229 = arith.addf %convert_element_type3A_89, %add3A_2228 : vector<16xf32>
      %sub3A_2230 = arith.constant 4.300000e+01 : f32
      %sub3A_2231 = vector.broadcast %sub3A_2230 : f32 to vector<16xf32>
      %sub3A_2232 = arith.subf %sub3A_2231, %add3A_2229 : vector<16xf32>
      %mul3A_2233 = arith.mulf %sub3A_2232, %sub3A_2232 : vector<16xf32>
      %add3A_2234 = arith.addf %gather3A_2199, %mul3A_2233 : vector<16xf32>
      %min3A_2235 = arith.minimumf %min3A_2187, %add3A_2234 : vector<16xf32>
      %broadcast_in_dim3A_2236 = arith.constant 12 : i32
      %broadcast_in_dim3A_2237 = vector.broadcast %broadcast_in_dim3A_2236 : i32 to vector<16xi32>
      %lt3A_2238 = arith.constant 0 : i32
      %lt3A_2239 = vector.broadcast %lt3A_2238 : i32 to vector<16xi32>
      %lt3A_2240 = arith.cmpi slt, %broadcast_in_dim3A_2237, %lt3A_2239 : vector<16xi32>
      %add3A_2241 = arith.constant 16 : i32
      %add3A_2242 = vector.broadcast %add3A_2241 : i32 to vector<16xi32>
      %add3A_2243 = arith.addi %broadcast_in_dim3A_2237, %add3A_2242 : vector<16xi32>
      %select_n3A_2244 = arith.select %lt3A_2240, %add3A_2243, %broadcast_in_dim3A_2237 : vector<16xi1>, vector<16xi32>
      %broadcast_in_dim3A_2245 = vector.shape_cast %select_n3A_2244 : vector<16xi32> to vector<16x1xi32>
      %gather3A_2246 = vector.shape_cast %broadcast_in_dim3A_2245 : vector<16x1xi32> to vector<16xi32>
      %gather3A_2247 = tpu.dynamic_gather %get3A_113[%gather3A_2246] in [0] : vector<16xf32>, vector<16xi32> -> vector<16xf32>
      %add3A_2248 = arith.constant 0.000000e+00 : f32
      %add3A_2249 = vector.broadcast %add3A_2248 : f32 to vector<16xf32>
      %add3A_2250 = arith.addf %convert_element_type3A_89, %add3A_2249 : vector<16xf32>
      %sub3A_2251 = arith.constant 4.400000e+01 : f32
      %sub3A_2252 = vector.broadcast %sub3A_2251 : f32 to vector<16xf32>
      %sub3A_2253 = arith.subf %sub3A_2252, %add3A_2250 : vector<16xf32>
      %mul3A_2254 = arith.mulf %sub3A_2253, %sub3A_2253 : vector<16xf32>
      %add3A_2255 = arith.addf %gather3A_2247, %mul3A_2254 : vector<16xf32>
      %min3A_2256 = arith.minimumf %min3A_2208, %add3A_2255 : vector<16xf32>
      %add3A_2257 = arith.constant 1.600000e+01 : f32
      %add3A_2258 = vector.broadcast %add3A_2257 : f32 to vector<16xf32>
      %add3A_2259 = arith.addf %convert_element_type3A_89, %add3A_2258 : vector<16xf32>
      %sub3A_2260 = arith.constant 4.400000e+01 : f32
      %sub3A_2261 = vector.broadcast %sub3A_2260 : f32 to vector<16xf32>
      %sub3A_2262 = arith.subf %sub3A_2261, %add3A_2259 : vector<16xf32>
      %mul3A_2263 = arith.mulf %sub3A_2262, %sub3A_2262 : vector<16xf32>
      %add3A_2264 = arith.addf %gather3A_2247, %mul3A_2263 : vector<16xf32>
      %min3A_2265 = arith.minimumf %min3A_2217, %add3A_2264 : vector<16xf32>
      %add3A_2266 = arith.constant 3.200000e+01 : f32
      %add3A_2267 = vector.broadcast %add3A_2266 : f32 to vector<16xf32>
      %add3A_2268 = arith.addf %convert_element_type3A_89, %add3A_2267 : vector<16xf32>
      %sub3A_2269 = arith.constant 4.400000e+01 : f32
      %sub3A_2270 = vector.broadcast %sub3A_2269 : f32 to vector<16xf32>
      %sub3A_2271 = arith.subf %sub3A_2270, %add3A_2268 : vector<16xf32>
      %mul3A_2272 = arith.mulf %sub3A_2271, %sub3A_2271 : vector<16xf32>
      %add3A_2273 = arith.addf %gather3A_2247, %mul3A_2272 : vector<16xf32>
      %min3A_2274 = arith.minimumf %min3A_2226, %add3A_2273 : vector<16xf32>
      %add3A_2275 = arith.constant 4.800000e+01 : f32
      %add3A_2276 = vector.broadcast %add3A_2275 : f32 to vector<16xf32>
      %add3A_2277 = arith.addf %convert_element_type3A_89, %add3A_2276 : vector<16xf32>
      %sub3A_2278 = arith.constant 4.400000e+01 : f32
      %sub3A_2279 = vector.broadcast %sub3A_2278 : f32 to vector<16xf32>
      %sub3A_2280 = arith.subf %sub3A_2279, %add3A_2277 : vector<16xf32>
      %mul3A_2281 = arith.mulf %sub3A_2280, %sub3A_2280 : vector<16xf32>
      %add3A_2282 = arith.addf %gather3A_2247, %mul3A_2281 : vector<16xf32>
      %min3A_2283 = arith.minimumf %min3A_2235, %add3A_2282 : vector<16xf32>
      %broadcast_in_dim3A_2284 = arith.constant 13 : i32
      %broadcast_in_dim3A_2285 = vector.broadcast %broadcast_in_dim3A_2284 : i32 to vector<16xi32>
      %lt3A_2286 = arith.constant 0 : i32
      %lt3A_2287 = vector.broadcast %lt3A_2286 : i32 to vector<16xi32>
      %lt3A_2288 = arith.cmpi slt, %broadcast_in_dim3A_2285, %lt3A_2287 : vector<16xi32>
      %add3A_2289 = arith.constant 16 : i32
      %add3A_2290 = vector.broadcast %add3A_2289 : i32 to vector<16xi32>
      %add3A_2291 = arith.addi %broadcast_in_dim3A_2285, %add3A_2290 : vector<16xi32>
      %select_n3A_2292 = arith.select %lt3A_2288, %add3A_2291, %broadcast_in_dim3A_2285 : vector<16xi1>, vector<16xi32>
      %broadcast_in_dim3A_2293 = vector.shape_cast %select_n3A_2292 : vector<16xi32> to vector<16x1xi32>
      %gather3A_2294 = vector.shape_cast %broadcast_in_dim3A_2293 : vector<16x1xi32> to vector<16xi32>
      %gather3A_2295 = tpu.dynamic_gather %get3A_113[%gather3A_2294] in [0] : vector<16xf32>, vector<16xi32> -> vector<16xf32>
      %add3A_2296 = arith.constant 0.000000e+00 : f32
      %add3A_2297 = vector.broadcast %add3A_2296 : f32 to vector<16xf32>
      %add3A_2298 = arith.addf %convert_element_type3A_89, %add3A_2297 : vector<16xf32>
      %sub3A_2299 = arith.constant 4.500000e+01 : f32
      %sub3A_2300 = vector.broadcast %sub3A_2299 : f32 to vector<16xf32>
      %sub3A_2301 = arith.subf %sub3A_2300, %add3A_2298 : vector<16xf32>
      %mul3A_2302 = arith.mulf %sub3A_2301, %sub3A_2301 : vector<16xf32>
      %add3A_2303 = arith.addf %gather3A_2295, %mul3A_2302 : vector<16xf32>
      %min3A_2304 = arith.minimumf %min3A_2256, %add3A_2303 : vector<16xf32>
      %add3A_2305 = arith.constant 1.600000e+01 : f32
      %add3A_2306 = vector.broadcast %add3A_2305 : f32 to vector<16xf32>
      %add3A_2307 = arith.addf %convert_element_type3A_89, %add3A_2306 : vector<16xf32>
      %sub3A_2308 = arith.constant 4.500000e+01 : f32
      %sub3A_2309 = vector.broadcast %sub3A_2308 : f32 to vector<16xf32>
      %sub3A_2310 = arith.subf %sub3A_2309, %add3A_2307 : vector<16xf32>
      %mul3A_2311 = arith.mulf %sub3A_2310, %sub3A_2310 : vector<16xf32>
      %add3A_2312 = arith.addf %gather3A_2295, %mul3A_2311 : vector<16xf32>
      %min3A_2313 = arith.minimumf %min3A_2265, %add3A_2312 : vector<16xf32>
      %add3A_2314 = arith.constant 3.200000e+01 : f32
      %add3A_2315 = vector.broadcast %add3A_2314 : f32 to vector<16xf32>
      %add3A_2316 = arith.addf %convert_element_type3A_89, %add3A_2315 : vector<16xf32>
      %sub3A_2317 = arith.constant 4.500000e+01 : f32
      %sub3A_2318 = vector.broadcast %sub3A_2317 : f32 to vector<16xf32>
      %sub3A_2319 = arith.subf %sub3A_2318, %add3A_2316 : vector<16xf32>
      %mul3A_2320 = arith.mulf %sub3A_2319, %sub3A_2319 : vector<16xf32>
      %add3A_2321 = arith.addf %gather3A_2295, %mul3A_2320 : vector<16xf32>
      %min3A_2322 = arith.minimumf %min3A_2274, %add3A_2321 : vector<16xf32>
      %add3A_2323 = arith.constant 4.800000e+01 : f32
      %add3A_2324 = vector.broadcast %add3A_2323 : f32 to vector<16xf32>
      %add3A_2325 = arith.addf %convert_element_type3A_89, %add3A_2324 : vector<16xf32>
      %sub3A_2326 = arith.constant 4.500000e+01 : f32
      %sub3A_2327 = vector.broadcast %sub3A_2326 : f32 to vector<16xf32>
      %sub3A_2328 = arith.subf %sub3A_2327, %add3A_2325 : vector<16xf32>
      %mul3A_2329 = arith.mulf %sub3A_2328, %sub3A_2328 : vector<16xf32>
      %add3A_2330 = arith.addf %gather3A_2295, %mul3A_2329 : vector<16xf32>
      %min3A_2331 = arith.minimumf %min3A_2283, %add3A_2330 : vector<16xf32>
      %broadcast_in_dim3A_2332 = arith.constant 14 : i32
      %broadcast_in_dim3A_2333 = vector.broadcast %broadcast_in_dim3A_2332 : i32 to vector<16xi32>
      %lt3A_2334 = arith.constant 0 : i32
      %lt3A_2335 = vector.broadcast %lt3A_2334 : i32 to vector<16xi32>
      %lt3A_2336 = arith.cmpi slt, %broadcast_in_dim3A_2333, %lt3A_2335 : vector<16xi32>
      %add3A_2337 = arith.constant 16 : i32
      %add3A_2338 = vector.broadcast %add3A_2337 : i32 to vector<16xi32>
      %add3A_2339 = arith.addi %broadcast_in_dim3A_2333, %add3A_2338 : vector<16xi32>
      %select_n3A_2340 = arith.select %lt3A_2336, %add3A_2339, %broadcast_in_dim3A_2333 : vector<16xi1>, vector<16xi32>
      %broadcast_in_dim3A_2341 = vector.shape_cast %select_n3A_2340 : vector<16xi32> to vector<16x1xi32>
      %gather3A_2342 = vector.shape_cast %broadcast_in_dim3A_2341 : vector<16x1xi32> to vector<16xi32>
      %gather3A_2343 = tpu.dynamic_gather %get3A_113[%gather3A_2342] in [0] : vector<16xf32>, vector<16xi32> -> vector<16xf32>
      %add3A_2344 = arith.constant 0.000000e+00 : f32
      %add3A_2345 = vector.broadcast %add3A_2344 : f32 to vector<16xf32>
      %add3A_2346 = arith.addf %convert_element_type3A_89, %add3A_2345 : vector<16xf32>
      %sub3A_2347 = arith.constant 4.600000e+01 : f32
      %sub3A_2348 = vector.broadcast %sub3A_2347 : f32 to vector<16xf32>
      %sub3A_2349 = arith.subf %sub3A_2348, %add3A_2346 : vector<16xf32>
      %mul3A_2350 = arith.mulf %sub3A_2349, %sub3A_2349 : vector<16xf32>
      %add3A_2351 = arith.addf %gather3A_2343, %mul3A_2350 : vector<16xf32>
      %min3A_2352 = arith.minimumf %min3A_2304, %add3A_2351 : vector<16xf32>
      %add3A_2353 = arith.constant 1.600000e+01 : f32
      %add3A_2354 = vector.broadcast %add3A_2353 : f32 to vector<16xf32>
      %add3A_2355 = arith.addf %convert_element_type3A_89, %add3A_2354 : vector<16xf32>
      %sub3A_2356 = arith.constant 4.600000e+01 : f32
      %sub3A_2357 = vector.broadcast %sub3A_2356 : f32 to vector<16xf32>
      %sub3A_2358 = arith.subf %sub3A_2357, %add3A_2355 : vector<16xf32>
      %mul3A_2359 = arith.mulf %sub3A_2358, %sub3A_2358 : vector<16xf32>
      %add3A_2360 = arith.addf %gather3A_2343, %mul3A_2359 : vector<16xf32>
      %min3A_2361 = arith.minimumf %min3A_2313, %add3A_2360 : vector<16xf32>
      %add3A_2362 = arith.constant 3.200000e+01 : f32
      %add3A_2363 = vector.broadcast %add3A_2362 : f32 to vector<16xf32>
      %add3A_2364 = arith.addf %convert_element_type3A_89, %add3A_2363 : vector<16xf32>
      %sub3A_2365 = arith.constant 4.600000e+01 : f32
      %sub3A_2366 = vector.broadcast %sub3A_2365 : f32 to vector<16xf32>
      %sub3A_2367 = arith.subf %sub3A_2366, %add3A_2364 : vector<16xf32>
      %mul3A_2368 = arith.mulf %sub3A_2367, %sub3A_2367 : vector<16xf32>
      %add3A_2369 = arith.addf %gather3A_2343, %mul3A_2368 : vector<16xf32>
      %min3A_2370 = arith.minimumf %min3A_2322, %add3A_2369 : vector<16xf32>
      %add3A_2371 = arith.constant 4.800000e+01 : f32
      %add3A_2372 = vector.broadcast %add3A_2371 : f32 to vector<16xf32>
      %add3A_2373 = arith.addf %convert_element_type3A_89, %add3A_2372 : vector<16xf32>
      %sub3A_2374 = arith.constant 4.600000e+01 : f32
      %sub3A_2375 = vector.broadcast %sub3A_2374 : f32 to vector<16xf32>
      %sub3A_2376 = arith.subf %sub3A_2375, %add3A_2373 : vector<16xf32>
      %mul3A_2377 = arith.mulf %sub3A_2376, %sub3A_2376 : vector<16xf32>
      %add3A_2378 = arith.addf %gather3A_2343, %mul3A_2377 : vector<16xf32>
      %min3A_2379 = arith.minimumf %min3A_2331, %add3A_2378 : vector<16xf32>
      %broadcast_in_dim3A_2380 = arith.constant 15 : i32
      %broadcast_in_dim3A_2381 = vector.broadcast %broadcast_in_dim3A_2380 : i32 to vector<16xi32>
      %lt3A_2382 = arith.constant 0 : i32
      %lt3A_2383 = vector.broadcast %lt3A_2382 : i32 to vector<16xi32>
      %lt3A_2384 = arith.cmpi slt, %broadcast_in_dim3A_2381, %lt3A_2383 : vector<16xi32>
      %add3A_2385 = arith.constant 16 : i32
      %add3A_2386 = vector.broadcast %add3A_2385 : i32 to vector<16xi32>
      %add3A_2387 = arith.addi %broadcast_in_dim3A_2381, %add3A_2386 : vector<16xi32>
      %select_n3A_2388 = arith.select %lt3A_2384, %add3A_2387, %broadcast_in_dim3A_2381 : vector<16xi1>, vector<16xi32>
      %broadcast_in_dim3A_2389 = vector.shape_cast %select_n3A_2388 : vector<16xi32> to vector<16x1xi32>
      %gather3A_2390 = vector.shape_cast %broadcast_in_dim3A_2389 : vector<16x1xi32> to vector<16xi32>
      %gather3A_2391 = tpu.dynamic_gather %get3A_113[%gather3A_2390] in [0] : vector<16xf32>, vector<16xi32> -> vector<16xf32>
      %add3A_2392 = arith.constant 0.000000e+00 : f32
      %add3A_2393 = vector.broadcast %add3A_2392 : f32 to vector<16xf32>
      %add3A_2394 = arith.addf %convert_element_type3A_89, %add3A_2393 : vector<16xf32>
      %sub3A_2395 = arith.constant 4.700000e+01 : f32
      %sub3A_2396 = vector.broadcast %sub3A_2395 : f32 to vector<16xf32>
      %sub3A_2397 = arith.subf %sub3A_2396, %add3A_2394 : vector<16xf32>
      %mul3A_2398 = arith.mulf %sub3A_2397, %sub3A_2397 : vector<16xf32>
      %add3A_2399 = arith.addf %gather3A_2391, %mul3A_2398 : vector<16xf32>
      %min3A_2400 = arith.minimumf %min3A_2352, %add3A_2399 : vector<16xf32>
      %add3A_2401 = arith.constant 1.600000e+01 : f32
      %add3A_2402 = vector.broadcast %add3A_2401 : f32 to vector<16xf32>
      %add3A_2403 = arith.addf %convert_element_type3A_89, %add3A_2402 : vector<16xf32>
      %sub3A_2404 = arith.constant 4.700000e+01 : f32
      %sub3A_2405 = vector.broadcast %sub3A_2404 : f32 to vector<16xf32>
      %sub3A_2406 = arith.subf %sub3A_2405, %add3A_2403 : vector<16xf32>
      %mul3A_2407 = arith.mulf %sub3A_2406, %sub3A_2406 : vector<16xf32>
      %add3A_2408 = arith.addf %gather3A_2391, %mul3A_2407 : vector<16xf32>
      %min3A_2409 = arith.minimumf %min3A_2361, %add3A_2408 : vector<16xf32>
      %add3A_2410 = arith.constant 3.200000e+01 : f32
      %add3A_2411 = vector.broadcast %add3A_2410 : f32 to vector<16xf32>
      %add3A_2412 = arith.addf %convert_element_type3A_89, %add3A_2411 : vector<16xf32>
      %sub3A_2413 = arith.constant 4.700000e+01 : f32
      %sub3A_2414 = vector.broadcast %sub3A_2413 : f32 to vector<16xf32>
      %sub3A_2415 = arith.subf %sub3A_2414, %add3A_2412 : vector<16xf32>
      %mul3A_2416 = arith.mulf %sub3A_2415, %sub3A_2415 : vector<16xf32>
      %add3A_2417 = arith.addf %gather3A_2391, %mul3A_2416 : vector<16xf32>
      %min3A_2418 = arith.minimumf %min3A_2370, %add3A_2417 : vector<16xf32>
      %add3A_2419 = arith.constant 4.800000e+01 : f32
      %add3A_2420 = vector.broadcast %add3A_2419 : f32 to vector<16xf32>
      %add3A_2421 = arith.addf %convert_element_type3A_89, %add3A_2420 : vector<16xf32>
      %sub3A_2422 = arith.constant 4.700000e+01 : f32
      %sub3A_2423 = vector.broadcast %sub3A_2422 : f32 to vector<16xf32>
      %sub3A_2424 = arith.subf %sub3A_2423, %add3A_2421 : vector<16xf32>
      %mul3A_2425 = arith.mulf %sub3A_2424, %sub3A_2424 : vector<16xf32>
      %add3A_2426 = arith.addf %gather3A_2391, %mul3A_2425 : vector<16xf32>
      %min3A_2427 = arith.minimumf %min3A_2379, %add3A_2426 : vector<16xf32>
      %broadcast_in_dim3A_2428 = arith.constant 0 : i32
      %broadcast_in_dim3A_2429 = vector.broadcast %broadcast_in_dim3A_2428 : i32 to vector<16xi32>
      %lt3A_2430 = arith.constant 0 : i32
      %lt3A_2431 = vector.broadcast %lt3A_2430 : i32 to vector<16xi32>
      %lt3A_2432 = arith.cmpi slt, %broadcast_in_dim3A_2429, %lt3A_2431 : vector<16xi32>
      %add3A_2433 = arith.constant 16 : i32
      %add3A_2434 = vector.broadcast %add3A_2433 : i32 to vector<16xi32>
      %add3A_2435 = arith.addi %broadcast_in_dim3A_2429, %add3A_2434 : vector<16xi32>
      %select_n3A_2436 = arith.select %lt3A_2432, %add3A_2435, %broadcast_in_dim3A_2429 : vector<16xi1>, vector<16xi32>
      %broadcast_in_dim3A_2437 = vector.shape_cast %select_n3A_2436 : vector<16xi32> to vector<16x1xi32>
      %gather3A_2438 = vector.shape_cast %broadcast_in_dim3A_2437 : vector<16x1xi32> to vector<16xi32>
      %gather3A_2439 = tpu.dynamic_gather %get3A_117[%gather3A_2438] in [0] : vector<16xf32>, vector<16xi32> -> vector<16xf32>
      %add3A_2440 = arith.constant 0.000000e+00 : f32
      %add3A_2441 = vector.broadcast %add3A_2440 : f32 to vector<16xf32>
      %add3A_2442 = arith.addf %convert_element_type3A_89, %add3A_2441 : vector<16xf32>
      %sub3A_2443 = arith.constant 4.800000e+01 : f32
      %sub3A_2444 = vector.broadcast %sub3A_2443 : f32 to vector<16xf32>
      %sub3A_2445 = arith.subf %sub3A_2444, %add3A_2442 : vector<16xf32>
      %mul3A_2446 = arith.mulf %sub3A_2445, %sub3A_2445 : vector<16xf32>
      %add3A_2447 = arith.addf %gather3A_2439, %mul3A_2446 : vector<16xf32>
      %min3A_2448 = arith.minimumf %min3A_2400, %add3A_2447 : vector<16xf32>
      %add3A_2449 = arith.constant 1.600000e+01 : f32
      %add3A_2450 = vector.broadcast %add3A_2449 : f32 to vector<16xf32>
      %add3A_2451 = arith.addf %convert_element_type3A_89, %add3A_2450 : vector<16xf32>
      %sub3A_2452 = arith.constant 4.800000e+01 : f32
      %sub3A_2453 = vector.broadcast %sub3A_2452 : f32 to vector<16xf32>
      %sub3A_2454 = arith.subf %sub3A_2453, %add3A_2451 : vector<16xf32>
      %mul3A_2455 = arith.mulf %sub3A_2454, %sub3A_2454 : vector<16xf32>
      %add3A_2456 = arith.addf %gather3A_2439, %mul3A_2455 : vector<16xf32>
      %min3A_2457 = arith.minimumf %min3A_2409, %add3A_2456 : vector<16xf32>
      %add3A_2458 = arith.constant 3.200000e+01 : f32
      %add3A_2459 = vector.broadcast %add3A_2458 : f32 to vector<16xf32>
      %add3A_2460 = arith.addf %convert_element_type3A_89, %add3A_2459 : vector<16xf32>
      %sub3A_2461 = arith.constant 4.800000e+01 : f32
      %sub3A_2462 = vector.broadcast %sub3A_2461 : f32 to vector<16xf32>
      %sub3A_2463 = arith.subf %sub3A_2462, %add3A_2460 : vector<16xf32>
      %mul3A_2464 = arith.mulf %sub3A_2463, %sub3A_2463 : vector<16xf32>
      %add3A_2465 = arith.addf %gather3A_2439, %mul3A_2464 : vector<16xf32>
      %min3A_2466 = arith.minimumf %min3A_2418, %add3A_2465 : vector<16xf32>
      %add3A_2467 = arith.constant 4.800000e+01 : f32
      %add3A_2468 = vector.broadcast %add3A_2467 : f32 to vector<16xf32>
      %add3A_2469 = arith.addf %convert_element_type3A_89, %add3A_2468 : vector<16xf32>
      %sub3A_2470 = arith.constant 4.800000e+01 : f32
      %sub3A_2471 = vector.broadcast %sub3A_2470 : f32 to vector<16xf32>
      %sub3A_2472 = arith.subf %sub3A_2471, %add3A_2469 : vector<16xf32>
      %mul3A_2473 = arith.mulf %sub3A_2472, %sub3A_2472 : vector<16xf32>
      %add3A_2474 = arith.addf %gather3A_2439, %mul3A_2473 : vector<16xf32>
      %min3A_2475 = arith.minimumf %min3A_2427, %add3A_2474 : vector<16xf32>
      %broadcast_in_dim3A_2476 = arith.constant 1 : i32
      %broadcast_in_dim3A_2477 = vector.broadcast %broadcast_in_dim3A_2476 : i32 to vector<16xi32>
      %lt3A_2478 = arith.constant 0 : i32
      %lt3A_2479 = vector.broadcast %lt3A_2478 : i32 to vector<16xi32>
      %lt3A_2480 = arith.cmpi slt, %broadcast_in_dim3A_2477, %lt3A_2479 : vector<16xi32>
      %add3A_2481 = arith.constant 16 : i32
      %add3A_2482 = vector.broadcast %add3A_2481 : i32 to vector<16xi32>
      %add3A_2483 = arith.addi %broadcast_in_dim3A_2477, %add3A_2482 : vector<16xi32>
      %select_n3A_2484 = arith.select %lt3A_2480, %add3A_2483, %broadcast_in_dim3A_2477 : vector<16xi1>, vector<16xi32>
      %broadcast_in_dim3A_2485 = vector.shape_cast %select_n3A_2484 : vector<16xi32> to vector<16x1xi32>
      %gather3A_2486 = vector.shape_cast %broadcast_in_dim3A_2485 : vector<16x1xi32> to vector<16xi32>
      %gather3A_2487 = tpu.dynamic_gather %get3A_117[%gather3A_2486] in [0] : vector<16xf32>, vector<16xi32> -> vector<16xf32>
      %add3A_2488 = arith.constant 0.000000e+00 : f32
      %add3A_2489 = vector.broadcast %add3A_2488 : f32 to vector<16xf32>
      %add3A_2490 = arith.addf %convert_element_type3A_89, %add3A_2489 : vector<16xf32>
      %sub3A_2491 = arith.constant 4.900000e+01 : f32
      %sub3A_2492 = vector.broadcast %sub3A_2491 : f32 to vector<16xf32>
      %sub3A_2493 = arith.subf %sub3A_2492, %add3A_2490 : vector<16xf32>
      %mul3A_2494 = arith.mulf %sub3A_2493, %sub3A_2493 : vector<16xf32>
      %add3A_2495 = arith.addf %gather3A_2487, %mul3A_2494 : vector<16xf32>
      %min3A_2496 = arith.minimumf %min3A_2448, %add3A_2495 : vector<16xf32>
      %add3A_2497 = arith.constant 1.600000e+01 : f32
      %add3A_2498 = vector.broadcast %add3A_2497 : f32 to vector<16xf32>
      %add3A_2499 = arith.addf %convert_element_type3A_89, %add3A_2498 : vector<16xf32>
      %sub3A_2500 = arith.constant 4.900000e+01 : f32
      %sub3A_2501 = vector.broadcast %sub3A_2500 : f32 to vector<16xf32>
      %sub3A_2502 = arith.subf %sub3A_2501, %add3A_2499 : vector<16xf32>
      %mul3A_2503 = arith.mulf %sub3A_2502, %sub3A_2502 : vector<16xf32>
      %add3A_2504 = arith.addf %gather3A_2487, %mul3A_2503 : vector<16xf32>
      %min3A_2505 = arith.minimumf %min3A_2457, %add3A_2504 : vector<16xf32>
      %add3A_2506 = arith.constant 3.200000e+01 : f32
      %add3A_2507 = vector.broadcast %add3A_2506 : f32 to vector<16xf32>
      %add3A_2508 = arith.addf %convert_element_type3A_89, %add3A_2507 : vector<16xf32>
      %sub3A_2509 = arith.constant 4.900000e+01 : f32
      %sub3A_2510 = vector.broadcast %sub3A_2509 : f32 to vector<16xf32>
      %sub3A_2511 = arith.subf %sub3A_2510, %add3A_2508 : vector<16xf32>
      %mul3A_2512 = arith.mulf %sub3A_2511, %sub3A_2511 : vector<16xf32>
      %add3A_2513 = arith.addf %gather3A_2487, %mul3A_2512 : vector<16xf32>
      %min3A_2514 = arith.minimumf %min3A_2466, %add3A_2513 : vector<16xf32>
      %add3A_2515 = arith.constant 4.800000e+01 : f32
      %add3A_2516 = vector.broadcast %add3A_2515 : f32 to vector<16xf32>
      %add3A_2517 = arith.addf %convert_element_type3A_89, %add3A_2516 : vector<16xf32>
      %sub3A_2518 = arith.constant 4.900000e+01 : f32
      %sub3A_2519 = vector.broadcast %sub3A_2518 : f32 to vector<16xf32>
      %sub3A_2520 = arith.subf %sub3A_2519, %add3A_2517 : vector<16xf32>
      %mul3A_2521 = arith.mulf %sub3A_2520, %sub3A_2520 : vector<16xf32>
      %add3A_2522 = arith.addf %gather3A_2487, %mul3A_2521 : vector<16xf32>
      %min3A_2523 = arith.minimumf %min3A_2475, %add3A_2522 : vector<16xf32>
      %broadcast_in_dim3A_2524 = arith.constant 2 : i32
      %broadcast_in_dim3A_2525 = vector.broadcast %broadcast_in_dim3A_2524 : i32 to vector<16xi32>
      %lt3A_2526 = arith.constant 0 : i32
      %lt3A_2527 = vector.broadcast %lt3A_2526 : i32 to vector<16xi32>
      %lt3A_2528 = arith.cmpi slt, %broadcast_in_dim3A_2525, %lt3A_2527 : vector<16xi32>
      %add3A_2529 = arith.constant 16 : i32
      %add3A_2530 = vector.broadcast %add3A_2529 : i32 to vector<16xi32>
      %add3A_2531 = arith.addi %broadcast_in_dim3A_2525, %add3A_2530 : vector<16xi32>
      %select_n3A_2532 = arith.select %lt3A_2528, %add3A_2531, %broadcast_in_dim3A_2525 : vector<16xi1>, vector<16xi32>
      %broadcast_in_dim3A_2533 = vector.shape_cast %select_n3A_2532 : vector<16xi32> to vector<16x1xi32>
      %gather3A_2534 = vector.shape_cast %broadcast_in_dim3A_2533 : vector<16x1xi32> to vector<16xi32>
      %gather3A_2535 = tpu.dynamic_gather %get3A_117[%gather3A_2534] in [0] : vector<16xf32>, vector<16xi32> -> vector<16xf32>
      %add3A_2536 = arith.constant 0.000000e+00 : f32
      %add3A_2537 = vector.broadcast %add3A_2536 : f32 to vector<16xf32>
      %add3A_2538 = arith.addf %convert_element_type3A_89, %add3A_2537 : vector<16xf32>
      %sub3A_2539 = arith.constant 5.000000e+01 : f32
      %sub3A_2540 = vector.broadcast %sub3A_2539 : f32 to vector<16xf32>
      %sub3A_2541 = arith.subf %sub3A_2540, %add3A_2538 : vector<16xf32>
      %mul3A_2542 = arith.mulf %sub3A_2541, %sub3A_2541 : vector<16xf32>
      %add3A_2543 = arith.addf %gather3A_2535, %mul3A_2542 : vector<16xf32>
      %min3A_2544 = arith.minimumf %min3A_2496, %add3A_2543 : vector<16xf32>
      %add3A_2545 = arith.constant 1.600000e+01 : f32
      %add3A_2546 = vector.broadcast %add3A_2545 : f32 to vector<16xf32>
      %add3A_2547 = arith.addf %convert_element_type3A_89, %add3A_2546 : vector<16xf32>
      %sub3A_2548 = arith.constant 5.000000e+01 : f32
      %sub3A_2549 = vector.broadcast %sub3A_2548 : f32 to vector<16xf32>
      %sub3A_2550 = arith.subf %sub3A_2549, %add3A_2547 : vector<16xf32>
      %mul3A_2551 = arith.mulf %sub3A_2550, %sub3A_2550 : vector<16xf32>
      %add3A_2552 = arith.addf %gather3A_2535, %mul3A_2551 : vector<16xf32>
      %min3A_2553 = arith.minimumf %min3A_2505, %add3A_2552 : vector<16xf32>
      %add3A_2554 = arith.constant 3.200000e+01 : f32
      %add3A_2555 = vector.broadcast %add3A_2554 : f32 to vector<16xf32>
      %add3A_2556 = arith.addf %convert_element_type3A_89, %add3A_2555 : vector<16xf32>
      %sub3A_2557 = arith.constant 5.000000e+01 : f32
      %sub3A_2558 = vector.broadcast %sub3A_2557 : f32 to vector<16xf32>
      %sub3A_2559 = arith.subf %sub3A_2558, %add3A_2556 : vector<16xf32>
      %mul3A_2560 = arith.mulf %sub3A_2559, %sub3A_2559 : vector<16xf32>
      %add3A_2561 = arith.addf %gather3A_2535, %mul3A_2560 : vector<16xf32>
      %min3A_2562 = arith.minimumf %min3A_2514, %add3A_2561 : vector<16xf32>
      %add3A_2563 = arith.constant 4.800000e+01 : f32
      %add3A_2564 = vector.broadcast %add3A_2563 : f32 to vector<16xf32>
      %add3A_2565 = arith.addf %convert_element_type3A_89, %add3A_2564 : vector<16xf32>
      %sub3A_2566 = arith.constant 5.000000e+01 : f32
      %sub3A_2567 = vector.broadcast %sub3A_2566 : f32 to vector<16xf32>
      %sub3A_2568 = arith.subf %sub3A_2567, %add3A_2565 : vector<16xf32>
      %mul3A_2569 = arith.mulf %sub3A_2568, %sub3A_2568 : vector<16xf32>
      %add3A_2570 = arith.addf %gather3A_2535, %mul3A_2569 : vector<16xf32>
      %min3A_2571 = arith.minimumf %min3A_2523, %add3A_2570 : vector<16xf32>
      %broadcast_in_dim3A_2572 = arith.constant 3 : i32
      %broadcast_in_dim3A_2573 = vector.broadcast %broadcast_in_dim3A_2572 : i32 to vector<16xi32>
      %lt3A_2574 = arith.constant 0 : i32
      %lt3A_2575 = vector.broadcast %lt3A_2574 : i32 to vector<16xi32>
      %lt3A_2576 = arith.cmpi slt, %broadcast_in_dim3A_2573, %lt3A_2575 : vector<16xi32>
      %add3A_2577 = arith.constant 16 : i32
      %add3A_2578 = vector.broadcast %add3A_2577 : i32 to vector<16xi32>
      %add3A_2579 = arith.addi %broadcast_in_dim3A_2573, %add3A_2578 : vector<16xi32>
      %select_n3A_2580 = arith.select %lt3A_2576, %add3A_2579, %broadcast_in_dim3A_2573 : vector<16xi1>, vector<16xi32>
      %broadcast_in_dim3A_2581 = vector.shape_cast %select_n3A_2580 : vector<16xi32> to vector<16x1xi32>
      %gather3A_2582 = vector.shape_cast %broadcast_in_dim3A_2581 : vector<16x1xi32> to vector<16xi32>
      %gather3A_2583 = tpu.dynamic_gather %get3A_117[%gather3A_2582] in [0] : vector<16xf32>, vector<16xi32> -> vector<16xf32>
      %add3A_2584 = arith.constant 0.000000e+00 : f32
      %add3A_2585 = vector.broadcast %add3A_2584 : f32 to vector<16xf32>
      %add3A_2586 = arith.addf %convert_element_type3A_89, %add3A_2585 : vector<16xf32>
      %sub3A_2587 = arith.constant 5.100000e+01 : f32
      %sub3A_2588 = vector.broadcast %sub3A_2587 : f32 to vector<16xf32>
      %sub3A_2589 = arith.subf %sub3A_2588, %add3A_2586 : vector<16xf32>
      %mul3A_2590 = arith.mulf %sub3A_2589, %sub3A_2589 : vector<16xf32>
      %add3A_2591 = arith.addf %gather3A_2583, %mul3A_2590 : vector<16xf32>
      %min3A_2592 = arith.minimumf %min3A_2544, %add3A_2591 : vector<16xf32>
      %add3A_2593 = arith.constant 1.600000e+01 : f32
      %add3A_2594 = vector.broadcast %add3A_2593 : f32 to vector<16xf32>
      %add3A_2595 = arith.addf %convert_element_type3A_89, %add3A_2594 : vector<16xf32>
      %sub3A_2596 = arith.constant 5.100000e+01 : f32
      %sub3A_2597 = vector.broadcast %sub3A_2596 : f32 to vector<16xf32>
      %sub3A_2598 = arith.subf %sub3A_2597, %add3A_2595 : vector<16xf32>
      %mul3A_2599 = arith.mulf %sub3A_2598, %sub3A_2598 : vector<16xf32>
      %add3A_2600 = arith.addf %gather3A_2583, %mul3A_2599 : vector<16xf32>
      %min3A_2601 = arith.minimumf %min3A_2553, %add3A_2600 : vector<16xf32>
      %add3A_2602 = arith.constant 3.200000e+01 : f32
      %add3A_2603 = vector.broadcast %add3A_2602 : f32 to vector<16xf32>
      %add3A_2604 = arith.addf %convert_element_type3A_89, %add3A_2603 : vector<16xf32>
      %sub3A_2605 = arith.constant 5.100000e+01 : f32
      %sub3A_2606 = vector.broadcast %sub3A_2605 : f32 to vector<16xf32>
      %sub3A_2607 = arith.subf %sub3A_2606, %add3A_2604 : vector<16xf32>
      %mul3A_2608 = arith.mulf %sub3A_2607, %sub3A_2607 : vector<16xf32>
      %add3A_2609 = arith.addf %gather3A_2583, %mul3A_2608 : vector<16xf32>
      %min3A_2610 = arith.minimumf %min3A_2562, %add3A_2609 : vector<16xf32>
      %add3A_2611 = arith.constant 4.800000e+01 : f32
      %add3A_2612 = vector.broadcast %add3A_2611 : f32 to vector<16xf32>
      %add3A_2613 = arith.addf %convert_element_type3A_89, %add3A_2612 : vector<16xf32>
      %sub3A_2614 = arith.constant 5.100000e+01 : f32
      %sub3A_2615 = vector.broadcast %sub3A_2614 : f32 to vector<16xf32>
      %sub3A_2616 = arith.subf %sub3A_2615, %add3A_2613 : vector<16xf32>
      %mul3A_2617 = arith.mulf %sub3A_2616, %sub3A_2616 : vector<16xf32>
      %add3A_2618 = arith.addf %gather3A_2583, %mul3A_2617 : vector<16xf32>
      %min3A_2619 = arith.minimumf %min3A_2571, %add3A_2618 : vector<16xf32>
      %broadcast_in_dim3A_2620 = arith.constant 4 : i32
      %broadcast_in_dim3A_2621 = vector.broadcast %broadcast_in_dim3A_2620 : i32 to vector<16xi32>
      %lt3A_2622 = arith.constant 0 : i32
      %lt3A_2623 = vector.broadcast %lt3A_2622 : i32 to vector<16xi32>
      %lt3A_2624 = arith.cmpi slt, %broadcast_in_dim3A_2621, %lt3A_2623 : vector<16xi32>
      %add3A_2625 = arith.constant 16 : i32
      %add3A_2626 = vector.broadcast %add3A_2625 : i32 to vector<16xi32>
      %add3A_2627 = arith.addi %broadcast_in_dim3A_2621, %add3A_2626 : vector<16xi32>
      %select_n3A_2628 = arith.select %lt3A_2624, %add3A_2627, %broadcast_in_dim3A_2621 : vector<16xi1>, vector<16xi32>
      %broadcast_in_dim3A_2629 = vector.shape_cast %select_n3A_2628 : vector<16xi32> to vector<16x1xi32>
      %gather3A_2630 = vector.shape_cast %broadcast_in_dim3A_2629 : vector<16x1xi32> to vector<16xi32>
      %gather3A_2631 = tpu.dynamic_gather %get3A_117[%gather3A_2630] in [0] : vector<16xf32>, vector<16xi32> -> vector<16xf32>
      %add3A_2632 = arith.constant 0.000000e+00 : f32
      %add3A_2633 = vector.broadcast %add3A_2632 : f32 to vector<16xf32>
      %add3A_2634 = arith.addf %convert_element_type3A_89, %add3A_2633 : vector<16xf32>
      %sub3A_2635 = arith.constant 5.200000e+01 : f32
      %sub3A_2636 = vector.broadcast %sub3A_2635 : f32 to vector<16xf32>
      %sub3A_2637 = arith.subf %sub3A_2636, %add3A_2634 : vector<16xf32>
      %mul3A_2638 = arith.mulf %sub3A_2637, %sub3A_2637 : vector<16xf32>
      %add3A_2639 = arith.addf %gather3A_2631, %mul3A_2638 : vector<16xf32>
      %min3A_2640 = arith.minimumf %min3A_2592, %add3A_2639 : vector<16xf32>
      %add3A_2641 = arith.constant 1.600000e+01 : f32
      %add3A_2642 = vector.broadcast %add3A_2641 : f32 to vector<16xf32>
      %add3A_2643 = arith.addf %convert_element_type3A_89, %add3A_2642 : vector<16xf32>
      %sub3A_2644 = arith.constant 5.200000e+01 : f32
      %sub3A_2645 = vector.broadcast %sub3A_2644 : f32 to vector<16xf32>
      %sub3A_2646 = arith.subf %sub3A_2645, %add3A_2643 : vector<16xf32>
      %mul3A_2647 = arith.mulf %sub3A_2646, %sub3A_2646 : vector<16xf32>
      %add3A_2648 = arith.addf %gather3A_2631, %mul3A_2647 : vector<16xf32>
      %min3A_2649 = arith.minimumf %min3A_2601, %add3A_2648 : vector<16xf32>
      %add3A_2650 = arith.constant 3.200000e+01 : f32
      %add3A_2651 = vector.broadcast %add3A_2650 : f32 to vector<16xf32>
      %add3A_2652 = arith.addf %convert_element_type3A_89, %add3A_2651 : vector<16xf32>
      %sub3A_2653 = arith.constant 5.200000e+01 : f32
      %sub3A_2654 = vector.broadcast %sub3A_2653 : f32 to vector<16xf32>
      %sub3A_2655 = arith.subf %sub3A_2654, %add3A_2652 : vector<16xf32>
      %mul3A_2656 = arith.mulf %sub3A_2655, %sub3A_2655 : vector<16xf32>
      %add3A_2657 = arith.addf %gather3A_2631, %mul3A_2656 : vector<16xf32>
      %min3A_2658 = arith.minimumf %min3A_2610, %add3A_2657 : vector<16xf32>
      %add3A_2659 = arith.constant 4.800000e+01 : f32
      %add3A_2660 = vector.broadcast %add3A_2659 : f32 to vector<16xf32>
      %add3A_2661 = arith.addf %convert_element_type3A_89, %add3A_2660 : vector<16xf32>
      %sub3A_2662 = arith.constant 5.200000e+01 : f32
      %sub3A_2663 = vector.broadcast %sub3A_2662 : f32 to vector<16xf32>
      %sub3A_2664 = arith.subf %sub3A_2663, %add3A_2661 : vector<16xf32>
      %mul3A_2665 = arith.mulf %sub3A_2664, %sub3A_2664 : vector<16xf32>
      %add3A_2666 = arith.addf %gather3A_2631, %mul3A_2665 : vector<16xf32>
      %min3A_2667 = arith.minimumf %min3A_2619, %add3A_2666 : vector<16xf32>
      %broadcast_in_dim3A_2668 = arith.constant 5 : i32
      %broadcast_in_dim3A_2669 = vector.broadcast %broadcast_in_dim3A_2668 : i32 to vector<16xi32>
      %lt3A_2670 = arith.constant 0 : i32
      %lt3A_2671 = vector.broadcast %lt3A_2670 : i32 to vector<16xi32>
      %lt3A_2672 = arith.cmpi slt, %broadcast_in_dim3A_2669, %lt3A_2671 : vector<16xi32>
      %add3A_2673 = arith.constant 16 : i32
      %add3A_2674 = vector.broadcast %add3A_2673 : i32 to vector<16xi32>
      %add3A_2675 = arith.addi %broadcast_in_dim3A_2669, %add3A_2674 : vector<16xi32>
      %select_n3A_2676 = arith.select %lt3A_2672, %add3A_2675, %broadcast_in_dim3A_2669 : vector<16xi1>, vector<16xi32>
      %broadcast_in_dim3A_2677 = vector.shape_cast %select_n3A_2676 : vector<16xi32> to vector<16x1xi32>
      %gather3A_2678 = vector.shape_cast %broadcast_in_dim3A_2677 : vector<16x1xi32> to vector<16xi32>
      %gather3A_2679 = tpu.dynamic_gather %get3A_117[%gather3A_2678] in [0] : vector<16xf32>, vector<16xi32> -> vector<16xf32>
      %add3A_2680 = arith.constant 0.000000e+00 : f32
      %add3A_2681 = vector.broadcast %add3A_2680 : f32 to vector<16xf32>
      %add3A_2682 = arith.addf %convert_element_type3A_89, %add3A_2681 : vector<16xf32>
      %sub3A_2683 = arith.constant 5.300000e+01 : f32
      %sub3A_2684 = vector.broadcast %sub3A_2683 : f32 to vector<16xf32>
      %sub3A_2685 = arith.subf %sub3A_2684, %add3A_2682 : vector<16xf32>
      %mul3A_2686 = arith.mulf %sub3A_2685, %sub3A_2685 : vector<16xf32>
      %add3A_2687 = arith.addf %gather3A_2679, %mul3A_2686 : vector<16xf32>
      %min3A_2688 = arith.minimumf %min3A_2640, %add3A_2687 : vector<16xf32>
      %add3A_2689 = arith.constant 1.600000e+01 : f32
      %add3A_2690 = vector.broadcast %add3A_2689 : f32 to vector<16xf32>
      %add3A_2691 = arith.addf %convert_element_type3A_89, %add3A_2690 : vector<16xf32>
      %sub3A_2692 = arith.constant 5.300000e+01 : f32
      %sub3A_2693 = vector.broadcast %sub3A_2692 : f32 to vector<16xf32>
      %sub3A_2694 = arith.subf %sub3A_2693, %add3A_2691 : vector<16xf32>
      %mul3A_2695 = arith.mulf %sub3A_2694, %sub3A_2694 : vector<16xf32>
      %add3A_2696 = arith.addf %gather3A_2679, %mul3A_2695 : vector<16xf32>
      %min3A_2697 = arith.minimumf %min3A_2649, %add3A_2696 : vector<16xf32>
      %add3A_2698 = arith.constant 3.200000e+01 : f32
      %add3A_2699 = vector.broadcast %add3A_2698 : f32 to vector<16xf32>
      %add3A_2700 = arith.addf %convert_element_type3A_89, %add3A_2699 : vector<16xf32>
      %sub3A_2701 = arith.constant 5.300000e+01 : f32
      %sub3A_2702 = vector.broadcast %sub3A_2701 : f32 to vector<16xf32>
      %sub3A_2703 = arith.subf %sub3A_2702, %add3A_2700 : vector<16xf32>
      %mul3A_2704 = arith.mulf %sub3A_2703, %sub3A_2703 : vector<16xf32>
      %add3A_2705 = arith.addf %gather3A_2679, %mul3A_2704 : vector<16xf32>
      %min3A_2706 = arith.minimumf %min3A_2658, %add3A_2705 : vector<16xf32>
      %add3A_2707 = arith.constant 4.800000e+01 : f32
      %add3A_2708 = vector.broadcast %add3A_2707 : f32 to vector<16xf32>
      %add3A_2709 = arith.addf %convert_element_type3A_89, %add3A_2708 : vector<16xf32>
      %sub3A_2710 = arith.constant 5.300000e+01 : f32
      %sub3A_2711 = vector.broadcast %sub3A_2710 : f32 to vector<16xf32>
      %sub3A_2712 = arith.subf %sub3A_2711, %add3A_2709 : vector<16xf32>
      %mul3A_2713 = arith.mulf %sub3A_2712, %sub3A_2712 : vector<16xf32>
      %add3A_2714 = arith.addf %gather3A_2679, %mul3A_2713 : vector<16xf32>
      %min3A_2715 = arith.minimumf %min3A_2667, %add3A_2714 : vector<16xf32>
      %broadcast_in_dim3A_2716 = arith.constant 6 : i32
      %broadcast_in_dim3A_2717 = vector.broadcast %broadcast_in_dim3A_2716 : i32 to vector<16xi32>
      %lt3A_2718 = arith.constant 0 : i32
      %lt3A_2719 = vector.broadcast %lt3A_2718 : i32 to vector<16xi32>
      %lt3A_2720 = arith.cmpi slt, %broadcast_in_dim3A_2717, %lt3A_2719 : vector<16xi32>
      %add3A_2721 = arith.constant 16 : i32
      %add3A_2722 = vector.broadcast %add3A_2721 : i32 to vector<16xi32>
      %add3A_2723 = arith.addi %broadcast_in_dim3A_2717, %add3A_2722 : vector<16xi32>
      %select_n3A_2724 = arith.select %lt3A_2720, %add3A_2723, %broadcast_in_dim3A_2717 : vector<16xi1>, vector<16xi32>
      %broadcast_in_dim3A_2725 = vector.shape_cast %select_n3A_2724 : vector<16xi32> to vector<16x1xi32>
      %gather3A_2726 = vector.shape_cast %broadcast_in_dim3A_2725 : vector<16x1xi32> to vector<16xi32>
      %gather3A_2727 = tpu.dynamic_gather %get3A_117[%gather3A_2726] in [0] : vector<16xf32>, vector<16xi32> -> vector<16xf32>
      %add3A_2728 = arith.constant 0.000000e+00 : f32
      %add3A_2729 = vector.broadcast %add3A_2728 : f32 to vector<16xf32>
      %add3A_2730 = arith.addf %convert_element_type3A_89, %add3A_2729 : vector<16xf32>
      %sub3A_2731 = arith.constant 5.400000e+01 : f32
      %sub3A_2732 = vector.broadcast %sub3A_2731 : f32 to vector<16xf32>
      %sub3A_2733 = arith.subf %sub3A_2732, %add3A_2730 : vector<16xf32>
      %mul3A_2734 = arith.mulf %sub3A_2733, %sub3A_2733 : vector<16xf32>
      %add3A_2735 = arith.addf %gather3A_2727, %mul3A_2734 : vector<16xf32>
      %min3A_2736 = arith.minimumf %min3A_2688, %add3A_2735 : vector<16xf32>
      %add3A_2737 = arith.constant 1.600000e+01 : f32
      %add3A_2738 = vector.broadcast %add3A_2737 : f32 to vector<16xf32>
      %add3A_2739 = arith.addf %convert_element_type3A_89, %add3A_2738 : vector<16xf32>
      %sub3A_2740 = arith.constant 5.400000e+01 : f32
      %sub3A_2741 = vector.broadcast %sub3A_2740 : f32 to vector<16xf32>
      %sub3A_2742 = arith.subf %sub3A_2741, %add3A_2739 : vector<16xf32>
      %mul3A_2743 = arith.mulf %sub3A_2742, %sub3A_2742 : vector<16xf32>
      %add3A_2744 = arith.addf %gather3A_2727, %mul3A_2743 : vector<16xf32>
      %min3A_2745 = arith.minimumf %min3A_2697, %add3A_2744 : vector<16xf32>
      %add3A_2746 = arith.constant 3.200000e+01 : f32
      %add3A_2747 = vector.broadcast %add3A_2746 : f32 to vector<16xf32>
      %add3A_2748 = arith.addf %convert_element_type3A_89, %add3A_2747 : vector<16xf32>
      %sub3A_2749 = arith.constant 5.400000e+01 : f32
      %sub3A_2750 = vector.broadcast %sub3A_2749 : f32 to vector<16xf32>
      %sub3A_2751 = arith.subf %sub3A_2750, %add3A_2748 : vector<16xf32>
      %mul3A_2752 = arith.mulf %sub3A_2751, %sub3A_2751 : vector<16xf32>
      %add3A_2753 = arith.addf %gather3A_2727, %mul3A_2752 : vector<16xf32>
      %min3A_2754 = arith.minimumf %min3A_2706, %add3A_2753 : vector<16xf32>
      %add3A_2755 = arith.constant 4.800000e+01 : f32
      %add3A_2756 = vector.broadcast %add3A_2755 : f32 to vector<16xf32>
      %add3A_2757 = arith.addf %convert_element_type3A_89, %add3A_2756 : vector<16xf32>
      %sub3A_2758 = arith.constant 5.400000e+01 : f32
      %sub3A_2759 = vector.broadcast %sub3A_2758 : f32 to vector<16xf32>
      %sub3A_2760 = arith.subf %sub3A_2759, %add3A_2757 : vector<16xf32>
      %mul3A_2761 = arith.mulf %sub3A_2760, %sub3A_2760 : vector<16xf32>
      %add3A_2762 = arith.addf %gather3A_2727, %mul3A_2761 : vector<16xf32>
      %min3A_2763 = arith.minimumf %min3A_2715, %add3A_2762 : vector<16xf32>
      %broadcast_in_dim3A_2764 = arith.constant 7 : i32
      %broadcast_in_dim3A_2765 = vector.broadcast %broadcast_in_dim3A_2764 : i32 to vector<16xi32>
      %lt3A_2766 = arith.constant 0 : i32
      %lt3A_2767 = vector.broadcast %lt3A_2766 : i32 to vector<16xi32>
      %lt3A_2768 = arith.cmpi slt, %broadcast_in_dim3A_2765, %lt3A_2767 : vector<16xi32>
      %add3A_2769 = arith.constant 16 : i32
      %add3A_2770 = vector.broadcast %add3A_2769 : i32 to vector<16xi32>
      %add3A_2771 = arith.addi %broadcast_in_dim3A_2765, %add3A_2770 : vector<16xi32>
      %select_n3A_2772 = arith.select %lt3A_2768, %add3A_2771, %broadcast_in_dim3A_2765 : vector<16xi1>, vector<16xi32>
      %broadcast_in_dim3A_2773 = vector.shape_cast %select_n3A_2772 : vector<16xi32> to vector<16x1xi32>
      %gather3A_2774 = vector.shape_cast %broadcast_in_dim3A_2773 : vector<16x1xi32> to vector<16xi32>
      %gather3A_2775 = tpu.dynamic_gather %get3A_117[%gather3A_2774] in [0] : vector<16xf32>, vector<16xi32> -> vector<16xf32>
      %add3A_2776 = arith.constant 0.000000e+00 : f32
      %add3A_2777 = vector.broadcast %add3A_2776 : f32 to vector<16xf32>
      %add3A_2778 = arith.addf %convert_element_type3A_89, %add3A_2777 : vector<16xf32>
      %sub3A_2779 = arith.constant 5.500000e+01 : f32
      %sub3A_2780 = vector.broadcast %sub3A_2779 : f32 to vector<16xf32>
      %sub3A_2781 = arith.subf %sub3A_2780, %add3A_2778 : vector<16xf32>
      %mul3A_2782 = arith.mulf %sub3A_2781, %sub3A_2781 : vector<16xf32>
      %add3A_2783 = arith.addf %gather3A_2775, %mul3A_2782 : vector<16xf32>
      %min3A_2784 = arith.minimumf %min3A_2736, %add3A_2783 : vector<16xf32>
      %add3A_2785 = arith.constant 1.600000e+01 : f32
      %add3A_2786 = vector.broadcast %add3A_2785 : f32 to vector<16xf32>
      %add3A_2787 = arith.addf %convert_element_type3A_89, %add3A_2786 : vector<16xf32>
      %sub3A_2788 = arith.constant 5.500000e+01 : f32
      %sub3A_2789 = vector.broadcast %sub3A_2788 : f32 to vector<16xf32>
      %sub3A_2790 = arith.subf %sub3A_2789, %add3A_2787 : vector<16xf32>
      %mul3A_2791 = arith.mulf %sub3A_2790, %sub3A_2790 : vector<16xf32>
      %add3A_2792 = arith.addf %gather3A_2775, %mul3A_2791 : vector<16xf32>
      %min3A_2793 = arith.minimumf %min3A_2745, %add3A_2792 : vector<16xf32>
      %add3A_2794 = arith.constant 3.200000e+01 : f32
      %add3A_2795 = vector.broadcast %add3A_2794 : f32 to vector<16xf32>
      %add3A_2796 = arith.addf %convert_element_type3A_89, %add3A_2795 : vector<16xf32>
      %sub3A_2797 = arith.constant 5.500000e+01 : f32
      %sub3A_2798 = vector.broadcast %sub3A_2797 : f32 to vector<16xf32>
      %sub3A_2799 = arith.subf %sub3A_2798, %add3A_2796 : vector<16xf32>
      %mul3A_2800 = arith.mulf %sub3A_2799, %sub3A_2799 : vector<16xf32>
      %add3A_2801 = arith.addf %gather3A_2775, %mul3A_2800 : vector<16xf32>
      %min3A_2802 = arith.minimumf %min3A_2754, %add3A_2801 : vector<16xf32>
      %add3A_2803 = arith.constant 4.800000e+01 : f32
      %add3A_2804 = vector.broadcast %add3A_2803 : f32 to vector<16xf32>
      %add3A_2805 = arith.addf %convert_element_type3A_89, %add3A_2804 : vector<16xf32>
      %sub3A_2806 = arith.constant 5.500000e+01 : f32
      %sub3A_2807 = vector.broadcast %sub3A_2806 : f32 to vector<16xf32>
      %sub3A_2808 = arith.subf %sub3A_2807, %add3A_2805 : vector<16xf32>
      %mul3A_2809 = arith.mulf %sub3A_2808, %sub3A_2808 : vector<16xf32>
      %add3A_2810 = arith.addf %gather3A_2775, %mul3A_2809 : vector<16xf32>
      %min3A_2811 = arith.minimumf %min3A_2763, %add3A_2810 : vector<16xf32>
      %broadcast_in_dim3A_2812 = arith.constant 8 : i32
      %broadcast_in_dim3A_2813 = vector.broadcast %broadcast_in_dim3A_2812 : i32 to vector<16xi32>
      %lt3A_2814 = arith.constant 0 : i32
      %lt3A_2815 = vector.broadcast %lt3A_2814 : i32 to vector<16xi32>
      %lt3A_2816 = arith.cmpi slt, %broadcast_in_dim3A_2813, %lt3A_2815 : vector<16xi32>
      %add3A_2817 = arith.constant 16 : i32
      %add3A_2818 = vector.broadcast %add3A_2817 : i32 to vector<16xi32>
      %add3A_2819 = arith.addi %broadcast_in_dim3A_2813, %add3A_2818 : vector<16xi32>
      %select_n3A_2820 = arith.select %lt3A_2816, %add3A_2819, %broadcast_in_dim3A_2813 : vector<16xi1>, vector<16xi32>
      %broadcast_in_dim3A_2821 = vector.shape_cast %select_n3A_2820 : vector<16xi32> to vector<16x1xi32>
      %gather3A_2822 = vector.shape_cast %broadcast_in_dim3A_2821 : vector<16x1xi32> to vector<16xi32>
      %gather3A_2823 = tpu.dynamic_gather %get3A_117[%gather3A_2822] in [0] : vector<16xf32>, vector<16xi32> -> vector<16xf32>
      %add3A_2824 = arith.constant 0.000000e+00 : f32
      %add3A_2825 = vector.broadcast %add3A_2824 : f32 to vector<16xf32>
      %add3A_2826 = arith.addf %convert_element_type3A_89, %add3A_2825 : vector<16xf32>
      %sub3A_2827 = arith.constant 5.600000e+01 : f32
      %sub3A_2828 = vector.broadcast %sub3A_2827 : f32 to vector<16xf32>
      %sub3A_2829 = arith.subf %sub3A_2828, %add3A_2826 : vector<16xf32>
      %mul3A_2830 = arith.mulf %sub3A_2829, %sub3A_2829 : vector<16xf32>
      %add3A_2831 = arith.addf %gather3A_2823, %mul3A_2830 : vector<16xf32>
      %min3A_2832 = arith.minimumf %min3A_2784, %add3A_2831 : vector<16xf32>
      %add3A_2833 = arith.constant 1.600000e+01 : f32
      %add3A_2834 = vector.broadcast %add3A_2833 : f32 to vector<16xf32>
      %add3A_2835 = arith.addf %convert_element_type3A_89, %add3A_2834 : vector<16xf32>
      %sub3A_2836 = arith.constant 5.600000e+01 : f32
      %sub3A_2837 = vector.broadcast %sub3A_2836 : f32 to vector<16xf32>
      %sub3A_2838 = arith.subf %sub3A_2837, %add3A_2835 : vector<16xf32>
      %mul3A_2839 = arith.mulf %sub3A_2838, %sub3A_2838 : vector<16xf32>
      %add3A_2840 = arith.addf %gather3A_2823, %mul3A_2839 : vector<16xf32>
      %min3A_2841 = arith.minimumf %min3A_2793, %add3A_2840 : vector<16xf32>
      %add3A_2842 = arith.constant 3.200000e+01 : f32
      %add3A_2843 = vector.broadcast %add3A_2842 : f32 to vector<16xf32>
      %add3A_2844 = arith.addf %convert_element_type3A_89, %add3A_2843 : vector<16xf32>
      %sub3A_2845 = arith.constant 5.600000e+01 : f32
      %sub3A_2846 = vector.broadcast %sub3A_2845 : f32 to vector<16xf32>
      %sub3A_2847 = arith.subf %sub3A_2846, %add3A_2844 : vector<16xf32>
      %mul3A_2848 = arith.mulf %sub3A_2847, %sub3A_2847 : vector<16xf32>
      %add3A_2849 = arith.addf %gather3A_2823, %mul3A_2848 : vector<16xf32>
      %min3A_2850 = arith.minimumf %min3A_2802, %add3A_2849 : vector<16xf32>
      %add3A_2851 = arith.constant 4.800000e+01 : f32
      %add3A_2852 = vector.broadcast %add3A_2851 : f32 to vector<16xf32>
      %add3A_2853 = arith.addf %convert_element_type3A_89, %add3A_2852 : vector<16xf32>
      %sub3A_2854 = arith.constant 5.600000e+01 : f32
      %sub3A_2855 = vector.broadcast %sub3A_2854 : f32 to vector<16xf32>
      %sub3A_2856 = arith.subf %sub3A_2855, %add3A_2853 : vector<16xf32>
      %mul3A_2857 = arith.mulf %sub3A_2856, %sub3A_2856 : vector<16xf32>
      %add3A_2858 = arith.addf %gather3A_2823, %mul3A_2857 : vector<16xf32>
      %min3A_2859 = arith.minimumf %min3A_2811, %add3A_2858 : vector<16xf32>
      %broadcast_in_dim3A_2860 = arith.constant 9 : i32
      %broadcast_in_dim3A_2861 = vector.broadcast %broadcast_in_dim3A_2860 : i32 to vector<16xi32>
      %lt3A_2862 = arith.constant 0 : i32
      %lt3A_2863 = vector.broadcast %lt3A_2862 : i32 to vector<16xi32>
      %lt3A_2864 = arith.cmpi slt, %broadcast_in_dim3A_2861, %lt3A_2863 : vector<16xi32>
      %add3A_2865 = arith.constant 16 : i32
      %add3A_2866 = vector.broadcast %add3A_2865 : i32 to vector<16xi32>
      %add3A_2867 = arith.addi %broadcast_in_dim3A_2861, %add3A_2866 : vector<16xi32>
      %select_n3A_2868 = arith.select %lt3A_2864, %add3A_2867, %broadcast_in_dim3A_2861 : vector<16xi1>, vector<16xi32>
      %broadcast_in_dim3A_2869 = vector.shape_cast %select_n3A_2868 : vector<16xi32> to vector<16x1xi32>
      %gather3A_2870 = vector.shape_cast %broadcast_in_dim3A_2869 : vector<16x1xi32> to vector<16xi32>
      %gather3A_2871 = tpu.dynamic_gather %get3A_117[%gather3A_2870] in [0] : vector<16xf32>, vector<16xi32> -> vector<16xf32>
      %add3A_2872 = arith.constant 0.000000e+00 : f32
      %add3A_2873 = vector.broadcast %add3A_2872 : f32 to vector<16xf32>
      %add3A_2874 = arith.addf %convert_element_type3A_89, %add3A_2873 : vector<16xf32>
      %sub3A_2875 = arith.constant 5.700000e+01 : f32
      %sub3A_2876 = vector.broadcast %sub3A_2875 : f32 to vector<16xf32>
      %sub3A_2877 = arith.subf %sub3A_2876, %add3A_2874 : vector<16xf32>
      %mul3A_2878 = arith.mulf %sub3A_2877, %sub3A_2877 : vector<16xf32>
      %add3A_2879 = arith.addf %gather3A_2871, %mul3A_2878 : vector<16xf32>
      %min3A_2880 = arith.minimumf %min3A_2832, %add3A_2879 : vector<16xf32>
      %add3A_2881 = arith.constant 1.600000e+01 : f32
      %add3A_2882 = vector.broadcast %add3A_2881 : f32 to vector<16xf32>
      %add3A_2883 = arith.addf %convert_element_type3A_89, %add3A_2882 : vector<16xf32>
      %sub3A_2884 = arith.constant 5.700000e+01 : f32
      %sub3A_2885 = vector.broadcast %sub3A_2884 : f32 to vector<16xf32>
      %sub3A_2886 = arith.subf %sub3A_2885, %add3A_2883 : vector<16xf32>
      %mul3A_2887 = arith.mulf %sub3A_2886, %sub3A_2886 : vector<16xf32>
      %add3A_2888 = arith.addf %gather3A_2871, %mul3A_2887 : vector<16xf32>
      %min3A_2889 = arith.minimumf %min3A_2841, %add3A_2888 : vector<16xf32>
      %add3A_2890 = arith.constant 3.200000e+01 : f32
      %add3A_2891 = vector.broadcast %add3A_2890 : f32 to vector<16xf32>
      %add3A_2892 = arith.addf %convert_element_type3A_89, %add3A_2891 : vector<16xf32>
      %sub3A_2893 = arith.constant 5.700000e+01 : f32
      %sub3A_2894 = vector.broadcast %sub3A_2893 : f32 to vector<16xf32>
      %sub3A_2895 = arith.subf %sub3A_2894, %add3A_2892 : vector<16xf32>
      %mul3A_2896 = arith.mulf %sub3A_2895, %sub3A_2895 : vector<16xf32>
      %add3A_2897 = arith.addf %gather3A_2871, %mul3A_2896 : vector<16xf32>
      %min3A_2898 = arith.minimumf %min3A_2850, %add3A_2897 : vector<16xf32>
      %add3A_2899 = arith.constant 4.800000e+01 : f32
      %add3A_2900 = vector.broadcast %add3A_2899 : f32 to vector<16xf32>
      %add3A_2901 = arith.addf %convert_element_type3A_89, %add3A_2900 : vector<16xf32>
      %sub3A_2902 = arith.constant 5.700000e+01 : f32
      %sub3A_2903 = vector.broadcast %sub3A_2902 : f32 to vector<16xf32>
      %sub3A_2904 = arith.subf %sub3A_2903, %add3A_2901 : vector<16xf32>
      %mul3A_2905 = arith.mulf %sub3A_2904, %sub3A_2904 : vector<16xf32>
      %add3A_2906 = arith.addf %gather3A_2871, %mul3A_2905 : vector<16xf32>
      %min3A_2907 = arith.minimumf %min3A_2859, %add3A_2906 : vector<16xf32>
      %broadcast_in_dim3A_2908 = arith.constant 10 : i32
      %broadcast_in_dim3A_2909 = vector.broadcast %broadcast_in_dim3A_2908 : i32 to vector<16xi32>
      %lt3A_2910 = arith.constant 0 : i32
      %lt3A_2911 = vector.broadcast %lt3A_2910 : i32 to vector<16xi32>
      %lt3A_2912 = arith.cmpi slt, %broadcast_in_dim3A_2909, %lt3A_2911 : vector<16xi32>
      %add3A_2913 = arith.constant 16 : i32
      %add3A_2914 = vector.broadcast %add3A_2913 : i32 to vector<16xi32>
      %add3A_2915 = arith.addi %broadcast_in_dim3A_2909, %add3A_2914 : vector<16xi32>
      %select_n3A_2916 = arith.select %lt3A_2912, %add3A_2915, %broadcast_in_dim3A_2909 : vector<16xi1>, vector<16xi32>
      %broadcast_in_dim3A_2917 = vector.shape_cast %select_n3A_2916 : vector<16xi32> to vector<16x1xi32>
      %gather3A_2918 = vector.shape_cast %broadcast_in_dim3A_2917 : vector<16x1xi32> to vector<16xi32>
      %gather3A_2919 = tpu.dynamic_gather %get3A_117[%gather3A_2918] in [0] : vector<16xf32>, vector<16xi32> -> vector<16xf32>
      %add3A_2920 = arith.constant 0.000000e+00 : f32
      %add3A_2921 = vector.broadcast %add3A_2920 : f32 to vector<16xf32>
      %add3A_2922 = arith.addf %convert_element_type3A_89, %add3A_2921 : vector<16xf32>
      %sub3A_2923 = arith.constant 5.800000e+01 : f32
      %sub3A_2924 = vector.broadcast %sub3A_2923 : f32 to vector<16xf32>
      %sub3A_2925 = arith.subf %sub3A_2924, %add3A_2922 : vector<16xf32>
      %mul3A_2926 = arith.mulf %sub3A_2925, %sub3A_2925 : vector<16xf32>
      %add3A_2927 = arith.addf %gather3A_2919, %mul3A_2926 : vector<16xf32>
      %min3A_2928 = arith.minimumf %min3A_2880, %add3A_2927 : vector<16xf32>
      %add3A_2929 = arith.constant 1.600000e+01 : f32
      %add3A_2930 = vector.broadcast %add3A_2929 : f32 to vector<16xf32>
      %add3A_2931 = arith.addf %convert_element_type3A_89, %add3A_2930 : vector<16xf32>
      %sub3A_2932 = arith.constant 5.800000e+01 : f32
      %sub3A_2933 = vector.broadcast %sub3A_2932 : f32 to vector<16xf32>
      %sub3A_2934 = arith.subf %sub3A_2933, %add3A_2931 : vector<16xf32>
      %mul3A_2935 = arith.mulf %sub3A_2934, %sub3A_2934 : vector<16xf32>
      %add3A_2936 = arith.addf %gather3A_2919, %mul3A_2935 : vector<16xf32>
      %min3A_2937 = arith.minimumf %min3A_2889, %add3A_2936 : vector<16xf32>
      %add3A_2938 = arith.constant 3.200000e+01 : f32
      %add3A_2939 = vector.broadcast %add3A_2938 : f32 to vector<16xf32>
      %add3A_2940 = arith.addf %convert_element_type3A_89, %add3A_2939 : vector<16xf32>
      %sub3A_2941 = arith.constant 5.800000e+01 : f32
      %sub3A_2942 = vector.broadcast %sub3A_2941 : f32 to vector<16xf32>
      %sub3A_2943 = arith.subf %sub3A_2942, %add3A_2940 : vector<16xf32>
      %mul3A_2944 = arith.mulf %sub3A_2943, %sub3A_2943 : vector<16xf32>
      %add3A_2945 = arith.addf %gather3A_2919, %mul3A_2944 : vector<16xf32>
      %min3A_2946 = arith.minimumf %min3A_2898, %add3A_2945 : vector<16xf32>
      %add3A_2947 = arith.constant 4.800000e+01 : f32
      %add3A_2948 = vector.broadcast %add3A_2947 : f32 to vector<16xf32>
      %add3A_2949 = arith.addf %convert_element_type3A_89, %add3A_2948 : vector<16xf32>
      %sub3A_2950 = arith.constant 5.800000e+01 : f32
      %sub3A_2951 = vector.broadcast %sub3A_2950 : f32 to vector<16xf32>
      %sub3A_2952 = arith.subf %sub3A_2951, %add3A_2949 : vector<16xf32>
      %mul3A_2953 = arith.mulf %sub3A_2952, %sub3A_2952 : vector<16xf32>
      %add3A_2954 = arith.addf %gather3A_2919, %mul3A_2953 : vector<16xf32>
      %min3A_2955 = arith.minimumf %min3A_2907, %add3A_2954 : vector<16xf32>
      %broadcast_in_dim3A_2956 = arith.constant 11 : i32
      %broadcast_in_dim3A_2957 = vector.broadcast %broadcast_in_dim3A_2956 : i32 to vector<16xi32>
      %lt3A_2958 = arith.constant 0 : i32
      %lt3A_2959 = vector.broadcast %lt3A_2958 : i32 to vector<16xi32>
      %lt3A_2960 = arith.cmpi slt, %broadcast_in_dim3A_2957, %lt3A_2959 : vector<16xi32>
      %add3A_2961 = arith.constant 16 : i32
      %add3A_2962 = vector.broadcast %add3A_2961 : i32 to vector<16xi32>
      %add3A_2963 = arith.addi %broadcast_in_dim3A_2957, %add3A_2962 : vector<16xi32>
      %select_n3A_2964 = arith.select %lt3A_2960, %add3A_2963, %broadcast_in_dim3A_2957 : vector<16xi1>, vector<16xi32>
      %broadcast_in_dim3A_2965 = vector.shape_cast %select_n3A_2964 : vector<16xi32> to vector<16x1xi32>
      %gather3A_2966 = vector.shape_cast %broadcast_in_dim3A_2965 : vector<16x1xi32> to vector<16xi32>
      %gather3A_2967 = tpu.dynamic_gather %get3A_117[%gather3A_2966] in [0] : vector<16xf32>, vector<16xi32> -> vector<16xf32>
      %add3A_2968 = arith.constant 0.000000e+00 : f32
      %add3A_2969 = vector.broadcast %add3A_2968 : f32 to vector<16xf32>
      %add3A_2970 = arith.addf %convert_element_type3A_89, %add3A_2969 : vector<16xf32>
      %sub3A_2971 = arith.constant 5.900000e+01 : f32
      %sub3A_2972 = vector.broadcast %sub3A_2971 : f32 to vector<16xf32>
      %sub3A_2973 = arith.subf %sub3A_2972, %add3A_2970 : vector<16xf32>
      %mul3A_2974 = arith.mulf %sub3A_2973, %sub3A_2973 : vector<16xf32>
      %add3A_2975 = arith.addf %gather3A_2967, %mul3A_2974 : vector<16xf32>
      %min3A_2976 = arith.minimumf %min3A_2928, %add3A_2975 : vector<16xf32>
      %add3A_2977 = arith.constant 1.600000e+01 : f32
      %add3A_2978 = vector.broadcast %add3A_2977 : f32 to vector<16xf32>
      %add3A_2979 = arith.addf %convert_element_type3A_89, %add3A_2978 : vector<16xf32>
      %sub3A_2980 = arith.constant 5.900000e+01 : f32
      %sub3A_2981 = vector.broadcast %sub3A_2980 : f32 to vector<16xf32>
      %sub3A_2982 = arith.subf %sub3A_2981, %add3A_2979 : vector<16xf32>
      %mul3A_2983 = arith.mulf %sub3A_2982, %sub3A_2982 : vector<16xf32>
      %add3A_2984 = arith.addf %gather3A_2967, %mul3A_2983 : vector<16xf32>
      %min3A_2985 = arith.minimumf %min3A_2937, %add3A_2984 : vector<16xf32>
      %add3A_2986 = arith.constant 3.200000e+01 : f32
      %add3A_2987 = vector.broadcast %add3A_2986 : f32 to vector<16xf32>
      %add3A_2988 = arith.addf %convert_element_type3A_89, %add3A_2987 : vector<16xf32>
      %sub3A_2989 = arith.constant 5.900000e+01 : f32
      %sub3A_2990 = vector.broadcast %sub3A_2989 : f32 to vector<16xf32>
      %sub3A_2991 = arith.subf %sub3A_2990, %add3A_2988 : vector<16xf32>
      %mul3A_2992 = arith.mulf %sub3A_2991, %sub3A_2991 : vector<16xf32>
      %add3A_2993 = arith.addf %gather3A_2967, %mul3A_2992 : vector<16xf32>
      %min3A_2994 = arith.minimumf %min3A_2946, %add3A_2993 : vector<16xf32>
      %add3A_2995 = arith.constant 4.800000e+01 : f32
      %add3A_2996 = vector.broadcast %add3A_2995 : f32 to vector<16xf32>
      %add3A_2997 = arith.addf %convert_element_type3A_89, %add3A_2996 : vector<16xf32>
      %sub3A_2998 = arith.constant 5.900000e+01 : f32
      %sub3A_2999 = vector.broadcast %sub3A_2998 : f32 to vector<16xf32>
      %sub3A_3000 = arith.subf %sub3A_2999, %add3A_2997 : vector<16xf32>
      %mul3A_3001 = arith.mulf %sub3A_3000, %sub3A_3000 : vector<16xf32>
      %add3A_3002 = arith.addf %gather3A_2967, %mul3A_3001 : vector<16xf32>
      %min3A_3003 = arith.minimumf %min3A_2955, %add3A_3002 : vector<16xf32>
      %broadcast_in_dim3A_3004 = arith.constant 12 : i32
      %broadcast_in_dim3A_3005 = vector.broadcast %broadcast_in_dim3A_3004 : i32 to vector<16xi32>
      %lt3A_3006 = arith.constant 0 : i32
      %lt3A_3007 = vector.broadcast %lt3A_3006 : i32 to vector<16xi32>
      %lt3A_3008 = arith.cmpi slt, %broadcast_in_dim3A_3005, %lt3A_3007 : vector<16xi32>
      %add3A_3009 = arith.constant 16 : i32
      %add3A_3010 = vector.broadcast %add3A_3009 : i32 to vector<16xi32>
      %add3A_3011 = arith.addi %broadcast_in_dim3A_3005, %add3A_3010 : vector<16xi32>
      %select_n3A_3012 = arith.select %lt3A_3008, %add3A_3011, %broadcast_in_dim3A_3005 : vector<16xi1>, vector<16xi32>
      %broadcast_in_dim3A_3013 = vector.shape_cast %select_n3A_3012 : vector<16xi32> to vector<16x1xi32>
      %gather3A_3014 = vector.shape_cast %broadcast_in_dim3A_3013 : vector<16x1xi32> to vector<16xi32>
      %gather3A_3015 = tpu.dynamic_gather %get3A_117[%gather3A_3014] in [0] : vector<16xf32>, vector<16xi32> -> vector<16xf32>
      %add3A_3016 = arith.constant 0.000000e+00 : f32
      %add3A_3017 = vector.broadcast %add3A_3016 : f32 to vector<16xf32>
      %add3A_3018 = arith.addf %convert_element_type3A_89, %add3A_3017 : vector<16xf32>
      %sub3A_3019 = arith.constant 6.000000e+01 : f32
      %sub3A_3020 = vector.broadcast %sub3A_3019 : f32 to vector<16xf32>
      %sub3A_3021 = arith.subf %sub3A_3020, %add3A_3018 : vector<16xf32>
      %mul3A_3022 = arith.mulf %sub3A_3021, %sub3A_3021 : vector<16xf32>
      %add3A_3023 = arith.addf %gather3A_3015, %mul3A_3022 : vector<16xf32>
      %min3A_3024 = arith.minimumf %min3A_2976, %add3A_3023 : vector<16xf32>
      %add3A_3025 = arith.constant 1.600000e+01 : f32
      %add3A_3026 = vector.broadcast %add3A_3025 : f32 to vector<16xf32>
      %add3A_3027 = arith.addf %convert_element_type3A_89, %add3A_3026 : vector<16xf32>
      %sub3A_3028 = arith.constant 6.000000e+01 : f32
      %sub3A_3029 = vector.broadcast %sub3A_3028 : f32 to vector<16xf32>
      %sub3A_3030 = arith.subf %sub3A_3029, %add3A_3027 : vector<16xf32>
      %mul3A_3031 = arith.mulf %sub3A_3030, %sub3A_3030 : vector<16xf32>
      %add3A_3032 = arith.addf %gather3A_3015, %mul3A_3031 : vector<16xf32>
      %min3A_3033 = arith.minimumf %min3A_2985, %add3A_3032 : vector<16xf32>
      %add3A_3034 = arith.constant 3.200000e+01 : f32
      %add3A_3035 = vector.broadcast %add3A_3034 : f32 to vector<16xf32>
      %add3A_3036 = arith.addf %convert_element_type3A_89, %add3A_3035 : vector<16xf32>
      %sub3A_3037 = arith.constant 6.000000e+01 : f32
      %sub3A_3038 = vector.broadcast %sub3A_3037 : f32 to vector<16xf32>
      %sub3A_3039 = arith.subf %sub3A_3038, %add3A_3036 : vector<16xf32>
      %mul3A_3040 = arith.mulf %sub3A_3039, %sub3A_3039 : vector<16xf32>
      %add3A_3041 = arith.addf %gather3A_3015, %mul3A_3040 : vector<16xf32>
      %min3A_3042 = arith.minimumf %min3A_2994, %add3A_3041 : vector<16xf32>
      %add3A_3043 = arith.constant 4.800000e+01 : f32
      %add3A_3044 = vector.broadcast %add3A_3043 : f32 to vector<16xf32>
      %add3A_3045 = arith.addf %convert_element_type3A_89, %add3A_3044 : vector<16xf32>
      %sub3A_3046 = arith.constant 6.000000e+01 : f32
      %sub3A_3047 = vector.broadcast %sub3A_3046 : f32 to vector<16xf32>
      %sub3A_3048 = arith.subf %sub3A_3047, %add3A_3045 : vector<16xf32>
      %mul3A_3049 = arith.mulf %sub3A_3048, %sub3A_3048 : vector<16xf32>
      %add3A_3050 = arith.addf %gather3A_3015, %mul3A_3049 : vector<16xf32>
      %min3A_3051 = arith.minimumf %min3A_3003, %add3A_3050 : vector<16xf32>
      %broadcast_in_dim3A_3052 = arith.constant 13 : i32
      %broadcast_in_dim3A_3053 = vector.broadcast %broadcast_in_dim3A_3052 : i32 to vector<16xi32>
      %lt3A_3054 = arith.constant 0 : i32
      %lt3A_3055 = vector.broadcast %lt3A_3054 : i32 to vector<16xi32>
      %lt3A_3056 = arith.cmpi slt, %broadcast_in_dim3A_3053, %lt3A_3055 : vector<16xi32>
      %add3A_3057 = arith.constant 16 : i32
      %add3A_3058 = vector.broadcast %add3A_3057 : i32 to vector<16xi32>
      %add3A_3059 = arith.addi %broadcast_in_dim3A_3053, %add3A_3058 : vector<16xi32>
      %select_n3A_3060 = arith.select %lt3A_3056, %add3A_3059, %broadcast_in_dim3A_3053 : vector<16xi1>, vector<16xi32>
      %broadcast_in_dim3A_3061 = vector.shape_cast %select_n3A_3060 : vector<16xi32> to vector<16x1xi32>
      %gather3A_3062 = vector.shape_cast %broadcast_in_dim3A_3061 : vector<16x1xi32> to vector<16xi32>
      %gather3A_3063 = tpu.dynamic_gather %get3A_117[%gather3A_3062] in [0] : vector<16xf32>, vector<16xi32> -> vector<16xf32>
      %add3A_3064 = arith.constant 0.000000e+00 : f32
      %add3A_3065 = vector.broadcast %add3A_3064 : f32 to vector<16xf32>
      %add3A_3066 = arith.addf %convert_element_type3A_89, %add3A_3065 : vector<16xf32>
      %sub3A_3067 = arith.constant 6.100000e+01 : f32
      %sub3A_3068 = vector.broadcast %sub3A_3067 : f32 to vector<16xf32>
      %sub3A_3069 = arith.subf %sub3A_3068, %add3A_3066 : vector<16xf32>
      %mul3A_3070 = arith.mulf %sub3A_3069, %sub3A_3069 : vector<16xf32>
      %add3A_3071 = arith.addf %gather3A_3063, %mul3A_3070 : vector<16xf32>
      %min3A_3072 = arith.minimumf %min3A_3024, %add3A_3071 : vector<16xf32>
      %add3A_3073 = arith.constant 1.600000e+01 : f32
      %add3A_3074 = vector.broadcast %add3A_3073 : f32 to vector<16xf32>
      %add3A_3075 = arith.addf %convert_element_type3A_89, %add3A_3074 : vector<16xf32>
      %sub3A_3076 = arith.constant 6.100000e+01 : f32
      %sub3A_3077 = vector.broadcast %sub3A_3076 : f32 to vector<16xf32>
      %sub3A_3078 = arith.subf %sub3A_3077, %add3A_3075 : vector<16xf32>
      %mul3A_3079 = arith.mulf %sub3A_3078, %sub3A_3078 : vector<16xf32>
      %add3A_3080 = arith.addf %gather3A_3063, %mul3A_3079 : vector<16xf32>
      %min3A_3081 = arith.minimumf %min3A_3033, %add3A_3080 : vector<16xf32>
      %add3A_3082 = arith.constant 3.200000e+01 : f32
      %add3A_3083 = vector.broadcast %add3A_3082 : f32 to vector<16xf32>
      %add3A_3084 = arith.addf %convert_element_type3A_89, %add3A_3083 : vector<16xf32>
      %sub3A_3085 = arith.constant 6.100000e+01 : f32
      %sub3A_3086 = vector.broadcast %sub3A_3085 : f32 to vector<16xf32>
      %sub3A_3087 = arith.subf %sub3A_3086, %add3A_3084 : vector<16xf32>
      %mul3A_3088 = arith.mulf %sub3A_3087, %sub3A_3087 : vector<16xf32>
      %add3A_3089 = arith.addf %gather3A_3063, %mul3A_3088 : vector<16xf32>
      %min3A_3090 = arith.minimumf %min3A_3042, %add3A_3089 : vector<16xf32>
      %add3A_3091 = arith.constant 4.800000e+01 : f32
      %add3A_3092 = vector.broadcast %add3A_3091 : f32 to vector<16xf32>
      %add3A_3093 = arith.addf %convert_element_type3A_89, %add3A_3092 : vector<16xf32>
      %sub3A_3094 = arith.constant 6.100000e+01 : f32
      %sub3A_3095 = vector.broadcast %sub3A_3094 : f32 to vector<16xf32>
      %sub3A_3096 = arith.subf %sub3A_3095, %add3A_3093 : vector<16xf32>
      %mul3A_3097 = arith.mulf %sub3A_3096, %sub3A_3096 : vector<16xf32>
      %add3A_3098 = arith.addf %gather3A_3063, %mul3A_3097 : vector<16xf32>
      %min3A_3099 = arith.minimumf %min3A_3051, %add3A_3098 : vector<16xf32>
      %broadcast_in_dim3A_3100 = arith.constant 14 : i32
      %broadcast_in_dim3A_3101 = vector.broadcast %broadcast_in_dim3A_3100 : i32 to vector<16xi32>
      %lt3A_3102 = arith.constant 0 : i32
      %lt3A_3103 = vector.broadcast %lt3A_3102 : i32 to vector<16xi32>
      %lt3A_3104 = arith.cmpi slt, %broadcast_in_dim3A_3101, %lt3A_3103 : vector<16xi32>
      %add3A_3105 = arith.constant 16 : i32
      %add3A_3106 = vector.broadcast %add3A_3105 : i32 to vector<16xi32>
      %add3A_3107 = arith.addi %broadcast_in_dim3A_3101, %add3A_3106 : vector<16xi32>
      %select_n3A_3108 = arith.select %lt3A_3104, %add3A_3107, %broadcast_in_dim3A_3101 : vector<16xi1>, vector<16xi32>
      %broadcast_in_dim3A_3109 = vector.shape_cast %select_n3A_3108 : vector<16xi32> to vector<16x1xi32>
      %gather3A_3110 = vector.shape_cast %broadcast_in_dim3A_3109 : vector<16x1xi32> to vector<16xi32>
      %gather3A_3111 = tpu.dynamic_gather %get3A_117[%gather3A_3110] in [0] : vector<16xf32>, vector<16xi32> -> vector<16xf32>
      %add3A_3112 = arith.constant 0.000000e+00 : f32
      %add3A_3113 = vector.broadcast %add3A_3112 : f32 to vector<16xf32>
      %add3A_3114 = arith.addf %convert_element_type3A_89, %add3A_3113 : vector<16xf32>
      %sub3A_3115 = arith.constant 6.200000e+01 : f32
      %sub3A_3116 = vector.broadcast %sub3A_3115 : f32 to vector<16xf32>
      %sub3A_3117 = arith.subf %sub3A_3116, %add3A_3114 : vector<16xf32>
      %mul3A_3118 = arith.mulf %sub3A_3117, %sub3A_3117 : vector<16xf32>
      %add3A_3119 = arith.addf %gather3A_3111, %mul3A_3118 : vector<16xf32>
      %min3A_3120 = arith.minimumf %min3A_3072, %add3A_3119 : vector<16xf32>
      %add3A_3121 = arith.constant 1.600000e+01 : f32
      %add3A_3122 = vector.broadcast %add3A_3121 : f32 to vector<16xf32>
      %add3A_3123 = arith.addf %convert_element_type3A_89, %add3A_3122 : vector<16xf32>
      %sub3A_3124 = arith.constant 6.200000e+01 : f32
      %sub3A_3125 = vector.broadcast %sub3A_3124 : f32 to vector<16xf32>
      %sub3A_3126 = arith.subf %sub3A_3125, %add3A_3123 : vector<16xf32>
      %mul3A_3127 = arith.mulf %sub3A_3126, %sub3A_3126 : vector<16xf32>
      %add3A_3128 = arith.addf %gather3A_3111, %mul3A_3127 : vector<16xf32>
      %min3A_3129 = arith.minimumf %min3A_3081, %add3A_3128 : vector<16xf32>
      %add3A_3130 = arith.constant 3.200000e+01 : f32
      %add3A_3131 = vector.broadcast %add3A_3130 : f32 to vector<16xf32>
      %add3A_3132 = arith.addf %convert_element_type3A_89, %add3A_3131 : vector<16xf32>
      %sub3A_3133 = arith.constant 6.200000e+01 : f32
      %sub3A_3134 = vector.broadcast %sub3A_3133 : f32 to vector<16xf32>
      %sub3A_3135 = arith.subf %sub3A_3134, %add3A_3132 : vector<16xf32>
      %mul3A_3136 = arith.mulf %sub3A_3135, %sub3A_3135 : vector<16xf32>
      %add3A_3137 = arith.addf %gather3A_3111, %mul3A_3136 : vector<16xf32>
      %min3A_3138 = arith.minimumf %min3A_3090, %add3A_3137 : vector<16xf32>
      %add3A_3139 = arith.constant 4.800000e+01 : f32
      %add3A_3140 = vector.broadcast %add3A_3139 : f32 to vector<16xf32>
      %add3A_3141 = arith.addf %convert_element_type3A_89, %add3A_3140 : vector<16xf32>
      %sub3A_3142 = arith.constant 6.200000e+01 : f32
      %sub3A_3143 = vector.broadcast %sub3A_3142 : f32 to vector<16xf32>
      %sub3A_3144 = arith.subf %sub3A_3143, %add3A_3141 : vector<16xf32>
      %mul3A_3145 = arith.mulf %sub3A_3144, %sub3A_3144 : vector<16xf32>
      %add3A_3146 = arith.addf %gather3A_3111, %mul3A_3145 : vector<16xf32>
      %min3A_3147 = arith.minimumf %min3A_3099, %add3A_3146 : vector<16xf32>
      %broadcast_in_dim3A_3148 = arith.constant 15 : i32
      %broadcast_in_dim3A_3149 = vector.broadcast %broadcast_in_dim3A_3148 : i32 to vector<16xi32>
      %lt3A_3150 = arith.constant 0 : i32
      %lt3A_3151 = vector.broadcast %lt3A_3150 : i32 to vector<16xi32>
      %lt3A_3152 = arith.cmpi slt, %broadcast_in_dim3A_3149, %lt3A_3151 : vector<16xi32>
      %add3A_3153 = arith.constant 16 : i32
      %add3A_3154 = vector.broadcast %add3A_3153 : i32 to vector<16xi32>
      %add3A_3155 = arith.addi %broadcast_in_dim3A_3149, %add3A_3154 : vector<16xi32>
      %select_n3A_3156 = arith.select %lt3A_3152, %add3A_3155, %broadcast_in_dim3A_3149 : vector<16xi1>, vector<16xi32>
      %broadcast_in_dim3A_3157 = vector.shape_cast %select_n3A_3156 : vector<16xi32> to vector<16x1xi32>
      %gather3A_3158 = vector.shape_cast %broadcast_in_dim3A_3157 : vector<16x1xi32> to vector<16xi32>
      %gather3A_3159 = tpu.dynamic_gather %get3A_117[%gather3A_3158] in [0] : vector<16xf32>, vector<16xi32> -> vector<16xf32>
      %add3A_3160 = arith.constant 0.000000e+00 : f32
      %add3A_3161 = vector.broadcast %add3A_3160 : f32 to vector<16xf32>
      %add3A_3162 = arith.addf %convert_element_type3A_89, %add3A_3161 : vector<16xf32>
      %sub3A_3163 = arith.constant 6.300000e+01 : f32
      %sub3A_3164 = vector.broadcast %sub3A_3163 : f32 to vector<16xf32>
      %sub3A_3165 = arith.subf %sub3A_3164, %add3A_3162 : vector<16xf32>
      %mul3A_3166 = arith.mulf %sub3A_3165, %sub3A_3165 : vector<16xf32>
      %add3A_3167 = arith.addf %gather3A_3159, %mul3A_3166 : vector<16xf32>
      %min3A_3168 = arith.minimumf %min3A_3120, %add3A_3167 : vector<16xf32>
      %add3A_3169 = arith.constant 1.600000e+01 : f32
      %add3A_3170 = vector.broadcast %add3A_3169 : f32 to vector<16xf32>
      %add3A_3171 = arith.addf %convert_element_type3A_89, %add3A_3170 : vector<16xf32>
      %sub3A_3172 = arith.constant 6.300000e+01 : f32
      %sub3A_3173 = vector.broadcast %sub3A_3172 : f32 to vector<16xf32>
      %sub3A_3174 = arith.subf %sub3A_3173, %add3A_3171 : vector<16xf32>
      %mul3A_3175 = arith.mulf %sub3A_3174, %sub3A_3174 : vector<16xf32>
      %add3A_3176 = arith.addf %gather3A_3159, %mul3A_3175 : vector<16xf32>
      %min3A_3177 = arith.minimumf %min3A_3129, %add3A_3176 : vector<16xf32>
      %add3A_3178 = arith.constant 3.200000e+01 : f32
      %add3A_3179 = vector.broadcast %add3A_3178 : f32 to vector<16xf32>
      %add3A_3180 = arith.addf %convert_element_type3A_89, %add3A_3179 : vector<16xf32>
      %sub3A_3181 = arith.constant 6.300000e+01 : f32
      %sub3A_3182 = vector.broadcast %sub3A_3181 : f32 to vector<16xf32>
      %sub3A_3183 = arith.subf %sub3A_3182, %add3A_3180 : vector<16xf32>
      %mul3A_3184 = arith.mulf %sub3A_3183, %sub3A_3183 : vector<16xf32>
      %add3A_3185 = arith.addf %gather3A_3159, %mul3A_3184 : vector<16xf32>
      %min3A_3186 = arith.minimumf %min3A_3138, %add3A_3185 : vector<16xf32>
      %add3A_3187 = arith.constant 4.800000e+01 : f32
      %add3A_3188 = vector.broadcast %add3A_3187 : f32 to vector<16xf32>
      %add3A_3189 = arith.addf %convert_element_type3A_89, %add3A_3188 : vector<16xf32>
      %sub3A_3190 = arith.constant 6.300000e+01 : f32
      %sub3A_3191 = vector.broadcast %sub3A_3190 : f32 to vector<16xf32>
      %sub3A_3192 = arith.subf %sub3A_3191, %add3A_3189 : vector<16xf32>
      %mul3A_3193 = arith.mulf %sub3A_3192, %sub3A_3192 : vector<16xf32>
      %add3A_3194 = arith.addf %gather3A_3159, %mul3A_3193 : vector<16xf32>
      %min3A_3195 = arith.minimumf %min3A_3147, %add3A_3194 : vector<16xf32>
      %add3A_3196 = arith.addi %mul3A_56, %scan3A_101 : i32
      %get3A_3197 = arith.index_cast %add3A_3196 : i32 to index
      %get3A_3198 = arith.constant 0 : index
      %get3A_3199 = tpu.vector_load %arg8[%get3A_3197, %get3A_3198] {strides = array<i32>} : memref<64x64xf32, #tpu.memory_space<vmem>>, vector<1x16xf32>,
      %get3A_3200 = vector.shape_cast %get3A_3199 : vector<1x16xf32> to vector<16xf32>
      %add3A_3201 = arith.constant 1.000000e+00 : f32
      %add3A_3202 = vector.broadcast %add3A_3201 : f32 to vector<16xf32>
      %add3A_3203 = arith.addf %min3A_3168, %add3A_3202 : vector<16xf32>
      %mul3A_3204 = arith.mulf %get3A_3200, %add3A_3203 : vector<16xf32>
      %sub3A_3205 = arith.constant 1.000000e+00 : f32
      %sub3A_3206 = vector.broadcast %sub3A_3205 : f32 to vector<16xf32>
      %sub3A_3207 = arith.subf %mul3A_3204, %sub3A_3206 : vector<16xf32>
      %max3A = arith.maximumf %scan3A_102, %sub3A_3207 : vector<16xf32>
      %add3A_3208 = arith.addi %mul3A_56, %scan3A_101 : i32
      %get3A_3209 = arith.index_cast %add3A_3208 : i32 to index
      %get3A_3210 = arith.constant 16 : index
      %get3A_3211 = tpu.vector_load %arg8[%get3A_3209, %get3A_3210] {strides = array<i32>} : memref<64x64xf32, #tpu.memory_space<vmem>>, vector<1x16xf32>,
      %get3A_3212 = vector.shape_cast %get3A_3211 : vector<1x16xf32> to vector<16xf32>
      %add3A_3213 = arith.constant 1.000000e+00 : f32
      %add3A_3214 = vector.broadcast %add3A_3213 : f32 to vector<16xf32>
      %add3A_3215 = arith.addf %min3A_3177, %add3A_3214 : vector<16xf32>
      %mul3A_3216 = arith.mulf %get3A_3212, %add3A_3215 : vector<16xf32>
      %sub3A_3217 = arith.constant 1.000000e+00 : f32
      %sub3A_3218 = vector.broadcast %sub3A_3217 : f32 to vector<16xf32>
      %sub3A_3219 = arith.subf %mul3A_3216, %sub3A_3218 : vector<16xf32>
      %max3A_3220 = arith.maximumf %max3A, %sub3A_3219 : vector<16xf32>
      %add3A_3221 = arith.addi %mul3A_56, %scan3A_101 : i32
      %get3A_3222 = arith.index_cast %add3A_3221 : i32 to index
      %get3A_3223 = arith.constant 32 : index
      %get3A_3224 = tpu.vector_load %arg8[%get3A_3222, %get3A_3223] {strides = array<i32>} : memref<64x64xf32, #tpu.memory_space<vmem>>, vector<1x16xf32>,
      %get3A_3225 = vector.shape_cast %get3A_3224 : vector<1x16xf32> to vector<16xf32>
      %add3A_3226 = arith.constant 1.000000e+00 : f32
      %add3A_3227 = vector.broadcast %add3A_3226 : f32 to vector<16xf32>
      %add3A_3228 = arith.addf %min3A_3186, %add3A_3227 : vector<16xf32>
      %mul3A_3229 = arith.mulf %get3A_3225, %add3A_3228 : vector<16xf32>
      %sub3A_3230 = arith.constant 1.000000e+00 : f32
      %sub3A_3231 = vector.broadcast %sub3A_3230 : f32 to vector<16xf32>
      %sub3A_3232 = arith.subf %mul3A_3229, %sub3A_3231 : vector<16xf32>
      %max3A_3233 = arith.maximumf %max3A_3220, %sub3A_3232 : vector<16xf32>
      %add3A_3234 = arith.addi %mul3A_56, %scan3A_101 : i32
      %get3A_3235 = arith.index_cast %add3A_3234 : i32 to index
      %get3A_3236 = arith.constant 48 : index
      %get3A_3237 = tpu.vector_load %arg8[%get3A_3235, %get3A_3236] {strides = array<i32>} : memref<64x64xf32, #tpu.memory_space<vmem>>, vector<1x16xf32>,
      %get3A_3238 = vector.shape_cast %get3A_3237 : vector<1x16xf32> to vector<16xf32>
      %add3A_3239 = arith.constant 1.000000e+00 : f32
      %add3A_3240 = vector.broadcast %add3A_3239 : f32 to vector<16xf32>
      %add3A_3241 = arith.addf %min3A_3195, %add3A_3240 : vector<16xf32>
      %mul3A_3242 = arith.mulf %get3A_3238, %add3A_3241 : vector<16xf32>
      %sub3A_3243 = arith.constant 1.000000e+00 : f32
      %sub3A_3244 = vector.broadcast %sub3A_3243 : f32 to vector<16xf32>
      %sub3A_3245 = arith.subf %mul3A_3242, %sub3A_3244 : vector<16xf32>
      %max3A_3246 = arith.maximumf %max3A_3233, %sub3A_3245 : vector<16xf32>
      scf.yield %max3A_3246 : vector<16xf32>
    }
    %scan3A_97 = arith.constant 16 : i32
    %swap3A = arith.constant 0 : index
    %swap3A_98 = tpu.vector_load %arg10[%swap3A] {strides = array<i32>} : memref<16xf32, #tpu.memory_space<vmem>>, vector<16xf32>,
    %swap3A_99 = vector.shape_cast %swap3A_98 : vector<16xf32> to vector<16xf32>
    %swap3A_100 = vector.shape_cast %scan3A_96 : vector<16xf32> to vector<16xf32>
    tpu.vector_store %arg10[%swap3A], %swap3A_100 {strides = array<i32>} : memref<16xf32, #tpu.memory_space<vmem>>, vector<16xf32>,
    "tpu.region"() ({
      %run_scoped3A = tpu.sem_alloc : memref<!tpu.dma_semaphore, #tpu.memory_space<semaphore_mem>>
      %dma_start3A = arith.constant 0 : i32
      %dma_start3A_101 = tpu.memref_slice %arg4[%add3A, %dma_start3A] : memref<32x16xf32, #tpu.memory_space<hbm>> -> memref<1x16xf32, #tpu.memory_space<hbm>>
      %dma_start3A_102 = tpu.memref_squeeze %dma_start3A_101 : memref<1x16xf32, #tpu.memory_space<hbm>> -> memref<16xf32, #tpu.memory_space<hbm>>
      %dma_start3A_103 = arith.constant 0 : i32
      %dma_start3A_104 = tpu.memref_slice %arg4[%add3A, %dma_start3A_103] : memref<32x16xf32, #tpu.memory_space<hbm>> -> memref<1x16xf32, #tpu.memory_space<hbm>>
      %dma_start3A_105 = tpu.memref_squeeze %dma_start3A_104 : memref<1x16xf32, #tpu.memory_space<hbm>> -> memref<16xf32, #tpu.memory_space<hbm>>
      tpu.enqueue_dma source(%arg10 : memref<16xf32, #tpu.memory_space<vmem>>) target(%dma_start3A_105 : memref<16xf32, #tpu.memory_space<hbm>>) target_semaphore(%run_scoped3A : memref<!tpu.dma_semaphore, #tpu.memory_space<semaphore_mem>>)
      %dma_wait3A = arith.constant 0 : i32
      %dma_wait3A_106 = tpu.memref_slice %arg4[%add3A, %dma_wait3A] : memref<32x16xf32, #tpu.memory_space<hbm>> -> memref<1x16xf32, #tpu.memory_space<hbm>>
      %dma_wait3A_107 = tpu.memref_squeeze %dma_wait3A_106 : memref<1x16xf32, #tpu.memory_space<hbm>> -> memref<16xf32, #tpu.memory_space<hbm>>
      %dma_wait3A_108 = arith.constant 0 : i32
      %dma_wait3A_109 = tpu.memref_slice %arg4[%add3A, %dma_wait3A_108] : memref<32x16xf32, #tpu.memory_space<hbm>> -> memref<1x16xf32, #tpu.memory_space<hbm>>
      %dma_wait3A_110 = tpu.memref_squeeze %dma_wait3A_109 : memref<1x16xf32, #tpu.memory_space<hbm>> -> memref<16xf32, #tpu.memory_space<hbm>>
      tpu.wait_dma2 semaphore(%run_scoped3A : memref<!tpu.dma_semaphore, #tpu.memory_space<semaphore_mem>>) src(%arg10 : memref<16xf32, #tpu.memory_space<vmem>>) dst(%dma_wait3A_110 : memref<16xf32, #tpu.memory_space<hbm>>)
      tpu.yield
    }) : () -> ()
    return
  }
}

</mosaic_0001>

<sc_bundles>
// kernel: kernel.3.cloned.1.call-start
scs
__scs_entry_jumppad:
0x0: {  	(pc) =	sbr.rel $0x88, $3  }
0x1: {  	(tag) =	ssettag $0x0;
	lr =	simm.s32 $0x1  }
0x2: {  	[smem:$0x3F9F] =	sst lr;
	_ =	strace $0xD0000000  }
0x3: {  	_ = 	snop  }
0x4: {  	_ = 	snop  }
0x5: {  	_ = 	snop  }
0x6: {  	_ = 	snop  }
0x7: {  	_ = 	snop  }
__scs_overlays_trampoline_lowered:
0x8: {  	[smem:$0x3FAE] =	sst s0  }
0x9: {  	[smem:$0x3FAF] =	sst s1  }
0xa: {  	[smem:$0x3FB0] =	sst s2  }
0xb: {  	[smem:$0x3FB1] =	sst s3  }
0xc: {  	[smem:$0x3FB2] =	sst s4  }
0xd: {  	[smem:$0x3FB3] =	sst s5  }
0xe: {  	[smem:$0x3FB4] =	sst s6  }
0xf: {  	[smem:$0x3FB5] =	sst s7  }
0x10: {  	[smem:$0x3FB6] =	sst s8  }
0x11: {  	[smem:$0x3FB7] =	sst s9;
	s0 =	simm.s32 @!p0 $0x0  }
0x12: {  	s1 =	sld [smem:$0x3F9D];
	s0 =	simm.s32 @p0 $0x1  }
0x13: {  	[smem:$0x3FB8] =	sst s0;
	s0 =	simm.s32 @!p1 $0x0  }
0x14: {  	s2 =	sld [smem:$0x3F9C];
	s0 =	simm.s32 @p1 $0x1  }
0x15: {  	[smem:$0x3FB9] =	sst s0;
	s0 =	simm.s32 @!p2 $0x0  }
0x16: {  	s3 =	sld [smem:$0x3FDB];
	s0 =	simm.s32 @p2 $0x1  }
0x17: {  	s4 =	simm.s32 $0x1BF5;
	[smem:$0x3FBB] =	sst s0  }
0x18: {  	s0 =	sld [smem:$0x3F9E];
	_ =	swait.ge [sflag:s4], $0x0  }
0x19: {  	s7 =	sld [smem:$0x3F9F]  }
0x1a: {  	s8 =	sadd.s32 $0xFFFFE003, lr  }
0x1b: {  	s9 =	sadd.s32 $0xFFFFFEF7, lr;
	s5 =	simm.s32 $0xFFFFFFFF;
	p2 =	slt.u32 s8, $0xFFFFF086  }
0x1c: {  	p1 =	slt.u32 s9, $0xF7A;
	s5 =	simm.s32 @!p2 $0x0  }
0x1d: {  	s5 =	simm.s32 @p1 $0x1;
	p0 =	seq.s32 s7, s2  }
0x1e: {  	s7 =	smul.u32 @!p0 $0xF7A, s2;
	p2 =	seq.s32 @!p0 s5, $0x0  }
0x1f: {  	s9 =	smul.u32 $0xF7A, s1;
	s8 =	simm.s32 @!p0 $0x1BF5;
	p2 =	por !p2, p0  }
0x20: {  	[sflag:s8] =	ssyncset.s32 @!p0 $0xFFFFF086;
	s6 =	sadd.s32 @!p0 s3, s7;
	s7 =	simm.s32 @!p0 $0x108  }
0x21: {  	s3 =	sadd.s32 s3, s9;
	s6 =	sadd.s32 @!p0 $0x88, s6;
	s7 =	simm.s32 @p2 $0x1082  }
0x22: {  	[simem:s7], [sflag:s8] =	dma.local @!p0 [hbm:s6], $0xF7A  }
0x23: {  	s9 =	sor.u32 $0xD0000000, s2;
	s6 =	simm.s32 $0x108;
	_ =	swait.ge @!p0 [sflag:s8], $0x0  }
0x24: {  	s3 =	sadd.s32 $0x88, s3;
	s6 =	simm.s32 @!p1 $0x1082;
	[sflag:s4] =	ssyncset.s32 $0xFFFFF086  }
0x25: {  	[simem:s6], [sflag:s4] =	dma.local [hbm:s3], $0xF7A  }
0x26: {  	[smem:$0x3F9F] =	sst s1;
	(tag) =	ssettag s2;
	_ =	strace s9  }
0x27: {  	s1 =	sld [smem:$0x3FAF]  }
0x28: {  	s2 =	sld [smem:$0x3FB0]  }
0x29: {  	s4 =	sld [smem:$0x3FB2]  }
0x2a: {  	p0 =	seq.s32 s5, $0x0;
	s5 =	sld [smem:$0x3FB3]  }
0x2b: {  	s6 =	sld [smem:$0x3FB4]  }
0x2c: {  	s7 =	sld [smem:$0x3FB5]  }
0x2d: {  	s3 =	simm.s32 $0x108;
	s8 =	sld [smem:$0x3FB6]  }
0x2e: {  	s3 =	simm.s32 @!p0 $0x1082;
	s9 =	sld [smem:$0x3FB7]  }
0x2f: {  	lr =	sadd.s32 s0, s3;
	s0 =	sld [smem:$0x3FAE]  }
0x30: {  	s3 =	sld [smem:$0x3FB1]  }
0x31: {  	[smem:$0x3FBA] =	sst s10  }
0x32: {  	s10 =	sld [smem:$0x3FB8];
	_ =	sdelay $0x3  }
0x33: {  	p0 =	seq.s32 s10, $0x1;
	s10 =	sld [smem:$0x3FBA];
	_ =	sdelay $0x3  }
0x34: {  	[smem:$0x3FBA] =	sst s10  }
0x35: {  	s10 =	sld [smem:$0x3FB9];
	_ =	sdelay $0x3  }
0x36: {  	p1 =	seq.s32 s10, $0x1;
	s10 =	sld [smem:$0x3FBA];
	_ =	sdelay $0x3  }
0x37: {  	[smem:$0x3FBA] =	sst s10  }
0x38: {  	s10 =	sld [smem:$0x3FBB]  }
0x39: {  	_ = 	snop;
	(pc) =	sbr.ind lr, $3  }
0x3a: {  	_ = 	snop  }
0x3b: {  	_ = 	snop  }
0x3c: {  	p2 =	seq.s32 s10, $0x1;
	s10 =	sld [smem:$0x3FBA]  }
0x3d: {  	_ =	shalt  }
0x3e: {  	_ =	shalt  }
0x3f: {  	_ =	shalt  }
0x40: {  	_ =	shalt  }
0x41: {  	_ =	shalt  }
0x42: {  	_ =	shalt  }
0x43: {  	_ =	shalt  }
0x44: {  	_ =	shalt  }
0x45: {  	_ =	shalt  }
0x46: {  	_ =	shalt  }
0x47: {  	_ =	shalt  }
0x48: {  	_ =	shalt  }
0x49: {  	_ =	shalt  }
0x4a: {  	_ =	shalt  }
0x4b: {  	_ =	shalt  }
0x4c: {  	_ =	shalt  }
0x4d: {  	_ =	shalt  }
0x4e: {  	_ =	shalt  }
0x4f: {  	_ =	shalt  }
0x50: {  	_ =	shalt  }
0x51: {  	_ =	shalt  }
0x52: {  	_ =	shalt  }
0x53: {  	_ =	shalt  }
0x54: {  	_ =	shalt  }
0x55: {  	_ =	shalt  }
0x56: {  	_ =	shalt  }
0x57: {  	_ =	shalt  }
0x58: {  	_ =	shalt  }
0x59: {  	_ =	shalt  }
0x5a: {  	_ =	shalt  }
0x5b: {  	_ =	shalt  }
0x5c: {  	_ =	shalt  }
0x5d: {  	_ =	shalt  }
0x5e: {  	_ =	shalt  }
0x5f: {  	_ =	shalt  }
0x60: {  	_ =	shalt  }
0x61: {  	_ =	shalt  }
0x62: {  	_ =	shalt  }
0x63: {  	_ =	shalt  }
0x64: {  	_ =	shalt  }
0x65: {  	_ =	shalt  }
0x66: {  	_ =	shalt  }
0x67: {  	_ =	shalt  }
0x68: {  	_ =	shalt  }
0x69: {  	_ =	shalt  }
0x6a: {  	_ =	shalt  }
0x6b: {  	_ =	shalt  }
0x6c: {  	_ =	shalt  }
0x6d: {  	_ =	shalt  }
0x6e: {  	_ =	shalt  }
0x6f: {  	_ =	shalt  }
0x70: {  	_ =	shalt  }
0x71: {  	_ =	shalt  }
0x72: {  	_ =	shalt  }
0x73: {  	_ =	shalt  }
0x74: {  	_ =	shalt  }
0x75: {  	_ =	shalt  }
0x76: {  	_ =	shalt  }
0x77: {  	_ =	shalt  }
0x78: {  	_ =	shalt  }
0x79: {  	_ =	shalt  }
0x7a: {  	_ =	shalt  }
0x7b: {  	_ =	shalt  }
0x7c: {  	_ =	shalt  }
0x7d: {  	_ =	shalt  }
0x7e: {  	_ =	shalt  }
0x7f: {  	_ =	shalt  }
0x80: {  	_ =	shalt  }
0x81: {  	_ =	shalt  }
0x82: {  	_ =	shalt  }
0x83: {  	_ =	shalt  }
0x84: {  	_ =	shalt  }
0x85: {  	_ =	shalt  }
0x86: {  	_ =	shalt  }
0x87: {  	_ =	shalt  }
.Lfunc_end0:
.L_simem_size_0:
called_computation_lowered:
.L_overlay_start_0:
0x88: {  	s2 =	sld [smem:$0x3FD9]  }
0x89: {  	s3 =	sld [smem:$0x3FFE];
	_ =	sdelay $0x1  }
0x8a: {  	s1 =	srdreg.scid  }
0x8b: {  	s0 =	sand.u32 $0x1, s1  }
0x8c: {  	s17 =	sshll.u32 s0, $0xA;
	s2 =	sadd.s32 s3, s2  }
0x8d: {  	s2 =	sadd.s32 s2, s17  }
0x8e: {  	[smem:$0x3FC6] =	sst s2  }
0x8f: {  	_ = 	snop  }
0x90: {  	s2 =	sld [smem:$0x3FC9]  }
0x91: {  	s18 =	sld [smem:$0x3FC8];
	(tm) =	ssettm $0x1  }
0x92: {  	s4 =	sld [smem:$0x3FFB];
	_ =	sdelay $0x3  }
0x93: {  	_ =	strace s4  }
0x94: {  	s4 =	sld [smem:$0x3FFC];
	_ =	sdelay $0x3  }
0x95: {  	_ =	strace s4  }
0x96: {  	s4 =	sld [smem:$0x3FFD];
	_ =	sdelay $0x3  }
0x97: {  	_ =	strace s4  }
0x98: {  	_ =	strace $0x8FFFFFFF  }
0x99: {  	s19 =	sld [smem:$0x3FDB];
	_ =	sdelay $0x1  }
0x9a: {  	s5 =	simm.s32 $_scs_section_size  }
0x9b: {  	s6 =	simm.s32 $_size__tile_overlayer_lowered;
	s7 =	simm.s32 $_tile_overlayer_lowered  }
0x9c: {  	s22 =	simm.s32 $0x1BFF;
	s21 =	sshll.u32 s7, $0x1;
	s4 =	sadd.s32 s5, s19  }
0x9d: {  	s8 =	simm.s32 $0x0;
	s20 =	sshll.u32 s6, $0x1;
	s6 =	sadd.s32 s21, s4  }
0x9e: {  	[timem:s8], [sflag:s22] =	dma.local [hbm:s6], s20  }
0x9f: {  	_ =	swait.ge [sflag:s22], s20  }
0xa0: {  	s5 =	ssub.s32 $0x0, s20;
	[sflag:s22] =	ssyncset.done $0x0  }
0xa1: {  	[sflag:s22] =	ssyncadd.s32 s5;
	_ =	sdelay $0x1  }
0xa2: {  	s23 =	simm.s32 $0x1B8B  }
0xa3: {  	_ =	swait.ge [sflag:s23], $0x1  }
0xa4: {  	[sflag:s23] =	ssyncset.done $0x0  }
0xa5: {  	s25 =	simm.s32 $0x1B8E;
	s24 =	sld [smem:$0x3FFE];
	[sflag:s23] =	ssyncadd.s32 $0xFFFFFFFF  }
0xa6: {  	s26 =	simm.s32 $execute0_lowered;
	[smem:$0x3FD2] =	sst s25  }
0xa7: {  	s6 =	sshll.u32 s26, $0x1;
	_ =	strace $0x80000046;
	[dreg:$0x1] =	wrdreg $0xFFFFFFFF  }
0xa8: {  	s28 =	simm.s32 $_size_execute0_lowered;
	s4 =	sadd.s32 s4, s6;
	[dreg:$0x0] =	wrdreg $0x0  }
0xa9: {  	s6 =	sshll.u32 s28, $0x1;
	[dreg:$0x2] =	wrdreg s4  }
0xaa: {  	[dreg:$0x3] =	wrdreg s6  }
0xab: {  	[dreg:$0x4] =	wrdreg $0xC0  }
0xac: {  	_ =	task [dreg:s8], $0x5FFFF  }
0xad: {  	[dreg:$0x1] =	wrdreg $0xFFFFFFFF  }
0xae: {  	[dreg:$0x0] =	wrdreg $0x60  }
0xaf: {  	[dreg:$0x2] =	wrdreg s2  }
0xb0: {  	[dreg:$0x3] =	wrdreg s18  }
0xb1: {  	[dreg:$0x4] =	wrdreg s24  }
0xb2: {  	[dreg:$0x5] =	wrdreg $0x9  }
0xb3: {  	_ =	task.clear_ibuf [dreg:s8], $0x6FFFF;
	_ =	strace $0x90000046  }
0xb4: {  	s29 =	simm.s32 $0x9;
	_ =	strace $0x80000048  }
0xb5: {  	_ =	swait.ge [sflag:s29], $0x1  }
0xb6: {  	[sflag:s29] =	ssyncadd.s32 $0xFFFFFFFF  }
0xb7: {  	_ =	strace $0x90000048  }
0xb8: {  	_ =	sfence  }
0xb9: {  	s30 =	sld [smem:$0x0];
	_ =	sdelay $0x2  }
0xba: {  	s31 =	sshll.u32 s1, $0xD;
	s1 =	sshrl.u32 s1, $0x2  }
0xbb: {  	s3 =	sand.u32 $0x4000, s31;
	s1 =	sadd.s32 s1, s30  }
0xbc: {  	s0 =	sor.u32 s3, s0;
	s1 =	sshll.u32 s1, $0x11  }
0xbd: {  	s0 =	sor.u32 s1, s0  }
0xbe: {  	s0 =	sadd.s32 $0x8F2B, s0  }
0xbf: {  	[sflag:s0] =	ssyncadd.remote.s32 $0x1  }
0xc0: {  	_ =	sfence.sel $0xFFFF  }
0xc1: {  	[dreg:$0x0] =	wrdreg $0xFFFFFFFF;
	(pc) =	sbr.abs _section_cstart, $3  }
0xc2: {  	[dreg:$0x1] =	wrdreg $0xFFFFFFFF  }
0xc3: {  	_ =	task.clear_ibuf [dreg:s8], $0x2FFFF;
	_ =	strace $0x9FFFFFFF  }
0xc4: {  	(tm) =	ssettm $0x7FFFFFFF  }
0xc5: {  	_ =	shalt  }
tec
execute0_lowered:
.L_overlay_start_1:
0x0: {  	(tag) =	ssettag $0x1  }
0x1: {  	vm0 =	vcmask $0x300;
	v0 =	vimm.f32 $2.250000000e+02  }
0x2: {  	vm1 =	vcmask $0x704;
	v0 =	vsel vm0, $0x0, v0  }
0x3: {  	vm2 =	vcmask $0xB08;
	v0 =	vsel vm1, $0x3F800000, v0  }
0x4: {  	vm3 =	vcmask $0xF0C;
	v0 =	vsel vm2, $0x40800000, v0  }
0x5: {  	vm4 =	vcmask $0x1310;
	v0 =	vsel vm3, $0x41100000, v0  }
0x6: {  	vm5 =	vcmask $0x1714;
	v0 =	vsel vm4, $0x41800000, v0  }
0x7: {  	vm6 =	vcmask $0x1B18;
	v0 =	vsel vm5, $0x41C80000, v0  }
0x8: {  	vm7 =	vcmask $0x1F1C;
	v0 =	vsel vm6, $0x42100000, v0  }
0x9: {  	vm8 =	vcmask $0x2320;
	v0 =	vsel vm7, $0x42440000, v0  }
0xa: {  	vm9 =	vcmask $0x2724;
	v0 =	vsel vm8, $0x42800000, v0  }
0xb: {  	v3 =	vimm.f32 $1.000000000e+00;
	vm10 =	vcmask $0x2B28;
	v0 =	vsel vm9, $0x42A20000, v0  }
0xc: {  	vm11 =	vcmask $0x2F2C;
	vm12 =	vcmask $0x3330;
	v0 =	vsel vm10, $0x42C80000, v0  }
0xd: {  	v4 =	vand.u32 $0x7FFFFFFF, v3;
	v3 =	vimm.f32 $9.610000000e+02;
	v0 =	vsel vm11, $0x42F20000, v0  }
0xe: {  	vm13 =	vcmask $0x3734;
	v3 =	vsel vm0, $0x43800000, v3;
	v0 =	vsel vm12, $0x43100000, v0  }
0xf: {  	vm14 =	vcmask $0x3B38;
	v3 =	vsel vm1, $0x43908000, v3;
	v0 =	vsel vm13, $0x43290000, v0  }
0x10: {  	v3 =	vsel vm2, $0x43A20000, v3;
	v0 =	vsel vm14, $0x43440000, v0  }
0x11: {  	[tilespmem:$0x1FE10] =	vst v0;
	v0 =	vsel vm3, $0x43B48000, v3;
	v3 =	vimm.f32 $2.209000000e+03  }
0x12: {  	v5 =	vimm.f32 $3.969000000e+03;
	v0 =	vsel vm4, $0x43C80000, v0;
	v3 =	vsel vm0, $0x44800000, v3  }
0x13: {  	v5 =	vsel vm0, $0x45100000, v5;
	v0 =	vsel vm5, $0x43DC8000, v0;
	v3 =	vsel vm1, $0x44882000, v3  }
0x14: {  	v5 =	vsel vm1, $0x45161000, v5;
	v0 =	vsel vm6, $0x43F20000, v0;
	v3 =	vsel vm2, $0x44908000, v3  }
0x15: {  	v5 =	vsel vm2, $0x451C4000, v5;
	v0 =	vsel vm7, $0x44044000, v0;
	v3 =	vsel vm3, $0x44992000, v3  }
0x16: {  	v5 =	vsel vm3, $0x45229000, v5;
	v0 =	vsel vm8, $0x44100000, v0;
	v3 =	vsel vm4, $0x44A20000, v3  }
0x17: {  	v5 =	vsel vm4, $0x45290000, v5;
	v0 =	vsel vm9, $0x441C4000, v0;
	v3 =	vsel vm5, $0x44AB2000, v3  }
0x18: {  	v5 =	vsel vm5, $0x452F9000, v5;
	v0 =	vsel vm10, $0x44290000, v0;
	v3 =	vsel vm6, $0x44B48000, v3  }
0x19: {  	v5 =	vsel vm6, $0x45364000, v5;
	v0 =	vsel vm11, $0x44364000, v0;
	v3 =	vsel vm7, $0x44BE2000, v3  }
0x1a: {  	v5 =	vsel vm7, $0x453D1000, v5;
	v0 =	vsel vm12, $0x44440000, v0;
	v3 =	vsel vm8, $0x44C80000, v3  }
0x1b: {  	v5 =	vsel vm8, $0x45440000, v5;
	v0 =	vsel vm13, $0x44524000, v0;
	v3 =	vsel vm9, $0x44D22000, v3  }
0x1c: {  	v25 =	vsel vm14, $0x44610000, v0;
	v0 =	vsel vm10, $0x44DC8000, v3;
	v3 =	vsel vm9, $0x454B1000, v5  }
0x1d: {  	v5 =	vimm.f32 $1.960000000e+02;
	v0 =	vsel vm11, $0x44E72000, v0;
	v3 =	vsel vm10, $0x45524000, v3  }
0x1e: {  	v5 =	vsel vm0, $0x3F800000, v5;
	v0 =	vsel vm12, $0x44F20000, v0;
	v3 =	vsel vm11, $0x45599000, v3  }
0x1f: {  	v5 =	vsel vm1, $0x0, v5;
	v0 =	vsel vm13, $0x44FD2000, v0;
	v3 =	vsel vm12, $0x45610000, v3  }
0x20: {  	v17 =	vsel vm14, $0x45044000, v0;
	v0 =	vsel vm13, $0x45689000, v3;
	v3 =	vsel vm2, $0x3F800000, v5  }
0x21: {  	v16 =	vsel vm14, $0x45704000, v0;
	v0 =	vsel vm3, $0x40800000, v3  }
0x22: {  	v3 =	vimm.f32 $9.000000000e+02;
	v0 =	vsel vm4, $0x41100000, v0  }
0x23: {  	v3 =	vsel vm0, $0x43610000, v3;
	v0 =	vsel vm5, $0x41800000, v0  }
0x24: {  	v5 =	vimm.f32 $2.116000000e+03;
	v3 =	vsel vm1, $0x43800000, v3;
	v0 =	vsel vm6, $0x41C80000, v0  }
0x25: {  	v5 =	vsel vm0, $0x44704000, v5;
	v3 =	vsel vm2, $0x43908000, v3;
	v0 =	vsel vm7, $0x42100000, v0  }
0x26: {  	v5 =	vsel vm1, $0x44800000, v5;
	v3 =	vsel vm3, $0x43A20000, v3;
	v0 =	vsel vm8, $0x42440000, v0  }
0x27: {  	v5 =	vsel vm2, $0x44882000, v5;
	v3 =	vsel vm4, $0x43B48000, v3;
	v0 =	vsel vm9, $0x42800000, v0  }
0x28: {  	v5 =	vsel vm3, $0x44908000, v5;
	v3 =	vsel vm5, $0x43C80000, v3;
	v0 =	vsel vm10, $0x42A20000, v0  }
0x29: {  	v5 =	vsel vm4, $0x44992000, v5;
	v3 =	vsel vm6, $0x43DC8000, v3;
	v0 =	vsel vm11, $0x42C80000, v0  }
0x2a: {  	v5 =	vsel vm5, $0x44A20000, v5;
	v3 =	vsel vm7, $0x43F20000, v3;
	v0 =	vsel vm12, $0x42F20000, v0  }
0x2b: {  	v5 =	vsel vm6, $0x44AB2000, v5;
	v3 =	vsel vm8, $0x44044000, v3;
	v0 =	vsel vm13, $0x43100000, v0  }
0x2c: {  	v5 =	vsel vm7, $0x44B48000, v5;
	v3 =	vsel vm9, $0x44100000, v3;
	v0 =	vsel vm14, $0x43290000, v0  }
0x2d: {  	[tilespmem:$0x1FE20] =	vst v0;
	v0 =	vsel vm10, $0x441C4000, v3;
	v3 =	vsel vm8, $0x44BE2000, v5  }
0x2e: {  	v5 =	vimm.f32 $3.844000000e+03;
	v0 =	vsel vm11, $0x44290000, v0;
	v3 =	vsel vm9, $0x44C80000, v3  }
0x2f: {  	v5 =	vsel vm0, $0x450A1000, v5;
	v0 =	vsel vm12, $0x44364000, v0;
	v3 =	vsel vm10, $0x44D22000, v3  }
0x30: {  	v5 =	vsel vm1, $0x45100000, v5;
	v0 =	vsel vm13, $0x44440000, v0;
	v3 =	vsel vm11, $0x44DC8000, v3  }
0x31: {  	v41 =	vsel vm14, $0x44524000, v0;
	v0 =	vsel vm12, $0x44E72000, v3;
	v3 =	vsel vm2, $0x45161000, v5  }
0x32: {  	v5 =	vimm.f32 $1.690000000e+02;
	v0 =	vsel vm13, $0x44F20000, v0;
	v3 =	vsel vm3, $0x451C4000, v3  }
0x33: {  	v60 =	vsel vm14, $0x44FD2000, v0;
	v0 =	vsel vm4, $0x45229000, v3;
	v3 =	vsel vm0, $0x40800000, v5  }
0x34: {  	v5 =	vimm.f32 $8.410000000e+02;
	v0 =	vsel vm5, $0x45290000, v0;
	v3 =	vsel vm1, $0x3F800000, v3  }
0x35: {  	v5 =	vsel vm0, $0x43440000, v5;
	v0 =	vsel vm6, $0x452F9000, v0;
	v3 =	vsel vm2, $0x0, v3  }
0x36: {  	v5 =	vsel vm1, $0x43610000, v5;
	v0 =	vsel vm7, $0x45364000, v0;
	v3 =	vsel vm3, $0x3F800000, v3  }
0x37: {  	v5 =	vsel vm2, $0x43800000, v5;
	v0 =	vsel vm8, $0x453D1000, v0;
	v3 =	vsel vm4, $0x40800000, v3  }
0x38: {  	v5 =	vsel vm3, $0x43908000, v5;
	v0 =	vsel vm9, $0x45440000, v0;
	v3 =	vsel vm5, $0x41100000, v3  }
0x39: {  	v5 =	vsel vm4, $0x43A20000, v5;
	v0 =	vsel vm10, $0x454B1000, v0;
	v3 =	vsel vm6, $0x41800000, v3  }
0x3a: {  	v5 =	vsel vm5, $0x43B48000, v5;
	v0 =	vsel vm11, $0x45524000, v0;
	v3 =	vsel vm7, $0x41C80000, v3  }
0x3b: {  	v5 =	vsel vm6, $0x43C80000, v5;
	v0 =	vsel vm12, $0x45599000, v0;
	v3 =	vsel vm8, $0x42100000, v3  }
0x3c: {  	v5 =	vsel vm7, $0x43DC8000, v5;
	v0 =	vsel vm13, $0x45610000, v0;
	v3 =	vsel vm9, $0x42440000, v3  }
0x3d: {  	v30 =	vsel vm14, $0x45689000, v0;
	v0 =	vsel vm10, $0x42800000, v3;
	v3 =	vsel vm8, $0x43F20000, v5  }
0x3e: {  	v0 =	vsel vm11, $0x42A20000, v0;
	v3 =	vsel vm9, $0x44044000, v3  }
0x3f: {  	v5 =	vimm.f32 $2.025000000e+03;
	v0 =	vsel vm12, $0x42C80000, v0;
	v3 =	vsel vm10, $0x44100000, v3  }
0x40: {  	v5 =	vsel vm0, $0x44610000, v5;
	v0 =	vsel vm13, $0x42F20000, v0;
	v3 =	vsel vm11, $0x441C4000, v3  }
0x41: {  	v52 =	vsel vm14, $0x43100000, v0;
	v0 =	vsel vm12, $0x44290000, v3;
	v3 =	vsel vm1, $0x44704000, v5  }
0x42: {  	v0 =	vsel vm13, $0x44364000, v0;
	v3 =	vsel vm2, $0x44800000, v3  }
0x43: {  	v5 =	vimm.f32 $3.721000000e+03;
	v32 =	vsel vm14, $0x44440000, v0;
	v0 =	vsel vm3, $0x44882000, v3  }
0x44: {  	v3 =	vsel vm0, $0x45044000, v5;
	v0 =	vsel vm4, $0x44908000, v0  }
0x45: {  	v5 =	vimm.f32 $1.440000000e+02;
	v3 =	vsel vm1, $0x450A1000, v3;
	v0 =	vsel vm5, $0x44992000, v0  }
0x46: {  	v5 =	vsel vm0, $0x41100000, v5;
	v3 =	vsel vm2, $0x45100000, v3;
	v0 =	vsel vm6, $0x44A20000, v0  }
0x47: {  	v5 =	vsel vm1, $0x40800000, v5;
	v3 =	vsel vm3, $0x45161000, v3;
	v0 =	vsel vm7, $0x44AB2000, v0  }
0x48: {  	v5 =	vsel vm2, $0x3F800000, v5;
	v3 =	vsel vm4, $0x451C4000, v3;
	v0 =	vsel vm8, $0x44B48000, v0  }
0x49: {  	v5 =	vsel vm3, $0x0, v5;
	v3 =	vsel vm5, $0x45229000, v3;
	v0 =	vsel vm9, $0x44BE2000, v0  }
0x4a: {  	v5 =	vsel vm4, $0x3F800000, v5;
	v3 =	vsel vm6, $0x45290000, v3;
	v0 =	vsel vm10, $0x44C80000, v0  }
0x4b: {  	v5 =	vsel vm5, $0x40800000, v5;
	v3 =	vsel vm7, $0x452F9000, v3;
	v0 =	vsel vm11, $0x44D22000, v0  }
0x4c: {  	v5 =	vsel vm6, $0x41100000, v5;
	v3 =	vsel vm8, $0x45364000, v3;
	v0 =	vsel vm12, $0x44DC8000, v0  }
0x4d: {  	v5 =	vsel vm7, $0x41800000, v5;
	v3 =	vsel vm9, $0x453D1000, v3;
	v0 =	vsel vm13, $0x44E72000, v0  }
0x4e: {  	v5 =	vsel vm8, $0x41C80000, v5;
	v3 =	vsel vm10, $0x45440000, v3;
	v0 =	vsel vm14, $0x44F20000, v0  }
0x4f: {  	[tilespmem:$0x1FE30] =	vst v0;
	v0 =	vsel vm11, $0x454B1000, v3;
	v3 =	vsel vm9, $0x42100000, v5  }
0x50: {  	v0 =	vsel vm12, $0x45524000, v0;
	v3 =	vsel vm10, $0x42440000, v3  }
0x51: {  	v5 =	vimm.f32 $7.840000000e+02;
	v0 =	vsel vm13, $0x45599000, v0;
	v3 =	vsel vm11, $0x42800000, v3  }
0x52: {  	v5 =	vsel vm0, $0x43290000, v5;
	v40 =	vsel vm14, $0x45610000, v0;
	v0 =	vsel vm12, $0x42A20000, v3  }
0x53: {  	v3 =	vsel vm1, $0x43440000, v5;
	v0 =	vsel vm13, $0x42C80000, v0  }
0x54: {  	v3 =	vsel vm2, $0x43610000, v3;
	v0 =	vsel vm14, $0x42F20000, v0  }
0x55: {  	[tilespmem:$0x1FE40] =	vst v0;
	v0 =	vsel vm3, $0x43800000, v3;
	v3 =	vimm.f32 $1.936000000e+03  }
0x56: {  	v5 =	vimm.f32 $3.600000000e+03;
	v0 =	vsel vm4, $0x43908000, v0;
	v3 =	vsel vm0, $0x44524000, v3  }
0x57: {  	v5 =	vsel vm0, $0x44FD2000, v5;
	v0 =	vsel vm5, $0x43A20000, v0;
	v3 =	vsel vm1, $0x44610000, v3  }
0x58: {  	v5 =	vsel vm1, $0x45044000, v5;
	v0 =	vsel vm6, $0x43B48000, v0;
	v3 =	vsel vm2, $0x44704000, v3  }
0x59: {  	v5 =	vsel vm2, $0x450A1000, v5;
	v0 =	vsel vm7, $0x43C80000, v0;
	v3 =	vsel vm3, $0x44800000, v3  }
0x5a: {  	v5 =	vsel vm3, $0x45100000, v5;
	v0 =	vsel vm8, $0x43DC8000, v0;
	v3 =	vsel vm4, $0x44882000, v3  }
0x5b: {  	v5 =	vsel vm4, $0x45161000, v5;
	v0 =	vsel vm9, $0x43F20000, v0;
	v3 =	vsel vm5, $0x44908000, v3  }
0x5c: {  	v5 =	vsel vm5, $0x451C4000, v5;
	v0 =	vsel vm10, $0x44044000, v0;
	v3 =	vsel vm6, $0x44992000, v3  }
0x5d: {  	v5 =	vsel vm6, $0x45229000, v5;
	v0 =	vsel vm11, $0x44100000, v0;
	v3 =	vsel vm7, $0x44A20000, v3  }
0x5e: {  	v5 =	vsel vm7, $0x45290000, v5;
	v0 =	vsel vm12, $0x441C4000, v0;
	v3 =	vsel vm8, $0x44AB2000, v3  }
0x5f: {  	v5 =	vsel vm8, $0x452F9000, v5;
	v0 =	vsel vm13, $0x44290000, v0;
	v3 =	vsel vm9, $0x44B48000, v3  }
0x60: {  	v33 =	vsel vm14, $0x44364000, v0;
	v0 =	vsel vm10, $0x44BE2000, v3;
	v3 =	vsel vm9, $0x45364000, v5  }
0x61: {  	v5 =	vimm.f32 $1.210000000e+02;
	v0 =	vsel vm11, $0x44C80000, v0;
	v3 =	vsel vm10, $0x453D1000, v3  }
0x62: {  	v5 =	vsel vm0, $0x41800000, v5;
	v0 =	vsel vm12, $0x44D22000, v0;
	v3 =	vsel vm11, $0x45440000, v3  }
0x63: {  	v5 =	vsel vm1, $0x41100000, v5;
	v0 =	vsel vm13, $0x44DC8000, v0;
	v3 =	vsel vm12, $0x454B1000, v3  }
0x64: {  	v31 =	vsel vm14, $0x44E72000, v0;
	v0 =	vsel vm13, $0x45524000, v3;
	v3 =	vsel vm2, $0x40800000, v5  }
0x65: {  	v34 =	vsel vm14, $0x45599000, v0;
	v0 =	vsel vm3, $0x3F800000, v3;
	v3 =	vimm.f32 $7.290000000e+02  }
0x66: {  	v0 =	vsel vm4, $0x0, v0;
	v3 =	vsel vm0, $0x43100000, v3  }
0x67: {  	v5 =	vimm.f32 $1.849000000e+03;
	v0 =	vsel vm5, $0x3F800000, v0;
	v3 =	vsel vm1, $0x43290000, v3  }
0x68: {  	v5 =	vsel vm0, $0x44440000, v5;
	v0 =	vsel vm6, $0x40800000, v0;
	v3 =	vsel vm2, $0x43440000, v3  }
0x69: {  	v5 =	vsel vm1, $0x44524000, v5;
	v0 =	vsel vm7, $0x41100000, v0;
	v3 =	vsel vm3, $0x43610000, v3  }
0x6a: {  	v5 =	vsel vm2, $0x44610000, v5;
	v0 =	vsel vm8, $0x41800000, v0;
	v3 =	vsel vm4, $0x43800000, v3  }
0x6b: {  	v5 =	vsel vm3, $0x44704000, v5;
	v0 =	vsel vm9, $0x41C80000, v0;
	v3 =	vsel vm5, $0x43908000, v3  }
0x6c: {  	v5 =	vsel vm4, $0x44800000, v5;
	v0 =	vsel vm10, $0x42100000, v0;
	v3 =	vsel vm6, $0x43A20000, v3  }
0x6d: {  	v5 =	vsel vm5, $0x44882000, v5;
	v0 =	vsel vm11, $0x42440000, v0;
	v3 =	vsel vm7, $0x43B48000, v3  }
0x6e: {  	v5 =	vsel vm6, $0x44908000, v5;
	v0 =	vsel vm12, $0x42800000, v0;
	v3 =	vsel vm8, $0x43C80000, v3  }
0x6f: {  	v5 =	vsel vm7, $0x44992000, v5;
	v0 =	vsel vm13, $0x42A20000, v0;
	v3 =	vsel vm9, $0x43DC8000, v3  }
0x70: {  	v44 =	vsel vm14, $0x42C80000, v0;
	v0 =	vsel vm10, $0x43F20000, v3;
	v3 =	vsel vm8, $0x44A20000, v5  }
0x71: {  	v5 =	vimm.f32 $3.481000000e+03;
	v0 =	vsel vm11, $0x44044000, v0;
	v3 =	vsel vm9, $0x44AB2000, v3  }
0x72: {  	v5 =	vsel vm0, $0x44F20000, v5;
	v0 =	vsel vm12, $0x44100000, v0;
	v3 =	vsel vm10, $0x44B48000, v3  }
0x73: {  	v5 =	vsel vm1, $0x44FD2000, v5;
	v0 =	vsel vm13, $0x441C4000, v0;
	v3 =	vsel vm11, $0x44BE2000, v3  }
0x74: {  	v7 =	vsel vm14, $0x44290000, v0;
	v0 =	vsel vm12, $0x44C80000, v3;
	v3 =	vsel vm2, $0x45044000, v5  }
0x75: {  	v5 =	vimm.f32 $3.364000000e+03;
	v0 =	vsel vm13, $0x44D22000, v0;
	v3 =	vsel vm3, $0x450A1000, v3  }
0x76: {  	v35 =	vsel vm14, $0x44DC8000, v0;
	v0 =	vsel vm4, $0x45100000, v3;
	v3 =	vsel vm0, $0x44E72000, v5  }
0x77: {  	v5 =	vimm.f32 $3.249000000e+03;
	v0 =	vsel vm5, $0x45161000, v0;
	v3 =	vsel vm1, $0x44F20000, v3  }
0x78: {  	v5 =	vsel vm0, $0x44DC8000, v5;
	v0 =	vsel vm6, $0x451C4000, v0;
	v3 =	vsel vm2, $0x44FD2000, v3  }
0x79: {  	v5 =	vsel vm1, $0x44E72000, v5;
	v0 =	vsel vm7, $0x45229000, v0;
	v3 =	vsel vm3, $0x45044000, v3  }
0x7a: {  	v5 =	vsel vm2, $0x44F20000, v5;
	v0 =	vsel vm8, $0x45290000, v0;
	v3 =	vsel vm4, $0x450A1000, v3  }
0x7b: {  	v5 =	vsel vm3, $0x44FD2000, v5;
	v0 =	vsel vm9, $0x452F9000, v0;
	v3 =	vsel vm5, $0x45100000, v3  }
0x7c: {  	v5 =	vsel vm4, $0x45044000, v5;
	v0 =	vsel vm10, $0x45364000, v0;
	v3 =	vsel vm6, $0x45161000, v3  }
0x7d: {  	v5 =	vsel vm5, $0x450A1000, v5;
	v0 =	vsel vm11, $0x453D1000, v0;
	v3 =	vsel vm7, $0x451C4000, v3  }
0x7e: {  	v5 =	vsel vm6, $0x45100000, v5;
	v0 =	vsel vm12, $0x45440000, v0;
	v3 =	vsel vm8, $0x45229000, v3  }
0x7f: {  	v5 =	vsel vm7, $0x45161000, v5;
	v0 =	vsel vm13, $0x454B1000, v0;
	v3 =	vsel vm9, $0x45290000, v3  }
0x80: {  	v36 =	vsel vm14, $0x45524000, v0;
	v0 =	vsel vm10, $0x452F9000, v3;
	v3 =	vsel vm8, $0x451C4000, v5  }
0x81: {  	v0 =	vsel vm11, $0x45364000, v0;
	v3 =	vsel vm9, $0x45229000, v3  }
0x82: {  	v0 =	vsel vm12, $0x453D1000, v0;
	v3 =	vsel vm10, $0x45290000, v3  }
0x83: {  	v0 =	vsel vm13, $0x45440000, v0;
	v3 =	vsel vm11, $0x452F9000, v3  }
0x84: {  	v39 =	vsel vm14, $0x454B1000, v0;
	v0 =	vsel vm12, $0x45364000, v3  }
0x85: {  	v0 =	vsel vm13, $0x453D1000, v0  }
0x86: {  	v3 =	vimm.f32 $3.025000000e+03;
	v45 =	vsel vm14, $0x45440000, v0;
	v0 =	vimm.f32 $3.136000000e+03  }
0x87: {  	v5 =	vimm.f32 $2.916000000e+03;
	v3 =	vsel vm0, $0x44C80000, v3;
	v0 =	vsel vm0, $0x44D22000, v0  }
0x88: {  	v5 =	vsel vm0, $0x44BE2000, v5;
	v3 =	vsel vm1, $0x44D22000, v3;
	v0 =	vsel vm1, $0x44DC8000, v0  }
0x89: {  	v5 =	vsel vm1, $0x44C80000, v5;
	v3 =	vsel vm2, $0x44DC8000, v3;
	v0 =	vsel vm2, $0x44E72000, v0  }
0x8a: {  	v5 =	vsel vm2, $0x44D22000, v5;
	v3 =	vsel vm3, $0x44E72000, v3;
	v0 =	vsel vm3, $0x44F20000, v0  }
0x8b: {  	v5 =	vsel vm3, $0x44DC8000, v5;
	v3 =	vsel vm4, $0x44F20000, v3;
	v0 =	vsel vm4, $0x44FD2000, v0  }
0x8c: {  	v5 =	vsel vm4, $0x44E72000, v5;
	v3 =	vsel vm5, $0x44FD2000, v3;
	v0 =	vsel vm5, $0x45044000, v0  }
0x8d: {  	v5 =	vsel vm5, $0x44F20000, v5;
	v3 =	vsel vm6, $0x45044000, v3;
	v0 =	vsel vm6, $0x450A1000, v0  }
0x8e: {  	v5 =	vsel vm6, $0x44FD2000, v5;
	v3 =	vsel vm7, $0x450A1000, v3;
	v0 =	vsel vm7, $0x45100000, v0  }
0x8f: {  	v5 =	vsel vm7, $0x45044000, v5;
	v3 =	vsel vm8, $0x45100000, v3;
	v0 =	vsel vm8, $0x45161000, v0  }
0x90: {  	v5 =	vsel vm8, $0x450A1000, v5;
	v3 =	vsel vm9, $0x45161000, v3;
	v0 =	vsel vm9, $0x451C4000, v0  }
0x91: {  	v5 =	vsel vm9, $0x45100000, v5;
	v3 =	vsel vm10, $0x451C4000, v3;
	v0 =	vsel vm10, $0x45229000, v0  }
0x92: {  	v5 =	vsel vm10, $0x45161000, v5;
	v3 =	vsel vm11, $0x45229000, v3;
	v0 =	vsel vm11, $0x45290000, v0  }
0x93: {  	v5 =	vsel vm11, $0x451C4000, v5;
	v3 =	vsel vm12, $0x45290000, v3;
	v0 =	vsel vm12, $0x452F9000, v0  }
0x94: {  	v5 =	vsel vm12, $0x45229000, v5;
	v3 =	vsel vm13, $0x452F9000, v3;
	v0 =	vsel vm13, $0x45364000, v0  }
0x95: {  	v59 =	vsel vm14, $0x45364000, v3;
	v46 =	vsel vm14, $0x453D1000, v0;
	v0 =	vsel vm13, $0x45290000, v5  }
0x96: {  	v3 =	vimm.f32 $2.704000000e+03;
	v29 =	vsel vm14, $0x452F9000, v0;
	v0 =	vimm.f32 $2.809000000e+03  }
0x97: {  	v3 =	vsel vm0, $0x44AB2000, v3;
	v0 =	vsel vm0, $0x44B48000, v0  }
0x98: {  	v5 =	vimm.f32 $2.601000000e+03;
	v3 =	vsel vm1, $0x44B48000, v3;
	v0 =	vsel vm1, $0x44BE2000, v0  }
0x99: {  	v5 =	vsel vm0, $0x44A20000, v5;
	v3 =	vsel vm2, $0x44BE2000, v3;
	v0 =	vsel vm2, $0x44C80000, v0  }
0x9a: {  	v5 =	vsel vm1, $0x44AB2000, v5;
	v3 =	vsel vm3, $0x44C80000, v3;
	v0 =	vsel vm3, $0x44D22000, v0  }
0x9b: {  	v5 =	vsel vm2, $0x44B48000, v5;
	v3 =	vsel vm4, $0x44D22000, v3;
	v0 =	vsel vm4, $0x44DC8000, v0  }
0x9c: {  	v5 =	vsel vm3, $0x44BE2000, v5;
	v3 =	vsel vm5, $0x44DC8000, v3;
	v0 =	vsel vm5, $0x44E72000, v0  }
0x9d: {  	v5 =	vsel vm4, $0x44C80000, v5;
	v3 =	vsel vm6, $0x44E72000, v3;
	v0 =	vsel vm6, $0x44F20000, v0  }
0x9e: {  	v5 =	vsel vm5, $0x44D22000, v5;
	v3 =	vsel vm7, $0x44F20000, v3;
	v0 =	vsel vm7, $0x44FD2000, v0  }
0x9f: {  	v5 =	vsel vm6, $0x44DC8000, v5;
	v3 =	vsel vm8, $0x44FD2000, v3;
	v0 =	vsel vm8, $0x45044000, v0  }
0xa0: {  	v5 =	vsel vm7, $0x44E72000, v5;
	v3 =	vsel vm9, $0x45044000, v3;
	v0 =	vsel vm9, $0x450A1000, v0  }
0xa1: {  	v5 =	vsel vm8, $0x44F20000, v5;
	v3 =	vsel vm10, $0x450A1000, v3;
	v0 =	vsel vm10, $0x45100000, v0  }
0xa2: {  	v5 =	vsel vm9, $0x44FD2000, v5;
	v3 =	vsel vm11, $0x45100000, v3;
	v0 =	vsel vm11, $0x45161000, v0  }
0xa3: {  	v5 =	vsel vm10, $0x45044000, v5;
	v3 =	vsel vm12, $0x45161000, v3;
	v0 =	vsel vm12, $0x451C4000, v0  }
0xa4: {  	v5 =	vsel vm11, $0x450A1000, v5;
	v3 =	vsel vm13, $0x451C4000, v3;
	v0 =	vsel vm13, $0x45229000, v0  }
0xa5: {  	v5 =	vsel vm12, $0x45100000, v5;
	v62 =	vsel vm14, $0x45290000, v0;
	v0 =	vsel vm14, $0x45229000, v3  }
0xa6: {  	[tilespmem:$0x1FE50] =	vst v0;
	v0 =	vsel vm13, $0x45161000, v5  }
0xa7: {  	v0 =	vsel vm14, $0x451C4000, v0  }
0xa8: {  	[tilespmem:$0x1FE60] =	vst v0;
	v0 =	vimm.f32 $2.500000000e+03  }
0xa9: {  	v3 =	vimm.f32 $2.401000000e+03;
	v0 =	vsel vm0, $0x44992000, v0  }
0xaa: {  	v3 =	vsel vm0, $0x44908000, v3;
	v0 =	vsel vm1, $0x44A20000, v0  }
0xab: {  	v3 =	vsel vm1, $0x44992000, v3;
	v0 =	vsel vm2, $0x44AB2000, v0  }
0xac: {  	v3 =	vsel vm2, $0x44A20000, v3;
	v0 =	vsel vm3, $0x44B48000, v0  }
0xad: {  	v3 =	vsel vm3, $0x44AB2000, v3;
	v0 =	vsel vm4, $0x44BE2000, v0  }
0xae: {  	v3 =	vsel vm4, $0x44B48000, v3;
	v0 =	vsel vm5, $0x44C80000, v0  }
0xaf: {  	v3 =	vsel vm5, $0x44BE2000, v3;
	v0 =	vsel vm6, $0x44D22000, v0  }
0xb0: {  	v3 =	vsel vm6, $0x44C80000, v3;
	v0 =	vsel vm7, $0x44DC8000, v0  }
0xb1: {  	v3 =	vsel vm7, $0x44D22000, v3;
	v0 =	vsel vm8, $0x44E72000, v0  }
0xb2: {  	v3 =	vsel vm8, $0x44DC8000, v3;
	v0 =	vsel vm9, $0x44F20000, v0  }
0xb3: {  	v3 =	vsel vm9, $0x44E72000, v3;
	v0 =	vsel vm10, $0x44FD2000, v0  }
0xb4: {  	v3 =	vsel vm10, $0x44F20000, v3;
	v0 =	vsel vm11, $0x45044000, v0  }
0xb5: {  	s0 =	srdreg.scid;
	v3 =	vsel vm11, $0x44FD2000, v3;
	v0 =	vsel vm12, $0x450A1000, v0  }
0xb6: {  	s3 =	rddreg [dreg:$0x0];
	s5 =	sand.u32 $0x1, s0;
	v3 =	vsel vm12, $0x45044000, v3;
	v0 =	vsel vm13, $0x45100000, v0  }
0xb7: {  	s4 =	rddreg [dreg:$0x1];
	s0 =	sxor.u32 $0x1, s5;
	v3 =	vsel vm13, $0x450A1000, v3;
	v0 =	vsel vm14, $0x45161000, v0  }
0xb8: {  	s6 =	rddreg [dreg:$0x2];
	s2 =	simm.s32 $0x0;
	s0 =	scvt.s32.f32 s0;
	[tilespmem:$0x1FE70] =	vst v0;
	v0 =	vsel vm14, $0x45100000, v3  }
0xb9: {  	[smem:$0x7FF] =	sst s2;
	[tilespmem:$0x1FE80] =	vst v0  }
0xba: {  	v1 =	vmov s0;
	s0 =	rddreg [dreg:$0x3];
	_ =	strace $0x80000047;
	[tilespmem:$0x1FE90] =	vst v16  }
0xbb: {  	[tilespmem:$0x1FEA0] =	vst v30  }
0xbc: {  	[tilespmem:$0x1FEB0] =	vst v60  }
0xbd: {  	[tilespmem:$0x1FEC0] =	vst v17  }
0xbe: {  	[tilespmem:$0x1FED0] =	vst v40  }
0xbf: {  	[tilespmem:$0x1FEE0] =	vst v31  }
0xc0: {  	v5 =	vimm.f32 $0.0e+00;
	[tilespmem:$0x1FEF0] =	vst v34  }
0xc1: {  	v5 =	vsel vm0, $0x43610000, v5;
	[tilespmem:$0x1FF00] =	vst v7  }
0xc2: {  	v5 =	vsel vm1, $0x43440000, v5;
	[tilespmem:$0x1FF10] =	vst v35  }
0xc3: {  	v5 =	vsel vm2, $0x43290000, v5;
	[tilespmem:$0x1FF20] =	vst v36  }
0xc4: {  	s1 =	stileid.u32;
	v5 =	vsel vm3, $0x43100000, v5;
	[tilespmem:$0x1FF30] =	vst v39  }
0xc5: {  	s28 =	sshrl.u32 s1, $0x2;
	v5 =	vsel vm4, $0x42F20000, v5;
	[tilespmem:$0x1FF40] =	vst v45  }
0xc6: {  	s30 =	sshll.u32 s28, $0xB;
	v5 =	vsel vm5, $0x42C80000, v5;
	[tilespmem:$0x1FF50] =	vst v46  }
0xc7: {  	s31 =	sor.u32 $0x6000, s30;
	v5 =	vsel vm6, $0x42A20000, v5;
	[tilespmem:$0x1FF60] =	vst v59  }
0xc8: {  	v14 =	vmov s31;
	v5 =	vsel vm7, $0x42800000, v5;
	[tilespmem:$0x1FF70] =	vst v29  }
0xc9: {  	v5 =	vsel vm8, $0x42440000, v5;
	[tilespmem:$0x1FF90] =	vst v14  }
0xca: {  	v48 =	vimm.s32 $0x1;
	v5 =	vsel vm9, $0x42100000, v5;
	[tilespmem:$0x1FFA0] =	vst v32  }
0xcb: {  	v51 =	vimm.s32 $0x2;
	v53 =	vimm.s32 $0x3;
	s10 =	simm.s32 $0x8800;
	s11 =	simm.s32 $0x0;
	s8 =	sshll.u32 s1, $0xA;
	v5 =	vsel vm10, $0x41C80000, v5;
	[tilespmem:$0x1FFB0] =	vst v62  }
0xcc: {  	v49 =	vimm.s32 $0x4;
	v55 =	vimm.s32 $0x5;
	s29 =	sshll.u32 s1, $0x5;
	s7 =	ssub.s32 $0x2, s5;
	s8 =	sand.u32 $0xC00, s8;
	v5 =	vsel vm11, $0x41800000, v5;
	[tilespmem:$0x1FFC0] =	vst v44  }
0xcd: {  	v37 =	vimm.f32 $1.000000000e+02;
	v38 =	vimm.f32 $6.760000000e+02;
	s5 =	sshll.u32 s5, $0x4;
	s9 =	sshrl.u32 s7, $0x1;
	s3 =	sadd.s32 s3, s8;
	v5 =	vsel vm12, $0x41100000, v5;
	[tilespmem:$0x1FFD0] =	vst v33  }
0xce: {  	v54 =	vimm.f32 $1.764000000e+03;
	v58 =	vimm.s32 $0x6;
	s4 =	sadd.s32 s4, s8;
	s5 =	sadd.s32 s6, s5;
	s8 =	sshll.u32 s28, $0x4;
	v0 =	vsel vm13, $0x40800000, v5;
	[tilespmem:$0x1FFE0] =	vst v25  }
0xcf: {  	v42 =	vimm.f32 $8.100000000e+01;
	s7 =	ssub.s32 s7, s9;
	s5 =	sadd.s32 s29, s5;
	s9 =	simm.s32 $0x2000;
	v2 =	vsub.f32 $1.000000000e+00, v1;
	v15 =	vsel vm14, $0x3F800000, v0;
	[tilespmem:$0x1FFF0] =	vst v52  }
0xd0: {  	v43 =	vimm.f32 $6.250000000e+02;
	v56 =	vimm.f32 $1.681000000e+03;
	v63 =	vimm.s32 $0x7;
	s6 =	smax.u32 s7, $0x1;
	s7 =	ssub.s32 $0x0, s8;
	s8 =	simm.s32 $0x1;
	[tilespmem:$0x1FF80] =	vst v15  }
.LBB2_1:
0xd1: {  	[tilespmem:s2], [sflag:$0x1] =	stream.linear.gather [hbm4b:s3+s2], $0x2000, $0x38;
	[tilespmem:$0x8880] =	vst v63  }
0xd2: {  	_ =	swait.ge [sflag:s8], $0x2000  }
0xd3: {  	[sflag:s8] =	ssyncset.done $0x0  }
0xd4: {  	[sflag:s8] =	ssyncadd.s32 $0xFFFFE000  }
0xd5: {  	[tilespmem:s9], [sflag:$0x1] =	stream.linear.gather [hbm4b:s4+s2], $0x2000, $0x38;
	[tilespmem:$0x8880] =	vst v63  }
0xd6: {  	_ =	swait.ge [sflag:s8], $0x2000  }
0xd7: {  	[sflag:s8] =	ssyncset.done $0x0  }
0xd8: {  	s12 =	simm.s32 $0x0;
	[sflag:s8] =	ssyncadd.s32 $0xFFFFE000  }
0xd9: {  	v0 =	vld [tilespmem:s12+$0x30]  }
0xda: {  	v3 =	vld [tilespmem:s12+$0x2030]  }
0xdb: {  	v5 =	vld [tilespmem:s12+$0x0]  }
0xdc: {  	v6 =	vld [tilespmem:s12+$0x2000]  }
0xdd: {  	v8 =	vld [tilespmem:s12+$0x10]  }
0xde: {  	v11 =	vld [tilespmem:s12+$0x2010]  }
0xdf: {  	v13 =	vld [tilespmem:s12+$0x20]  }
0xe0: {  	v14 =	vld [tilespmem:s12+$0x2020]  }
0xe1: {  	v0 =	vadd.f32 $-5.000000000e-01, v0  }
0xe2: {  	v3 =	vadd.f32 $-5.000000000e-01, v3;
	v5 =	vadd.f32 $-5.000000000e-01, v5  }
0xe3: {  	v6 =	vadd.f32 $-5.000000000e-01, v6;
	v8 =	vadd.f32 $-5.000000000e-01, v8  }
0xe4: {  	v11 =	vadd.f32 $-5.000000000e-01, v11;
	v13 =	vadd.f32 $-5.000000000e-01, v13  }
0xe5: {  	v14 =	vadd.f32 $-5.000000000e-01, v14;
	v10 =	vand.u32 $0x80000000, v0;
	vm0 =	vlt.f32 v0, $0.0e+00  }
0xe6: {  	vm1 =	vgt.f32 v0, $0.0e+00;
	v12 =	vand.u32 $0x80000000, v3;
	vm2 =	vlt.f32 v3, $0.0e+00  }
0xe7: {  	vm15 =	vgt.f32 v3, $0.0e+00;
	v18 =	vand.u32 $0x80000000, v6;
	vm3 =	vgt.f32 v6, $0.0e+00  }
0xe8: {  	v19 =	vand.u32 $0x80000000, v8;
	vm4 =	vlt.f32 v8, $0.0e+00;
	vm5 =	vgt.f32 v8, $0.0e+00  }
0xe9: {  	v20 =	vand.u32 $0x80000000, v11;
	vm7 =	vlt.f32 v11, $0.0e+00;
	vm11 =	vgt.f32 v11, $0.0e+00  }
0xea: {  	vm13 =	vlt.f32 v13, $0.0e+00;
	v21 =	vand.u32 $0x80000000, v14;
	vm9 =	vlt.f32 v14, $0.0e+00  }
0xeb: {  	v10 =	vor.u32 v10, v4;
	vm0 =	vmor vm1, vm0;
	v12 =	vor.u32 v12, v4  }
0xec: {  	vm15 =	vmor vm15, vm2;
	vm2 =	vgt.f32 v5, $0.0e+00;
	vm1 =	vlt.f32 v6, $0.0e+00  }
0xed: {  	v18 =	vor.u32 v18, v4;
	v19 =	vor.u32 v19, v4;
	v20 =	vor.u32 v20, v4  }
0xee: {  	v21 =	vor.u32 v21, v4;
	v0 =	vsel vm0, v10, v0;
	v3 =	vsel vm15, v12, v3  }
0xef: {  	v10 =	vand.u32 $0x80000000, v5;
	vm0 =	vlt.f32 v5, $0.0e+00;
	vm15 =	vgt.f32 v13, $0.0e+00  }
0xf0: {  	vm1 =	vmor vm3, vm1;
	vm3 =	vmor vm5, vm4;
	vm4 =	vmor vm11, vm7  }
0xf1: {  	v0 =	vmax.f32 v0, $0.0e+00;
	v3 =	vmax.f32 v3, $0.0e+00;
	v10 =	vor.u32 v10, v4  }
0xf2: {  	vm2 =	vmor vm2, vm0;
	vm0 =	vgt.f32 v14, $0.0e+00;
	vm5 =	vmor vm15, vm13  }
0xf3: {  	v6 =	vsel vm1, v18, v6;
	v12 =	vsub.f32 $1.000000000e+00, v3;
	v15 =	vsub.f32 $1.000000000e+00, v0  }
0xf4: {  	v8 =	vsel vm3, v19, v8;
	v5 =	vsel vm2, v10, v5;
	vm15 =	vmor vm0, vm9  }
0xf5: {  	v10 =	vsel vm4, v20, v11;
	v12 =	vmul.f32 v12, v0;
	v15 =	vmul.f32 v15, v3  }
0xf6: {  	v6 =	vmax.f32 v6, $0.0e+00;
	v8 =	vmax.f32 v8, $0.0e+00;
	v29 =	vmul.f32 v3, v1  }
0xf7: {  	v5 =	vmax.f32 v5, $0.0e+00;
	v12 =	vmul.f32 v12, v1;
	v15 =	vmul.f32 v15, v2  }
0xf8: {  	v10 =	vmax.f32 v10, $0.0e+00;
	v18 =	vsub.f32 $1.000000000e+00, v6;
	v62 =	vmul.f32 v8, v2  }
0xf9: {  	v23 =	vsub.f32 $1.000000000e+00, v8;
	v12 =	vadd.f32 v12, v15;
	v15 =	vand.u32 $0x80000000, v13  }
0xfa: {  	v19 =	vsub.f32 $1.000000000e+00, v5;
	v20 =	vmul.f32 v10, v1;
	v15 =	vor.u32 v15, v4  }
0xfb: {  	v22 =	vsub.f32 $1.000000000e+00, v10;
	v11 =	vsel vm5, v15, v13;
	v13 =	vsel vm15, v21, v14  }
0xfc: {  	v14 =	vmul.f32 v6, v1;
	v15 =	vmul.f32 v5, v2;
	v13 =	vmax.f32 v13, $0.0e+00  }
0xfd: {  	v0 =	vmul.f32 v0, v2;
	v11 =	vmax.f32 v11, $0.0e+00;
	v26 =	vmul.f32 v13, v1  }
0xfe: {  	v27 =	vmul.f32 v11, v2;
	v28 =	vsub.f32 $1.000000000e+00, v13;
	v14 =	vadd.f32 v14, v15  }
0xff: {  	v3 =	vsub.f32 $1.000000000e+00, v11;
	v15 =	vmul.f32 v18, v5;
	v18 =	vmul.f32 v19, v6  }
0x100: {  	v19 =	vadd.f32 v20, v62;
	v20 =	vmul.f32 v22, v8;
	v8 =	vmul.f32 v23, v10  }
0x101: {  	s13 =	simm.s32 $0x80;
	[tilespmem:s12+$0x6030] =	vst v12;
	v10 =	vadd.f32 v26, v27;
	v11 =	vmul.f32 v28, v11;
	v5 =	vmul.f32 v3, v13  }
0x102: {  	v3 =	vld [tilespmem:s13+$0x30];
	v12 =	vsub.f32 $1.000000000e+00, v14;
	v6 =	vmul.f32 v15, v1;
	v13 =	vadd.f32 v29, v0  }
0x103: {  	s14 =	simm.s32 $0x400;
	v0 =	vld [tilespmem:s13+$0x2030];
	v14 =	vmul.f32 v18, v2;
	v15 =	vsub.f32 $1.000000000e+00, v19;
	v18 =	vmul.f32 v20, v1  }
.LBB2_2:
0x104: {  	p0 =	sne.s32 s14, $0x7E00;
	v19 =	vld [tilespmem:s13+$0x0];
	v8 =	vmul.f32 v8, v2;
	v10 =	vsub.f32 $1.000000000e+00, v10;
	v11 =	vmul.f32 v11, v1  }
0x105: {  	v12 =	vmul.f32 $1.677721600e+07, v12;
	v5 =	vmul.f32 v5, v2;
	v13 =	vsub.f32 $1.000000000e+00, v13;
	v20 =	vld [tilespmem:s13+$0x2000]  }
0x106: {  	v6 =	vadd.f32 v6, v14;
	v14 =	vmul.f32 $1.677721600e+07, v15;
	v21 =	vld [tilespmem:s13+$0x10];
	v8 =	vadd.f32 v18, v8  }
0x107: {  	v10 =	vmul.f32 $1.677721600e+07, v10;
	v5 =	vadd.f32 v11, v5;
	v15 =	vld [tilespmem:s13+$0x2010];
	v3 =	vadd.f32 $-5.000000000e-01, v3;
	[tilespmem:s12+$0x4000] =	vst v12  }
0x108: {  	v11 =	vld [tilespmem:s13+$0x20];
	v0 =	vadd.f32 $-5.000000000e-01, v0;
	[tilespmem:s12+$0x6000] =	vst v6;
	v6 =	vmul.f32 $1.677721600e+07, v13  }
0x109: {  	v12 =	vadd.f32 $-5.000000000e-01, v19;
	v13 =	vld [tilespmem:s13+$0x2020];
	v18 =	vand.u32 $0x80000000, v3;
	[tilespmem:s12+$0x4010] =	vst v14  }
0x10a: {  	vm15 =	vlt.f32 v3, $0.0e+00;
	vm1 =	vgt.f32 v3, $0.0e+00;
	v14 =	vand.u32 $0x80000000, v0;
	[tilespmem:s12+$0x6010] =	vst v8  }
0x10b: {  	v8 =	vor.u32 v18, v4;
	vm3 =	vlt.f32 v0, $0.0e+00;
	vm5 =	vgt.f32 v0, $0.0e+00;
	[tilespmem:s12+$0x4020] =	vst v10  }
0x10c: {  	vm1 =	vmor vm1, vm15;
	v10 =	vor.u32 v14, v4;
	vm3 =	vmor vm5, vm3;
	[tilespmem:s12+$0x6020] =	vst v5  }
0x10d: {  	v3 =	vsel vm1, v8, v3;
	v5 =	vadd.f32 $-5.000000000e-01, v20;
	v0 =	vsel vm3, v10, v0;
	[tilespmem:s12+$0x4030] =	vst v6;
	s12 =	smov.u32 s13  }
0x10e: {  	v3 =	vmax.f32 v3, $0.0e+00;
	v6 =	vadd.f32 $-5.000000000e-01, v21;
	v0 =	vmax.f32 v0, $0.0e+00  }
0x10f: {  	v8 =	vand.u32 $0x80000000, v12;
	v14 =	vsub.f32 $1.000000000e+00, v3;
	v10 =	vsub.f32 $1.000000000e+00, v0  }
0x110: {  	vm15 =	vlt.f32 v12, $0.0e+00;
	v15 =	vadd.f32 $-5.000000000e-01, v15;
	v11 =	vadd.f32 $-5.000000000e-01, v11  }
0x111: {  	v13 =	vadd.f32 $-5.000000000e-01, v13;
	v14 =	vmul.f32 v14, v0;
	v10 =	vmul.f32 v10, v3  }
0x112: {  	vm1 =	vgt.f32 v12, $0.0e+00;
	v18 =	vand.u32 $0x80000000, v5;
	vm3 =	vlt.f32 v5, $0.0e+00  }
0x113: {  	vm5 =	vgt.f32 v5, $0.0e+00;
	v14 =	vmul.f32 v14, v2;
	v10 =	vmul.f32 v10, v1  }
0x114: {  	v19 =	vand.u32 $0x80000000, v6;
	vm7 =	vlt.f32 v6, $0.0e+00;
	vm9 =	vgt.f32 v6, $0.0e+00  }
0x115: {  	v20 =	vand.u32 $0x80000000, v15;
	vm11 =	vlt.f32 v15, $0.0e+00;
	v10 =	vadd.f32 v10, v14  }
0x116: {  	vm0 =	vgt.f32 v15, $0.0e+00;
	vm13 =	vlt.f32 v11, $0.0e+00;
	v14 =	vand.u32 $0x80000000, v11  }
0x117: {  	vm2 =	vgt.f32 v11, $0.0e+00;
	v21 =	vand.u32 $0x80000000, v13;
	vm4 =	vlt.f32 v13, $0.0e+00;
	[tilespmem:s12+$0x6030] =	vst v10  }
0x118: {  	v8 =	vor.u32 v8, v4;
	vm1 =	vmor vm1, vm15;
	vm15 =	vgt.f32 v13, $0.0e+00  }
0x119: {  	vm3 =	vmor vm5, vm3;
	v10 =	vor.u32 v18, v4;
	v18 =	vor.u32 v19, v4  }
0x11a: {  	vm0 =	vmor vm0, vm11;
	vm5 =	vmor vm9, vm7;
	v19 =	vor.u32 v20, v4  }
0x11b: {  	vm2 =	vmor vm2, vm13;
	v14 =	vor.u32 v14, v4;
	v20 =	vor.u32 v21, v4  }
0x11c: {  	v8 =	vsel vm1, v8, v12;
	vm1 =	vmor vm15, vm4;
	v5 =	vsel vm3, v10, v5  }
0x11d: {  	v11 =	vsel vm2, v14, v11;
	v6 =	vsel vm5, v18, v6;
	v10 =	vsel vm0, v19, v15  }
0x11e: {  	v8 =	vmax.f32 v8, $0.0e+00;
	v12 =	vsel vm1, v20, v13;
	v5 =	vmax.f32 v5, $0.0e+00  }
0x11f: {  	v11 =	vmax.f32 v11, $0.0e+00;
	v6 =	vmax.f32 v6, $0.0e+00;
	v10 =	vmax.f32 v10, $0.0e+00  }
0x120: {  	v14 =	vmul.f32 v8, v2;
	v12 =	vmax.f32 v12, $0.0e+00;
	v13 =	vmul.f32 v5, v1  }
0x121: {  	v18 =	vsub.f32 $1.000000000e+00, v8;
	v15 =	vsub.f32 $1.000000000e+00, v5;
	v19 =	vmul.f32 v10, v1  }
0x122: {  	v20 =	vmul.f32 v6, v2;
	v21 =	vsub.f32 $1.000000000e+00, v10;
	v22 =	vsub.f32 $1.000000000e+00, v6  }
0x123: {  	v26 =	vmul.f32 v11, v2;
	v23 =	vmul.f32 v12, v1;
	v27 =	vsub.f32 $1.000000000e+00, v12  }
0x124: {  	v29 =	vmul.f32 v3, v2;
	v0 =	vmul.f32 v0, v1;
	v28 =	vsub.f32 $1.000000000e+00, v11  }
.Ltmp0:
0x125: {  	v13 =	vadd.f32 v13, v14;
	v14 =	vmul.f32 v15, v8;
	v15 =	vmul.f32 v18, v5;
	(pc) =	sbr.rel @p0 .LBB2_2-.Ltmp0, $4  }
0x126: {  	v18 =	vadd.f32 v19, v20;
	v19 =	vmul.f32 v21, v6;
	v8 =	vmul.f32 v22, v10  }
0x127: {  	s13 =	sshra.s32 s14, $0x2;
	v10 =	vadd.f32 v23, v26;
	v11 =	vmul.f32 v27, v11;
	v5 =	vmul.f32 v28, v12  }
0x128: {  	v12 =	vsub.f32 $1.000000000e+00, v13;
	v6 =	vmul.f32 v14, v1;
	v13 =	vadd.f32 v0, v29;
	v3 =	vld [tilespmem:s13+$0x30]  }
0x129: {  	s14 =	sadd.s32 $0x200, s14;
	v14 =	vmul.f32 v15, v2;
	v15 =	vsub.f32 $1.000000000e+00, v18;
	v18 =	vmul.f32 v19, v1;
	v0 =	vld [tilespmem:s13+$0x2030]  }
0x12a: {  	v8 =	vmul.f32 v8, v2  }
0x12b: {  	v19 =	vld [tilespmem:s13+$0x0];
	v10 =	vsub.f32 $1.000000000e+00, v10;
	v11 =	vmul.f32 v11, v1;
	v12 =	vmul.f32 $1.677721600e+07, v12  }
0x12c: {  	v20 =	vld [tilespmem:s13+$0x2000];
	v5 =	vmul.f32 v5, v2;
	v13 =	vsub.f32 $1.000000000e+00, v13;
	vm11 =	vcmask $0x2F2C  }
0x12d: {  	vm13 =	vcmask $0x3734;
	v6 =	vadd.f32 v6, v14;
	v61 =	vmul.f32 $1.677721600e+07, v15  }
0x12e: {  	v15 =	vld [tilespmem:s13+$0x2010];
	v8 =	vadd.f32 v18, v8;
	v10 =	vmul.f32 $1.677721600e+07, v10;
	v3 =	vadd.f32 $-5.000000000e-01, v3  }
0x12f: {  	v5 =	vadd.f32 v11, v5;
	v62 =	vmul.f32 $1.677721600e+07, v13;
	v0 =	vadd.f32 $-5.000000000e-01, v0  }
0x130: {  	v21 =	vld [tilespmem:s13+$0x10];
	[tilespmem:s12+$0x4000] =	vst v12;
	v9 =	vadd.f32 $-5.000000000e-01, v19;
	v18 =	vand.u32 $0x80000000, v3;
	vm0 =	vlt.f32 v3, $0.0e+00  }
0x131: {  	v32 =	vld [tilespmem:s13+$0x20];
	[tilespmem:s12+$0x6000] =	vst v6;
	vm1 =	vgt.f32 v3, $0.0e+00;
	v20 =	vadd.f32 $-5.000000000e-01, v20;
	v6 =	vand.u32 $0x80000000, v0  }
0x132: {  	vm2 =	vlt.f32 v0, $0.0e+00;
	vm3 =	vgt.f32 v0, $0.0e+00;
	v18 =	vor.u32 v18, v4  }
0x133: {  	vm0 =	vmor vm1, vm0;
	v15 =	vadd.f32 $-5.000000000e-01, v15;
	v6 =	vor.u32 v6, v4  }
0x134: {  	vm2 =	vmor vm3, vm2;
	v3 =	vsel vm0, v18, v3;
	v18 =	vand.u32 $0x80000000, v9  }
0x135: {  	vm0 =	vlt.f32 v9, $0.0e+00;
	vm1 =	vgt.f32 v9, $0.0e+00;
	v23 =	vand.u32 $0x80000000, v20  }
0x136: {  	vm3 =	vgt.f32 v20, $0.0e+00;
	v0 =	vsel vm2, v6, v0;
	v6 =	vadd.f32 $-5.000000000e-01, v21  }
0x137: {  	v19 =	vld [tilespmem:s13+$0x2020];
	v3 =	vmax.f32 v3, $0.0e+00;
	v13 =	vadd.f32 $-5.000000000e-01, v32;
	vm2 =	vlt.f32 v20, $0.0e+00  }
0x138: {  	v27 =	vand.u32 $0x80000000, v15;
	vm7 =	vlt.f32 v15, $0.0e+00;
	v18 =	vor.u32 v18, v4  }
0x139: {  	vm0 =	vmor vm1, vm0;
	vm1 =	vgt.f32 v15, $0.0e+00;
	v23 =	vor.u32 v23, v4  }
0x13a: {  	v0 =	vmax.f32 v0, $0.0e+00;
	v22 =	vsub.f32 $1.000000000e+00, v3;
	v12 =	vsel vm0, v18, v9  }
0x13b: {  	vm2 =	vmor vm3, vm2;
	vm1 =	vmor vm1, vm7;
	v27 =	vor.u32 v27, v4  }
0x13c: {  	vm7 =	vcmask $0x1F1C;
	v21 =	vsub.f32 $1.000000000e+00, v0;
	v19 =	vadd.f32 $-5.000000000e-01, v19  }
0x13d: {  	v26 =	vand.u32 $0x80000000, v6;
	vm4 =	vlt.f32 v6, $0.0e+00;
	vm5 =	vgt.f32 v6, $0.0e+00  }
0x13e: {  	vm0 =	vlt.f32 v13, $0.0e+00;
	vm9 =	vgt.f32 v13, $0.0e+00;
	v20 =	vsel vm2, v23, v20  }
0x13f: {  	v15 =	vsel vm1, v27, v15;
	v12 =	vmax.f32 v12, $0.0e+00;
	vm1 =	vcmask $0x704  }
0x140: {  	v22 =	vmul.f32 v22, v0;
	vm3 =	vmor vm5, vm4;
	v26 =	vor.u32 v26, v4  }
0x141: {  	vm0 =	vmor vm9, vm0;
	v20 =	vmax.f32 v20, $0.0e+00;
	v15 =	vmax.f32 v15, $0.0e+00  }
0x142: {  	v0 =	vmul.f32 v0, v1;
	v21 =	vmul.f32 v21, v3;
	v18 =	vand.u32 $0x80000000, v19  }
0x143: {  	vm4 =	vlt.f32 v19, $0.0e+00;
	vm5 =	vgt.f32 v19, $0.0e+00;
	v6 =	vsel vm3, v26, v6  }
0x144: {  	v23 =	vsub.f32 $1.000000000e+00, v20;
	v26 =	vsub.f32 $1.000000000e+00, v12;
	v27 =	vmul.f32 v15, v1  }
0x145: {  	v29 =	vsub.f32 $1.000000000e+00, v15;
	v3 =	vmul.f32 v3, v2;
	v22 =	vmul.f32 v22, v2  }
0x146: {  	v18 =	vor.u32 v18, v4;
	vm2 =	vmor vm5, vm4;
	v6 =	vmax.f32 v6, $0.0e+00  }
0x147: {  	v21 =	vmul.f32 v21, v1;
	v18 =	vsel vm2, v18, v19;
	v19 =	vmul.f32 v20, v1  }
0x148: {  	v28 =	vmul.f32 v6, v2;
	v20 =	vmul.f32 v26, v20;
	v0 =	vadd.f32 v0, v3  }
0x149: {  	v18 =	vmax.f32 v18, $0.0e+00;
	v21 =	vadd.f32 v21, v22;
	v22 =	vand.u32 $0x80000000, v13  }
0x14a: {  	v47 =	vadd.f32 v27, v28;
	v27 =	vsub.f32 $1.000000000e+00, v18;
	v22 =	vor.u32 v22, v4  }
0x14b: {  	v0 =	vsub.f32 $1.000000000e+00, v0;
	v13 =	vsel vm0, v22, v13;
	v22 =	vmul.f32 v12, v2  }
0x14c: {  	[tilespmem:s12+$0x4010] =	vst v61;
	v12 =	vmul.f32 v23, v12;
	v23 =	vsub.f32 $1.000000000e+00, v6;
	v6 =	vmul.f32 v29, v6  }
0x14d: {  	[tilespmem:s12+$0x6010] =	vst v8;
	v0 =	vmul.f32 $1.677721600e+07, v0;
	v13 =	vmax.f32 v13, $0.0e+00;
	v19 =	vadd.f32 v19, v22  }
0x14e: {  	[tilespmem:s12+$0x4020] =	vst v10;
	v22 =	vmul.f32 v18, v1;
	v26 =	vmul.f32 v13, v2;
	v8 =	vsub.f32 $1.000000000e+00, v13  }
0x14f: {  	[tilespmem:s12+$0x6020] =	vst v5;
	v50 =	vmul.f32 v23, v15;
	v13 =	vmul.f32 v27, v13;
	v15 =	vsub.f32 $1.000000000e+00, v19  }
0x150: {  	[tilespmem:s12+$0x4030] =	vst v62;
	v57 =	vsub.f32 $1.000000000e+00, v47;
	v12 =	vmul.f32 v12, v1;
	v19 =	vmul.f32 v20, v2  }
0x151: {  	[tilespmem:s13+$0x6030] =	vst v21;
	v6 =	vmul.f32 v6, v1;
	v5 =	vadd.f32 v22, v26;
	v61 =	vmul.f32 $1.677721600e+07, v15  }
0x152: {  	[tilespmem:s13+$0x4030] =	vst v0;
	v8 =	vmul.f32 v8, v18;
	v10 =	vmul.f32 v50, v2;
	v12 =	vadd.f32 v12, v19  }
0x153: {  	vm9 =	vcmask $0x2724;
	v3 =	vsub.f32 $1.000000000e+00, v5;
	v5 =	vmul.f32 $1.677721600e+07, v57;
	[tilespmem:s13+$0x4000] =	vst v61  }
0x154: {  	v62 =	vmul.f32 v13, v1;
	v8 =	vmul.f32 v8, v2;
	v6 =	vadd.f32 v6, v10;
	[tilespmem:s13+$0x6000] =	vst v12  }
0x155: {  	vm3 =	vcmask $0xF0C;
	vm4 =	vcmask $0x1310;
	v3 =	vmul.f32 $1.677721600e+07, v3;
	[tilespmem:s13+$0x4010] =	vst v5  }
0x156: {  	vm5 =	vcmask $0x1714;
	vm2 =	vcmask $0xB08;
	v5 =	vadd.f32 v62, v8;
	[tilespmem:s13+$0x6010] =	vst v6  }
0x157: {  	v28 =	vimm.f32 $5.290000000e+02;
	vm0 =	vcmask $0x300;
	v21 =	vimm.f32 $5.760000000e+02;
	[tilespmem:s13+$0x4020] =	vst v3  }
0x158: {  	s12 =	simm.s32 $0x0;
	v29 =	vld [tilespmem:$0x1FF70];
	v23 =	vimm.f32 $1.600000000e+03;
	v27 =	vimm.f32 $4.900000000e+01;
	v20 =	vimm.f32 $6.400000000e+01;
	[tilespmem:s13+$0x6020] =	vst v5;
	s13 =	smov.u32 s7  }
.LBB2_4:
0x159: {  	s16 =	simm.s32 $0x4020  }
0x15a: {  	s14 =	sadd.s32 $0x0, s13;
	p0 =	por $0x1, $0x1;
	v3 =	vld [tilespmem:s16+$0x10]  }
.Ltmp1:
0x15b: {  	s14 =	scvt.s32.f32 s14;
	v5 =	vld [tilespmem:s16+$0xFFFFFFE0];
	(pc) =	sbr.rel @!p0 .LBB2_6-.Ltmp1, $4  }
0x15c: {  	v10 =	vld [tilespmem:s16+$0xFFFFFFF0]  }
0x15d: {  	v12 =	vld [tilespmem:s16+$0x0];
	s14 =	smul.f32 s14, s14  }
0x15e: {  	v0 =	vimm.f32 $1.677721600e+07;
	v8 =	vimm.f32 $1.677721600e+07  }
0x15f: {  	s15 =	simm.s32 $0x1;
	v6 =	vimm.f32 $1.677721600e+07;
	s16 =	simm.s32 $0x40A0;
	v11 =	vadd.f32 s14, v3;
	v3 =	vimm.f32 $1.677721600e+07  }
.LBB2_5:
0x160: {  	s17 =	sadd.s32 s15, s13;
	v13 =	vld [tilespmem:s16+$0x10];
	p0 =	sne.s32 s15, $0x3F;
	s15 =	sadd.s32 $0x1, s15;
	v14 =	vadd.f32 s14, v5  }
.Ltmp2:
0x161: {  	s17 =	scvt.s32.f32 s17;
	v5 =	vld [tilespmem:s16+$0xFFFFFFE0];
	v15 =	vadd.f32 s14, v10;
	v0 =	vmin.f32 v0, v11;
	(pc) =	sbr.rel @p0 .LBB2_5-.Ltmp2, $4  }
0x162: {  	v10 =	vld [tilespmem:s16+$0xFFFFFFF0];
	v8 =	vmin.f32 v8, v14;
	v11 =	vadd.f32 s14, v12  }
0x163: {  	s14 =	smul.f32 s17, s17;
	v12 =	vld [tilespmem:s16+$0x0];
	v6 =	vmin.f32 v6, v15  }
0x164: {  	v3 =	vmin.f32 v3, v11  }
0x165: {  	s16 =	sadd.s32 $0x80, s16;
	v11 =	vadd.f32 s14, v13  }
.LBB2_6:
0x166: {  	s15 =	sshll.u32 s12, $0x7;
	s12 =	sadd.s32 $0x1, s12  }
0x167: {  	v5 =	vadd.f32 s14, v5;
	p0 =	sne.s32 s12, $0x10  }
.Ltmp3:
0x168: {  	v10 =	vadd.f32 s14, v10;
	s31 =	sand.u32 $0x3FFFFF80, s15;
	v0 =	vmin.f32 v0, v11;
	(pc) =	sbr.rel @p0 .LBB2_4-.Ltmp3, $4  }
0x169: {  	v12 =	vadd.f32 s14, v12;
	v5 =	vmin.f32 v8, v5;
	[tilespmem:s31+$0x8030] =	vst v0  }
0x16a: {  	v6 =	vmin.f32 v6, v10;
	[tilespmem:s31+$0x8000] =	vst v5  }
0x16b: {  	v3 =	vmin.f32 v3, v12;
	[tilespmem:s31+$0x8010] =	vst v6  }
0x16c: {  	s13 =	sadd.s32 $0xFFFFFFFF, s13;
	[tilespmem:s31+$0x8020] =	vst v3  }
0x16d: {  	v3 =	vimm.f32 $-1.000000000e+00;
	s12 =	simm.s32 $0x0  }
.LBB2_8:
0x16e: {  	s13 =	sshra.s32 s12, $0x2  }
0x16f: {  	v22 =	vld [tilespmem:s13+$0x8000]  }
0x170: {  	v18 =	vsel vm0, $0x44290000, v56  }
0x171: {  	[tilespmem:$0x1FE00] =	vst v3;
	v3 =	vld [tilespmem:$0x1FE10];
	v18 =	vsel vm1, $0x44364000, v18  }
0x172: {  	v18 =	vsel vm2, $0x44440000, v18  }
0x173: {  	v0 =	vimm.s32 $0x0;
	v56 =	vsel vm0, $0x441C4000, v23;
	v18 =	vsel vm3, $0x44524000, v18  }
0x174: {  	v13 =	vmovc v52;
	v52 =	vld [tilespmem:$0x1FE30];
	v18 =	vsel vm4, $0x44610000, v18;
	v0 =	vperm.xlane v22, v0;
	v6 =	vperm.xlane v22, v48  }
0x175: {  	v18 =	vsel vm5, $0x44704000, v18;
	v12 =	vperm.xlane v22, v51;
	v15 =	vperm.xlane v22, v58  }
0x176: {  	v18 =	vsel vm6, $0x44800000, v18;
	v3 =	vadd.f32 v3, v0;
	v5 =	vadd.f32 v25, v0  }
0x177: {  	v58 =	vsel vm0, $0x42800000, v28;
	v8 =	vadd.f32 v17, v0;
	v0 =	vadd.f32 v16, v0  }
0x178: {  	v18 =	vsel vm7, $0x44882000, v18;
	v16 =	vld [tilespmem:$0x1FE20];
	v11 =	vadd.f32 v41, v6;
	v47 =	vadd.f32 v60, v6  }
0x179: {  	v9 =	vmovc v40;
	v40 =	vmovc v41;
	v48 =	vadd.f32 v13, v12;
	v41 =	vld [tilespmem:$0x1FFA0];
	v51 =	vadd.f32 v52, v12;
	v18 =	vsel vm8, $0x44908000, v18  }
0x17a: {  	v57 =	vadd.f32 v9, v12;
	v9 =	vimm.f32 $3.600000000e+01;
	v18 =	vsel vm9, $0x44992000, v18  }
0x17b: {  	v3 =	vmin.f32 v3, $1.677721600e+07;
	v5 =	vmin.f32 v5, $1.677721600e+07;
	v8 =	vmin.f32 v8, $1.677721600e+07  }
0x17c: {  	v0 =	vmin.f32 v0, $1.677721600e+07;
	v18 =	vsel vm10, $0x44A20000, v18;
	v5 =	vmin.f32 v5, v11  }
0x17d: {  	v61 =	vld [tilespmem:$0x1FE40];
	v8 =	vmin.f32 v8, v47;
	v10 =	vadd.f32 v16, v6;
	v6 =	vadd.f32 v30, v6  }
0x17e: {  	v18 =	vsel vm11, $0x44AB2000, v18;
	v8 =	vmin.f32 v8, v51;
	v50 =	vadd.f32 v41, v12  }
0x17f: {  	v18 =	vsel vm12, $0x44B48000, v18;
	v3 =	vmin.f32 v3, v10;
	v0 =	vmin.f32 v0, v6  }
0x180: {  	v6 =	vperm.xlane v22, v53;
	v5 =	vmin.f32 v5, v50;
	v53 =	vsel vm0, $0x41C80000, v37  }
0x181: {  	v3 =	vmin.f32 v3, v48;
	v48 =	vperm.xlane v22, v49;
	v0 =	vmin.f32 v0, v57  }
0x182: {  	v57 =	vperm.xlane v22, v55;
	v10 =	vsel vm1, $0x41800000, v53;
	v32 =	vadd.f32 v61, v6  }
0x183: {  	v55 =	vsel vm0, $0x42A20000, v21;
	v47 =	vadd.f32 v33, v6;
	v49 =	vadd.f32 v31, v6  }
0x184: {  	v6 =	vadd.f32 v34, v6;
	v33 =	vsel vm0, $0x42F20000, v38;
	v10 =	vsel vm2, $0x41100000, v10  }
0x185: {  	v34 =	vsel vm0, $0x44364000, v54;
	v50 =	vadd.f32 v44, v48;
	v14 =	vadd.f32 v7, v48  }
0x186: {  	v51 =	vadd.f32 v35, v48;
	v12 =	vsel vm1, $0x43100000, v33;
	v10 =	vsel vm3, $0x40800000, v10  }
0x187: {  	v13 =	vsel vm1, $0x44440000, v34;
	v3 =	vmin.f32 v3, v32;
	v5 =	vmin.f32 v5, v47  }
0x188: {  	v8 =	vmin.f32 v8, v49;
	v0 =	vmin.f32 v0, v6;
	v12 =	vsel vm2, $0x43290000, v12  }
0x189: {  	v10 =	vsel vm4, $0x3F800000, v10;
	v13 =	vsel vm2, $0x44524000, v13;
	v49 =	vsel vm0, $0x42C80000, v43  }
0x18a: {  	v3 =	vmin.f32 v3, v50;
	v6 =	vmin.f32 v5, v14;
	v8 =	vmin.f32 v8, v51  }
0x18b: {  	v5 =	vadd.f32 v36, v48;
	v12 =	vsel vm3, $0x43440000, v12;
	v10 =	vsel vm5, $0x0, v10  }
0x18c: {  	v13 =	vsel vm3, $0x44610000, v13;
	v48 =	vadd.f32 v39, v57;
	v11 =	vsel vm1, $0x42F20000, v49  }
0x18d: {  	v50 =	vsel vm13, $0x44BE2000, v18;
	v14 =	vsel vm1, $0x44290000, v56;
	v12 =	vsel vm4, $0x43610000, v12  }
0x18e: {  	v10 =	vsel vm6, $0x3F800000, v10;
	v13 =	vsel vm4, $0x44704000, v13;
	v11 =	vsel vm2, $0x43100000, v11  }
0x18f: {  	v14 =	vsel vm2, $0x44364000, v14;
	v12 =	vsel vm5, $0x43800000, v12;
	v10 =	vsel vm7, $0x40800000, v10  }
0x190: {  	v13 =	vsel vm5, $0x44800000, v13;
	v44 =	vmin.f32 v0, v5;
	v0 =	vsel vm0, $0x42100000, v42  }
0x191: {  	v11 =	vsel vm3, $0x43290000, v11;
	v14 =	vsel vm3, $0x44440000, v14;
	v12 =	vsel vm6, $0x43908000, v12  }
0x192: {  	v10 =	vsel vm8, $0x41100000, v10;
	v13 =	vsel vm6, $0x44882000, v13;
	v0 =	vsel vm1, $0x41C80000, v0  }
0x193: {  	v11 =	vsel vm4, $0x43440000, v11;
	v53 =	vmin.f32 v44, v48;
	v14 =	vsel vm4, $0x44524000, v14  }
0x194: {  	v12 =	vsel vm7, $0x43A20000, v12;
	v10 =	vsel vm9, $0x41800000, v10;
	v13 =	vsel vm7, $0x44908000, v13  }
0x195: {  	v0 =	vsel vm2, $0x41800000, v0;
	v11 =	vsel vm5, $0x43610000, v11;
	v14 =	vsel vm5, $0x44610000, v14  }
0x196: {  	v12 =	vsel vm8, $0x43B48000, v12;
	v10 =	vsel vm10, $0x41C80000, v10;
	v13 =	vsel vm8, $0x44992000, v13  }
0x197: {  	v0 =	vsel vm3, $0x41100000, v0;
	v11 =	vsel vm6, $0x43800000, v11;
	v14 =	vsel vm6, $0x44704000, v14  }
0x198: {  	v12 =	vsel vm9, $0x43C80000, v12;
	v10 =	vsel vm11, $0x42100000, v10;
	v13 =	vsel vm9, $0x44A20000, v13  }
0x199: {  	v0 =	vsel vm4, $0x40800000, v0;
	v11 =	vsel vm7, $0x43908000, v11;
	v14 =	vsel vm7, $0x44800000, v14  }
0x19a: {  	v12 =	vsel vm10, $0x43DC8000, v12;
	v10 =	vsel vm12, $0x42440000, v10;
	v13 =	vsel vm10, $0x44AB2000, v13  }
0x19b: {  	v0 =	vsel vm5, $0x3F800000, v0;
	v11 =	vsel vm8, $0x43A20000, v11;
	v14 =	vsel vm8, $0x44882000, v14  }
0x19c: {  	v12 =	vsel vm11, $0x43F20000, v12;
	v10 =	vsel vm13, $0x42800000, v10;
	v13 =	vsel vm11, $0x44B48000, v13  }
0x19d: {  	v0 =	vsel vm6, $0x0, v0;
	v11 =	vsel vm9, $0x43B48000, v11;
	v14 =	vsel vm9, $0x44908000, v14  }
0x19e: {  	v12 =	vsel vm12, $0x44044000, v12;
	v62 =	vsel vm14, $0x42A20000, v10;
	v36 =	vsel vm12, $0x44BE2000, v13  }
0x19f: {  	v0 =	vsel vm7, $0x3F800000, v0;
	v11 =	vsel vm10, $0x43C80000, v11;
	v14 =	vsel vm10, $0x44992000, v14  }
0x1a0: {  	v35 =	vsel vm13, $0x44100000, v12;
	v37 =	vadd.f32 v62, v57;
	v38 =	vsel vm13, $0x44C80000, v36  }
0x1a1: {  	v0 =	vsel vm8, $0x40800000, v0;
	v11 =	vsel vm11, $0x43DC8000, v11;
	v12 =	vsel vm1, $0x42C80000, v55  }
0x1a2: {  	v14 =	vsel vm11, $0x44A20000, v14;
	v34 =	vsel vm14, $0x441C4000, v35;
	v5 =	vsel vm14, $0x44D22000, v38  }
0x1a3: {  	v0 =	vsel vm9, $0x41100000, v0;
	v11 =	vsel vm12, $0x43F20000, v11;
	v12 =	vsel vm2, $0x42F20000, v12  }
0x1a4: {  	v14 =	vsel vm12, $0x44AB2000, v14;
	v47 =	vadd.f32 v34, v57;
	v3 =	vmin.f32 v3, v37  }
0x1a5: {  	v10 =	vadd.f32 v5, v57;
	v0 =	vsel vm10, $0x41800000, v0;
	v11 =	vsel vm13, $0x44044000, v11  }
0x1a6: {  	v12 =	vsel vm3, $0x43100000, v12;
	v57 =	vsel vm13, $0x44B48000, v14;
	v0 =	vsel vm11, $0x41C80000, v0  }
0x1a7: {  	v37 =	vsel vm14, $0x44100000, v11;
	v11 =	vsel vm14, $0x44C80000, v50;
	v12 =	vsel vm4, $0x43290000, v12  }
0x1a8: {  	v14 =	vsel vm14, $0x44BE2000, v57;
	v0 =	vsel vm12, $0x42100000, v0;
	v19 =	vadd.f32 v37, v15  }
0x1a9: {  	v6 =	vmin.f32 v6, v47;
	v51 =	vadd.f32 v11, v15;
	v12 =	vsel vm5, $0x43440000, v12  }
0x1aa: {  	v8 =	vmin.f32 v8, v10;
	v0 =	vsel vm13, $0x42440000, v0;
	v12 =	vsel vm6, $0x43610000, v12  }
0x1ab: {  	v54 =	vmin.f32 v6, v19;
	v6 =	vsel vm0, $0x42440000, v20;
	v12 =	vsel vm7, $0x43800000, v12  }
0x1ac: {  	v0 =	vsel vm14, $0x42800000, v0;
	v6 =	vsel vm1, $0x42100000, v6;
	v12 =	vsel vm8, $0x43908000, v12  }
0x1ad: {  	v18 =	vadd.f32 v0, v15;
	v6 =	vsel vm2, $0x41C80000, v6;
	v12 =	vsel vm9, $0x43A20000, v12  }
0x1ae: {  	v15 =	vadd.f32 v45, v15;
	v6 =	vsel vm3, $0x41800000, v6;
	v12 =	vsel vm10, $0x43B48000, v12  }
0x1af: {  	v3 =	vmin.f32 v3, v18;
	v6 =	vsel vm4, $0x41100000, v6;
	v12 =	vsel vm11, $0x43C80000, v12  }
0x1b0: {  	v18 =	vmin.f32 v8, v51;
	v6 =	vsel vm5, $0x40800000, v6;
	v12 =	vsel vm12, $0x43DC8000, v12  }
0x1b1: {  	v8 =	vperm.xlane v22, v63;
	v6 =	vsel vm6, $0x3F800000, v6;
	v12 =	vsel vm13, $0x43F20000, v12  }
0x1b2: {  	v6 =	vsel vm7, $0x0, v6;
	v39 =	vsel vm14, $0x44044000, v12;
	v12 =	vsel vm1, $0x42A20000, v58  }
0x1b3: {  	v10 =	vmin.f32 v53, v15;
	v6 =	vsel vm8, $0x3F800000, v6;
	v12 =	vsel vm2, $0x42C80000, v12  }
0x1b4: {  	v21 =	vadd.f32 v14, v8;
	v6 =	vsel vm9, $0x40800000, v6;
	v12 =	vsel vm3, $0x42F20000, v12  }
0x1b5: {  	v23 =	vadd.f32 v46, v8;
	v6 =	vsel vm10, $0x41100000, v6;
	v12 =	vsel vm4, $0x43100000, v12  }
0x1b6: {  	v18 =	vmin.f32 v18, v21;
	v6 =	vsel vm11, $0x41800000, v6;
	v12 =	vsel vm5, $0x43290000, v12  }
0x1b7: {  	v20 =	vadd.f32 v39, v8;
	v6 =	vsel vm12, $0x41C80000, v6;
	v12 =	vsel vm6, $0x43440000, v12  }
0x1b8: {  	v10 =	vmin.f32 v10, v23;
	v6 =	vsel vm13, $0x42100000, v6;
	v12 =	vsel vm7, $0x43610000, v12  }
0x1b9: {  	[tilespmem:$0x1FDB0] =	vst v0;
	v13 =	vmin.f32 v54, v20;
	v0 =	vsel vm14, $0x42440000, v6;
	v12 =	vsel vm8, $0x43800000, v12  }
0x1ba: {  	[tilespmem:$0x1FDC0] =	vst v0;
	v15 =	vadd.f32 v0, v8;
	v0 =	vimm.s32 $0x8;
	v8 =	vsel vm0, $0x42800000, v27  }
0x1bb: {  	v12 =	vsel vm9, $0x43908000, v12;
	v26 =	vperm.xlane v22, v0;
	v0 =	vimm.f32 $1.521000000e+03  }
0x1bc: {  	v8 =	vsel vm2, $0x42100000, v8;
	v12 =	vsel vm10, $0x43A20000, v12;
	v19 =	vsel vm0, $0x44100000, v0  }
0x1bd: {  	v8 =	vsel vm3, $0x41C80000, v8;
	v12 =	vsel vm11, $0x43B48000, v12;
	v3 =	vmin.f32 v3, v15  }
0x1be: {  	v19 =	vsel vm1, $0x441C4000, v19;
	v8 =	vsel vm4, $0x41800000, v8;
	v12 =	vsel vm12, $0x43C80000, v12  }
0x1bf: {  	v19 =	vsel vm2, $0x44290000, v19;
	v8 =	vsel vm5, $0x41100000, v8;
	v12 =	vsel vm13, $0x43DC8000, v12  }
0x1c0: {  	v19 =	vsel vm3, $0x44364000, v19;
	v8 =	vsel vm6, $0x40800000, v8;
	v31 =	vsel vm14, $0x43F20000, v12  }
0x1c1: {  	v19 =	vsel vm4, $0x44440000, v19;
	v8 =	vsel vm7, $0x3F800000, v8;
	v15 =	vadd.f32 v31, v26  }
0x1c2: {  	v6 =	vimm.f32 $2.500000000e+01;
	v19 =	vsel vm5, $0x44524000, v19;
	v8 =	vsel vm8, $0x0, v8  }
0x1c3: {  	v19 =	vsel vm6, $0x44610000, v19;
	v8 =	vsel vm9, $0x3F800000, v8;
	v20 =	vmin.f32 v13, v15  }
0x1c4: {  	v15 =	vadd.f32 v59, v26;
	v59 =	vsel vm0, $0x42A20000, v9;
	v19 =	vsel vm7, $0x44704000, v19  }
0x1c5: {  	v8 =	vsel vm10, $0x40800000, v8;
	v13 =	vsel vm1, $0x42800000, v59;
	v59 =	vimm.f32 $1.600000000e+01  }
0x1c6: {  	v19 =	vsel vm8, $0x44800000, v19;
	v8 =	vsel vm11, $0x41100000, v8;
	v13 =	vsel vm2, $0x42440000, v13  }
0x1c7: {  	v10 =	vmin.f32 v10, v15;
	v19 =	vsel vm9, $0x44882000, v19;
	v8 =	vsel vm12, $0x41800000, v8  }
0x1c8: {  	v13 =	vsel vm4, $0x41C80000, v13;
	v19 =	vsel vm10, $0x44908000, v19;
	v8 =	vsel vm13, $0x41C80000, v8  }
0x1c9: {  	v13 =	vsel vm5, $0x41800000, v13;
	v19 =	vsel vm11, $0x44992000, v19;
	v0 =	vsel vm14, $0x42100000, v8  }
0x1ca: {  	v13 =	vsel vm6, $0x41100000, v13;
	v19 =	vsel vm12, $0x44A20000, v19;
	v27 =	vadd.f32 v0, v26  }
0x1cb: {  	[tilespmem:$0x1FDD0] =	vst v0;
	v0 =	vimm.s32 $0x9;
	v13 =	vsel vm7, $0x40800000, v13;
	v19 =	vsel vm13, $0x44AB2000, v19  }
0x1cc: {  	v23 =	vperm.xlane v22, v0;
	v0 =	vimm.f32 $4.840000000e+02;
	v13 =	vsel vm8, $0x3F800000, v13  }
0x1cd: {  	v19 =	vsel vm14, $0x44B48000, v19;
	v3 =	vmin.f32 v3, v27;
	v21 =	vsel vm0, $0x42440000, v0  }
0x1ce: {  	v0 =	vimm.f32 $1.444000000e+03;
	v13 =	vsel vm9, $0x0, v13;
	v28 =	vadd.f32 v19, v26  }
0x1cf: {  	v26 =	vsel vm0, $0x44044000, v0;
	v21 =	vsel vm1, $0x42800000, v21;
	v13 =	vsel vm10, $0x3F800000, v13  }
0x1d0: {  	v26 =	vsel vm1, $0x44100000, v26;
	v21 =	vsel vm2, $0x42A20000, v21;
	v13 =	vsel vm11, $0x40800000, v13  }
0x1d1: {  	v18 =	vmin.f32 v18, v28;
	v26 =	vsel vm2, $0x441C4000, v26;
	v21 =	vsel vm3, $0x42C80000, v21  }
0x1d2: {  	v13 =	vsel vm12, $0x41100000, v13;
	v26 =	vsel vm3, $0x44290000, v26;
	v21 =	vsel vm4, $0x42F20000, v21  }
0x1d3: {  	v13 =	vsel vm13, $0x41800000, v13;
	v26 =	vsel vm4, $0x44364000, v26;
	v21 =	vsel vm5, $0x43100000, v21  }
0x1d4: {  	v0 =	vsel vm14, $0x41C80000, v13;
	v26 =	vsel vm5, $0x44440000, v26;
	v21 =	vsel vm6, $0x43290000, v21  }
0x1d5: {  	[tilespmem:$0x1FDE0] =	vst v0;
	v27 =	vadd.f32 v0, v23;
	v0 =	vimm.s32 $0xA;
	v26 =	vsel vm6, $0x44524000, v26  }
0x1d6: {  	v21 =	vsel vm7, $0x43440000, v21;
	v28 =	vperm.xlane v22, v0;
	v0 =	vimm.f32 $4.410000000e+02  }
0x1d7: {  	v26 =	vsel vm7, $0x44610000, v26;
	v21 =	vsel vm8, $0x43610000, v21;
	v3 =	vmin.f32 v3, v27  }
0x1d8: {  	v15 =	vsel vm0, $0x42100000, v0;
	v0 =	vimm.f32 $1.369000000e+03;
	v26 =	vsel vm8, $0x44704000, v26  }
0x1d9: {  	v21 =	vsel vm9, $0x43800000, v21;
	v15 =	vsel vm1, $0x42440000, v15;
	v30 =	vsel vm0, $0x43F20000, v0  }
0x1da: {  	v26 =	vsel vm9, $0x44800000, v26;
	v21 =	vsel vm10, $0x43908000, v21;
	v30 =	vsel vm1, $0x44044000, v30  }
0x1db: {  	v26 =	vsel vm10, $0x44882000, v26;
	v21 =	vsel vm11, $0x43A20000, v21;
	v30 =	vsel vm2, $0x44100000, v30  }
0x1dc: {  	v26 =	vsel vm11, $0x44908000, v26;
	v21 =	vsel vm12, $0x43B48000, v21;
	v30 =	vsel vm3, $0x441C4000, v30  }
0x1dd: {  	v26 =	vsel vm12, $0x44992000, v26;
	v21 =	vsel vm13, $0x43C80000, v21;
	v30 =	vsel vm4, $0x44290000, v30  }
0x1de: {  	v26 =	vsel vm13, $0x44A20000, v26;
	v57 =	vsel vm14, $0x43DC8000, v21;
	v30 =	vsel vm5, $0x44364000, v30  }
0x1df: {  	v38 =	vsel vm14, $0x44AB2000, v26;
	v26 =	vadd.f32 v57, v23;
	v30 =	vsel vm6, $0x44440000, v30  }
0x1e0: {  	v27 =	vadd.f32 v38, v23;
	v23 =	vadd.f32 v29, v23;
	v29 =	vsel vm0, $0x42C80000, v6  }
0x1e1: {  	v15 =	vsel vm2, $0x42800000, v15;
	v30 =	vsel vm7, $0x44524000, v30;
	v29 =	vsel vm1, $0x42A20000, v29  }
0x1e2: {  	v15 =	vsel vm3, $0x42A20000, v15;
	v30 =	vsel vm8, $0x44610000, v30;
	v29 =	vsel vm2, $0x42800000, v29  }
0x1e3: {  	v15 =	vsel vm4, $0x42C80000, v15;
	v30 =	vsel vm9, $0x44704000, v30;
	v29 =	vsel vm3, $0x42440000, v29  }
0x1e4: {  	v15 =	vsel vm5, $0x42F20000, v15;
	v30 =	vsel vm10, $0x44800000, v30;
	v29 =	vsel vm4, $0x42100000, v29  }
0x1e5: {  	v15 =	vsel vm6, $0x43100000, v15;
	v30 =	vsel vm11, $0x44882000, v30;
	v29 =	vsel vm6, $0x41800000, v29  }
0x1e6: {  	v15 =	vsel vm7, $0x43290000, v15;
	v30 =	vsel vm12, $0x44908000, v30;
	v29 =	vsel vm7, $0x41100000, v29  }
0x1e7: {  	v15 =	vsel vm8, $0x43440000, v15;
	v30 =	vsel vm13, $0x44992000, v30;
	v29 =	vsel vm8, $0x40800000, v29  }
0x1e8: {  	v15 =	vsel vm9, $0x43610000, v15;
	v42 =	vsel vm14, $0x44A20000, v30;
	v29 =	vsel vm9, $0x3F800000, v29  }
0x1e9: {  	v20 =	vmin.f32 v20, v26;
	v26 =	vadd.f32 v42, v28;
	v29 =	vsel vm10, $0x0, v29  }
0x1ea: {  	v15 =	vsel vm10, $0x43800000, v15;
	v18 =	vmin.f32 v18, v27;
	v29 =	vsel vm11, $0x3F800000, v29  }
0x1eb: {  	v26 =	vmin.f32 v18, v26;
	v18 =	vsel vm0, $0x42F20000, v59;
	v29 =	vsel vm12, $0x40800000, v29  }
0x1ec: {  	v15 =	vsel vm11, $0x43908000, v15;
	v18 =	vsel vm1, $0x42C80000, v18;
	v29 =	vsel vm13, $0x41100000, v29  }
0x1ed: {  	v15 =	vsel vm12, $0x43A20000, v15;
	v18 =	vsel vm2, $0x42A20000, v18;
	v0 =	vsel vm14, $0x41800000, v29  }
0x1ee: {  	v32 =	vsel vm13, $0x43B48000, v15;
	v18 =	vsel vm3, $0x42800000, v18;
	[tilespmem:$0x1FDF0] =	vst v0;
	v61 =	vadd.f32 v0, v28;
	v0 =	vld [tilespmem:$0x1FFB0]  }
0x1ef: {  	v29 =	vsel vm14, $0x43C80000, v32;
	v18 =	vsel vm4, $0x42440000, v18  }
0x1f0: {  	v55 =	vimm.f32 $9.000000000e+00;
	v63 =	vadd.f32 v29, v28;
	v18 =	vsel vm5, $0x42100000, v18  }
0x1f1: {  	v58 =	vimm.f32 $4.000000000e+00;
	v10 =	vmin.f32 v10, v23;
	v18 =	vsel vm6, $0x41C80000, v18  }
0x1f2: {  	v3 =	vmin.f32 v3, v61;
	v20 =	vmin.f32 v20, v63;
	v18 =	vsel vm8, $0x41100000, v18  }
0x1f3: {  	v18 =	vsel vm9, $0x40800000, v18;
	v23 =	vadd.f32 v0, v28;
	v0 =	vimm.s32 $0xB  }
0x1f4: {  	v18 =	vsel vm10, $0x3F800000, v18;
	v27 =	vperm.xlane v22, v0;
	v0 =	vimm.f32 $4.000000000e+02  }
0x1f5: {  	v18 =	vsel vm11, $0x0, v18;
	v28 =	vsel vm0, $0x41C80000, v0;
	v0 =	vimm.f32 $1.296000000e+03  }
0x1f6: {  	v18 =	vsel vm12, $0x3F800000, v18;
	v10 =	vmin.f32 v10, v23;
	v28 =	vsel vm1, $0x42100000, v28  }
0x1f7: {  	v30 =	vsel vm0, $0x43DC8000, v0;
	v18 =	vsel vm13, $0x40800000, v18;
	v0 =	vimm.f32 $3.610000000e+02  }
0x1f8: {  	v24 =	vmovc v25;
	v28 =	vsel vm2, $0x42440000, v28;
	v30 =	vsel vm1, $0x43F20000, v30;
	v25 =	vsel vm14, $0x41100000, v18  }
0x1f9: {  	v50 =	vsel vm0, $0x41800000, v0;
	v0 =	vimm.f32 $1.225000000e+03;
	v28 =	vsel vm3, $0x42800000, v28  }
0x1fa: {  	v30 =	vsel vm2, $0x44044000, v30;
	v12 =	vadd.f32 v25, v27;
	v51 =	vsel vm0, $0x43C80000, v0  }
0x1fb: {  	v35 =	vsel vm1, $0x41C80000, v50;
	v0 =	vimm.f32 $3.240000000e+02;
	v28 =	vsel vm4, $0x42A20000, v28  }
0x1fc: {  	v30 =	vsel vm3, $0x44100000, v30;
	v36 =	vsel vm1, $0x43DC8000, v51;
	v35 =	vsel vm2, $0x42100000, v35  }
0x1fd: {  	v56 =	vsel vm0, $0x41100000, v0;
	v0 =	vimm.f32 $1.156000000e+03;
	v28 =	vsel vm5, $0x42C80000, v28  }
0x1fe: {  	v30 =	vsel vm4, $0x441C4000, v30;
	v3 =	vmin.f32 v3, v12;
	v36 =	vsel vm2, $0x43F20000, v36  }
0x1ff: {  	v35 =	vsel vm3, $0x42440000, v35;
	v61 =	vsel vm0, $0x43B48000, v0;
	v32 =	vsel vm1, $0x41800000, v56  }
0x200: {  	v0 =	vimm.f32 $2.890000000e+02;
	v28 =	vsel vm6, $0x42F20000, v28;
	v30 =	vsel vm5, $0x44290000, v30  }
0x201: {  	v36 =	vsel vm3, $0x44044000, v36;
	v35 =	vsel vm4, $0x42800000, v35;
	v32 =	vsel vm2, $0x41C80000, v32  }
0x202: {  	v28 =	vsel vm7, $0x43100000, v28;
	v30 =	vsel vm6, $0x44364000, v30;
	v36 =	vsel vm4, $0x44100000, v36  }
0x203: {  	v35 =	vsel vm5, $0x42A20000, v35;
	v32 =	vsel vm3, $0x42100000, v32;
	v28 =	vsel vm8, $0x43290000, v28  }
0x204: {  	v30 =	vsel vm7, $0x44440000, v30;
	v36 =	vsel vm5, $0x441C4000, v36;
	v35 =	vsel vm6, $0x42C80000, v35  }
0x205: {  	v32 =	vsel vm4, $0x42440000, v32;
	v28 =	vsel vm9, $0x43440000, v28;
	v30 =	vsel vm8, $0x44524000, v30  }
0x206: {  	v36 =	vsel vm6, $0x44290000, v36;
	v35 =	vsel vm7, $0x42F20000, v35;
	v32 =	vsel vm5, $0x42800000, v32  }
0x207: {  	v28 =	vsel vm10, $0x43610000, v28;
	v30 =	vsel vm9, $0x44610000, v30;
	v36 =	vsel vm7, $0x44364000, v36  }
0x208: {  	v35 =	vsel vm8, $0x43100000, v35;
	v32 =	vsel vm6, $0x42A20000, v32;
	v28 =	vsel vm11, $0x43800000, v28  }
0x209: {  	v30 =	vsel vm10, $0x44704000, v30;
	v36 =	vsel vm8, $0x44440000, v36;
	v35 =	vsel vm9, $0x43290000, v35  }
0x20a: {  	v32 =	vsel vm7, $0x42C80000, v32;
	v28 =	vsel vm12, $0x43908000, v28;
	v30 =	vsel vm11, $0x44800000, v30  }
0x20b: {  	v36 =	vsel vm9, $0x44524000, v36;
	v35 =	vsel vm10, $0x43440000, v35;
	v32 =	vsel vm8, $0x42F20000, v32  }
0x20c: {  	v7 =	vld [tilespmem:$0x1FE50];
	v28 =	vsel vm13, $0x43A20000, v28;
	v30 =	vsel vm12, $0x44882000, v30;
	v36 =	vsel vm10, $0x44610000, v36  }
0x20d: {  	v35 =	vsel vm11, $0x43610000, v35;
	v32 =	vsel vm9, $0x43100000, v32;
	v43 =	vsel vm14, $0x43B48000, v28  }
0x20e: {  	v23 =	vsel vm13, $0x44908000, v30;
	v36 =	vsel vm11, $0x44704000, v36;
	v35 =	vsel vm12, $0x43800000, v35  }
0x20f: {  	v32 =	vsel vm10, $0x43290000, v32;
	v28 =	vadd.f32 v43, v27;
	v44 =	vsel vm14, $0x44992000, v23  }
0x210: {  	v23 =	vsel vm0, $0x43100000, v55;
	v36 =	vsel vm12, $0x44800000, v36;
	v35 =	vsel vm13, $0x43908000, v35  }
0x211: {  	v32 =	vsel vm11, $0x43440000, v32;
	v30 =	vadd.f32 v44, v27;
	v27 =	vadd.f32 v7, v27  }
0x212: {  	v7 =	vimm.s32 $0xC;
	v23 =	vsel vm1, $0x42F20000, v23;
	v36 =	vsel vm13, $0x44882000, v36  }
0x213: {  	v45 =	vsel vm14, $0x43A20000, v35;
	v35 =	vsel vm1, $0x43C80000, v61;
	v32 =	vsel vm12, $0x43610000, v32  }
0x214: {  	v61 =	vimm.f32 $2.560000000e+02;
	v13 =	vperm.xlane v22, v7;
	v23 =	vsel vm2, $0x42C80000, v23  }
0x215: {  	v49 =	vsel vm14, $0x44908000, v36;
	v20 =	vmin.f32 v20, v28;
	v35 =	vsel vm2, $0x43DC8000, v35  }
0x216: {  	v32 =	vsel vm13, $0x43800000, v32;
	v23 =	vsel vm3, $0x42A20000, v23;
	v26 =	vmin.f32 v26, v30  }
0x217: {  	v7 =	vld [tilespmem:$0x1FE60];
	v10 =	vmin.f32 v10, v27;
	v35 =	vsel vm3, $0x43F20000, v35;
	v23 =	vsel vm4, $0x42800000, v23  }
0x218: {  	v28 =	vadd.f32 v45, v13;
	v54 =	vadd.f32 v49, v13;
	v35 =	vsel vm4, $0x44044000, v35  }
0x219: {  	v46 =	vsel vm14, $0x43908000, v32;
	v23 =	vsel vm5, $0x42440000, v23;
	v35 =	vsel vm5, $0x44100000, v35  }
0x21a: {  	v23 =	vsel vm6, $0x42100000, v23;
	v20 =	vmin.f32 v20, v28;
	v27 =	vmin.f32 v26, v54  }
0x21b: {  	v26 =	vsel vm0, $0x43290000, v58;
	v35 =	vsel vm6, $0x441C4000, v35;
	v23 =	vsel vm7, $0x41C80000, v23  }
0x21c: {  	v28 =	vadd.f32 v7, v13;
	v7 =	vimm.s32 $0xD;
	v26 =	vsel vm1, $0x43100000, v26  }
0x21d: {  	v35 =	vsel vm7, $0x44290000, v35;
	v23 =	vsel vm8, $0x41800000, v23;
	v30 =	vperm.xlane v22, v7  }
0x21e: {  	v26 =	vsel vm2, $0x42F20000, v26;
	v35 =	vsel vm8, $0x44364000, v35;
	v23 =	vsel vm10, $0x40800000, v23  }
0x21f: {  	v26 =	vsel vm3, $0x42C80000, v26;
	v35 =	vsel vm9, $0x44440000, v35;
	v50 =	vmin.f32 v10, v28  }
0x220: {  	v28 =	vsel vm0, $0x40800000, v0;
	v0 =	vimm.f32 $1.089000000e+03;
	v23 =	vsel vm11, $0x3F800000, v23  }
0x221: {  	v26 =	vsel vm4, $0x42A20000, v26;
	v35 =	vsel vm10, $0x44524000, v35;
	v12 =	vadd.f32 v46, v30  }
0x222: {  	v28 =	vsel vm1, $0x41100000, v28;
	v23 =	vsel vm12, $0x0, v23;
	v26 =	vsel vm5, $0x42800000, v26  }
0x223: {  	v35 =	vsel vm11, $0x44610000, v35;
	v28 =	vsel vm2, $0x41800000, v28;
	v23 =	vsel vm13, $0x3F800000, v23  }
0x224: {  	v26 =	vsel vm6, $0x42440000, v26;
	v35 =	vsel vm12, $0x44704000, v35;
	v20 =	vmin.f32 v20, v12  }
0x225: {  	v28 =	vsel vm3, $0x41C80000, v28;
	v33 =	vsel vm14, $0x40800000, v23;
	v26 =	vsel vm7, $0x42100000, v26  }
0x226: {  	v35 =	vsel vm13, $0x44800000, v35;
	v28 =	vsel vm4, $0x42100000, v28;
	v26 =	vsel vm8, $0x41C80000, v26  }
0x227: {  	v53 =	vadd.f32 v33, v13;
	v54 =	vsel vm14, $0x44882000, v35;
	v26 =	vsel vm9, $0x41800000, v26  }
0x228: {  	v7 =	vld [tilespmem:$0x1FE70];
	v28 =	vsel vm5, $0x42440000, v28;
	v13 =	vadd.f32 v54, v30;
	v26 =	vsel vm10, $0x41100000, v26  }
0x229: {  	v3 =	vmin.f32 v3, v53;
	v53 =	vimm.f32 $1.000000000e+00;
	v26 =	vsel vm12, $0x3F800000, v26  }
0x22a: {  	v47 =	vsel vm0, $0x43440000, v53;
	v27 =	vmin.f32 v27, v13;
	v26 =	vsel vm13, $0x0, v26  }
0x22b: {  	v63 =	vsel vm1, $0x43290000, v47;
	v47 =	vsel vm6, $0x42800000, v28;
	v21 =	vsel vm14, $0x3F800000, v26  }
0x22c: {  	v32 =	vsel vm2, $0x43100000, v63;
	v48 =	vsel vm7, $0x42A20000, v47;
	v36 =	vadd.f32 v21, v30  }
0x22d: {  	v32 =	vsel vm3, $0x42F20000, v32;
	v30 =	vadd.f32 v7, v30;
	v7 =	vimm.s32 $0xE  }
0x22e: {  	v63 =	vmovc v16;
	v10 =	vsel vm4, $0x42C80000, v32;
	v32 =	vperm.xlane v22, v7;
	v16 =	vimm.s32 $0x3  }
0x22f: {  	v3 =	vmin.f32 v3, v36;
	v10 =	vsel vm5, $0x42A20000, v10;
	v36 =	vsel vm0, $0x43A20000, v0  }
0x230: {  	v0 =	vimm.f32 $2.560000000e+02;
	v30 =	vmin.f32 v50, v30;
	v50 =	vimm.s32 $0xF  }
0x231: {  	v10 =	vsel vm6, $0x42800000, v10;
	v35 =	vsel vm1, $0x43B48000, v36;
	v51 =	vsel vm0, $0x3F800000, v0  }
0x232: {  	v0 =	vimm.f32 $1.024000000e+03;
	v10 =	vsel vm7, $0x42440000, v10;
	v35 =	vsel vm2, $0x43C80000, v35  }
0x233: {  	v22 =	vperm.xlane v22, v50;
	v10 =	vsel vm8, $0x42100000, v10;
	v35 =	vsel vm3, $0x43DC8000, v35  }
0x234: {  	v50 =	vimm.f32 $2.304000000e+03;
	v10 =	vsel vm9, $0x41C80000, v10;
	v35 =	vsel vm4, $0x43F20000, v35  }
0x235: {  	v47 =	vsel vm1, $0x40800000, v51;
	v10 =	vsel vm10, $0x41800000, v10;
	v35 =	vsel vm5, $0x44044000, v35  }
0x236: {  	v47 =	vsel vm2, $0x41100000, v47;
	v10 =	vsel vm11, $0x41100000, v10;
	v35 =	vsel vm6, $0x44100000, v35  }
0x237: {  	v47 =	vsel vm3, $0x41800000, v47;
	v10 =	vsel vm12, $0x40800000, v10;
	v35 =	vsel vm7, $0x441C4000, v35  }
0x238: {  	v7 =	vsel vm14, $0x0, v10;
	v10 =	vsel vm8, $0x42C80000, v48;
	v35 =	vsel vm8, $0x44290000, v35  }
0x239: {  	v36 =	vadd.f32 v7, v32;
	v10 =	vsel vm9, $0x42F20000, v10;
	v35 =	vsel vm9, $0x44364000, v35  }
0x23a: {  	v47 =	vsel vm4, $0x41C80000, v47;
	v10 =	vsel vm10, $0x43100000, v10;
	v35 =	vsel vm10, $0x44440000, v35  }
0x23b: {  	v10 =	vsel vm11, $0x43290000, v10;
	v35 =	vsel vm11, $0x44524000, v35;
	v3 =	vmin.f32 v3, v36;
	v36 =	vld [tilespmem:$0x1FE80]  }
0x23c: {  	v56 =	vsel vm5, $0x42100000, v47;
	v10 =	vsel vm12, $0x43440000, v10;
	v35 =	vsel vm12, $0x44610000, v35  }
0x23d: {  	v47 =	vsel vm0, $0x43908000, v0;
	v10 =	vsel vm13, $0x43610000, v10;
	v35 =	vsel vm13, $0x44704000, v35  }
0x23e: {  	v48 =	vsel vm14, $0x43800000, v10;
	v10 =	vsel vm14, $0x44800000, v35;
	v35 =	vsel vm6, $0x42440000, v56  }
0x23f: {  	v12 =	vadd.f32 v48, v32;
	v13 =	vadd.f32 v10, v32;
	v35 =	vsel vm7, $0x42800000, v35  }
0x240: {  	v35 =	vsel vm8, $0x42A20000, v35;
	v32 =	vadd.f32 v36, v32;
	v36 =	vsel vm1, $0x43A20000, v47;
	v47 =	vld [tilespmem:$0x1FF80]  }
0x241: {  	v0 =	vimm.s32 $0x0;
	v20 =	vmin.f32 v20, v12;
	v35 =	vsel vm9, $0x42C80000, v35  }
0x242: {  	v27 =	vmin.f32 v27, v13;
	v56 =	vsel vm2, $0x43B48000, v36;
	v35 =	vsel vm10, $0x42F20000, v35  }
0x243: {  	v30 =	vmin.f32 v30, v32;
	v51 =	vsel vm11, $0x43100000, v35;
	v35 =	vsel vm3, $0x43C80000, v56  }
0x244: {  	v32 =	vsel vm12, $0x43290000, v51;
	v35 =	vsel vm4, $0x43DC8000, v35;
	v51 =	vsel vm0, $0x44882000, v50  }
0x245: {  	v36 =	vadd.f32 v47, v22;
	v32 =	vsel vm13, $0x43440000, v32;
	v56 =	vsel vm5, $0x43F20000, v35  }
0x246: {  	v12 =	vsel vm1, $0x44908000, v51;
	v51 =	vsel vm0, $0x43800000, v53;
	v18 =	vsel vm14, $0x43610000, v32  }
0x247: {  	v32 =	vsel vm6, $0x44044000, v56;
	v35 =	vsel vm2, $0x44992000, v12;
	v12 =	vsel vm0, $0x43908000, v58  }
0x248: {  	v13 =	vadd.f32 v18, v22;
	v36 =	vmin.f32 v3, v36;
	v3 =	vsel vm7, $0x44100000, v32  }
0x249: {  	v50 =	vsel vm3, $0x44A20000, v35;
	v32 =	vsel vm1, $0x43610000, v51;
	v3 =	vsel vm8, $0x441C4000, v3  }
0x24a: {  	v32 =	vsel vm2, $0x43440000, v32;
	v35 =	vmin.f32 v20, v13;
	v20 =	vsel vm4, $0x44AB2000, v50  }
0x24b: {  	v3 =	vsel vm9, $0x44290000, v3;
	v32 =	vsel vm3, $0x43290000, v32;
	v20 =	vsel vm5, $0x44B48000, v20  }
0x24c: {  	v3 =	vsel vm10, $0x44364000, v3;
	v32 =	vsel vm4, $0x43100000, v32;
	v20 =	vsel vm6, $0x44BE2000, v20  }
0x24d: {  	v3 =	vsel vm11, $0x44440000, v3;
	v32 =	vsel vm5, $0x42F20000, v32;
	v20 =	vsel vm7, $0x44C80000, v20  }
0x24e: {  	v3 =	vsel vm12, $0x44524000, v3;
	v32 =	vsel vm6, $0x42C80000, v32;
	v20 =	vsel vm8, $0x44D22000, v20  }
0x24f: {  	v3 =	vsel vm13, $0x44610000, v3;
	v32 =	vsel vm7, $0x42A20000, v32;
	v53 =	vsel vm9, $0x44DC8000, v20  }
0x250: {  	v20 =	vsel vm14, $0x44704000, v3;
	v32 =	vsel vm8, $0x42800000, v32;
	v3 =	vsel vm10, $0x44E72000, v53  }
0x251: {  	v47 =	vadd.f32 v20, v22;
	v53 =	vsel vm1, $0x43800000, v12;
	v3 =	vsel vm11, $0x44F20000, v3  }
0x252: {  	v32 =	vsel vm9, $0x42440000, v32;
	v12 =	vsel vm0, $0x43A20000, v55;
	v56 =	vsel vm12, $0x44FD2000, v3  }
0x253: {  	v53 =	vsel vm2, $0x43610000, v53;
	v32 =	vsel vm10, $0x42100000, v32;
	v3 =	vld [tilespmem:s13+$0x8010];
	v51 =	vsel vm13, $0x45044000, v56  }
0x254: {  	v13 =	vsel vm3, $0x43440000, v53;
	v27 =	vmin.f32 v27, v47;
	v51 =	vsel vm14, $0x450A1000, v51  }
0x255: {  	v32 =	vsel vm11, $0x41C80000, v32;
	v56 =	vsel vm4, $0x43290000, v13;
	v22 =	vadd.f32 v51, v22  }
0x256: {  	v58 =	vsel vm5, $0x43100000, v56;
	v51 =	vsel vm1, $0x43908000, v12;
	v12 =	vimm.s32 $0x1  }
0x257: {  	v51 =	vsel vm2, $0x43800000, v51;
	v30 =	vmin.f32 v30, v22;
	v22 =	vsel vm12, $0x41800000, v32  }
0x258: {  	v47 =	vperm.xlane v3, v0;
	v32 =	vsel vm6, $0x42F20000, v58;
	v0 =	vld [tilespmem:$0x1FE10];
	v51 =	vsel vm3, $0x43610000, v51  }
0x259: {  	v55 =	vperm.xlane v3, v12;
	v22 =	vsel vm13, $0x41100000, v22;
	v32 =	vsel vm7, $0x42C80000, v32  }
0x25a: {  	v51 =	vsel vm4, $0x43440000, v51;
	v22 =	vsel vm14, $0x40800000, v22;
	v32 =	vsel vm8, $0x42A20000, v32  }
0x25b: {  	v53 =	vadd.f32 v24, v47;
	v13 =	vadd.f32 v22, v47;
	v32 =	vsel vm9, $0x42800000, v32  }
0x25c: {  	v12 =	vsel vm0, $0x43B48000, v59;
	v51 =	vsel vm5, $0x43290000, v51;
	v32 =	vsel vm10, $0x42440000, v32  }
0x25d: {  	v27 =	vmin.f32 v27, v53;
	v58 =	vadd.f32 v0, v47;
	v36 =	vmin.f32 v36, v13  }
0x25e: {  	v32 =	vsel vm11, $0x42100000, v32;
	v13 =	vsel vm6, $0x43100000, v51;
	v47 =	vadd.f32 v17, v47  }
0x25f: {  	v17 =	vimm.s32 $0x2;
	v32 =	vsel vm12, $0x41C80000, v32;
	v50 =	vsel vm7, $0x42F20000, v13  }
0x260: {  	v13 =	vsel vm1, $0x43A20000, v12;
	v59 =	vperm.xlane v3, v17;
	v35 =	vmin.f32 v35, v58  }
0x261: {  	v0 =	vld [tilespmem:$0x1FFF0];
	v32 =	vsel vm13, $0x41800000, v32;
	v30 =	vmin.f32 v30, v47;
	v58 =	vadd.f32 v63, v55  }
0x262: {  	v47 =	vsel vm2, $0x43908000, v13;
	v13 =	vsel vm0, $0x43C80000, v6;
	v51 =	vsel vm14, $0x41100000, v32  }
0x263: {  	v32 =	vsel vm8, $0x42C80000, v50;
	v50 =	vadd.f32 v40, v55;
	v47 =	vsel vm3, $0x43800000, v47  }
0x264: {  	v52 =	vadd.f32 v52, v59;
	v56 =	vadd.f32 v51, v55;
	v32 =	vsel vm9, $0x42A20000, v32  }
0x265: {  	v35 =	vmin.f32 v35, v58;
	v55 =	vadd.f32 v60, v55;
	v32 =	vsel vm10, $0x42800000, v32  }
0x266: {  	v27 =	vmin.f32 v27, v50;
	v12 =	vadd.f32 v0, v59;
	v32 =	vsel vm11, $0x42440000, v32  }
0x267: {  	v50 =	vadd.f32 v41, v59;
	v36 =	vmin.f32 v36, v56;
	v32 =	vsel vm12, $0x42100000, v32  }
0x268: {  	v56 =	vsel vm4, $0x43610000, v47;
	v47 =	vsel vm1, $0x43B48000, v13;
	v32 =	vsel vm13, $0x41C80000, v32  }
0x269: {  	v0 =	vld [tilespmem:$0x1FE40];
	v47 =	vsel vm2, $0x43A20000, v47;
	v53 =	vsel vm14, $0x41800000, v32;
	v32 =	vsel vm5, $0x43440000, v56  }
0x26a: {  	v30 =	vmin.f32 v30, v55;
	v47 =	vsel vm3, $0x43908000, v47;
	v32 =	vsel vm6, $0x43290000, v32  }
0x26b: {  	v13 =	vimm.s32 $0x4;
	v56 =	vsel vm4, $0x43800000, v47;
	v32 =	vsel vm7, $0x43100000, v32  }
0x26c: {  	v47 =	vperm.xlane v3, v16;
	v60 =	vadd.f32 v53, v59;
	v32 =	vsel vm8, $0x42F20000, v32  }
0x26d: {  	v35 =	vmin.f32 v35, v12;
	v59 =	vmin.f32 v27, v50;
	v32 =	vsel vm9, $0x42C80000, v32  }
0x26e: {  	v12 =	vadd.f32 v0, v47;
	v36 =	vmin.f32 v36, v60;
	v32 =	vsel vm10, $0x42A20000, v32  }
0x26f: {  	v0 =	vld [tilespmem:$0x1FFD0];
	v60 =	vsel vm0, $0x43DC8000, v9;
	v27 =	vsel vm11, $0x42800000, v32;
	v32 =	vsel vm5, $0x43610000, v56  }
0x270: {  	v30 =	vmin.f32 v30, v52;
	v55 =	vsel vm1, $0x43C80000, v60;
	v32 =	vsel vm6, $0x43440000, v32  }
0x271: {  	v35 =	vmin.f32 v35, v12;
	v55 =	vsel vm2, $0x43B48000, v55;
	v32 =	vsel vm7, $0x43290000, v32  }
0x272: {  	v60 =	vperm.xlane v3, v13;
	v55 =	vsel vm3, $0x43A20000, v55;
	v32 =	vsel vm8, $0x43100000, v32  }
0x273: {  	v27 =	vsel vm12, $0x42440000, v27;
	v55 =	vsel vm4, $0x43908000, v55;
	v32 =	vsel vm9, $0x42F20000, v32  }
0x274: {  	v56 =	vld [tilespmem:$0x1FEE0];
	v58 =	vadd.f32 v0, v47;
	v27 =	vsel vm13, $0x42100000, v27;
	v32 =	vsel vm10, $0x42C80000, v32  }
0x275: {  	v0 =	vld [tilespmem:$0x1FFC0];
	v55 =	vsel vm5, $0x43800000, v55;
	v27 =	vsel vm14, $0x41C80000, v27;
	v32 =	vsel vm11, $0x42A20000, v32  }
0x276: {  	v50 =	vsel vm6, $0x43610000, v55;
	v52 =	vmin.f32 v59, v58;
	v32 =	vsel vm12, $0x42800000, v32  }
0x277: {  	v59 =	vimm.f32 $4.900000000e+01;
	v58 =	vimm.s32 $0x5;
	v32 =	vsel vm13, $0x42440000, v32  }
0x278: {  	v9 =	vadd.f32 v27, v47;
	v12 =	vsel vm7, $0x43440000, v50;
	v55 =	vsel vm14, $0x42100000, v32  }
0x279: {  	v47 =	vadd.f32 v56, v47;
	v56 =	vperm.xlane v3, v58;
	v13 =	vadd.f32 v55, v60  }
0x27a: {  	v36 =	vmin.f32 v36, v9;
	v50 =	vadd.f32 v0, v60;
	v9 =	vsel vm0, $0x43F20000, v59  }
0x27b: {  	v32 =	vsel vm8, $0x43290000, v12;
	v12 =	vsel vm1, $0x43DC8000, v9;
	v36 =	vmin.f32 v36, v13;
	v13 =	vld [tilespmem:$0x1FF00]  }
0x27c: {  	v30 =	vmin.f32 v30, v47;
	v32 =	vsel vm9, $0x43100000, v32;
	v47 =	vsel vm2, $0x43C80000, v12;
	v12 =	vld [tilespmem:$0x1FF10]  }
0x27d: {  	v15 =	vmovc v62;
	v17 =	vimm.s32 $0x0;
	v62 =	vadd.f32 v62, v56;
	v32 =	vsel vm10, $0x42F20000, v32  }
0x27e: {  	v5 =	vadd.f32 v5, v56;
	v35 =	vmin.f32 v35, v50;
	v32 =	vsel vm11, $0x42C80000, v32  }
0x27f: {  	v35 =	vmin.f32 v35, v62;
	v62 =	vimm.s32 $0x6;
	v32 =	vsel vm12, $0x42A20000, v32  }
0x280: {  	v47 =	vsel vm3, $0x43B48000, v47;
	v32 =	vsel vm13, $0x42800000, v32;
	v50 =	vadd.f32 v13, v60  }
0x281: {  	v60 =	vadd.f32 v12, v60;
	v13 =	vsel vm4, $0x43A20000, v47;
	v12 =	vimm.f32 $6.400000000e+01  }
0x282: {  	v58 =	vsel vm14, $0x42440000, v32;
	v32 =	vsel vm5, $0x43908000, v13;
	v13 =	vsel vm0, $0x44044000, v12  }
0x283: {  	v12 =	vimm.f32 $8.100000000e+01;
	v47 =	vmin.f32 v52, v50;
	v50 =	vadd.f32 v58, v56  }
0x284: {  	v30 =	vmin.f32 v30, v60;
	v32 =	vsel vm6, $0x43800000, v32;
	v52 =	vsel vm1, $0x43F20000, v13  }
0x285: {  	v13 =	vsel vm0, $0x44100000, v12;
	v32 =	vsel vm7, $0x43610000, v32;
	v52 =	vsel vm2, $0x43DC8000, v52  }
0x286: {  	v5 =	vmin.f32 v30, v5;
	v36 =	vmin.f32 v36, v50;
	v32 =	vsel vm8, $0x43440000, v32  }
0x287: {  	v0 =	vld [tilespmem:$0x1FDB0];
	v50 =	vadd.f32 v34, v56;
	v52 =	vsel vm3, $0x43C80000, v52;
	v56 =	vsel vm1, $0x44044000, v13  }
0x288: {  	v13 =	vimm.s32 $0x7;
	v32 =	vsel vm9, $0x43290000, v32;
	v52 =	vsel vm4, $0x43B48000, v52  }
0x289: {  	v56 =	vsel vm2, $0x43F20000, v56;
	v32 =	vsel vm10, $0x43100000, v32;
	v47 =	vmin.f32 v47, v50  }
0x28a: {  	v60 =	vsel vm5, $0x43A20000, v52;
	v52 =	vperm.xlane v3, v62;
	v56 =	vsel vm3, $0x43DC8000, v56  }
0x28b: {  	v62 =	vimm.f32 $1.000000000e+02;
	v32 =	vsel vm11, $0x42F20000, v32;
	v56 =	vsel vm4, $0x43C80000, v56  }
0x28c: {  	v30 =	vsel vm12, $0x42C80000, v32;
	v32 =	vsel vm6, $0x43908000, v60;
	v9 =	vadd.f32 v0, v52  }
0x28d: {  	v8 =	vld [tilespmem:$0x1FDC0];
	v12 =	vadd.f32 v37, v52;
	v56 =	vsel vm5, $0x43B48000, v56;
	v11 =	vadd.f32 v11, v52  }
0x28e: {  	v30 =	vsel vm13, $0x42A20000, v30;
	v32 =	vsel vm7, $0x43800000, v32;
	v56 =	vsel vm6, $0x43A20000, v56  }
0x28f: {  	v30 =	vsel vm14, $0x42800000, v30;
	v32 =	vsel vm8, $0x43610000, v32;
	v35 =	vmin.f32 v35, v9  }
0x290: {  	v9 =	vperm.xlane v3, v13;
	v47 =	vmin.f32 v47, v12;
	v5 =	vmin.f32 v5, v11  }
0x291: {  	v13 =	vimm.s32 $0x8;
	v50 =	vadd.f32 v30, v52;
	v32 =	vsel vm9, $0x43440000, v32  }
0x292: {  	v52 =	vsel vm0, $0x441C4000, v62;
	v32 =	vsel vm10, $0x43290000, v32;
	v60 =	vadd.f32 v8, v9  }
0x293: {  	v12 =	vsel vm1, $0x44100000, v52;
	v52 =	vadd.f32 v39, v9;
	v32 =	vsel vm11, $0x43100000, v32  }
0x294: {  	v36 =	vmin.f32 v36, v50;
	v50 =	vsel vm7, $0x43908000, v56;
	v32 =	vsel vm12, $0x42F20000, v32  }
0x295: {  	v11 =	vmin.f32 v35, v60;
	v35 =	vsel vm2, $0x44044000, v12;
	v32 =	vsel vm13, $0x42C80000, v32  }
0x296: {  	v35 =	vsel vm3, $0x43F20000, v35;
	v59 =	vsel vm14, $0x42A20000, v32;
	v32 =	vsel vm8, $0x43800000, v50  }
0x297: {  	v12 =	vld [tilespmem:$0x1FDD0];
	v50 =	vsel vm4, $0x43DC8000, v35;
	v56 =	vadd.f32 v59, v9;
	v32 =	vsel vm9, $0x43610000, v32  }
0x298: {  	v9 =	vadd.f32 v14, v9;
	v14 =	vsel vm5, $0x43C80000, v50;
	v32 =	vsel vm10, $0x43440000, v32  }
0x299: {  	v14 =	vsel vm6, $0x43B48000, v14;
	v36 =	vmin.f32 v36, v56;
	v32 =	vsel vm11, $0x43290000, v32  }
0x29a: {  	v56 =	vperm.xlane v3, v13;
	v5 =	vmin.f32 v5, v9;
	v13 =	vimm.f32 $1.210000000e+02  }
0x29b: {  	v14 =	vsel vm7, $0x43A20000, v14;
	v32 =	vsel vm12, $0x43100000, v32;
	v35 =	vsel vm0, $0x44290000, v13  }
0x29c: {  	v32 =	vsel vm13, $0x42F20000, v32;
	v62 =	vadd.f32 v12, v56;
	v50 =	vsel vm1, $0x441C4000, v35  }
0x29d: {  	v19 =	vadd.f32 v19, v56;
	v35 =	vimm.s32 $0x9;
	v60 =	vsel vm14, $0x42C80000, v32  }
0x29e: {  	v32 =	vmin.f32 v47, v52;
	v47 =	vsel vm8, $0x43908000, v14;
	v14 =	vsel vm2, $0x44100000, v50  }
0x29f: {  	v6 =	vld [tilespmem:$0x1FDE0];
	v52 =	vadd.f32 v60, v56;
	v9 =	vmin.f32 v11, v62;
	v11 =	vsel vm9, $0x43800000, v47  }
0x2a0: {  	v14 =	vsel vm3, $0x44044000, v14;
	v19 =	vmin.f32 v5, v19;
	v11 =	vsel vm10, $0x43610000, v11  }
0x2a1: {  	v14 =	vsel vm4, $0x43F20000, v14;
	v36 =	vmin.f32 v36, v52;
	v52 =	vadd.f32 v31, v56  }
0x2a2: {  	v11 =	vsel vm11, $0x43440000, v11;
	v62 =	vsel vm5, $0x43DC8000, v14;
	v14 =	vperm.xlane v3, v35  }
0x2a3: {  	v47 =	vimm.f32 $1.440000000e+02;
	v5 =	vsel vm12, $0x43290000, v11;
	v11 =	vsel vm6, $0x43C80000, v62  }
0x2a4: {  	v32 =	vmin.f32 v32, v52;
	v5 =	vsel vm13, $0x43100000, v5;
	v56 =	vadd.f32 v6, v14  }
0x2a5: {  	v62 =	vadd.f32 v57, v14;
	v35 =	vsel vm14, $0x42F20000, v5;
	v5 =	vsel vm7, $0x43B48000, v11  }
0x2a6: {  	v11 =	vsel vm0, $0x44364000, v47;
	v47 =	vimm.f32 $1.690000000e+02;
	v50 =	vadd.f32 v35, v14  }
0x2a7: {  	v23 =	vld [tilespmem:$0x1FDF0];
	v5 =	vsel vm8, $0x43A20000, v5;
	v11 =	vsel vm1, $0x44290000, v11;
	v9 =	vmin.f32 v9, v56  }
0x2a8: {  	v56 =	vimm.s32 $0xA;
	v14 =	vadd.f32 v38, v14;
	v32 =	vmin.f32 v32, v62  }
0x2a9: {  	v38 =	vsel vm0, $0x44440000, v47;
	v5 =	vsel vm9, $0x43908000, v5;
	v11 =	vsel vm2, $0x441C4000, v11  }
0x2aa: {  	v52 =	vperm.xlane v3, v56;
	v36 =	vmin.f32 v36, v50;
	v5 =	vsel vm10, $0x43800000, v5  }
0x2ab: {  	v11 =	vsel vm3, $0x44100000, v11;
	v14 =	vmin.f32 v19, v14;
	v5 =	vsel vm11, $0x43610000, v5  }
0x2ac: {  	v11 =	vsel vm4, $0x44044000, v11;
	v19 =	vadd.f32 v23, v52;
	v56 =	vadd.f32 v29, v52  }
0x2ad: {  	v42 =	vadd.f32 v42, v52;
	v5 =	vsel vm12, $0x43440000, v5;
	v11 =	vsel vm5, $0x43F20000, v11  }
0x2ae: {  	v5 =	vsel vm13, $0x43290000, v5;
	v11 =	vsel vm6, $0x43DC8000, v11;
	v9 =	vmin.f32 v9, v19  }
0x2af: {  	v19 =	vsel vm1, $0x44364000, v38;
	v32 =	vmin.f32 v32, v56;
	v14 =	vmin.f32 v14, v42  }
0x2b0: {  	v56 =	vimm.f32 $1.960000000e+02;
	v50 =	vsel vm14, $0x43100000, v5;
	v11 =	vsel vm7, $0x43C80000, v11  }
0x2b1: {  	v19 =	vsel vm2, $0x44290000, v19;
	v38 =	vsel vm0, $0x44524000, v56;
	v5 =	vimm.f32 $2.890000000e+02  }
0x2b2: {  	v62 =	vadd.f32 v50, v52;
	v11 =	vsel vm8, $0x43B48000, v11;
	v19 =	vsel vm3, $0x441C4000, v19  }
0x2b3: {  	v38 =	vsel vm1, $0x44440000, v38;
	v11 =	vsel vm9, $0x43A20000, v11;
	v19 =	vsel vm4, $0x44100000, v19  }
0x2b4: {  	v38 =	vsel vm2, $0x44364000, v38;
	v36 =	vmin.f32 v36, v62;
	v11 =	vsel vm10, $0x43908000, v11  }
0x2b5: {  	v62 =	vimm.s32 $0xB;
	v19 =	vsel vm5, $0x44044000, v19;
	v38 =	vsel vm3, $0x44290000, v38  }
0x2b6: {  	v11 =	vsel vm11, $0x43800000, v11;
	v47 =	vperm.xlane v3, v62;
	v19 =	vsel vm6, $0x43F20000, v19  }
0x2b7: {  	v38 =	vsel vm4, $0x441C4000, v38;
	v11 =	vsel vm12, $0x43610000, v11;
	v19 =	vsel vm7, $0x43DC8000, v19  }
0x2b8: {  	v11 =	vsel vm13, $0x43440000, v11;
	v52 =	vadd.f32 v25, v47;
	v19 =	vsel vm8, $0x43C80000, v19  }
0x2b9: {  	v62 =	vadd.f32 v43, v47;
	v26 =	vsel vm14, $0x43290000, v11;
	v19 =	vsel vm9, $0x43B48000, v19  }
0x2ba: {  	v44 =	vadd.f32 v44, v47;
	v11 =	vadd.f32 v26, v47;
	v19 =	vsel vm10, $0x43A20000, v19  }
0x2bb: {  	v9 =	vmin.f32 v9, v52;
	v52 =	vimm.s32 $0xC;
	v19 =	vsel vm11, $0x43908000, v19  }
0x2bc: {  	v36 =	vmin.f32 v36, v11;
	v11 =	vsel vm12, $0x43800000, v19;
	v19 =	vsel vm5, $0x44100000, v38  }
0x2bd: {  	v42 =	vmin.f32 v14, v44;
	v44 =	vperm.xlane v3, v52;
	v19 =	vsel vm6, $0x44044000, v19  }
0x2be: {  	v14 =	vsel vm13, $0x43610000, v11;
	v56 =	vsel vm7, $0x43F20000, v19;
	v19 =	vimm.f32 $2.250000000e+02  }
0x2bf: {  	v32 =	vmin.f32 v32, v62;
	v38 =	vsel vm14, $0x43440000, v14;
	v19 =	vsel vm0, $0x44610000, v19  }
0x2c0: {  	v62 =	vadd.f32 v38, v44;
	v14 =	vsel vm8, $0x43DC8000, v56;
	v11 =	vmovc v33;
	v33 =	vadd.f32 v33, v44  }
0x2c1: {  	v56 =	vadd.f32 v45, v44;
	v44 =	vadd.f32 v49, v44;
	v19 =	vsel vm1, $0x44524000, v19  }
0x2c2: {  	v49 =	vsel vm0, $0x44704000, v61;
	v14 =	vsel vm9, $0x43C80000, v14;
	v19 =	vsel vm2, $0x44440000, v19  }
0x2c3: {  	v36 =	vmin.f32 v36, v62;
	v14 =	vsel vm10, $0x43B48000, v14;
	v9 =	vmin.f32 v9, v33  }
0x2c4: {  	v62 =	vimm.s32 $0xD;
	v32 =	vmin.f32 v32, v56;
	v42 =	vmin.f32 v42, v44  }
0x2c5: {  	v56 =	vsel vm1, $0x44610000, v49;
	v19 =	vsel vm3, $0x44364000, v19;
	v14 =	vsel vm11, $0x43A20000, v14  }
0x2c6: {  	v52 =	vperm.xlane v3, v62;
	v44 =	vsel vm2, $0x44524000, v56;
	v19 =	vsel vm4, $0x44290000, v19  }
0x2c7: {  	v14 =	vsel vm12, $0x43908000, v14;
	v44 =	vsel vm3, $0x44440000, v44;
	v19 =	vsel vm5, $0x441C4000, v19  }
0x2c8: {  	v14 =	vsel vm13, $0x43800000, v14;
	v33 =	vadd.f32 v21, v52;
	v61 =	vadd.f32 v46, v52  }
0x2c9: {  	v44 =	vsel vm4, $0x44364000, v44;
	v19 =	vsel vm6, $0x44100000, v19;
	v28 =	vsel vm14, $0x43610000, v14  }
0x2ca: {  	v44 =	vsel vm5, $0x44290000, v44;
	v19 =	vsel vm7, $0x44044000, v19;
	v14 =	vadd.f32 v28, v52  }
0x2cb: {  	v9 =	vmin.f32 v9, v33;
	v52 =	vadd.f32 v54, v52;
	v32 =	vmin.f32 v32, v61  }
0x2cc: {  	v44 =	vsel vm6, $0x441C4000, v44;
	v61 =	vsel vm0, $0x44800000, v5;
	v5 =	vimm.f32 $3.240000000e+02  }
0x2cd: {  	v19 =	vsel vm8, $0x43F20000, v19;
	v44 =	vsel vm7, $0x44100000, v44;
	v47 =	vsel vm1, $0x44704000, v61  }
0x2ce: {  	v19 =	vsel vm9, $0x43DC8000, v19;
	v36 =	vmin.f32 v36, v14;
	v14 =	vimm.s32 $0xE  }
0x2cf: {  	v42 =	vmin.f32 v42, v52;
	v44 =	vsel vm8, $0x44044000, v44;
	v19 =	vsel vm10, $0x43C80000, v19  }
0x2d0: {  	v47 =	vsel vm2, $0x44610000, v47;
	v49 =	vperm.xlane v3, v14;
	v19 =	vsel vm11, $0x43B48000, v19  }
0x2d1: {  	v52 =	vimm.s32 $0xF;
	v44 =	vsel vm9, $0x43F20000, v44;
	v19 =	vsel vm12, $0x43A20000, v19  }
0x2d2: {  	v47 =	vsel vm3, $0x44524000, v47;
	v56 =	vadd.f32 v7, v49;
	v19 =	vsel vm13, $0x43908000, v19  }
0x2d3: {  	v3 =	vperm.xlane v3, v52;
	v44 =	vsel vm10, $0x43DC8000, v44;
	v19 =	vsel vm14, $0x43800000, v19  }
0x2d4: {  	v9 =	vmin.f32 v9, v56;
	v56 =	vsel vm4, $0x44440000, v47;
	v33 =	vadd.f32 v19, v49  }
0x2d5: {  	v10 =	vadd.f32 v10, v49;
	v54 =	vsel vm11, $0x43C80000, v44;
	v61 =	vsel vm5, $0x44364000, v56  }
0x2d6: {  	v56 =	vsel vm0, $0x44882000, v5;
	v36 =	vmin.f32 v36, v33;
	v33 =	vadd.f32 v48, v49  }
0x2d7: {  	v14 =	vmovc v7;
	v7 =	vimm.s32 $0x1;
	v10 =	vmin.f32 v42, v10;
	v44 =	vsel vm1, $0x44800000, v56  }
0x2d8: {  	v44 =	vsel vm2, $0x44704000, v44;
	v49 =	vmin.f32 v32, v33;
	v32 =	vsel vm12, $0x43B48000, v54;
	v33 =	vld [tilespmem:$0x1FF80]  }
0x2d9: {  	v44 =	vsel vm3, $0x44610000, v44;
	v54 =	vsel vm6, $0x44290000, v61;
	v32 =	vsel vm13, $0x43A20000, v32  }
0x2da: {  	v44 =	vsel vm4, $0x44524000, v44;
	v42 =	vsel vm14, $0x43908000, v32;
	v32 =	vsel vm7, $0x441C4000, v54  }
0x2db: {  	v47 =	vld [tilespmem:s13+$0x8020];
	v44 =	vsel vm5, $0x44440000, v44;
	v61 =	vadd.f32 v42, v3;
	v32 =	vsel vm8, $0x44100000, v32  }
0x2dc: {  	v5 =	vimm.f32 $3.610000000e+02;
	v44 =	vsel vm6, $0x44364000, v44;
	v32 =	vsel vm9, $0x44044000, v32  }
0x2dd: {  	v54 =	vadd.f32 v33, v3;
	v36 =	vmin.f32 v36, v61;
	v32 =	vsel vm10, $0x43F20000, v32  }
0x2de: {  	v61 =	vadd.f32 v18, v3;
	v3 =	vadd.f32 v20, v3;
	v20 =	vsel vm7, $0x44290000, v44  }
0x2df: {  	v52 =	vsel vm0, $0x44908000, v5;
	v32 =	vsel vm11, $0x43DC8000, v32;
	v20 =	vsel vm8, $0x441C4000, v20  }
0x2e0: {  	v9 =	vmin.f32 v9, v54;
	v32 =	vsel vm12, $0x43C80000, v32;
	v54 =	vperm.xlane v47, v17  }
0x2e1: {  	v44 =	vmin.f32 v49, v61;
	v20 =	vsel vm9, $0x44100000, v20;
	v32 =	vsel vm13, $0x43B48000, v32  }
0x2e2: {  	v5 =	vld [tilespmem:$0x1FE10];
	v3 =	vmin.f32 v10, v3;
	v20 =	vsel vm10, $0x44044000, v20;
	v32 =	vsel vm14, $0x43A20000, v32  }
0x2e3: {  	v33 =	vadd.f32 v22, v54;
	v56 =	vsel vm11, $0x43F20000, v20;
	v20 =	vsel vm1, $0x44882000, v52  }
0x2e4: {  	v52 =	vperm.xlane v47, v7;
	v7 =	vimm.s32 $0x2;
	v61 =	vadd.f32 v32, v54  }
0x2e5: {  	v10 =	vsel vm12, $0x43DC8000, v56;
	v20 =	vsel vm2, $0x44800000, v20;
	v9 =	vmin.f32 v9, v33  }
0x2e6: {  	v10 =	vsel vm13, $0x43C80000, v10;
	v33 =	vsel vm3, $0x44704000, v20;
	v36 =	vmin.f32 v36, v61  }
0x2e7: {  	v61 =	vadd.f32 v5, v54;
	v54 =	vadd.f32 v24, v54;
	v20 =	vsel vm14, $0x43B48000, v10  }
0x2e8: {  	v56 =	vsel vm4, $0x44610000, v33;
	v33 =	vadd.f32 v51, v52;
	v5 =	vimm.f32 $4.000000000e+02  }
0x2e9: {  	v10 =	vsel vm5, $0x44524000, v56;
	v44 =	vmin.f32 v44, v61;
	v61 =	vadd.f32 v20, v52  }
0x2ea: {  	v3 =	vmin.f32 v3, v54;
	v10 =	vsel vm6, $0x44440000, v10;
	v9 =	vmin.f32 v9, v33  }
0x2eb: {  	v33 =	vadd.f32 v63, v52;
	v52 =	vadd.f32 v40, v52;
	v54 =	vperm.xlane v47, v7  }
0x2ec: {  	v10 =	vsel vm7, $0x44364000, v10;
	v36 =	vmin.f32 v36, v61;
	v61 =	vsel vm0, $0x44992000, v5  }
0x2ed: {  	v10 =	vsel vm8, $0x44290000, v10;
	v44 =	vmin.f32 v44, v33;
	v49 =	vsel vm1, $0x44908000, v61  }
0x2ee: {  	v5 =	vimm.f32 $4.410000000e+02;
	v10 =	vsel vm9, $0x441C4000, v10;
	v49 =	vsel vm2, $0x44882000, v49  }
0x2ef: {  	v61 =	vsel vm0, $0x44A20000, v5;
	v5 =	vld [tilespmem:$0x1FFF0];
	v10 =	vsel vm10, $0x44100000, v10;
	v49 =	vsel vm3, $0x44800000, v49  }
0x2f0: {  	v17 =	vadd.f32 v53, v54;
	v10 =	vsel vm11, $0x44044000, v10;
	v49 =	vsel vm4, $0x44704000, v49  }
0x2f1: {  	v52 =	vmin.f32 v3, v52;
	v3 =	vsel vm12, $0x43F20000, v10;
	v49 =	vsel vm5, $0x44610000, v49  }
0x2f2: {  	v9 =	vmin.f32 v9, v17;
	v3 =	vsel vm13, $0x43DC8000, v3;
	v10 =	vsel vm6, $0x44524000, v49  }
0x2f3: {  	v49 =	vsel vm14, $0x43C80000, v3;
	v3 =	vsel vm7, $0x44440000, v10;
	v10 =	vsel vm1, $0x44992000, v61  }
0x2f4: {  	v17 =	vadd.f32 v5, v54;
	v5 =	vimm.f32 $4.840000000e+02;
	v10 =	vsel vm2, $0x44908000, v10  }
0x2f5: {  	v33 =	vadd.f32 v49, v54;
	v54 =	vadd.f32 v41, v54;
	v10 =	vsel vm3, $0x44882000, v10  }
0x2f6: {  	v41 =	vsel vm0, $0x44AB2000, v5;
	v5 =	vld [tilespmem:$0x1FE40];
	v3 =	vsel vm8, $0x44364000, v3;
	v10 =	vsel vm4, $0x44800000, v10  }
0x2f7: {  	v56 =	vperm.xlane v47, v16;
	v3 =	vsel vm9, $0x44290000, v3;
	v10 =	vsel vm5, $0x44704000, v10  }
0x2f8: {  	v7 =	vimm.s32 $0x4;
	v3 =	vsel vm10, $0x441C4000, v3;
	v10 =	vsel vm6, $0x44610000, v10  }
0x2f9: {  	v13 =	vmovc v25;
	v25 =	vperm.xlane v47, v7;
	v3 =	vsel vm11, $0x44100000, v3;
	v10 =	vsel vm7, $0x44524000, v10  }
0x2fa: {  	v52 =	vmin.f32 v52, v54;
	v3 =	vsel vm12, $0x44044000, v3;
	v10 =	vsel vm8, $0x44440000, v10  }
0x2fb: {  	v54 =	vadd.f32 v5, v56;
	v5 =	vld [tilespmem:$0x1FFD0];
	v3 =	vsel vm13, $0x43F20000, v3;
	v10 =	vsel vm9, $0x44364000, v10  }
0x2fc: {  	v17 =	vmin.f32 v44, v17;
	v3 =	vsel vm14, $0x43DC8000, v3;
	v10 =	vsel vm10, $0x44290000, v10  }
0x2fd: {  	v44 =	vsel vm1, $0x44A20000, v41;
	v61 =	vadd.f32 v3, v56;
	v10 =	vsel vm11, $0x441C4000, v10  }
0x2fe: {  	v36 =	vmin.f32 v36, v33;
	v33 =	vadd.f32 v27, v56;
	v10 =	vsel vm12, $0x44100000, v10  }
0x2ff: {  	v44 =	vsel vm2, $0x44992000, v44;
	v36 =	vmin.f32 v36, v61;
	v10 =	vsel vm13, $0x44044000, v10  }
0x300: {  	v61 =	vsel vm3, $0x44908000, v44;
	v56 =	vadd.f32 v5, v56;
	v5 =	vld [tilespmem:$0x1FFC0];
	v44 =	vsel vm14, $0x43F20000, v10  }
0x301: {  	v7 =	vimm.f32 $5.290000000e+02;
	v41 =	vsel vm4, $0x44882000, v61;
	v61 =	vadd.f32 v44, v25  }
0x302: {  	v9 =	vmin.f32 v9, v33;
	v10 =	vsel vm5, $0x44800000, v41;
	v41 =	vadd.f32 v55, v25  }
0x303: {  	v10 =	vsel vm6, $0x44704000, v10;
	v33 =	vmin.f32 v36, v61;
	v61 =	vsel vm0, $0x44B48000, v7;
	v7 =	vld [tilespmem:$0x1FF00]  }
0x304: {  	v17 =	vmin.f32 v17, v54;
	v10 =	vsel vm7, $0x44610000, v10;
	v9 =	vmin.f32 v9, v41  }
0x305: {  	v41 =	vadd.f32 v5, v25;
	v10 =	vsel vm8, $0x44524000, v10;
	v36 =	vsel vm1, $0x44AB2000, v61  }
0x306: {  	v52 =	vmin.f32 v52, v56;
	v10 =	vsel vm9, $0x44440000, v10;
	v36 =	vsel vm2, $0x44A20000, v36  }
0x307: {  	v17 =	vmin.f32 v17, v41;
	v10 =	vsel vm10, $0x44364000, v10;
	v36 =	vsel vm3, $0x44992000, v36  }
0x308: {  	v10 =	vsel vm11, $0x44290000, v10;
	v36 =	vsel vm4, $0x44908000, v36;
	v25 =	vadd.f32 v7, v25  }
0x309: {  	v10 =	vsel vm12, $0x441C4000, v10;
	v36 =	vsel vm5, $0x44882000, v36;
	v7 =	vimm.s32 $0x5  }
0x30a: {  	v10 =	vsel vm13, $0x44100000, v10;
	v36 =	vsel vm6, $0x44800000, v36;
	v25 =	vmin.f32 v52, v25  }
0x30b: {  	v52 =	vperm.xlane v47, v7;
	v61 =	vsel vm7, $0x44704000, v36;
	v7 =	vimm.f32 $5.760000000e+02  }
0x30c: {  	v54 =	vsel vm14, $0x44044000, v10;
	v41 =	vsel vm0, $0x44BE2000, v7;
	v10 =	vsel vm8, $0x44610000, v61  }
0x30d: {  	v7 =	vimm.s32 $0x6;
	v56 =	vadd.f32 v54, v52;
	v36 =	vsel vm1, $0x44B48000, v41  }
0x30e: {  	v61 =	vadd.f32 v58, v52;
	v10 =	vsel vm9, $0x44524000, v10;
	v34 =	vadd.f32 v34, v52  }
0x30f: {  	v36 =	vsel vm2, $0x44AB2000, v36;
	v10 =	vsel vm10, $0x44440000, v10;
	v33 =	vmin.f32 v33, v56  }
0x310: {  	v36 =	vsel vm3, $0x44A20000, v36;
	v9 =	vmin.f32 v9, v61;
	v10 =	vsel vm11, $0x44364000, v10  }
0x311: {  	v61 =	vadd.f32 v15, v52;
	v56 =	vperm.xlane v47, v7;
	v25 =	vmin.f32 v25, v34  }
0x312: {  	v52 =	vimm.f32 $6.250000000e+02;
	v36 =	vsel vm4, $0x44992000, v36;
	v10 =	vsel vm12, $0x44290000, v10  }
0x313: {  	v36 =	vsel vm5, $0x44908000, v36;
	v10 =	vsel vm13, $0x441C4000, v10;
	v41 =	vadd.f32 v30, v56  }
0x314: {  	v37 =	vadd.f32 v37, v56;
	v7 =	vsel vm6, $0x44882000, v36;
	v36 =	vsel vm14, $0x44100000, v10  }
0x315: {  	v10 =	vmin.f32 v17, v61;
	v7 =	vsel vm7, $0x44800000, v7;
	v17 =	vadd.f32 v36, v56  }
0x316: {  	v61 =	vadd.f32 v0, v56;
	v9 =	vmin.f32 v9, v41;
	v7 =	vsel vm8, $0x44704000, v7  }
0x317: {  	v25 =	vmin.f32 v25, v37;
	v7 =	vsel vm9, $0x44610000, v7;
	v17 =	vmin.f32 v33, v17  }
0x318: {  	v33 =	vsel vm0, $0x44C80000, v52;
	v52 =	vimm.s32 $0x7;
	v7 =	vsel vm10, $0x44524000, v7  }
0x319: {  	v56 =	vimm.f32 $6.760000000e+02;
	v52 =	vperm.xlane v47, v52;
	v7 =	vsel vm11, $0x44440000, v7  }
0x31a: {  	v10 =	vmin.f32 v10, v61;
	v33 =	vsel vm1, $0x44BE2000, v33;
	v7 =	vsel vm12, $0x44364000, v7  }
0x31b: {  	v33 =	vsel vm2, $0x44B48000, v33;
	v41 =	vadd.f32 v59, v52;
	v7 =	vsel vm13, $0x44290000, v7  }
0x31c: {  	v33 =	vsel vm3, $0x44AB2000, v33;
	v39 =	vadd.f32 v39, v52;
	v34 =	vsel vm14, $0x441C4000, v7  }
0x31d: {  	v7 =	vsel vm4, $0x44A20000, v33;
	v33 =	vsel vm0, $0x44D22000, v56;
	v9 =	vmin.f32 v9, v41  }
0x31e: {  	v25 =	vmin.f32 v25, v39;
	v41 =	vimm.s32 $0x8;
	v61 =	vadd.f32 v34, v52  }
0x31f: {  	v7 =	vsel vm5, $0x44992000, v7;
	v33 =	vsel vm1, $0x44C80000, v33;
	v39 =	vperm.xlane v47, v41  }
0x320: {  	v7 =	vsel vm6, $0x44908000, v7;
	v33 =	vsel vm2, $0x44BE2000, v33;
	v17 =	vmin.f32 v17, v61  }
0x321: {  	v7 =	vsel vm7, $0x44882000, v7;
	v61 =	vadd.f32 v8, v52;
	v33 =	vsel vm3, $0x44B48000, v33  }
0x322: {  	v7 =	vsel vm8, $0x44800000, v7;
	v33 =	vsel vm4, $0x44AB2000, v33  }
0x323: {  	v7 =	vsel vm9, $0x44704000, v7;
	v10 =	vmin.f32 v10, v61;
	v61 =	vadd.f32 v60, v39  }
0x324: {  	v5 =	vmovc v0;
	v0 =	vimm.s32 $0x9;
	v33 =	vsel vm5, $0x44A20000, v33;
	v7 =	vsel vm10, $0x44610000, v7  }
0x325: {  	v7 =	vsel vm11, $0x44524000, v7;
	v9 =	vmin.f32 v9, v61;
	v61 =	vadd.f32 v31, v39  }
0x326: {  	v52 =	vimm.f32 $7.290000000e+02;
	v33 =	vsel vm6, $0x44992000, v33;
	v7 =	vsel vm12, $0x44440000, v7  }
0x327: {  	v7 =	vsel vm13, $0x44364000, v7;
	v25 =	vmin.f32 v25, v61;
	v61 =	vimm.f32 $7.840000000e+02  }
0x328: {  	v37 =	vsel vm14, $0x44290000, v7;
	v7 =	vsel vm7, $0x44908000, v33;
	v33 =	vsel vm0, $0x44DC8000, v52  }
0x329: {  	v52 =	vperm.xlane v47, v0;
	v7 =	vsel vm8, $0x44882000, v7;
	v33 =	vsel vm1, $0x44D22000, v33  }
0x32a: {  	v0 =	vimm.f32 $1.024000000e+03;
	v7 =	vsel vm9, $0x44800000, v7;
	v33 =	vsel vm2, $0x44C80000, v33  }
0x32b: {  	v56 =	vadd.f32 v37, v39;
	v7 =	vsel vm10, $0x44704000, v7;
	v33 =	vsel vm3, $0x44BE2000, v33  }
0x32c: {  	v62 =	vmovc v21;
	v21 =	vadd.f32 v57, v52;
	v7 =	vsel vm11, $0x44610000, v7;
	v33 =	vsel vm4, $0x44B48000, v33  }
0x32d: {  	v17 =	vmin.f32 v17, v56;
	v7 =	vsel vm12, $0x44524000, v7;
	v33 =	vsel vm5, $0x44AB2000, v33  }
0x32e: {  	v56 =	vadd.f32 v12, v39;
	v7 =	vsel vm13, $0x44440000, v7;
	v33 =	vsel vm6, $0x44A20000, v33  }
0x32f: {  	v21 =	vmin.f32 v25, v21;
	v39 =	vsel vm14, $0x44364000, v7;
	v7 =	vsel vm7, $0x44992000, v33  }
0x330: {  	v10 =	vmin.f32 v10, v56;
	v56 =	vadd.f32 v35, v52;
	v7 =	vsel vm8, $0x44908000, v7  }
0x331: {  	v33 =	vsel vm0, $0x44E72000, v61;
	v41 =	vadd.f32 v39, v52;
	v7 =	vsel vm9, $0x44882000, v7  }
0x332: {  	v9 =	vmin.f32 v9, v56;
	v56 =	vimm.s32 $0xA;
	v7 =	vsel vm10, $0x44800000, v7  }
0x333: {  	v17 =	vmin.f32 v17, v41;
	v41 =	vsel vm1, $0x44DC8000, v33;
	v7 =	vsel vm11, $0x44704000, v7  }
0x334: {  	v24 =	vmovc v8;
	v8 =	vmovc v12;
	v33 =	vadd.f32 v6, v52;
	v12 =	vsel vm2, $0x44D22000, v41;
	v7 =	vsel vm12, $0x44610000, v7  }
0x335: {  	v52 =	vimm.f32 $8.410000000e+02;
	v61 =	vsel vm3, $0x44C80000, v12;
	v7 =	vsel vm13, $0x44524000, v7  }
0x336: {  	v41 =	vperm.xlane v47, v56;
	v12 =	vsel vm14, $0x44440000, v7;
	v7 =	vsel vm4, $0x44BE2000, v61  }
0x337: {  	v31 =	vmovc v6;
	v6 =	vimm.f32 $1.225000000e+03;
	v10 =	vmin.f32 v10, v33;
	v7 =	vsel vm5, $0x44B48000, v7  }
0x338: {  	v33 =	vsel vm0, $0x44F20000, v52;
	v25 =	vadd.f32 v50, v41;
	v7 =	vsel vm6, $0x44AB2000, v7  }
0x339: {  	v56 =	vadd.f32 v23, v41;
	v29 =	vadd.f32 v29, v41;
	v7 =	vsel vm7, $0x44A20000, v7  }
0x33a: {  	v9 =	vmin.f32 v9, v25;
	v25 =	vsel vm1, $0x44E72000, v33;
	v7 =	vsel vm8, $0x44992000, v7  }
0x33b: {  	v61 =	vadd.f32 v12, v41;
	v25 =	vsel vm2, $0x44DC8000, v25;
	v7 =	vsel vm9, $0x44908000, v7  }
0x33c: {  	v10 =	vmin.f32 v10, v56;
	v25 =	vsel vm3, $0x44D22000, v25;
	v7 =	vsel vm10, $0x44882000, v7  }
0x33d: {  	v21 =	vmin.f32 v21, v29;
	v25 =	vsel vm4, $0x44C80000, v25;
	v7 =	vsel vm11, $0x44800000, v7  }
0x33e: {  	v29 =	vimm.s32 $0xB;
	v25 =	vsel vm5, $0x44BE2000, v25;
	v7 =	vsel vm12, $0x44704000, v7  }
0x33f: {  	v33 =	vperm.xlane v47, v29;
	v25 =	vsel vm6, $0x44B48000, v25;
	v7 =	vsel vm13, $0x44610000, v7  }
0x340: {  	v29 =	vsel vm14, $0x44524000, v7;
	v7 =	vsel vm7, $0x44AB2000, v25;
	v25 =	vimm.f32 $9.000000000e+02  }
0x341: {  	v17 =	vmin.f32 v17, v61;
	v56 =	vadd.f32 v26, v33;
	v25 =	vsel vm0, $0x44FD2000, v25  }
0x342: {  	v57 =	vadd.f32 v29, v33;
	v7 =	vsel vm8, $0x44A20000, v7;
	v25 =	vsel vm1, $0x44F20000, v25  }
0x343: {  	v9 =	vmin.f32 v9, v56;
	v7 =	vsel vm9, $0x44992000, v7;
	v25 =	vsel vm2, $0x44E72000, v25  }
0x344: {  	v17 =	vmin.f32 v17, v57;
	v7 =	vsel vm10, $0x44908000, v7;
	v57 =	vadd.f32 v13, v33  }
0x345: {  	v61 =	vmovc v23;
	v23 =	vmovc v13;
	v13 =	vimm.s32 $0xC;
	v33 =	vadd.f32 v43, v33;
	v25 =	vsel vm3, $0x44DC8000, v25  }
0x346: {  	v7 =	vsel vm11, $0x44882000, v7;
	v52 =	vperm.xlane v47, v13;
	v25 =	vsel vm4, $0x44D22000, v25  }
0x347: {  	v7 =	vsel vm12, $0x44800000, v7;
	v21 =	vmin.f32 v21, v33;
	v25 =	vsel vm5, $0x44C80000, v25  }
0x348: {  	v7 =	vsel vm13, $0x44704000, v7;
	v56 =	vadd.f32 v38, v52;
	v33 =	vadd.f32 v11, v52  }
0x349: {  	v16 =	vmovc v11;
	v11 =	vimm.s32 $0xD;
	v45 =	vadd.f32 v45, v52;
	v25 =	vsel vm6, $0x44BE2000, v25  }
0x34a: {  	v43 =	vsel vm14, $0x44610000, v7;
	v7 =	vsel vm7, $0x44B48000, v25;
	v25 =	vmin.f32 v10, v57  }
0x34b: {  	v41 =	vadd.f32 v43, v52;
	v57 =	vimm.f32 $9.610000000e+02;
	v9 =	vmin.f32 v9, v56  }
0x34c: {  	v56 =	vimm.s32 $0x0;
	v21 =	vmin.f32 v21, v45;
	v7 =	vsel vm8, $0x44AB2000, v7  }
0x34d: {  	v10 =	vsel vm0, $0x45044000, v57;
	v25 =	vmin.f32 v25, v33;
	v7 =	vsel vm9, $0x44A20000, v7  }
0x34e: {  	v57 =	vsel vm0, $0x450A1000, v0;
	v0 =	vimm.f32 $1.089000000e+03;
	v7 =	vsel vm10, $0x44992000, v7  }
0x34f: {  	v17 =	vmin.f32 v17, v41;
	v10 =	vsel vm1, $0x44FD2000, v10;
	v7 =	vsel vm11, $0x44908000, v7  }
0x350: {  	v41 =	vperm.xlane v47, v11;
	v10 =	vsel vm2, $0x44F20000, v10;
	v7 =	vsel vm12, $0x44882000, v7  }
0x351: {  	v33 =	vsel vm1, $0x45044000, v57;
	v13 =	vsel vm3, $0x44E72000, v10;
	v7 =	vsel vm13, $0x44800000, v7  }
0x352: {  	v11 =	vsel vm0, $0x45100000, v0;
	v10 =	vsel vm14, $0x44704000, v7;
	v7 =	vsel vm4, $0x44DC8000, v13  }
0x353: {  	v0 =	vimm.f32 $1.156000000e+03;
	v33 =	vsel vm2, $0x44FD2000, v33;
	v7 =	vsel vm5, $0x44D22000, v7  }
0x354: {  	v45 =	vsel vm1, $0x450A1000, v11;
	v52 =	vadd.f32 v28, v41;
	v7 =	vsel vm6, $0x44C80000, v7  }
0x355: {  	v33 =	vsel vm3, $0x44F20000, v33;
	v13 =	vadd.f32 v10, v41;
	v7 =	vsel vm7, $0x44BE2000, v7  }
0x356: {  	v45 =	vsel vm2, $0x45044000, v45;
	v33 =	vsel vm4, $0x44E72000, v33;
	v7 =	vsel vm8, $0x44B48000, v7  }
0x357: {  	v45 =	vsel vm3, $0x44FD2000, v45;
	v17 =	vmin.f32 v17, v13;
	v7 =	vsel vm9, $0x44AB2000, v7  }
0x358: {  	v13 =	vadd.f32 v62, v41;
	v41 =	vadd.f32 v46, v41;
	v7 =	vsel vm10, $0x44A20000, v7  }
0x359: {  	v9 =	vmin.f32 v9, v52;
	v52 =	vimm.s32 $0xE;
	v7 =	vsel vm11, $0x44992000, v7  }
0x35a: {  	v41 =	vmin.f32 v21, v41;
	v21 =	vsel vm5, $0x44DC8000, v33;
	v7 =	vsel vm12, $0x44908000, v7  }
0x35b: {  	v45 =	vsel vm4, $0x44F20000, v45;
	v57 =	vsel vm6, $0x44D22000, v21;
	v7 =	vsel vm13, $0x44882000, v7  }
0x35c: {  	v33 =	vperm.xlane v47, v52;
	v21 =	vsel vm14, $0x44800000, v7;
	v7 =	vsel vm7, $0x44C80000, v57  }
0x35d: {  	v45 =	vsel vm5, $0x44E72000, v45;
	v25 =	vmin.f32 v25, v13;
	v7 =	vsel vm8, $0x44BE2000, v7  }
0x35e: {  	v11 =	vadd.f32 v14, v33;
	v13 =	vadd.f32 v21, v33;
	v7 =	vsel vm9, $0x44B48000, v7  }
0x35f: {  	v57 =	vadd.f32 v19, v33;
	v33 =	vadd.f32 v48, v33;
	v7 =	vsel vm10, $0x44AB2000, v7  }
0x360: {  	v17 =	vmin.f32 v17, v13;
	v13 =	vimm.s32 $0xF;
	v7 =	vsel vm11, $0x44A20000, v7  }
0x361: {  	v46 =	vld [tilespmem:s13+$0x8030];
	v25 =	vmin.f32 v25, v11;
	v47 =	vperm.xlane v47, v13;
	v7 =	vsel vm12, $0x44992000, v7  }
0x362: {  	v9 =	vmin.f32 v9, v57;
	v33 =	vmin.f32 v41, v33;
	v7 =	vsel vm13, $0x44908000, v7  }
0x363: {  	v57 =	vmovc v14;
	v14 =	vsel vm6, $0x44DC8000, v45;
	v13 =	vadd.f32 v42, v47;
	v45 =	vsel vm14, $0x44882000, v7  }
0x364: {  	v7 =	vsel vm7, $0x44D22000, v14;
	v14 =	vsel vm0, $0x45161000, v0;
	v0 =	vmovc v63;
	v63 =	vimm.s32 $0x7  }
0x365: {  	v11 =	vadd.f32 v45, v47;
	v7 =	vsel vm8, $0x44C80000, v7;
	v9 =	vmin.f32 v9, v13  }
0x366: {  	v52 =	vsel vm1, $0x45100000, v14;
	v13 =	vperm.xlane v46, v56;
	v14 =	vsel vm0, $0x451C4000, v6  }
0x367: {  	v6 =	vimm.f32 $1.296000000e+03;
	v7 =	vsel vm9, $0x44BE2000, v7;
	v41 =	vsel vm2, $0x450A1000, v52  }
0x368: {  	v56 =	vsel vm1, $0x45161000, v14;
	v17 =	vmin.f32 v17, v11;
	v7 =	vsel vm10, $0x44B48000, v7;
	v11 =	vld [tilespmem:$0x1FF80]  }
0x369: {  	v41 =	vsel vm3, $0x45044000, v41;
	v32 =	vadd.f32 v32, v13;
	v7 =	vsel vm11, $0x44AB2000, v7  }
0x36a: {  	v22 =	vadd.f32 v22, v13;
	v41 =	vsel vm4, $0x44FD2000, v41;
	v7 =	vsel vm12, $0x44A20000, v7  }
0x36b: {  	v41 =	vsel vm5, $0x44F20000, v41;
	v9 =	vmin.f32 v9, v32;
	v7 =	vsel vm13, $0x44992000, v7  }
0x36c: {  	v32 =	vsel vm2, $0x45100000, v56;
	v56 =	vsel vm0, $0x45229000, v6;
	v7 =	vsel vm14, $0x44908000, v7  }
0x36d: {  	v6 =	vimm.f32 $1.369000000e+03;
	v48 =	vadd.f32 v11, v47;
	v7 =	vadd.f32 v7, v13  }
0x36e: {  	v41 =	vsel vm6, $0x44E72000, v41;
	v32 =	vsel vm3, $0x450A1000, v32;
	v47 =	vadd.f32 v18, v47  }
0x36f: {  	v25 =	vmin.f32 v25, v48;
	v7 =	vmin.f32 v17, v7;
	v17 =	vsel vm7, $0x44DC8000, v41  }
0x370: {  	v48 =	vimm.s32 $0x1;
	v33 =	vmin.f32 v33, v47;
	v17 =	vsel vm8, $0x44D22000, v17  }
0x371: {  	v18 =	vld [tilespmem:$0x1FE10];
	v47 =	vimm.f32 $2.209000000e+03;
	v41 =	vsel vm1, $0x451C4000, v56;
	v17 =	vsel vm9, $0x44C80000, v17  }
0x372: {  	v56 =	vimm.f32 $1.681000000e+03;
	v22 =	vmin.f32 v25, v22;
	v17 =	vsel vm10, $0x44BE2000, v17  }
0x373: {  	v25 =	vsel vm4, $0x45044000, v32;
	v14 =	vperm.xlane v46, v48;
	v17 =	vsel vm11, $0x44B48000, v17  }
0x374: {  	v41 =	vsel vm2, $0x45161000, v41;
	v25 =	vsel vm5, $0x44FD2000, v25;
	v17 =	vsel vm12, $0x44AB2000, v17  }
0x375: {  	v47 =	vsel vm0, $0x45704000, v47;
	v25 =	vsel vm6, $0x44F20000, v25;
	v17 =	vsel vm13, $0x44A20000, v17  }
0x376: {  	v11 =	vadd.f32 v18, v13;
	v25 =	vsel vm7, $0x44E72000, v25;
	v17 =	vsel vm14, $0x44992000, v17  }
0x377: {  	v20 =	vadd.f32 v20, v14;
	v25 =	vsel vm8, $0x44DC8000, v25;
	v17 =	vadd.f32 v17, v14  }
0x378: {  	v18 =	vimm.s32 $0xD;
	v13 =	vmin.f32 v33, v11;
	v25 =	vsel vm9, $0x44D22000, v25  }
0x379: {  	v9 =	vmin.f32 v9, v20;
	v7 =	vmin.f32 v7, v17;
	v17 =	vsel vm10, $0x44C80000, v25  }
0x37a: {  	v33 =	vadd.f32 v0, v14;
	v25 =	vsel vm3, $0x45100000, v41;
	v17 =	vsel vm11, $0x44BE2000, v17  }
0x37b: {  	v20 =	vsel vm4, $0x450A1000, v25;
	v25 =	vadd.f32 v51, v14;
	v51 =	vimm.s32 $0x2  }
0x37c: {  	v17 =	vsel vm12, $0x44B48000, v17;
	v20 =	vsel vm5, $0x45044000, v20;
	v41 =	vperm.xlane v46, v51  }
0x37d: {  	v17 =	vsel vm13, $0x44AB2000, v17;
	v20 =	vsel vm6, $0x44FD2000, v20;
	v22 =	vmin.f32 v22, v25  }
0x37e: {  	v0 =	vld [tilespmem:$0x1FFF0];
	v25 =	vmin.f32 v13, v33;
	v17 =	vsel vm14, $0x44A20000, v17;
	v20 =	vsel vm7, $0x44F20000, v20  }
0x37f: {  	v11 =	vadd.f32 v49, v41;
	v17 =	vadd.f32 v17, v41;
	v20 =	vsel vm8, $0x44E72000, v20  }
0x380: {  	v13 =	vadd.f32 v53, v41;
	v53 =	vimm.s32 $0x3;
	v20 =	vsel vm9, $0x44DC8000, v20  }
0x381: {  	v49 =	vimm.s32 $0x4;
	v7 =	vmin.f32 v7, v17;
	v17 =	vsel vm10, $0x44D22000, v20  }
0x382: {  	v14 =	vperm.xlane v46, v53;
	v20 =	vsel vm0, $0x45290000, v6;
	v17 =	vsel vm11, $0x44C80000, v17  }
0x383: {  	v41 =	vadd.f32 v0, v41;
	v20 =	vsel vm1, $0x45229000, v20;
	v17 =	vsel vm12, $0x44BE2000, v17  }
0x384: {  	v52 =	vmovc v0;
	v0 =	vimm.f32 $1.444000000e+03;
	v20 =	vsel vm2, $0x451C4000, v20;
	v17 =	vsel vm13, $0x44B48000, v17  }
0x385: {  	v9 =	vmin.f32 v9, v11;
	v20 =	vsel vm3, $0x45161000, v20;
	v17 =	vsel vm14, $0x44AB2000, v17  }
0x386: {  	v6 =	vld [tilespmem:$0x1FE40];
	v3 =	vadd.f32 v3, v14;
	v20 =	vsel vm4, $0x45100000, v20;
	v17 =	vadd.f32 v17, v14  }
0x387: {  	v22 =	vmin.f32 v22, v13;
	v25 =	vmin.f32 v25, v41;
	v20 =	vsel vm5, $0x450A1000, v20  }
0x388: {  	v3 =	vmin.f32 v9, v3;
	v20 =	vsel vm6, $0x45044000, v20;
	v7 =	vmin.f32 v7, v17  }
0x389: {  	v17 =	vsel vm7, $0x44FD2000, v20;
	v20 =	vsel vm0, $0x452F9000, v0;
	v0 =	vimm.f32 $1.521000000e+03  }
0x38a: {  	v13 =	vsel vm8, $0x44F20000, v17;
	v17 =	vsel vm1, $0x45290000, v20;
	v20 =	vadd.f32 v27, v14  }
0x38b: {  	v27 =	vadd.f32 v6, v14;
	v9 =	vsel vm9, $0x44E72000, v13;
	v17 =	vsel vm2, $0x45229000, v17  }
0x38c: {  	v9 =	vsel vm10, $0x44DC8000, v9;
	v17 =	vsel vm3, $0x451C4000, v17;
	v20 =	vmin.f32 v22, v20  }
0x38d: {  	v22 =	vmin.f32 v25, v27;
	v9 =	vsel vm11, $0x44D22000, v9;
	v17 =	vsel vm4, $0x45161000, v17  }
0x38e: {  	v25 =	vperm.xlane v46, v49;
	v9 =	vsel vm12, $0x44C80000, v9;
	v17 =	vsel vm5, $0x45100000, v17  }
0x38f: {  	v27 =	vsel vm0, $0x45364000, v0;
	v9 =	vsel vm13, $0x44BE2000, v9;
	v17 =	vsel vm6, $0x450A1000, v17  }
0x390: {  	v14 =	vadd.f32 v44, v25;
	v44 =	vld [tilespmem:$0x1FFC0];
	v9 =	vsel vm14, $0x44B48000, v9;
	v17 =	vsel vm7, $0x45044000, v17  }
0x391: {  	v27 =	vsel vm1, $0x452F9000, v27;
	v9 =	vadd.f32 v9, v25;
	v17 =	vsel vm8, $0x44FD2000, v17  }
0x392: {  	v0 =	vimm.f32 $1.600000000e+03;
	v27 =	vsel vm2, $0x45290000, v27;
	v17 =	vsel vm9, $0x44F20000, v17  }
0x393: {  	v3 =	vmin.f32 v3, v14;
	v7 =	vmin.f32 v7, v9;
	v13 =	vsel vm10, $0x44E72000, v17  }
0x394: {  	v17 =	vsel vm3, $0x45229000, v27;
	v27 =	vadd.f32 v55, v25;
	v55 =	vimm.s32 $0x5  }
0x395: {  	v25 =	vadd.f32 v44, v25;
	v9 =	vsel vm11, $0x44DC8000, v13;
	v17 =	vsel vm4, $0x451C4000, v17  }
0x396: {  	v14 =	vperm.xlane v46, v55;
	v9 =	vsel vm12, $0x44D22000, v9;
	v17 =	vsel vm5, $0x45161000, v17  }
0x397: {  	v20 =	vmin.f32 v20, v27;
	v22 =	vmin.f32 v22, v25;
	v9 =	vsel vm13, $0x44C80000, v9  }
0x398: {  	v17 =	vsel vm6, $0x45100000, v17;
	v25 =	vadd.f32 v54, v14;
	v54 =	vimm.f32 $1.764000000e+03  }
0x399: {  	v32 =	vadd.f32 v15, v14;
	v9 =	vsel vm14, $0x44BE2000, v9;
	v17 =	vsel vm7, $0x450A1000, v17  }
0x39a: {  	v9 =	vadd.f32 v9, v14;
	v17 =	vsel vm8, $0x45044000, v17;
	v3 =	vmin.f32 v3, v25  }
0x39b: {  	v25 =	vadd.f32 v58, v14;
	v58 =	vimm.s32 $0x6;
	v22 =	vmin.f32 v22, v32  }
0x39c: {  	v32 =	vimm.f32 $2.025000000e+03;
	v17 =	vsel vm9, $0x44FD2000, v17;
	v27 =	vperm.xlane v46, v58  }
0x39d: {  	v7 =	vmin.f32 v7, v9;
	v33 =	vsel vm10, $0x44F20000, v17;
	v17 =	vsel vm0, $0x453D1000, v0  }
0x39e: {  	v20 =	vmin.f32 v20, v25;
	v9 =	vsel vm11, $0x44E72000, v33;
	v17 =	vsel vm1, $0x45364000, v17  }
0x39f: {  	v25 =	vadd.f32 v36, v27;
	v36 =	vimm.f32 $1.849000000e+03;
	v0 =	vadd.f32 v5, v27  }
0x3a0: {  	v5 =	vimm.s32 $0x9;
	v9 =	vsel vm12, $0x44DC8000, v9;
	v17 =	vsel vm2, $0x452F9000, v17  }
0x3a1: {  	v9 =	vsel vm13, $0x44D22000, v9;
	v17 =	vsel vm3, $0x45290000, v17;
	v3 =	vmin.f32 v3, v25  }
0x3a2: {  	v25 =	vadd.f32 v30, v27;
	v30 =	vimm.f32 $2.116000000e+03;
	v17 =	vsel vm4, $0x45229000, v17  }
0x3a3: {  	v0 =	vmin.f32 v22, v0;
	v9 =	vsel vm14, $0x44C80000, v9;
	v17 =	vsel vm5, $0x451C4000, v17  }
0x3a4: {  	v22 =	vperm.xlane v46, v63;
	v9 =	vadd.f32 v9, v27;
	v17 =	vsel vm6, $0x45161000, v17  }
0x3a5: {  	v20 =	vmin.f32 v20, v25;
	v13 =	vsel vm7, $0x45100000, v17;
	v17 =	vsel vm0, $0x45440000, v56  }
0x3a6: {  	v25 =	vsel vm0, $0x454B1000, v54;
	v27 =	vadd.f32 v34, v22;
	v17 =	vsel vm1, $0x453D1000, v17  }
0x3a7: {  	v6 =	vadd.f32 v24, v22;
	v25 =	vsel vm1, $0x45440000, v25;
	v17 =	vsel vm2, $0x45364000, v17  }
0x3a8: {  	v7 =	vmin.f32 v7, v9;
	v25 =	vsel vm2, $0x453D1000, v25;
	v17 =	vsel vm3, $0x452F9000, v17  }
0x3a9: {  	v3 =	vmin.f32 v3, v27;
	v9 =	vsel vm8, $0x450A1000, v13;
	v17 =	vsel vm4, $0x45290000, v17  }
0x3aa: {  	v27 =	vimm.s32 $0x8;
	v9 =	vsel vm9, $0x45044000, v9;
	v17 =	vsel vm5, $0x45229000, v17  }
0x3ab: {  	v27 =	vperm.xlane v46, v27;
	v9 =	vsel vm10, $0x44FD2000, v9;
	v17 =	vsel vm6, $0x451C4000, v17  }
0x3ac: {  	v0 =	vmin.f32 v0, v6;
	v9 =	vsel vm11, $0x44F20000, v9;
	v17 =	vsel vm7, $0x45161000, v17  }
0x3ad: {  	v6 =	vadd.f32 v37, v27;
	v9 =	vsel vm12, $0x44E72000, v9;
	v17 =	vsel vm8, $0x45100000, v17  }
0x3ae: {  	v8 =	vadd.f32 v8, v27;
	v9 =	vsel vm13, $0x44DC8000, v9;
	v17 =	vsel vm9, $0x450A1000, v17  }
0x3af: {  	v9 =	vsel vm14, $0x44D22000, v9;
	v14 =	vsel vm10, $0x45044000, v17;
	v17 =	vsel vm3, $0x45364000, v25  }
0x3b0: {  	v24 =	vimm.f32 $1.936000000e+03;
	v9 =	vadd.f32 v9, v22;
	v17 =	vsel vm4, $0x452F9000, v17  }
0x3b1: {  	v3 =	vmin.f32 v3, v6;
	v0 =	vmin.f32 v0, v8;
	v17 =	vsel vm5, $0x45290000, v17  }
0x3b2: {  	v7 =	vmin.f32 v7, v9;
	v9 =	vsel vm11, $0x44FD2000, v14;
	v17 =	vsel vm6, $0x45229000, v17  }
0x3b3: {  	v25 =	vadd.f32 v59, v22;
	v9 =	vsel vm12, $0x44F20000, v9;
	v17 =	vsel vm7, $0x451C4000, v17  }
0x3b4: {  	v22 =	vperm.xlane v46, v5;
	v9 =	vsel vm13, $0x44E72000, v9;
	v17 =	vsel vm8, $0x45161000, v17  }
0x3b5: {  	v14 =	vsel vm0, $0x45599000, v24;
	v9 =	vsel vm14, $0x44DC8000, v9;
	v17 =	vsel vm9, $0x45100000, v17  }
0x3b6: {  	v9 =	vadd.f32 v9, v27;
	v33 =	vsel vm10, $0x450A1000, v17;
	v17 =	vsel vm0, $0x45524000, v36  }
0x3b7: {  	v8 =	vadd.f32 v39, v22;
	v6 =	vsel vm11, $0x45044000, v33;
	v13 =	vsel vm1, $0x454B1000, v17  }
0x3b8: {  	v7 =	vmin.f32 v7, v9;
	v6 =	vsel vm12, $0x44FD2000, v6;
	v9 =	vsel vm2, $0x45440000, v13  }
0x3b9: {  	v3 =	vmin.f32 v3, v8;
	v6 =	vsel vm13, $0x44F20000, v6;
	v9 =	vsel vm3, $0x453D1000, v9  }
0x3ba: {  	v8 =	vsel vm1, $0x45524000, v14;
	v6 =	vsel vm14, $0x44E72000, v6;
	v9 =	vsel vm4, $0x45364000, v9  }
0x3bb: {  	v8 =	vsel vm2, $0x454B1000, v8;
	v6 =	vadd.f32 v6, v22;
	v9 =	vsel vm5, $0x452F9000, v9  }
0x3bc: {  	v20 =	vmin.f32 v20, v25;
	v8 =	vsel vm3, $0x45440000, v8;
	v9 =	vsel vm6, $0x45290000, v9  }
0x3bd: {  	v8 =	vsel vm4, $0x453D1000, v8;
	v6 =	vmin.f32 v7, v6;
	v7 =	vsel vm7, $0x45229000, v9  }
0x3be: {  	v17 =	vadd.f32 v60, v27;
	v8 =	vsel vm5, $0x45364000, v8;
	v7 =	vsel vm8, $0x451C4000, v7  }
0x3bf: {  	v60 =	vadd.f32 v31, v22;
	v8 =	vsel vm6, $0x452F9000, v8;
	v7 =	vsel vm9, $0x45161000, v7  }
0x3c0: {  	v17 =	vmin.f32 v20, v17;
	v8 =	vsel vm7, $0x45290000, v8;
	v7 =	vsel vm10, $0x45100000, v7  }
0x3c1: {  	v0 =	vmin.f32 v0, v60;
	v8 =	vsel vm8, $0x45229000, v8;
	v7 =	vsel vm11, $0x450A1000, v7  }
0x3c2: {  	v9 =	vadd.f32 v35, v22;
	v22 =	vimm.s32 $0xA;
	v7 =	vsel vm12, $0x45044000, v7  }
0x3c3: {  	v8 =	vsel vm9, $0x451C4000, v8;
	v13 =	vperm.xlane v46, v22;
	v7 =	vsel vm13, $0x44FD2000, v7  }
0x3c4: {  	v9 =	vmin.f32 v17, v9;
	v17 =	vsel vm0, $0x45610000, v32;
	v7 =	vsel vm14, $0x44F20000, v7  }
0x3c5: {  	v22 =	vimm.s32 $0xB;
	v17 =	vsel vm1, $0x45599000, v17;
	v7 =	vadd.f32 v7, v13  }
0x3c6: {  	v12 =	vadd.f32 v12, v13;
	v5 =	vadd.f32 v50, v13;
	v17 =	vsel vm2, $0x45524000, v17  }
0x3c7: {  	v6 =	vmin.f32 v6, v7;
	v7 =	vsel vm10, $0x45161000, v8;
	v8 =	vsel vm3, $0x454B1000, v17  }
0x3c8: {  	v50 =	vperm.xlane v46, v22;
	v7 =	vsel vm11, $0x45100000, v7;
	v8 =	vsel vm4, $0x45440000, v8  }
0x3c9: {  	v22 =	vimm.s32 $0xC;
	v7 =	vsel vm12, $0x450A1000, v7;
	v8 =	vsel vm5, $0x453D1000, v8  }
0x3ca: {  	v11 =	vperm.xlane v46, v22;
	v7 =	vsel vm13, $0x45044000, v7;
	v8 =	vsel vm6, $0x45364000, v8  }
0x3cb: {  	v22 =	vimm.f32 $2.304000000e+03;
	v7 =	vsel vm14, $0x44FD2000, v7;
	v8 =	vsel vm7, $0x452F9000, v8  }
0x3cc: {  	v3 =	vmin.f32 v3, v12;
	v7 =	vadd.f32 v7, v50;
	v8 =	vsel vm8, $0x45290000, v8  }
0x3cd: {  	v5 =	vmin.f32 v9, v5;
	v14 =	vadd.f32 v29, v50;
	v8 =	vsel vm9, $0x45229000, v8  }
0x3ce: {  	v6 =	vmin.f32 v6, v7;
	v7 =	vsel vm10, $0x451C4000, v8;
	v8 =	vsel vm0, $0x45689000, v30  }
0x3cf: {  	v32 =	vadd.f32 v26, v50;
	v7 =	vsel vm11, $0x45161000, v7;
	v8 =	vsel vm1, $0x45610000, v8  }
0x3d0: {  	v9 =	vsel vm1, $0x45689000, v47;
	v7 =	vsel vm12, $0x45100000, v7;
	v8 =	vsel vm2, $0x45599000, v8  }
0x3d1: {  	v9 =	vsel vm2, $0x45610000, v9;
	v7 =	vsel vm13, $0x450A1000, v7;
	v8 =	vsel vm3, $0x45524000, v8  }
0x3d2: {  	v3 =	vmin.f32 v3, v14;
	v7 =	vsel vm14, $0x45044000, v7;
	v8 =	vsel vm4, $0x454B1000, v8  }
0x3d3: {  	v5 =	vmin.f32 v5, v32;
	v7 =	vadd.f32 v7, v11;
	v8 =	vsel vm5, $0x45440000, v8  }
0x3d4: {  	v32 =	vadd.f32 v38, v11;
	v9 =	vsel vm3, $0x45599000, v9;
	v8 =	vsel vm6, $0x453D1000, v8  }
0x3d5: {  	v13 =	vadd.f32 v61, v13;
	v6 =	vmin.f32 v6, v7;
	v7 =	vsel vm7, $0x45364000, v8  }
0x3d6: {  	v61 =	vadd.f32 v43, v11;
	v9 =	vsel vm4, $0x45524000, v9;
	v7 =	vsel vm8, $0x452F9000, v7  }
0x3d7: {  	v5 =	vmin.f32 v5, v32;
	v9 =	vsel vm5, $0x454B1000, v9;
	v7 =	vsel vm9, $0x45290000, v7  }
0x3d8: {  	v3 =	vmin.f32 v3, v61;
	v61 =	vsel vm0, $0x45781000, v22;
	v7 =	vsel vm10, $0x45229000, v7  }
0x3d9: {  	v0 =	vmin.f32 v0, v13;
	v12 =	vsel vm1, $0x45704000, v61;
	v7 =	vsel vm11, $0x451C4000, v7  }
0x3da: {  	v12 =	vsel vm2, $0x45689000, v12;
	v50 =	vadd.f32 v23, v50;
	v7 =	vsel vm12, $0x45161000, v7  }
0x3db: {  	v8 =	vadd.f32 v16, v11;
	v11 =	vperm.xlane v46, v18;
	v7 =	vsel vm13, $0x45100000, v7  }
0x3dc: {  	v9 =	vsel vm6, $0x45440000, v9;
	v12 =	vsel vm3, $0x45610000, v12;
	v7 =	vsel vm14, $0x450A1000, v7  }
0x3dd: {  	v12 =	vsel vm4, $0x45599000, v12;
	v0 =	vmin.f32 v0, v50;
	v7 =	vadd.f32 v7, v11  }
0x3de: {  	v41 =	vmovc v40;
	v40 =	vld [tilespmem:$0x1FED0];
	v14 =	vsel vm5, $0x45524000, v12;
	v0 =	vmin.f32 v0, v8;
	v8 =	vsel vm7, $0x453D1000, v9  }
0x3df: {  	v15 =	vld [tilespmem:$0x1FF80];
	v6 =	vmin.f32 v6, v7;
	v7 =	vsel vm8, $0x45364000, v8;
	v8 =	vsel vm6, $0x454B1000, v14  }
0x3e0: {  	v50 =	vimm.s32 $0xE;
	v14 =	vld [tilespmem:$0x1FF90];
	v7 =	vsel vm9, $0x452F9000, v7;
	v8 =	vsel vm7, $0x45440000, v8  }
0x3e1: {  	v34 =	vld [tilespmem:$0x1FEF0];
	v18 =	vimm.s32 $0xF;
	v7 =	vsel vm10, $0x45290000, v7;
	v8 =	vsel vm8, $0x453D1000, v8  }
0x3e2: {  	v59 =	vld [tilespmem:$0x1FF60];
	v61 =	vperm.xlane v46, v18;
	v7 =	vsel vm11, $0x45229000, v7;
	v8 =	vsel vm9, $0x45364000, v8  }
0x3e3: {  	v25 =	vld [tilespmem:$0x1FFE0];
	v32 =	vadd.f32 v10, v11;
	v7 =	vsel vm12, $0x451C4000, v7;
	v8 =	vsel vm10, $0x452F9000, v8  }
0x3e4: {  	v39 =	vld [tilespmem:$0x1FF30];
	v9 =	vperm.xlane v46, v50;
	v7 =	vsel vm13, $0x45161000, v7;
	v8 =	vsel vm11, $0x45290000, v8  }
0x3e5: {  	v36 =	vld [tilespmem:$0x1FF20];
	v47 =	vadd.f32 v28, v11;
	v7 =	vsel vm14, $0x45100000, v7;
	v8 =	vsel vm12, $0x45229000, v8  }
0x3e6: {  	v33 =	vld [tilespmem:$0x1FFD0];
	v50 =	vadd.f32 v62, v11;
	v7 =	vadd.f32 v7, v9;
	v8 =	vsel vm13, $0x451C4000, v8  }
0x3e7: {  	v31 =	vld [tilespmem:$0x1FEE0];
	v3 =	vmin.f32 v3, v32;
	v5 =	vmin.f32 v5, v47;
	v8 =	vsel vm14, $0x45161000, v8  }
0x3e8: {  	v62 =	vadd.f32 v21, v9;
	v6 =	vmin.f32 v6, v7;
	v7 =	vadd.f32 v8, v61;
	v8 =	vld.idx.msk [tilespmem:v14+s13+$0x0 ss:$0x1], $0xffff  }
0x3e9: {  	v60 =	vld [tilespmem:$0x1FEB0];
	v13 =	vadd.f32 v19, v9;
	v0 =	vmin.f32 v0, v50;
	v32 =	vadd.f32 v45, v61  }
0x3ea: {  	v3 =	vmin.f32 v3, v62;
	v9 =	vadd.f32 v57, v9;
	v50 =	vld.idx.msk [tilespmem:v14+s13+$0x10 ss:$0x1], $0xffff;
	v6 =	vmin.f32 v6, v7  }
0x3eb: {  	v3 =	vmin.f32 v3, v32;
	v57 =	vld.idx.msk [tilespmem:v14+s13+$0x20 ss:$0x1], $0xffff;
	v7 =	vadd.f32 v42, v61;
	v6 =	vadd.f32 $1.000000000e+00, v6  }
0x3ec: {  	v5 =	vmin.f32 v5, v13;
	v3 =	vadd.f32 $1.000000000e+00, v3;
	v62 =	vld.idx.msk [tilespmem:v14+s13+$0x30 ss:$0x1], $0xffff;
	v61 =	vadd.f32 v15, v61  }
0x3ed: {  	v0 =	vmin.f32 v0, v9;
	v5 =	vmin.f32 v5, v7;
	v6 =	vmul.f32 v6, v8;
	v8 =	vld [tilespmem:$0x1FE00]  }
0x3ee: {  	v35 =	vld [tilespmem:$0x1FF10];
	v0 =	vmin.f32 v0, v61;
	v5 =	vadd.f32 $1.000000000e+00, v5  }
0x3ef: {  	v37 =	vimm.f32 $1.000000000e+02;
	v29 =	vld [tilespmem:$0x1FF70];
	v3 =	vmul.f32 v3, v50;
	v0 =	vadd.f32 $1.000000000e+00, v0  }
0x3f0: {  	p0 =	sne.s32 s12, $0x1E00;
	v27 =	vimm.f32 $4.900000000e+01;
	v17 =	vld [tilespmem:$0x1FEC0];
	v5 =	vmul.f32 v5, v57;
	v6 =	vadd.f32 $-1.000000000e+00, v6  }
.Ltmp4:
0x3f1: {  	v20 =	vimm.f32 $6.400000000e+01;
	v30 =	vld [tilespmem:$0x1FEA0];
	v3 =	vadd.f32 $-1.000000000e+00, v3;
	v0 =	vmul.f32 v62, v0;
	(pc) =	sbr.rel @p0 .LBB2_8-.Ltmp4, $4  }
0x3f2: {  	v38 =	vimm.f32 $6.760000000e+02;
	v16 =	vld [tilespmem:$0x1FE90];
	v5 =	vadd.f32 $-1.000000000e+00, v5;
	v6 =	vmax.f32 v8, v6  }
0x3f3: {  	v43 =	vimm.f32 $6.250000000e+02;
	v46 =	vld [tilespmem:$0x1FF50];
	v0 =	vadd.f32 $-1.000000000e+00, v0;
	v3 =	vmax.f32 v6, v3  }
0x3f4: {  	v23 =	vimm.f32 $1.600000000e+03;
	v28 =	vimm.f32 $5.290000000e+02;
	v45 =	vld [tilespmem:$0x1FF40];
	v3 =	vmax.f32 v3, v5  }
0x3f5: {  	s12 =	sadd.s32 $0x200, s12;
	v21 =	vimm.f32 $5.760000000e+02;
	v42 =	vimm.f32 $8.100000000e+01;
	v7 =	vld [tilespmem:$0x1FF00];
	v3 =	vmax.f32 v3, v0  }
0x3f6: {  	s11 =	sadd.s32 $0x1, s11  }
0x3f7: {  	p0 =	sne.s32 s11, s6  }
.Ltmp5:
0x3f8: {  	[tilespmem:$0x8800] =	vst v3;
	(pc) =	sbr.rel @p0 .LBB2_1-.Ltmp5, $4  }
0x3f9: {  	[hbm4b:s5+s2] =	stream.linear.scatter [tilespmem:s10], [sflag:$0x1], $0x80, $0x38;
	[tilespmem:$0x8880] =	vst v63  }
0x3fa: {  	_ =	swait.ge [sflag:s8], $0x80  }
0x3fb: {  	[sflag:s8] =	ssyncset.done $0x0  }
0x3fc: {  	[sflag:s8] =	ssyncadd.s32 $0xFFFFFF80  }
0x3fd: {  	_ =	sfence.sel $0x180000  }
0x3fe: {  	[bflag:$0x0] =	sbarrier.arrive $0xFFFF  }
0x3ff: {  	p0 =	sne.s32 s1, $0x0;
	_ =	strace $0x90000047  }
0x400: {  	s0 =	sadd.s32 @!p0 $0x100000, s0;
	[bflag:$0x2] =	sbarrier.arrive $0xFFFF  }
0x401: {  	[sflag:s0] =	ssyncadd.tile.s32 @!p0 $0x1;
	_ =	shalt  }
.Lfunc_end2:
_tile_overlayer_lowered:
.L_overlay_start_2:
0x402: {  	(tag) =	ssettag $0x2  }
0x403: {  	s0 =	rddreg [dreg:$0x0];
	s2 =	stileid.u32  }
0x404: {  	s1 =	rddreg [dreg:$0x1];
	p0 =	sne.s32 s2, $0x0  }
0x405: {  	s3 =	rddreg [dreg:$0x2];
	[bflag:$0x3] =	sbarrier.arrive $0xFFFF;
	s2 =	simm.s32 @!p0 $0x1C01  }
0x406: {  	[timem:s3], [sflag:s2] =	dma.local @!p0 [hbm:s0], s1  }
0x407: {  	s0 =	simm.s32 @!p0 $0x1  }
0x408: {  	_ =	swait.ge @!p0 [sflag:s0], s1  }
0x409: {  	s1 =	ssub.s32 @!p0 $0x0, s1;
	[sflag:s0] =	ssyncset.done @!p0 $0x0  }
0x40a: {  	[sflag:s0] =	ssyncadd.s32 @!p0 s1  }
0x40b: {  	[bflag:$0x3] =	sbarrier.arrive $0xFFFF  }
0x40c: {  	_ =	shalt  }

</sc_bundles>
